<compile_context>
chip_gen: v7x
topology: tpu7x:2x2x1
jax: 0.10.2.dev20260603
libtpu: 0.0.44.dev20260713+nightly
codegen_flags: <defaults>
</compile_context>

<pallas_src>
import functools

import jax
import jax.numpy as jnp
from jax import lax
from jax.experimental import pallas as pl
from jax.experimental.pallas import tpu as pltpu
from jax.experimental.pallas import tpu_sc as plsc

B = 8
H_IMG = 224
W_IMG = 224
N = H_IMG * W_IMG
R = 392
LANES = 128
G = 64
M = 32
IN_C = 6
BG = B * G
HID = 384
EPS = 1e-5
BIG = 3.0e38


FPS_BH = 4


def _fps_body(xyz_ref, cidx_ref, dist_ref):
    rowi = lax.broadcasted_iota(jnp.int32, (R, LANES), 0)
    lanei = lax.broadcasted_iota(jnp.int32, (R, LANES), 1)
    pid = rowi * LANES + lanei
    pid3 = pid[None]
    lane1 = lax.broadcasted_iota(jnp.int32, (1, LANES), 1)
    biota3 = lax.broadcasted_iota(jnp.int32, (FPS_BH, 1, 1), 0)
    giota3 = lax.broadcasted_iota(jnp.int32, (1, 1, G), 2)
    dist_ref[...] = jnp.full((FPS_BH, R, LANES), 1e10, jnp.float32)

    def step(k, carry):
        far, civ = carry
        ds = []
        for b in range(FPS_BH):
            farb = jnp.sum(jnp.where(biota3 == b, far, 0))
            r = farb // LANES
            c = farb % LANES
            cm = lane1 == c
            db = jnp.zeros((R, LANES), jnp.float32)
            for ch in range(3):
                row = xyz_ref[b, ch, pl.ds(r, 1), :]
                cch = jnp.sum(jnp.where(cm, row, 0.0))
                diff = xyz_ref[b, ch] - cch
                db = db + diff * diff
            ds.append(db[None])
        d = jnp.concatenate(ds, axis=0)
        nd = jnp.minimum(dist_ref[...], d)
        dist_ref[...] = nd
        civ = jnp.where(giota3 == k, far, civ)
        mval = jnp.max(nd, axis=(1, 2), keepdims=True)
        nxt = jnp.min(jnp.where(nd == mval, pid3, N),
                      axis=(1, 2), keepdims=True).astype(jnp.int32)
        return nxt, civ

    _, civ = lax.fori_loop(
        0, G, step,
        (jnp.zeros((FPS_BH, 1, 1), jnp.int32),
         jnp.zeros((FPS_BH, 1, G), jnp.int32)))
    cidx_ref[...] = civ


def _run_fps(xyz4):
    return pl.pallas_call(
        _fps_body,
        grid=(B // FPS_BH,),
        in_specs=[pl.BlockSpec((FPS_BH, 3, R, LANES), lambda b: (b, 0, 0, 0))],
        out_specs=pl.BlockSpec((FPS_BH, 1, G), lambda b: (b, 0, 0)),
        out_shape=jax.ShapeDtypeStruct((B, 1, G), jnp.int32),
        scratch_shapes=[pltpu.VMEM((FPS_BH, R, LANES), jnp.float32)],
    )(xyz4)


def _knn_body(xyz_ref, cidx_ref, knn_ref, cen_ref):
    rowi = lax.broadcasted_iota(jnp.int32, (R, LANES), 0)
    lanei = lax.broadcasted_iota(jnp.int32, (R, LANES), 1)
    pid = rowi * LANES + lanei
    lane1 = lax.broadcasted_iota(jnp.int32, (1, LANES), 1)
    giota = lax.broadcasted_iota(jnp.int32, (1, G), 1)
    miota = lax.broadcasted_iota(jnp.int32, (1, M), 1)

    x0 = xyz_ref[0, 0]
    x1 = xyz_ref[0, 1]
    x2 = xyz_ref[0, 2]
    psq = x0 * x0 + x1 * x1 + x2 * x2
    x0b = x0.astype(jnp.bfloat16).astype(jnp.float32)
    x1b = x1.astype(jnp.bfloat16).astype(jnp.float32)
    x2b = x2.astype(jnp.bfloat16).astype(jnp.float32)

    pid3 = pid[None]
    miota3 = lax.broadcasted_iota(jnp.int32, (1, 1, M), 2)
    GC = 8

    def g_body(gc, _):
        d2s = []
        for i in range(GC):
            g = gc * GC + i
            cidx_g = jnp.sum(jnp.where(giota == g, cidx_ref[0], 0))
            r = cidx_g // LANES
            c = cidx_g % LANES
            cm = lane1 == c
            cs = []
            for ch in range(3):
                row = xyz_ref[0, ch, pl.ds(r, 1), :]
                cs.append(jnp.sum(jnp.where(cm, row, 0.0)))
            c0, c1, c2 = cs
            c0b = c0.astype(jnp.bfloat16).astype(jnp.float32)
            c1b = c1.astype(jnp.bfloat16).astype(jnp.float32)
            c2b = c2.astype(jnp.bfloat16).astype(jnp.float32)
            dot = c0b * x0b + c1b * x1b + c2b * x2b
            csq = c0 * c0 + c1 * c1 + c2 * c2
            d2s.append(((csq + psq) - 2.0 * dot)[None])
            cen_ref[0, pl.ds(g, 1), :] = jnp.concatenate(
                [c0.reshape(1, 1), c1.reshape(1, 1), c2.reshape(1, 1)], axis=1)
        d2 = jnp.concatenate(d2s, axis=0)

        def k_body(k, carry):
            d, rowm = carry
            mv = jnp.min(d, axis=(1, 2), keepdims=True)
            pk = jnp.min(jnp.where(d == mv, pid3, N),
                         axis=(1, 2), keepdims=True).astype(jnp.int32)
            rowm = jnp.where(miota3 == k, pk, rowm)
            d = jnp.where(pid3 == pk, BIG, d)
            return d, rowm

        _, rowm = lax.fori_loop(0, M, k_body,
                                (d2, jnp.zeros((GC, 1, M), jnp.int32)))
        knn_ref[0, pl.ds(gc * GC, GC), :] = rowm.reshape(GC, M)
        return 0

    lax.fori_loop(0, G // GC, g_body, 0)


def _run_knn(xyz4, cidx):
    return pl.pallas_call(
        _knn_body,
        grid=(B,),
        in_specs=[
            pl.BlockSpec((1, 3, R, LANES), lambda b: (b, 0, 0, 0)),
            pl.BlockSpec((1, 1, G), lambda b: (b, 0, 0)),
        ],
        out_specs=[
            pl.BlockSpec((1, G, M), lambda b: (b, 0, 0)),
            pl.BlockSpec((1, G, 3), lambda b: (b, 0, 0)),
        ],
        out_shape=[
            jax.ShapeDtypeStruct((B, G, M), jnp.int32),
            jax.ShapeDtypeStruct((B, G, 3), jnp.float32),
        ],
    )(xyz4, cidx)


SC_CHUNK = BG * IN_C
SC_T = 24
BP = B * 3 * N


def _sc_gather_body(table_hbm, knnt_hbm, out_hbm, knn_v, idx_v, rows_v, sem):
    info = plsc.get_sparse_core_info()
    nc = info.num_cores
    wid = lax.axis_index("s") * nc + lax.axis_index("c")
    pltpu.sync_copy(knnt_hbm.at[pl.ds(wid, 1)], knn_v)
    for t in range(SC_T):
        ch = t // 4
        q = t % 4
        for s in range(8):
            bg0 = q * 128 + s * 16
            b = bg0 // G
            if ch < 3:
                base = (b * 3 + ch) * N
            else:
                base = BP + (b * 3 + (ch - 3)) * N
            kv = knn_v[0, pl.ds(bg0, 16)]
            idx_v[t, pl.ds(s * 16, 16)] = kv + base
    cps = []
    for t in range(SC_T):
        cps.append(pltpu.async_copy(table_hbm.at[idx_v.at[t]], rows_v.at[t], sem))
    for cp in cps:
        cp.wait()
    pltpu.sync_copy(rows_v, out_hbm.at[wid])


def _run_sc_gather(table, knn_t):
    mesh = plsc.VectorSubcoreMesh(core_axis_name="c", subcore_axis_name="s")
    k = functools.partial(
        pl.kernel,
        mesh=mesh,
        out_type=jax.ShapeDtypeStruct((32, SC_T, 128), jnp.float32),
        scratch_types=[
            pltpu.VMEM((1, BG), jnp.int32),
            pltpu.VMEM((SC_T, 128), jnp.int32),
            pltpu.VMEM((SC_T, 128), jnp.float32),
            pltpu.SemaphoreType.DMA,
        ],
    )(_sc_gather_body)
    return k(table, knn_t)


def _enc_body(x_ref, cen_ref, w1_ref, b1_ref, g1_ref, be1_ref, w2_ref, b2_ref,
              w3a_ref, w3b_ref, b3_ref, g3_ref, be3_ref, w4_ref, b4_ref,
              out_ref, f2_ref):
    w1 = w1_ref[...]
    npts = jnp.float32(M * BG)
    dn_t = (((0,), (0,)), ((), ()))

    def a_m(m):
        xm = x_ref[pl.ds(m, 1)][0] - cen_ref[...]
        return lax.dot_general(xm, w1, dn_t,
                               preferred_element_type=jnp.float32) + b1_ref[...]

    s1 = lax.fori_loop(
        0, M, lambda m, s: s + jnp.sum(a_m(m), axis=0, keepdims=True),
        jnp.zeros((1, 128), jnp.float32))
    mu1 = s1 / npts

    def q1_body(m, q):
        d = a_m(m) - mu1
        return q + jnp.sum(d * d, axis=0, keepdims=True)

    q1 = lax.fori_loop(0, M, q1_body, jnp.zeros((1, 128), jnp.float32))
    inv1 = g1_ref[...] / jnp.sqrt(q1 / npts + EPS)

    w2 = w2_ref[...]

    def l2_body(m, fg):
        h = jnp.maximum((a_m(m) - mu1) * inv1 + be1_ref[...], 0.0)
        f2 = jnp.dot(h, w2, preferred_element_type=jnp.float32) + b2_ref[...]
        f2_ref[pl.ds(m, 1)] = f2[None]
        return jnp.maximum(fg, f2)

    fg = lax.fori_loop(0, M, l2_body, jnp.full((BG, 256), -BIG, jnp.float32))

    gpart = jnp.dot(fg, w3a_ref[...], preferred_element_type=jnp.float32) + b3_ref[...]
    w3b = w3b_ref[...]

    def f3_m(m):
        return gpart + jnp.dot(f2_ref[pl.ds(m, 1)][0], w3b,
                               preferred_element_type=jnp.float32)

    s3 = lax.fori_loop(
        0, M, lambda m, s: s + jnp.sum(f3_m(m), axis=0, keepdims=True),
        jnp.zeros((1, 512), jnp.float32))
    mu3 = s3 / npts

    def q3_body(m, q):
        d = f3_m(m) - mu3
        return q + jnp.sum(d * d, axis=0, keepdims=True)

    q3 = lax.fori_loop(0, M, q3_body, jnp.zeros((1, 512), jnp.float32))
    inv3 = g3_ref[...] / jnp.sqrt(q3 / npts + EPS)

    w4 = w4_ref[...]

    def l4_body(m, acc):
        h = jnp.maximum((f3_m(m) - mu3) * inv3 + be3_ref[...], 0.0)
        f4 = jnp.dot(h, w4, preferred_element_type=jnp.float32) + b4_ref[...]
        return jnp.maximum(acc, f4)

    acc = lax.fori_loop(0, M, l4_body, jnp.full((BG, HID), -BIG, jnp.float32))
    out_ref[...] = acc


def _run_encoder(x, cen6, w1t, b1, g1, be1, w2t, b2, w3at, w3bt, b3, g3, be3,
                 w4t, b4):
    return pl.pallas_call(
        _enc_body,
        out_shape=jax.ShapeDtypeStruct((BG, HID), jnp.float32),
        scratch_shapes=[
            pltpu.VMEM((M, BG, 256), jnp.float32),
        ],
    )(x, cen6, w1t, b1, g1, be1, w2t, b2, w3at, w3bt, b3, g3, be3, w4t, b4)


def kernel(pcd_pos, pcd_rgb, pcd_mask, W1, b1, g1, be1, W2, b2, W3, b3, g3,
           be3, W4, b4):
    del pcd_mask
    xyz4 = pcd_pos.reshape(B, 3, R, LANES)
    cidx = _run_fps(xyz4)
    knn, centers = _run_knn(xyz4, cidx)

    table = jnp.concatenate([pcd_pos.reshape(-1), pcd_rgb.reshape(-1)])
    knn_t = knn.reshape(BG, M).T
    xg = _run_sc_gather(table, knn_t)
    x = xg.reshape(M, IN_C, BG)
    cen_t = jnp.pad(centers.reshape(BG, 3).T, ((0, 3), (0, 0)))

    out = _run_encoder(
        x, cen_t,
        W1.T,
        b1.reshape(1, 128), g1.reshape(1, 128), be1.reshape(1, 128),
        W2.T, b2.reshape(1, 256),
        W3[:, :256].T, W3[:, 256:].T, b3.reshape(1, 512),
        g3.reshape(1, 512), be3.reshape(1, 512),
        W4.T, b4.reshape(1, HID),
    )
    return out.reshape(B, G, HID)

# --- scband reference (transcript-rebuilt; emitter-appended) ---
"""Pipeline reference for scband-pcdknngroup-encoder-68083821576810 (READ-ONLY COPY).

The authoritative reference and input builder live on the scoring server;
editing this copy changes nothing except your own understanding.
"""

import jax, jax.numpy as jnp
import numpy as np

B, H, W = 8, 224, 224
N = H * W
NUM_GROUPS = 64
GROUP_SIZE = 32
IN_C = 6
HIDDEN = 384
EPS = 1e-5


def setup_inputs(seed: int = 0):
    key = jax.random.key(seed)
    ks = jax.random.split(key, 8)
    pcd_pos = jax.random.normal(ks[0], (B, 3, H, W), dtype=jnp.float32)
    pcd_rgb = jax.random.uniform(ks[1], (B, 3, H, W), dtype=jnp.float32)
    pcd_mask = jnp.ones((B, N), dtype=bool)
    W1 = jax.random.normal(ks[2], (128, IN_C), dtype=jnp.float32) * 0.1
    b1 = jnp.zeros((128,), jnp.float32)
    g1 = jnp.ones((128,), jnp.float32)
    be1 = jnp.zeros((128,), jnp.float32)
    W2 = jax.random.normal(ks[3], (256, 128), dtype=jnp.float32) * 0.08
    b2 = jnp.zeros((256,), jnp.float32)
    W3 = jax.random.normal(ks[4], (512, 512), dtype=jnp.float32) * 0.04
    b3 = jnp.zeros((512,), jnp.float32)
    g3 = jnp.ones((512,), jnp.float32)
    be3 = jnp.zeros((512,), jnp.float32)
    W4 = jax.random.normal(ks[5], (HIDDEN, 512), dtype=jnp.float32) * 0.04
    b4 = jnp.zeros((HIDDEN,), jnp.float32)
    return {"pcd_pos": pcd_pos, "pcd_rgb": pcd_rgb, "pcd_mask": pcd_mask,
            "W1": W1, "b1": b1, "g1": g1, "be1": be1, "W2": W2, "b2": b2,
            "W3": W3, "b3": b3, "g3": g3, "be3": be3, "W4": W4, "b4": b4}


def _fps(xyz, npoint):
    b, n, _ = xyz.shape
    distance0 = jnp.full((b, n), 1e10, dtype=xyz.dtype)
    farthest0 = jnp.zeros((b,), dtype=jnp.int32)

    def step(carry, _):
        distance, farthest = carry
        centroid = jnp.take_along_axis(xyz, farthest[:, None, None], axis=1)
        dist = jnp.sum((xyz - centroid) ** 2, axis=-1)
        distance = jnp.minimum(distance, dist)
        nxt = jnp.argmax(distance, axis=-1).astype(jnp.int32)
        return (distance, nxt), farthest

    (_, _), idxs = jax.lax.scan(step, (distance0, farthest0), None, length=npoint)
    return jnp.transpose(idxs, (1, 0))


def _bn_relu(x, g, be):
    mu = jnp.mean(x, axis=(0, 2), keepdims=True)
    var = jnp.var(x, axis=(0, 2), keepdims=True)
    xh = (x - mu) / jnp.sqrt(var + EPS)
    return jax.nn.relu(xh * g[None, :, None] + be[None, :, None])


def reference(pcd_pos, pcd_rgb, pcd_mask, W1, b1, g1, be1, W2, b2, W3, b3, g3, be3, W4, b4):
    # rearrange b c h w -> b (h w) c and concat channels -> B N 6
    pos = jnp.transpose(pcd_pos.reshape(B, 3, N), (0, 2, 1))
    rgb = jnp.transpose(pcd_rgb.reshape(B, 3, N), (0, 2, 1))
    pcd = jnp.concatenate([pos, rgb], axis=-1)
    xyz = pcd[..., :3]
    # farthest point sampling for group centers
    cidx = _fps(xyz, NUM_GROUPS)
    centers = jnp.take_along_axis(xyz, cidx[..., None], axis=1)  # B G 3
    # knn grouping: pairwise sq dist centers -> all points
    d2 = (jnp.sum(centers ** 2, -1)[:, :, None] + jnp.sum(xyz ** 2, -1)[:, None, :]
          - 2.0 * jnp.einsum('bgc,bnc->bgn', centers, xyz))
    _, knn_idx = jax.lax.top_k(-d2, GROUP_SIZE)  # B G M
    nb = jax.vmap(lambda p, i: p[i])(pcd, knn_idx)  # B G M 6
    nb = jnp.concatenate([nb[..., :3] - centers[:, :, None, :], nb[..., 3:]], axis=-1)
    # mini-PointNet group encoder
    x = jnp.transpose(nb.reshape(B * NUM_GROUPS, GROUP_SIZE, IN_C), (0, 2, 1))  # BG C M
    f = jnp.einsum('oc,bcm->bom', W1, x) + b1[None, :, None]
    f = _bn_relu(f, g1, be1)
    f = jnp.einsum('oc,bcm->bom', W2, f) + b2[None, :, None]  # BG 256 M
    fg = jnp.max(f, axis=2, keepdims=True)
    f = jnp.concatenate([jnp.broadcast_to(fg, f.shape), f], axis=1)  # BG 512 M
    f = jnp.einsum('oc,bcm->bom', W3, f) + b3[None, :, None]
    f = _bn_relu(f, g3, be3)
    f = jnp.einsum('oc,bcm->bom', W4, f) + b4[None, :, None]
    out = jnp.max(f, axis=2)
    return out.reshape(B, NUM_GROUPS, HIDDEN)

if __name__ == "__main__":
    import jax
    _d = setup_inputs()
    print(jax.jit(kernel)(*tuple(_d.values())))

</pallas_src>

<mosaic_0001>
#map = affine_map<(d0, d1) -> (0)>
#map1 = affine_map<(d0, d1) -> (0, 0)>
#map2 = affine_map<(d0, d1) -> (0, 0, 0)>
module attributes {stable_mosaic.version = 14 : i64} {
  func.func @_sc_gather_body(%arg0: i32, %arg1: i32, %arg2: memref<2408448xf32, #tpu.memory_space<hbm>>, %arg3: memref<32x512xi32, #tpu.memory_space<hbm>>, %arg4: memref<32x24x128xf32, #tpu.memory_space<hbm>>, %arg5: memref<1x512xi32, #tpu.memory_space<vmem>>, %arg6: memref<24x128xi32, #tpu.memory_space<vmem>>, %arg7: memref<24x128xf32, #tpu.memory_space<vmem>>, %arg8: memref<!tpu.dma_semaphore, #tpu.memory_space<semaphore_mem>>) attributes {dimension_semantics = [#tpu.dimension_semantics<core_parallel>, #tpu.dimension_semantics<subcore_parallel>], iteration_bounds = array<i64: 2, 16>, scalar_prefetch = 0 : i64, scratch_operands = 4 : i64, tpu.core_type = #tpu.core_type<sc_vector_subcore>, window_params = [{transform_indices = #map}, {transform_indices = #map1}, {transform_indices = #map2}]} {
    %mul3A = arith.constant 2 : i32
    %mul3A_0 = arith.muli %arg1, %mul3A : i32
    %add3A = arith.addi %mul3A_0, %arg0 : i32
    "tpu.region"() ({
      %run_scoped3A = tpu.sem_alloc : memref<!tpu.dma_semaphore, #tpu.memory_space<semaphore_mem>>
      %dma_start3A_3165 = arith.constant 0 : i32
      %dma_start3A_3166 = tpu.memref_slice %arg3[%add3A, %dma_start3A_3165] : memref<32x512xi32, #tpu.memory_space<hbm>> -> memref<1x512xi32, #tpu.memory_space<hbm>>
      %dma_start3A_3167 = arith.constant 0 : i32
      %dma_start3A_3168 = tpu.memref_slice %arg3[%add3A, %dma_start3A_3167] : memref<32x512xi32, #tpu.memory_space<hbm>> -> memref<1x512xi32, #tpu.memory_space<hbm>>
      tpu.enqueue_dma source(%dma_start3A_3168 : memref<1x512xi32, #tpu.memory_space<hbm>>) target(%arg5 : memref<1x512xi32, #tpu.memory_space<vmem>>) target_semaphore(%run_scoped3A : memref<!tpu.dma_semaphore, #tpu.memory_space<semaphore_mem>>)
      %dma_wait3A_3169 = arith.constant 0 : i32
      %dma_wait3A_3170 = tpu.memref_slice %arg3[%add3A, %dma_wait3A_3169] : memref<32x512xi32, #tpu.memory_space<hbm>> -> memref<1x512xi32, #tpu.memory_space<hbm>>
      %dma_wait3A_3171 = arith.constant 0 : i32
      %dma_wait3A_3172 = tpu.memref_slice %arg3[%add3A, %dma_wait3A_3171] : memref<32x512xi32, #tpu.memory_space<hbm>> -> memref<1x512xi32, #tpu.memory_space<hbm>>
      tpu.wait_dma2 semaphore(%run_scoped3A : memref<!tpu.dma_semaphore, #tpu.memory_space<semaphore_mem>>) src(%dma_wait3A_3172 : memref<1x512xi32, #tpu.memory_space<hbm>>) dst(%arg5 : memref<1x512xi32, #tpu.memory_space<vmem>>)
      tpu.yield
    }) : () -> ()
    %get3A = arith.constant 0 : i32
    %get3A_1 = arith.index_cast %get3A : i32 to index
    %get3A_2 = arith.constant 0 : index
    %get3A_3 = tpu.vector_load %arg5[%get3A_1, %get3A_2] {strides = array<i32>} : memref<1x512xi32, #tpu.memory_space<vmem>>, vector<1x16xi32>,
    %get3A_4 = vector.shape_cast %get3A_3 : vector<1x16xi32> to vector<16xi32>
    %add3A_5 = arith.constant 0 : i32
    %add3A_6 = vector.broadcast %add3A_5 : i32 to vector<16xi32>
    %add3A_7 = arith.addi %get3A_4, %add3A_6 : vector<16xi32>
    %swap3A = arith.constant 0 : i32
    %swap3A_8 = arith.index_cast %swap3A : i32 to index
    %swap3A_9 = arith.constant 0 : index
    %swap3A_10 = tpu.vector_load %arg6[%swap3A_8, %swap3A_9] {strides = array<i32>} : memref<24x128xi32, #tpu.memory_space<vmem>>, vector<1x16xi32>,
    %swap3A_11 = vector.shape_cast %swap3A_10 : vector<1x16xi32> to vector<16xi32>
    %swap3A_12 = vector.shape_cast %add3A_7 : vector<16xi32> to vector<1x16xi32>
    tpu.vector_store %arg6[%swap3A_8, %swap3A_9], %swap3A_12 {strides = array<i32>} : memref<24x128xi32, #tpu.memory_space<vmem>>, vector<1x16xi32>,
    %get3A_13 = arith.constant 0 : i32
    %get3A_14 = arith.index_cast %get3A_13 : i32 to index
    %get3A_15 = arith.constant 16 : index
    %get3A_16 = tpu.vector_load %arg5[%get3A_14, %get3A_15] {strides = array<i32>} : memref<1x512xi32, #tpu.memory_space<vmem>>, vector<1x16xi32>,
    %get3A_17 = vector.shape_cast %get3A_16 : vector<1x16xi32> to vector<16xi32>
    %add3A_18 = arith.constant 0 : i32
    %add3A_19 = vector.broadcast %add3A_18 : i32 to vector<16xi32>
    %add3A_20 = arith.addi %get3A_17, %add3A_19 : vector<16xi32>
    %swap3A_21 = arith.constant 0 : i32
    %swap3A_22 = arith.index_cast %swap3A_21 : i32 to index
    %swap3A_23 = arith.constant 16 : index
    %swap3A_24 = tpu.vector_load %arg6[%swap3A_22, %swap3A_23] {strides = array<i32>} : memref<24x128xi32, #tpu.memory_space<vmem>>, vector<1x16xi32>,
    %swap3A_25 = vector.shape_cast %swap3A_24 : vector<1x16xi32> to vector<16xi32>
    %swap3A_26 = vector.shape_cast %add3A_20 : vector<16xi32> to vector<1x16xi32>
    tpu.vector_store %arg6[%swap3A_22, %swap3A_23], %swap3A_26 {strides = array<i32>} : memref<24x128xi32, #tpu.memory_space<vmem>>, vector<1x16xi32>,
    %get3A_27 = arith.constant 0 : i32
    %get3A_28 = arith.index_cast %get3A_27 : i32 to index
    %get3A_29 = arith.constant 32 : index
    %get3A_30 = tpu.vector_load %arg5[%get3A_28, %get3A_29] {strides = array<i32>} : memref<1x512xi32, #tpu.memory_space<vmem>>, vector<1x16xi32>,
    %get3A_31 = vector.shape_cast %get3A_30 : vector<1x16xi32> to vector<16xi32>
    %add3A_32 = arith.constant 0 : i32
    %add3A_33 = vector.broadcast %add3A_32 : i32 to vector<16xi32>
    %add3A_34 = arith.addi %get3A_31, %add3A_33 : vector<16xi32>
    %swap3A_35 = arith.constant 0 : i32
    %swap3A_36 = arith.index_cast %swap3A_35 : i32 to index
    %swap3A_37 = arith.constant 32 : index
    %swap3A_38 = tpu.vector_load %arg6[%swap3A_36, %swap3A_37] {strides = array<i32>} : memref<24x128xi32, #tpu.memory_space<vmem>>, vector<1x16xi32>,
    %swap3A_39 = vector.shape_cast %swap3A_38 : vector<1x16xi32> to vector<16xi32>
    %swap3A_40 = vector.shape_cast %add3A_34 : vector<16xi32> to vector<1x16xi32>
    tpu.vector_store %arg6[%swap3A_36, %swap3A_37], %swap3A_40 {strides = array<i32>} : memref<24x128xi32, #tpu.memory_space<vmem>>, vector<1x16xi32>,
    %get3A_41 = arith.constant 0 : i32
    %get3A_42 = arith.index_cast %get3A_41 : i32 to index
    %get3A_43 = arith.constant 48 : index
    %get3A_44 = tpu.vector_load %arg5[%get3A_42, %get3A_43] {strides = array<i32>} : memref<1x512xi32, #tpu.memory_space<vmem>>, vector<1x16xi32>,
    %get3A_45 = vector.shape_cast %get3A_44 : vector<1x16xi32> to vector<16xi32>
    %add3A_46 = arith.constant 0 : i32
    %add3A_47 = vector.broadcast %add3A_46 : i32 to vector<16xi32>
    %add3A_48 = arith.addi %get3A_45, %add3A_47 : vector<16xi32>
    %swap3A_49 = arith.constant 0 : i32
    %swap3A_50 = arith.index_cast %swap3A_49 : i32 to index
    %swap3A_51 = arith.constant 48 : index
    %swap3A_52 = tpu.vector_load %arg6[%swap3A_50, %swap3A_51] {strides = array<i32>} : memref<24x128xi32, #tpu.memory_space<vmem>>, vector<1x16xi32>,
    %swap3A_53 = vector.shape_cast %swap3A_52 : vector<1x16xi32> to vector<16xi32>
    %swap3A_54 = vector.shape_cast %add3A_48 : vector<16xi32> to vector<1x16xi32>
    tpu.vector_store %arg6[%swap3A_50, %swap3A_51], %swap3A_54 {strides = array<i32>} : memref<24x128xi32, #tpu.memory_space<vmem>>, vector<1x16xi32>,
    %get3A_55 = arith.constant 0 : i32
    %get3A_56 = arith.index_cast %get3A_55 : i32 to index
    %get3A_57 = arith.constant 64 : index
    %get3A_58 = tpu.vector_load %arg5[%get3A_56, %get3A_57] {strides = array<i32>} : memref<1x512xi32, #tpu.memory_space<vmem>>, vector<1x16xi32>,
    %get3A_59 = vector.shape_cast %get3A_58 : vector<1x16xi32> to vector<16xi32>
    %add3A_60 = arith.constant 150528 : i32
    %add3A_61 = vector.broadcast %add3A_60 : i32 to vector<16xi32>
    %add3A_62 = arith.addi %get3A_59, %add3A_61 : vector<16xi32>
    %swap3A_63 = arith.constant 0 : i32
    %swap3A_64 = arith.index_cast %swap3A_63 : i32 to index
    %swap3A_65 = arith.constant 64 : index
    %swap3A_66 = tpu.vector_load %arg6[%swap3A_64, %swap3A_65] {strides = array<i32>} : memref<24x128xi32, #tpu.memory_space<vmem>>, vector<1x16xi32>,
    %swap3A_67 = vector.shape_cast %swap3A_66 : vector<1x16xi32> to vector<16xi32>
    %swap3A_68 = vector.shape_cast %add3A_62 : vector<16xi32> to vector<1x16xi32>
    tpu.vector_store %arg6[%swap3A_64, %swap3A_65], %swap3A_68 {strides = array<i32>} : memref<24x128xi32, #tpu.memory_space<vmem>>, vector<1x16xi32>,
    %get3A_69 = arith.constant 0 : i32
    %get3A_70 = arith.index_cast %get3A_69 : i32 to index
    %get3A_71 = arith.constant 80 : index
    %get3A_72 = tpu.vector_load %arg5[%get3A_70, %get3A_71] {strides = array<i32>} : memref<1x512xi32, #tpu.memory_space<vmem>>, vector<1x16xi32>,
    %get3A_73 = vector.shape_cast %get3A_72 : vector<1x16xi32> to vector<16xi32>
    %add3A_74 = arith.constant 150528 : i32
    %add3A_75 = vector.broadcast %add3A_74 : i32 to vector<16xi32>
    %add3A_76 = arith.addi %get3A_73, %add3A_75 : vector<16xi32>
    %swap3A_77 = arith.constant 0 : i32
    %swap3A_78 = arith.index_cast %swap3A_77 : i32 to index
    %swap3A_79 = arith.constant 80 : index
    %swap3A_80 = tpu.vector_load %arg6[%swap3A_78, %swap3A_79] {strides = array<i32>} : memref<24x128xi32, #tpu.memory_space<vmem>>, vector<1x16xi32>,
    %swap3A_81 = vector.shape_cast %swap3A_80 : vector<1x16xi32> to vector<16xi32>
    %swap3A_82 = vector.shape_cast %add3A_76 : vector<16xi32> to vector<1x16xi32>
    tpu.vector_store %arg6[%swap3A_78, %swap3A_79], %swap3A_82 {strides = array<i32>} : memref<24x128xi32, #tpu.memory_space<vmem>>, vector<1x16xi32>,
    %get3A_83 = arith.constant 0 : i32
    %get3A_84 = arith.index_cast %get3A_83 : i32 to index
    %get3A_85 = arith.constant 96 : index
    %get3A_86 = tpu.vector_load %arg5[%get3A_84, %get3A_85] {strides = array<i32>} : memref<1x512xi32, #tpu.memory_space<vmem>>, vector<1x16xi32>,
    %get3A_87 = vector.shape_cast %get3A_86 : vector<1x16xi32> to vector<16xi32>
    %add3A_88 = arith.constant 150528 : i32
    %add3A_89 = vector.broadcast %add3A_88 : i32 to vector<16xi32>
    %add3A_90 = arith.addi %get3A_87, %add3A_89 : vector<16xi32>
    %swap3A_91 = arith.constant 0 : i32
    %swap3A_92 = arith.index_cast %swap3A_91 : i32 to index
    %swap3A_93 = arith.constant 96 : index
    %swap3A_94 = tpu.vector_load %arg6[%swap3A_92, %swap3A_93] {strides = array<i32>} : memref<24x128xi32, #tpu.memory_space<vmem>>, vector<1x16xi32>,
    %swap3A_95 = vector.shape_cast %swap3A_94 : vector<1x16xi32> to vector<16xi32>
    %swap3A_96 = vector.shape_cast %add3A_90 : vector<16xi32> to vector<1x16xi32>
    tpu.vector_store %arg6[%swap3A_92, %swap3A_93], %swap3A_96 {strides = array<i32>} : memref<24x128xi32, #tpu.memory_space<vmem>>, vector<1x16xi32>,
    %get3A_97 = arith.constant 0 : i32
    %get3A_98 = arith.index_cast %get3A_97 : i32 to index
    %get3A_99 = arith.constant 112 : index
    %get3A_100 = tpu.vector_load %arg5[%get3A_98, %get3A_99] {strides = array<i32>} : memref<1x512xi32, #tpu.memory_space<vmem>>, vector<1x16xi32>,
    %get3A_101 = vector.shape_cast %get3A_100 : vector<1x16xi32> to vector<16xi32>
    %add3A_102 = arith.constant 150528 : i32
    %add3A_103 = vector.broadcast %add3A_102 : i32 to vector<16xi32>
    %add3A_104 = arith.addi %get3A_101, %add3A_103 : vector<16xi32>
    %swap3A_105 = arith.constant 0 : i32
    %swap3A_106 = arith.index_cast %swap3A_105 : i32 to index
    %swap3A_107 = arith.constant 112 : index
    %swap3A_108 = tpu.vector_load %arg6[%swap3A_106, %swap3A_107] {strides = array<i32>} : memref<24x128xi32, #tpu.memory_space<vmem>>, vector<1x16xi32>,
    %swap3A_109 = vector.shape_cast %swap3A_108 : vector<1x16xi32> to vector<16xi32>
    %swap3A_110 = vector.shape_cast %add3A_104 : vector<16xi32> to vector<1x16xi32>
    tpu.vector_store %arg6[%swap3A_106, %swap3A_107], %swap3A_110 {strides = array<i32>} : memref<24x128xi32, #tpu.memory_space<vmem>>, vector<1x16xi32>,
    %get3A_111 = arith.constant 0 : i32
    %get3A_112 = arith.index_cast %get3A_111 : i32 to index
    %get3A_113 = arith.constant 128 : index
    %get3A_114 = tpu.vector_load %arg5[%get3A_112, %get3A_113] {strides = array<i32>} : memref<1x512xi32, #tpu.memory_space<vmem>>, vector<1x16xi32>,
    %get3A_115 = vector.shape_cast %get3A_114 : vector<1x16xi32> to vector<16xi32>
    %add3A_116 = arith.constant 301056 : i32
    %add3A_117 = vector.broadcast %add3A_116 : i32 to vector<16xi32>
    %add3A_118 = arith.addi %get3A_115, %add3A_117 : vector<16xi32>
    %swap3A_119 = arith.constant 1 : i32
    %swap3A_120 = arith.index_cast %swap3A_119 : i32 to index
    %swap3A_121 = arith.constant 0 : index
    %swap3A_122 = tpu.vector_load %arg6[%swap3A_120, %swap3A_121] {strides = array<i32>} : memref<24x128xi32, #tpu.memory_space<vmem>>, vector<1x16xi32>,
    %swap3A_123 = vector.shape_cast %swap3A_122 : vector<1x16xi32> to vector<16xi32>
    %swap3A_124 = vector.shape_cast %add3A_118 : vector<16xi32> to vector<1x16xi32>
    tpu.vector_store %arg6[%swap3A_120, %swap3A_121], %swap3A_124 {strides = array<i32>} : memref<24x128xi32, #tpu.memory_space<vmem>>, vector<1x16xi32>,
    %get3A_125 = arith.constant 0 : i32
    %get3A_126 = arith.index_cast %get3A_125 : i32 to index
    %get3A_127 = arith.constant 144 : index
    %get3A_128 = tpu.vector_load %arg5[%get3A_126, %get3A_127] {strides = array<i32>} : memref<1x512xi32, #tpu.memory_space<vmem>>, vector<1x16xi32>,
    %get3A_129 = vector.shape_cast %get3A_128 : vector<1x16xi32> to vector<16xi32>
    %add3A_130 = arith.constant 301056 : i32
    %add3A_131 = vector.broadcast %add3A_130 : i32 to vector<16xi32>
    %add3A_132 = arith.addi %get3A_129, %add3A_131 : vector<16xi32>
    %swap3A_133 = arith.constant 1 : i32
    %swap3A_134 = arith.index_cast %swap3A_133 : i32 to index
    %swap3A_135 = arith.constant 16 : index
    %swap3A_136 = tpu.vector_load %arg6[%swap3A_134, %swap3A_135] {strides = array<i32>} : memref<24x128xi32, #tpu.memory_space<vmem>>, vector<1x16xi32>,
    %swap3A_137 = vector.shape_cast %swap3A_136 : vector<1x16xi32> to vector<16xi32>
    %swap3A_138 = vector.shape_cast %add3A_132 : vector<16xi32> to vector<1x16xi32>
    tpu.vector_store %arg6[%swap3A_134, %swap3A_135], %swap3A_138 {strides = array<i32>} : memref<24x128xi32, #tpu.memory_space<vmem>>, vector<1x16xi32>,
    %get3A_139 = arith.constant 0 : i32
    %get3A_140 = arith.index_cast %get3A_139 : i32 to index
    %get3A_141 = arith.constant 160 : index
    %get3A_142 = tpu.vector_load %arg5[%get3A_140, %get3A_141] {strides = array<i32>} : memref<1x512xi32, #tpu.memory_space<vmem>>, vector<1x16xi32>,
    %get3A_143 = vector.shape_cast %get3A_142 : vector<1x16xi32> to vector<16xi32>
    %add3A_144 = arith.constant 301056 : i32
    %add3A_145 = vector.broadcast %add3A_144 : i32 to vector<16xi32>
    %add3A_146 = arith.addi %get3A_143, %add3A_145 : vector<16xi32>
    %swap3A_147 = arith.constant 1 : i32
    %swap3A_148 = arith.index_cast %swap3A_147 : i32 to index
    %swap3A_149 = arith.constant 32 : index
    %swap3A_150 = tpu.vector_load %arg6[%swap3A_148, %swap3A_149] {strides = array<i32>} : memref<24x128xi32, #tpu.memory_space<vmem>>, vector<1x16xi32>,
    %swap3A_151 = vector.shape_cast %swap3A_150 : vector<1x16xi32> to vector<16xi32>
    %swap3A_152 = vector.shape_cast %add3A_146 : vector<16xi32> to vector<1x16xi32>
    tpu.vector_store %arg6[%swap3A_148, %swap3A_149], %swap3A_152 {strides = array<i32>} : memref<24x128xi32, #tpu.memory_space<vmem>>, vector<1x16xi32>,
    %get3A_153 = arith.constant 0 : i32
    %get3A_154 = arith.index_cast %get3A_153 : i32 to index
    %get3A_155 = arith.constant 176 : index
    %get3A_156 = tpu.vector_load %arg5[%get3A_154, %get3A_155] {strides = array<i32>} : memref<1x512xi32, #tpu.memory_space<vmem>>, vector<1x16xi32>,
    %get3A_157 = vector.shape_cast %get3A_156 : vector<1x16xi32> to vector<16xi32>
    %add3A_158 = arith.constant 301056 : i32
    %add3A_159 = vector.broadcast %add3A_158 : i32 to vector<16xi32>
    %add3A_160 = arith.addi %get3A_157, %add3A_159 : vector<16xi32>
    %swap3A_161 = arith.constant 1 : i32
    %swap3A_162 = arith.index_cast %swap3A_161 : i32 to index
    %swap3A_163 = arith.constant 48 : index
    %swap3A_164 = tpu.vector_load %arg6[%swap3A_162, %swap3A_163] {strides = array<i32>} : memref<24x128xi32, #tpu.memory_space<vmem>>, vector<1x16xi32>,
    %swap3A_165 = vector.shape_cast %swap3A_164 : vector<1x16xi32> to vector<16xi32>
    %swap3A_166 = vector.shape_cast %add3A_160 : vector<16xi32> to vector<1x16xi32>
    tpu.vector_store %arg6[%swap3A_162, %swap3A_163], %swap3A_166 {strides = array<i32>} : memref<24x128xi32, #tpu.memory_space<vmem>>, vector<1x16xi32>,
    %get3A_167 = arith.constant 0 : i32
    %get3A_168 = arith.index_cast %get3A_167 : i32 to index
    %get3A_169 = arith.constant 192 : index
    %get3A_170 = tpu.vector_load %arg5[%get3A_168, %get3A_169] {strides = array<i32>} : memref<1x512xi32, #tpu.memory_space<vmem>>, vector<1x16xi32>,
    %get3A_171 = vector.shape_cast %get3A_170 : vector<1x16xi32> to vector<16xi32>
    %add3A_172 = arith.constant 451584 : i32
    %add3A_173 = vector.broadcast %add3A_172 : i32 to vector<16xi32>
    %add3A_174 = arith.addi %get3A_171, %add3A_173 : vector<16xi32>
    %swap3A_175 = arith.constant 1 : i32
    %swap3A_176 = arith.index_cast %swap3A_175 : i32 to index
    %swap3A_177 = arith.constant 64 : index
    %swap3A_178 = tpu.vector_load %arg6[%swap3A_176, %swap3A_177] {strides = array<i32>} : memref<24x128xi32, #tpu.memory_space<vmem>>, vector<1x16xi32>,
    %swap3A_179 = vector.shape_cast %swap3A_178 : vector<1x16xi32> to vector<16xi32>
    %swap3A_180 = vector.shape_cast %add3A_174 : vector<16xi32> to vector<1x16xi32>
    tpu.vector_store %arg6[%swap3A_176, %swap3A_177], %swap3A_180 {strides = array<i32>} : memref<24x128xi32, #tpu.memory_space<vmem>>, vector<1x16xi32>,
    %get3A_181 = arith.constant 0 : i32
    %get3A_182 = arith.index_cast %get3A_181 : i32 to index
    %get3A_183 = arith.constant 208 : index
    %get3A_184 = tpu.vector_load %arg5[%get3A_182, %get3A_183] {strides = array<i32>} : memref<1x512xi32, #tpu.memory_space<vmem>>, vector<1x16xi32>,
    %get3A_185 = vector.shape_cast %get3A_184 : vector<1x16xi32> to vector<16xi32>
    %add3A_186 = arith.constant 451584 : i32
    %add3A_187 = vector.broadcast %add3A_186 : i32 to vector<16xi32>
    %add3A_188 = arith.addi %get3A_185, %add3A_187 : vector<16xi32>
    %swap3A_189 = arith.constant 1 : i32
    %swap3A_190 = arith.index_cast %swap3A_189 : i32 to index
    %swap3A_191 = arith.constant 80 : index
    %swap3A_192 = tpu.vector_load %arg6[%swap3A_190, %swap3A_191] {strides = array<i32>} : memref<24x128xi32, #tpu.memory_space<vmem>>, vector<1x16xi32>,
    %swap3A_193 = vector.shape_cast %swap3A_192 : vector<1x16xi32> to vector<16xi32>
    %swap3A_194 = vector.shape_cast %add3A_188 : vector<16xi32> to vector<1x16xi32>
    tpu.vector_store %arg6[%swap3A_190, %swap3A_191], %swap3A_194 {strides = array<i32>} : memref<24x128xi32, #tpu.memory_space<vmem>>, vector<1x16xi32>,
    %get3A_195 = arith.constant 0 : i32
    %get3A_196 = arith.index_cast %get3A_195 : i32 to index
    %get3A_197 = arith.constant 224 : index
    %get3A_198 = tpu.vector_load %arg5[%get3A_196, %get3A_197] {strides = array<i32>} : memref<1x512xi32, #tpu.memory_space<vmem>>, vector<1x16xi32>,
    %get3A_199 = vector.shape_cast %get3A_198 : vector<1x16xi32> to vector<16xi32>
    %add3A_200 = arith.constant 451584 : i32
    %add3A_201 = vector.broadcast %add3A_200 : i32 to vector<16xi32>
    %add3A_202 = arith.addi %get3A_199, %add3A_201 : vector<16xi32>
    %swap3A_203 = arith.constant 1 : i32
    %swap3A_204 = arith.index_cast %swap3A_203 : i32 to index
    %swap3A_205 = arith.constant 96 : index
    %swap3A_206 = tpu.vector_load %arg6[%swap3A_204, %swap3A_205] {strides = array<i32>} : memref<24x128xi32, #tpu.memory_space<vmem>>, vector<1x16xi32>,
    %swap3A_207 = vector.shape_cast %swap3A_206 : vector<1x16xi32> to vector<16xi32>
    %swap3A_208 = vector.shape_cast %add3A_202 : vector<16xi32> to vector<1x16xi32>
    tpu.vector_store %arg6[%swap3A_204, %swap3A_205], %swap3A_208 {strides = array<i32>} : memref<24x128xi32, #tpu.memory_space<vmem>>, vector<1x16xi32>,
    %get3A_209 = arith.constant 0 : i32
    %get3A_210 = arith.index_cast %get3A_209 : i32 to index
    %get3A_211 = arith.constant 240 : index
    %get3A_212 = tpu.vector_load %arg5[%get3A_210, %get3A_211] {strides = array<i32>} : memref<1x512xi32, #tpu.memory_space<vmem>>, vector<1x16xi32>,
    %get3A_213 = vector.shape_cast %get3A_212 : vector<1x16xi32> to vector<16xi32>
    %add3A_214 = arith.constant 451584 : i32
    %add3A_215 = vector.broadcast %add3A_214 : i32 to vector<16xi32>
    %add3A_216 = arith.addi %get3A_213, %add3A_215 : vector<16xi32>
    %swap3A_217 = arith.constant 1 : i32
    %swap3A_218 = arith.index_cast %swap3A_217 : i32 to index
    %swap3A_219 = arith.constant 112 : index
    %swap3A_220 = tpu.vector_load %arg6[%swap3A_218, %swap3A_219] {strides = array<i32>} : memref<24x128xi32, #tpu.memory_space<vmem>>, vector<1x16xi32>,
    %swap3A_221 = vector.shape_cast %swap3A_220 : vector<1x16xi32> to vector<16xi32>
    %swap3A_222 = vector.shape_cast %add3A_216 : vector<16xi32> to vector<1x16xi32>
    tpu.vector_store %arg6[%swap3A_218, %swap3A_219], %swap3A_222 {strides = array<i32>} : memref<24x128xi32, #tpu.memory_space<vmem>>, vector<1x16xi32>,
    %get3A_223 = arith.constant 0 : i32
    %get3A_224 = arith.index_cast %get3A_223 : i32 to index
    %get3A_225 = arith.constant 256 : index
    %get3A_226 = tpu.vector_load %arg5[%get3A_224, %get3A_225] {strides = array<i32>} : memref<1x512xi32, #tpu.memory_space<vmem>>, vector<1x16xi32>,
    %get3A_227 = vector.shape_cast %get3A_226 : vector<1x16xi32> to vector<16xi32>
    %add3A_228 = arith.constant 602112 : i32
    %add3A_229 = vector.broadcast %add3A_228 : i32 to vector<16xi32>
    %add3A_230 = arith.addi %get3A_227, %add3A_229 : vector<16xi32>
    %swap3A_231 = arith.constant 2 : i32
    %swap3A_232 = arith.index_cast %swap3A_231 : i32 to index
    %swap3A_233 = arith.constant 0 : index
    %swap3A_234 = tpu.vector_load %arg6[%swap3A_232, %swap3A_233] {strides = array<i32>} : memref<24x128xi32, #tpu.memory_space<vmem>>, vector<1x16xi32>,
    %swap3A_235 = vector.shape_cast %swap3A_234 : vector<1x16xi32> to vector<16xi32>
    %swap3A_236 = vector.shape_cast %add3A_230 : vector<16xi32> to vector<1x16xi32>
    tpu.vector_store %arg6[%swap3A_232, %swap3A_233], %swap3A_236 {strides = array<i32>} : memref<24x128xi32, #tpu.memory_space<vmem>>, vector<1x16xi32>,
    %get3A_237 = arith.constant 0 : i32
    %get3A_238 = arith.index_cast %get3A_237 : i32 to index
    %get3A_239 = arith.constant 272 : index
    %get3A_240 = tpu.vector_load %arg5[%get3A_238, %get3A_239] {strides = array<i32>} : memref<1x512xi32, #tpu.memory_space<vmem>>, vector<1x16xi32>,
    %get3A_241 = vector.shape_cast %get3A_240 : vector<1x16xi32> to vector<16xi32>
    %add3A_242 = arith.constant 602112 : i32
    %add3A_243 = vector.broadcast %add3A_242 : i32 to vector<16xi32>
    %add3A_244 = arith.addi %get3A_241, %add3A_243 : vector<16xi32>
    %swap3A_245 = arith.constant 2 : i32
    %swap3A_246 = arith.index_cast %swap3A_245 : i32 to index
    %swap3A_247 = arith.constant 16 : index
    %swap3A_248 = tpu.vector_load %arg6[%swap3A_246, %swap3A_247] {strides = array<i32>} : memref<24x128xi32, #tpu.memory_space<vmem>>, vector<1x16xi32>,
    %swap3A_249 = vector.shape_cast %swap3A_248 : vector<1x16xi32> to vector<16xi32>
    %swap3A_250 = vector.shape_cast %add3A_244 : vector<16xi32> to vector<1x16xi32>
    tpu.vector_store %arg6[%swap3A_246, %swap3A_247], %swap3A_250 {strides = array<i32>} : memref<24x128xi32, #tpu.memory_space<vmem>>, vector<1x16xi32>,
    %get3A_251 = arith.constant 0 : i32
    %get3A_252 = arith.index_cast %get3A_251 : i32 to index
    %get3A_253 = arith.constant 288 : index
    %get3A_254 = tpu.vector_load %arg5[%get3A_252, %get3A_253] {strides = array<i32>} : memref<1x512xi32, #tpu.memory_space<vmem>>, vector<1x16xi32>,
    %get3A_255 = vector.shape_cast %get3A_254 : vector<1x16xi32> to vector<16xi32>
    %add3A_256 = arith.constant 602112 : i32
    %add3A_257 = vector.broadcast %add3A_256 : i32 to vector<16xi32>
    %add3A_258 = arith.addi %get3A_255, %add3A_257 : vector<16xi32>
    %swap3A_259 = arith.constant 2 : i32
    %swap3A_260 = arith.index_cast %swap3A_259 : i32 to index
    %swap3A_261 = arith.constant 32 : index
    %swap3A_262 = tpu.vector_load %arg6[%swap3A_260, %swap3A_261] {strides = array<i32>} : memref<24x128xi32, #tpu.memory_space<vmem>>, vector<1x16xi32>,
    %swap3A_263 = vector.shape_cast %swap3A_262 : vector<1x16xi32> to vector<16xi32>
    %swap3A_264 = vector.shape_cast %add3A_258 : vector<16xi32> to vector<1x16xi32>
    tpu.vector_store %arg6[%swap3A_260, %swap3A_261], %swap3A_264 {strides = array<i32>} : memref<24x128xi32, #tpu.memory_space<vmem>>, vector<1x16xi32>,
    %get3A_265 = arith.constant 0 : i32
    %get3A_266 = arith.index_cast %get3A_265 : i32 to index
    %get3A_267 = arith.constant 304 : index
    %get3A_268 = tpu.vector_load %arg5[%get3A_266, %get3A_267] {strides = array<i32>} : memref<1x512xi32, #tpu.memory_space<vmem>>, vector<1x16xi32>,
    %get3A_269 = vector.shape_cast %get3A_268 : vector<1x16xi32> to vector<16xi32>
    %add3A_270 = arith.constant 602112 : i32
    %add3A_271 = vector.broadcast %add3A_270 : i32 to vector<16xi32>
    %add3A_272 = arith.addi %get3A_269, %add3A_271 : vector<16xi32>
    %swap3A_273 = arith.constant 2 : i32
    %swap3A_274 = arith.index_cast %swap3A_273 : i32 to index
    %swap3A_275 = arith.constant 48 : index
    %swap3A_276 = tpu.vector_load %arg6[%swap3A_274, %swap3A_275] {strides = array<i32>} : memref<24x128xi32, #tpu.memory_space<vmem>>, vector<1x16xi32>,
    %swap3A_277 = vector.shape_cast %swap3A_276 : vector<1x16xi32> to vector<16xi32>
    %swap3A_278 = vector.shape_cast %add3A_272 : vector<16xi32> to vector<1x16xi32>
    tpu.vector_store %arg6[%swap3A_274, %swap3A_275], %swap3A_278 {strides = array<i32>} : memref<24x128xi32, #tpu.memory_space<vmem>>, vector<1x16xi32>,
    %get3A_279 = arith.constant 0 : i32
    %get3A_280 = arith.index_cast %get3A_279 : i32 to index
    %get3A_281 = arith.constant 320 : index
    %get3A_282 = tpu.vector_load %arg5[%get3A_280, %get3A_281] {strides = array<i32>} : memref<1x512xi32, #tpu.memory_space<vmem>>, vector<1x16xi32>,
    %get3A_283 = vector.shape_cast %get3A_282 : vector<1x16xi32> to vector<16xi32>
    %add3A_284 = arith.constant 752640 : i32
    %add3A_285 = vector.broadcast %add3A_284 : i32 to vector<16xi32>
    %add3A_286 = arith.addi %get3A_283, %add3A_285 : vector<16xi32>
    %swap3A_287 = arith.constant 2 : i32
    %swap3A_288 = arith.index_cast %swap3A_287 : i32 to index
    %swap3A_289 = arith.constant 64 : index
    %swap3A_290 = tpu.vector_load %arg6[%swap3A_288, %swap3A_289] {strides = array<i32>} : memref<24x128xi32, #tpu.memory_space<vmem>>, vector<1x16xi32>,
    %swap3A_291 = vector.shape_cast %swap3A_290 : vector<1x16xi32> to vector<16xi32>
    %swap3A_292 = vector.shape_cast %add3A_286 : vector<16xi32> to vector<1x16xi32>
    tpu.vector_store %arg6[%swap3A_288, %swap3A_289], %swap3A_292 {strides = array<i32>} : memref<24x128xi32, #tpu.memory_space<vmem>>, vector<1x16xi32>,
    %get3A_293 = arith.constant 0 : i32
    %get3A_294 = arith.index_cast %get3A_293 : i32 to index
    %get3A_295 = arith.constant 336 : index
    %get3A_296 = tpu.vector_load %arg5[%get3A_294, %get3A_295] {strides = array<i32>} : memref<1x512xi32, #tpu.memory_space<vmem>>, vector<1x16xi32>,
    %get3A_297 = vector.shape_cast %get3A_296 : vector<1x16xi32> to vector<16xi32>
    %add3A_298 = arith.constant 752640 : i32
    %add3A_299 = vector.broadcast %add3A_298 : i32 to vector<16xi32>
    %add3A_300 = arith.addi %get3A_297, %add3A_299 : vector<16xi32>
    %swap3A_301 = arith.constant 2 : i32
    %swap3A_302 = arith.index_cast %swap3A_301 : i32 to index
    %swap3A_303 = arith.constant 80 : index
    %swap3A_304 = tpu.vector_load %arg6[%swap3A_302, %swap3A_303] {strides = array<i32>} : memref<24x128xi32, #tpu.memory_space<vmem>>, vector<1x16xi32>,
    %swap3A_305 = vector.shape_cast %swap3A_304 : vector<1x16xi32> to vector<16xi32>
    %swap3A_306 = vector.shape_cast %add3A_300 : vector<16xi32> to vector<1x16xi32>
    tpu.vector_store %arg6[%swap3A_302, %swap3A_303], %swap3A_306 {strides = array<i32>} : memref<24x128xi32, #tpu.memory_space<vmem>>, vector<1x16xi32>,
    %get3A_307 = arith.constant 0 : i32
    %get3A_308 = arith.index_cast %get3A_307 : i32 to index
    %get3A_309 = arith.constant 352 : index
    %get3A_310 = tpu.vector_load %arg5[%get3A_308, %get3A_309] {strides = array<i32>} : memref<1x512xi32, #tpu.memory_space<vmem>>, vector<1x16xi32>,
    %get3A_311 = vector.shape_cast %get3A_310 : vector<1x16xi32> to vector<16xi32>
    %add3A_312 = arith.constant 752640 : i32
    %add3A_313 = vector.broadcast %add3A_312 : i32 to vector<16xi32>
    %add3A_314 = arith.addi %get3A_311, %add3A_313 : vector<16xi32>
    %swap3A_315 = arith.constant 2 : i32
    %swap3A_316 = arith.index_cast %swap3A_315 : i32 to index
    %swap3A_317 = arith.constant 96 : index
    %swap3A_318 = tpu.vector_load %arg6[%swap3A_316, %swap3A_317] {strides = array<i32>} : memref<24x128xi32, #tpu.memory_space<vmem>>, vector<1x16xi32>,
    %swap3A_319 = vector.shape_cast %swap3A_318 : vector<1x16xi32> to vector<16xi32>
    %swap3A_320 = vector.shape_cast %add3A_314 : vector<16xi32> to vector<1x16xi32>
    tpu.vector_store %arg6[%swap3A_316, %swap3A_317], %swap3A_320 {strides = array<i32>} : memref<24x128xi32, #tpu.memory_space<vmem>>, vector<1x16xi32>,
    %get3A_321 = arith.constant 0 : i32
    %get3A_322 = arith.index_cast %get3A_321 : i32 to index
    %get3A_323 = arith.constant 368 : index
    %get3A_324 = tpu.vector_load %arg5[%get3A_322, %get3A_323] {strides = array<i32>} : memref<1x512xi32, #tpu.memory_space<vmem>>, vector<1x16xi32>,
    %get3A_325 = vector.shape_cast %get3A_324 : vector<1x16xi32> to vector<16xi32>
    %add3A_326 = arith.constant 752640 : i32
    %add3A_327 = vector.broadcast %add3A_326 : i32 to vector<16xi32>
    %add3A_328 = arith.addi %get3A_325, %add3A_327 : vector<16xi32>
    %swap3A_329 = arith.constant 2 : i32
    %swap3A_330 = arith.index_cast %swap3A_329 : i32 to index
    %swap3A_331 = arith.constant 112 : index
    %swap3A_332 = tpu.vector_load %arg6[%swap3A_330, %swap3A_331] {strides = array<i32>} : memref<24x128xi32, #tpu.memory_space<vmem>>, vector<1x16xi32>,
    %swap3A_333 = vector.shape_cast %swap3A_332 : vector<1x16xi32> to vector<16xi32>
    %swap3A_334 = vector.shape_cast %add3A_328 : vector<16xi32> to vector<1x16xi32>
    tpu.vector_store %arg6[%swap3A_330, %swap3A_331], %swap3A_334 {strides = array<i32>} : memref<24x128xi32, #tpu.memory_space<vmem>>, vector<1x16xi32>,
    %get3A_335 = arith.constant 0 : i32
    %get3A_336 = arith.index_cast %get3A_335 : i32 to index
    %get3A_337 = arith.constant 384 : index
    %get3A_338 = tpu.vector_load %arg5[%get3A_336, %get3A_337] {strides = array<i32>} : memref<1x512xi32, #tpu.memory_space<vmem>>, vector<1x16xi32>,
    %get3A_339 = vector.shape_cast %get3A_338 : vector<1x16xi32> to vector<16xi32>
    %add3A_340 = arith.constant 903168 : i32
    %add3A_341 = vector.broadcast %add3A_340 : i32 to vector<16xi32>
    %add3A_342 = arith.addi %get3A_339, %add3A_341 : vector<16xi32>
    %swap3A_343 = arith.constant 3 : i32
    %swap3A_344 = arith.index_cast %swap3A_343 : i32 to index
    %swap3A_345 = arith.constant 0 : index
    %swap3A_346 = tpu.vector_load %arg6[%swap3A_344, %swap3A_345] {strides = array<i32>} : memref<24x128xi32, #tpu.memory_space<vmem>>, vector<1x16xi32>,
    %swap3A_347 = vector.shape_cast %swap3A_346 : vector<1x16xi32> to vector<16xi32>
    %swap3A_348 = vector.shape_cast %add3A_342 : vector<16xi32> to vector<1x16xi32>
    tpu.vector_store %arg6[%swap3A_344, %swap3A_345], %swap3A_348 {strides = array<i32>} : memref<24x128xi32, #tpu.memory_space<vmem>>, vector<1x16xi32>,
    %get3A_349 = arith.constant 0 : i32
    %get3A_350 = arith.index_cast %get3A_349 : i32 to index
    %get3A_351 = arith.constant 400 : index
    %get3A_352 = tpu.vector_load %arg5[%get3A_350, %get3A_351] {strides = array<i32>} : memref<1x512xi32, #tpu.memory_space<vmem>>, vector<1x16xi32>,
    %get3A_353 = vector.shape_cast %get3A_352 : vector<1x16xi32> to vector<16xi32>
    %add3A_354 = arith.constant 903168 : i32
    %add3A_355 = vector.broadcast %add3A_354 : i32 to vector<16xi32>
    %add3A_356 = arith.addi %get3A_353, %add3A_355 : vector<16xi32>
    %swap3A_357 = arith.constant 3 : i32
    %swap3A_358 = arith.index_cast %swap3A_357 : i32 to index
    %swap3A_359 = arith.constant 16 : index
    %swap3A_360 = tpu.vector_load %arg6[%swap3A_358, %swap3A_359] {strides = array<i32>} : memref<24x128xi32, #tpu.memory_space<vmem>>, vector<1x16xi32>,
    %swap3A_361 = vector.shape_cast %swap3A_360 : vector<1x16xi32> to vector<16xi32>
    %swap3A_362 = vector.shape_cast %add3A_356 : vector<16xi32> to vector<1x16xi32>
    tpu.vector_store %arg6[%swap3A_358, %swap3A_359], %swap3A_362 {strides = array<i32>} : memref<24x128xi32, #tpu.memory_space<vmem>>, vector<1x16xi32>,
    %get3A_363 = arith.constant 0 : i32
    %get3A_364 = arith.index_cast %get3A_363 : i32 to index
    %get3A_365 = arith.constant 416 : index
    %get3A_366 = tpu.vector_load %arg5[%get3A_364, %get3A_365] {strides = array<i32>} : memref<1x512xi32, #tpu.memory_space<vmem>>, vector<1x16xi32>,
    %get3A_367 = vector.shape_cast %get3A_366 : vector<1x16xi32> to vector<16xi32>
    %add3A_368 = arith.constant 903168 : i32
    %add3A_369 = vector.broadcast %add3A_368 : i32 to vector<16xi32>
    %add3A_370 = arith.addi %get3A_367, %add3A_369 : vector<16xi32>
    %swap3A_371 = arith.constant 3 : i32
    %swap3A_372 = arith.index_cast %swap3A_371 : i32 to index
    %swap3A_373 = arith.constant 32 : index
    %swap3A_374 = tpu.vector_load %arg6[%swap3A_372, %swap3A_373] {strides = array<i32>} : memref<24x128xi32, #tpu.memory_space<vmem>>, vector<1x16xi32>,
    %swap3A_375 = vector.shape_cast %swap3A_374 : vector<1x16xi32> to vector<16xi32>
    %swap3A_376 = vector.shape_cast %add3A_370 : vector<16xi32> to vector<1x16xi32>
    tpu.vector_store %arg6[%swap3A_372, %swap3A_373], %swap3A_376 {strides = array<i32>} : memref<24x128xi32, #tpu.memory_space<vmem>>, vector<1x16xi32>,
    %get3A_377 = arith.constant 0 : i32
    %get3A_378 = arith.index_cast %get3A_377 : i32 to index
    %get3A_379 = arith.constant 432 : index
    %get3A_380 = tpu.vector_load %arg5[%get3A_378, %get3A_379] {strides = array<i32>} : memref<1x512xi32, #tpu.memory_space<vmem>>, vector<1x16xi32>,
    %get3A_381 = vector.shape_cast %get3A_380 : vector<1x16xi32> to vector<16xi32>
    %add3A_382 = arith.constant 903168 : i32
    %add3A_383 = vector.broadcast %add3A_382 : i32 to vector<16xi32>
    %add3A_384 = arith.addi %get3A_381, %add3A_383 : vector<16xi32>
    %swap3A_385 = arith.constant 3 : i32
    %swap3A_386 = arith.index_cast %swap3A_385 : i32 to index
    %swap3A_387 = arith.constant 48 : index
    %swap3A_388 = tpu.vector_load %arg6[%swap3A_386, %swap3A_387] {strides = array<i32>} : memref<24x128xi32, #tpu.memory_space<vmem>>, vector<1x16xi32>,
    %swap3A_389 = vector.shape_cast %swap3A_388 : vector<1x16xi32> to vector<16xi32>
    %swap3A_390 = vector.shape_cast %add3A_384 : vector<16xi32> to vector<1x16xi32>
    tpu.vector_store %arg6[%swap3A_386, %swap3A_387], %swap3A_390 {strides = array<i32>} : memref<24x128xi32, #tpu.memory_space<vmem>>, vector<1x16xi32>,
    %get3A_391 = arith.constant 0 : i32
    %get3A_392 = arith.index_cast %get3A_391 : i32 to index
    %get3A_393 = arith.constant 448 : index
    %get3A_394 = tpu.vector_load %arg5[%get3A_392, %get3A_393] {strides = array<i32>} : memref<1x512xi32, #tpu.memory_space<vmem>>, vector<1x16xi32>,
    %get3A_395 = vector.shape_cast %get3A_394 : vector<1x16xi32> to vector<16xi32>
    %add3A_396 = arith.constant 1053696 : i32
    %add3A_397 = vector.broadcast %add3A_396 : i32 to vector<16xi32>
    %add3A_398 = arith.addi %get3A_395, %add3A_397 : vector<16xi32>
    %swap3A_399 = arith.constant 3 : i32
    %swap3A_400 = arith.index_cast %swap3A_399 : i32 to index
    %swap3A_401 = arith.constant 64 : index
    %swap3A_402 = tpu.vector_load %arg6[%swap3A_400, %swap3A_401] {strides = array<i32>} : memref<24x128xi32, #tpu.memory_space<vmem>>, vector<1x16xi32>,
    %swap3A_403 = vector.shape_cast %swap3A_402 : vector<1x16xi32> to vector<16xi32>
    %swap3A_404 = vector.shape_cast %add3A_398 : vector<16xi32> to vector<1x16xi32>
    tpu.vector_store %arg6[%swap3A_400, %swap3A_401], %swap3A_404 {strides = array<i32>} : memref<24x128xi32, #tpu.memory_space<vmem>>, vector<1x16xi32>,
    %get3A_405 = arith.constant 0 : i32
    %get3A_406 = arith.index_cast %get3A_405 : i32 to index
    %get3A_407 = arith.constant 464 : index
    %get3A_408 = tpu.vector_load %arg5[%get3A_406, %get3A_407] {strides = array<i32>} : memref<1x512xi32, #tpu.memory_space<vmem>>, vector<1x16xi32>,
    %get3A_409 = vector.shape_cast %get3A_408 : vector<1x16xi32> to vector<16xi32>
    %add3A_410 = arith.constant 1053696 : i32
    %add3A_411 = vector.broadcast %add3A_410 : i32 to vector<16xi32>
    %add3A_412 = arith.addi %get3A_409, %add3A_411 : vector<16xi32>
    %swap3A_413 = arith.constant 3 : i32
    %swap3A_414 = arith.index_cast %swap3A_413 : i32 to index
    %swap3A_415 = arith.constant 80 : index
    %swap3A_416 = tpu.vector_load %arg6[%swap3A_414, %swap3A_415] {strides = array<i32>} : memref<24x128xi32, #tpu.memory_space<vmem>>, vector<1x16xi32>,
    %swap3A_417 = vector.shape_cast %swap3A_416 : vector<1x16xi32> to vector<16xi32>
    %swap3A_418 = vector.shape_cast %add3A_412 : vector<16xi32> to vector<1x16xi32>
    tpu.vector_store %arg6[%swap3A_414, %swap3A_415], %swap3A_418 {strides = array<i32>} : memref<24x128xi32, #tpu.memory_space<vmem>>, vector<1x16xi32>,
    %get3A_419 = arith.constant 0 : i32
    %get3A_420 = arith.index_cast %get3A_419 : i32 to index
    %get3A_421 = arith.constant 480 : index
    %get3A_422 = tpu.vector_load %arg5[%get3A_420, %get3A_421] {strides = array<i32>} : memref<1x512xi32, #tpu.memory_space<vmem>>, vector<1x16xi32>,
    %get3A_423 = vector.shape_cast %get3A_422 : vector<1x16xi32> to vector<16xi32>
    %add3A_424 = arith.constant 1053696 : i32
    %add3A_425 = vector.broadcast %add3A_424 : i32 to vector<16xi32>
    %add3A_426 = arith.addi %get3A_423, %add3A_425 : vector<16xi32>
    %swap3A_427 = arith.constant 3 : i32
    %swap3A_428 = arith.index_cast %swap3A_427 : i32 to index
    %swap3A_429 = arith.constant 96 : index
    %swap3A_430 = tpu.vector_load %arg6[%swap3A_428, %swap3A_429] {strides = array<i32>} : memref<24x128xi32, #tpu.memory_space<vmem>>, vector<1x16xi32>,
    %swap3A_431 = vector.shape_cast %swap3A_430 : vector<1x16xi32> to vector<16xi32>
    %swap3A_432 = vector.shape_cast %add3A_426 : vector<16xi32> to vector<1x16xi32>
    tpu.vector_store %arg6[%swap3A_428, %swap3A_429], %swap3A_432 {strides = array<i32>} : memref<24x128xi32, #tpu.memory_space<vmem>>, vector<1x16xi32>,
    %get3A_433 = arith.constant 0 : i32
    %get3A_434 = arith.index_cast %get3A_433 : i32 to index
    %get3A_435 = arith.constant 496 : index
    %get3A_436 = tpu.vector_load %arg5[%get3A_434, %get3A_435] {strides = array<i32>} : memref<1x512xi32, #tpu.memory_space<vmem>>, vector<1x16xi32>,
    %get3A_437 = vector.shape_cast %get3A_436 : vector<1x16xi32> to vector<16xi32>
    %add3A_438 = arith.constant 1053696 : i32
    %add3A_439 = vector.broadcast %add3A_438 : i32 to vector<16xi32>
    %add3A_440 = arith.addi %get3A_437, %add3A_439 : vector<16xi32>
    %swap3A_441 = arith.constant 3 : i32
    %swap3A_442 = arith.index_cast %swap3A_441 : i32 to index
    %swap3A_443 = arith.constant 112 : index
    %swap3A_444 = tpu.vector_load %arg6[%swap3A_442, %swap3A_443] {strides = array<i32>} : memref<24x128xi32, #tpu.memory_space<vmem>>, vector<1x16xi32>,
    %swap3A_445 = vector.shape_cast %swap3A_444 : vector<1x16xi32> to vector<16xi32>
    %swap3A_446 = vector.shape_cast %add3A_440 : vector<16xi32> to vector<1x16xi32>
    tpu.vector_store %arg6[%swap3A_442, %swap3A_443], %swap3A_446 {strides = array<i32>} : memref<24x128xi32, #tpu.memory_space<vmem>>, vector<1x16xi32>,
    %get3A_447 = arith.constant 0 : i32
    %get3A_448 = arith.index_cast %get3A_447 : i32 to index
    %get3A_449 = arith.constant 0 : index
    %get3A_450 = tpu.vector_load %arg5[%get3A_448, %get3A_449] {strides = array<i32>} : memref<1x512xi32, #tpu.memory_space<vmem>>, vector<1x16xi32>,
    %get3A_451 = vector.shape_cast %get3A_450 : vector<1x16xi32> to vector<16xi32>
    %add3A_452 = arith.constant 50176 : i32
    %add3A_453 = vector.broadcast %add3A_452 : i32 to vector<16xi32>
    %add3A_454 = arith.addi %get3A_451, %add3A_453 : vector<16xi32>
    %swap3A_455 = arith.constant 4 : i32
    %swap3A_456 = arith.index_cast %swap3A_455 : i32 to index
    %swap3A_457 = arith.constant 0 : index
    %swap3A_458 = tpu.vector_load %arg6[%swap3A_456, %swap3A_457] {strides = array<i32>} : memref<24x128xi32, #tpu.memory_space<vmem>>, vector<1x16xi32>,
    %swap3A_459 = vector.shape_cast %swap3A_458 : vector<1x16xi32> to vector<16xi32>
    %swap3A_460 = vector.shape_cast %add3A_454 : vector<16xi32> to vector<1x16xi32>
    tpu.vector_store %arg6[%swap3A_456, %swap3A_457], %swap3A_460 {strides = array<i32>} : memref<24x128xi32, #tpu.memory_space<vmem>>, vector<1x16xi32>,
    %get3A_461 = arith.constant 0 : i32
    %get3A_462 = arith.index_cast %get3A_461 : i32 to index
    %get3A_463 = arith.constant 16 : index
    %get3A_464 = tpu.vector_load %arg5[%get3A_462, %get3A_463] {strides = array<i32>} : memref<1x512xi32, #tpu.memory_space<vmem>>, vector<1x16xi32>,
    %get3A_465 = vector.shape_cast %get3A_464 : vector<1x16xi32> to vector<16xi32>
    %add3A_466 = arith.constant 50176 : i32
    %add3A_467 = vector.broadcast %add3A_466 : i32 to vector<16xi32>
    %add3A_468 = arith.addi %get3A_465, %add3A_467 : vector<16xi32>
    %swap3A_469 = arith.constant 4 : i32
    %swap3A_470 = arith.index_cast %swap3A_469 : i32 to index
    %swap3A_471 = arith.constant 16 : index
    %swap3A_472 = tpu.vector_load %arg6[%swap3A_470, %swap3A_471] {strides = array<i32>} : memref<24x128xi32, #tpu.memory_space<vmem>>, vector<1x16xi32>,
    %swap3A_473 = vector.shape_cast %swap3A_472 : vector<1x16xi32> to vector<16xi32>
    %swap3A_474 = vector.shape_cast %add3A_468 : vector<16xi32> to vector<1x16xi32>
    tpu.vector_store %arg6[%swap3A_470, %swap3A_471], %swap3A_474 {strides = array<i32>} : memref<24x128xi32, #tpu.memory_space<vmem>>, vector<1x16xi32>,
    %get3A_475 = arith.constant 0 : i32
    %get3A_476 = arith.index_cast %get3A_475 : i32 to index
    %get3A_477 = arith.constant 32 : index
    %get3A_478 = tpu.vector_load %arg5[%get3A_476, %get3A_477] {strides = array<i32>} : memref<1x512xi32, #tpu.memory_space<vmem>>, vector<1x16xi32>,
    %get3A_479 = vector.shape_cast %get3A_478 : vector<1x16xi32> to vector<16xi32>
    %add3A_480 = arith.constant 50176 : i32
    %add3A_481 = vector.broadcast %add3A_480 : i32 to vector<16xi32>
    %add3A_482 = arith.addi %get3A_479, %add3A_481 : vector<16xi32>
    %swap3A_483 = arith.constant 4 : i32
    %swap3A_484 = arith.index_cast %swap3A_483 : i32 to index
    %swap3A_485 = arith.constant 32 : index
    %swap3A_486 = tpu.vector_load %arg6[%swap3A_484, %swap3A_485] {strides = array<i32>} : memref<24x128xi32, #tpu.memory_space<vmem>>, vector<1x16xi32>,
    %swap3A_487 = vector.shape_cast %swap3A_486 : vector<1x16xi32> to vector<16xi32>
    %swap3A_488 = vector.shape_cast %add3A_482 : vector<16xi32> to vector<1x16xi32>
    tpu.vector_store %arg6[%swap3A_484, %swap3A_485], %swap3A_488 {strides = array<i32>} : memref<24x128xi32, #tpu.memory_space<vmem>>, vector<1x16xi32>,
    %get3A_489 = arith.constant 0 : i32
    %get3A_490 = arith.index_cast %get3A_489 : i32 to index
    %get3A_491 = arith.constant 48 : index
    %get3A_492 = tpu.vector_load %arg5[%get3A_490, %get3A_491] {strides = array<i32>} : memref<1x512xi32, #tpu.memory_space<vmem>>, vector<1x16xi32>,
    %get3A_493 = vector.shape_cast %get3A_492 : vector<1x16xi32> to vector<16xi32>
    %add3A_494 = arith.constant 50176 : i32
    %add3A_495 = vector.broadcast %add3A_494 : i32 to vector<16xi32>
    %add3A_496 = arith.addi %get3A_493, %add3A_495 : vector<16xi32>
    %swap3A_497 = arith.constant 4 : i32
    %swap3A_498 = arith.index_cast %swap3A_497 : i32 to index
    %swap3A_499 = arith.constant 48 : index
    %swap3A_500 = tpu.vector_load %arg6[%swap3A_498, %swap3A_499] {strides = array<i32>} : memref<24x128xi32, #tpu.memory_space<vmem>>, vector<1x16xi32>,
    %swap3A_501 = vector.shape_cast %swap3A_500 : vector<1x16xi32> to vector<16xi32>
    %swap3A_502 = vector.shape_cast %add3A_496 : vector<16xi32> to vector<1x16xi32>
    tpu.vector_store %arg6[%swap3A_498, %swap3A_499], %swap3A_502 {strides = array<i32>} : memref<24x128xi32, #tpu.memory_space<vmem>>, vector<1x16xi32>,
    %get3A_503 = arith.constant 0 : i32
    %get3A_504 = arith.index_cast %get3A_503 : i32 to index
    %get3A_505 = arith.constant 64 : index
    %get3A_506 = tpu.vector_load %arg5[%get3A_504, %get3A_505] {strides = array<i32>} : memref<1x512xi32, #tpu.memory_space<vmem>>, vector<1x16xi32>,
    %get3A_507 = vector.shape_cast %get3A_506 : vector<1x16xi32> to vector<16xi32>
    %add3A_508 = arith.constant 200704 : i32
    %add3A_509 = vector.broadcast %add3A_508 : i32 to vector<16xi32>
    %add3A_510 = arith.addi %get3A_507, %add3A_509 : vector<16xi32>
    %swap3A_511 = arith.constant 4 : i32
    %swap3A_512 = arith.index_cast %swap3A_511 : i32 to index
    %swap3A_513 = arith.constant 64 : index
    %swap3A_514 = tpu.vector_load %arg6[%swap3A_512, %swap3A_513] {strides = array<i32>} : memref<24x128xi32, #tpu.memory_space<vmem>>, vector<1x16xi32>,
    %swap3A_515 = vector.shape_cast %swap3A_514 : vector<1x16xi32> to vector<16xi32>
    %swap3A_516 = vector.shape_cast %add3A_510 : vector<16xi32> to vector<1x16xi32>
    tpu.vector_store %arg6[%swap3A_512, %swap3A_513], %swap3A_516 {strides = array<i32>} : memref<24x128xi32, #tpu.memory_space<vmem>>, vector<1x16xi32>,
    %get3A_517 = arith.constant 0 : i32
    %get3A_518 = arith.index_cast %get3A_517 : i32 to index
    %get3A_519 = arith.constant 80 : index
    %get3A_520 = tpu.vector_load %arg5[%get3A_518, %get3A_519] {strides = array<i32>} : memref<1x512xi32, #tpu.memory_space<vmem>>, vector<1x16xi32>,
    %get3A_521 = vector.shape_cast %get3A_520 : vector<1x16xi32> to vector<16xi32>
    %add3A_522 = arith.constant 200704 : i32
    %add3A_523 = vector.broadcast %add3A_522 : i32 to vector<16xi32>
    %add3A_524 = arith.addi %get3A_521, %add3A_523 : vector<16xi32>
    %swap3A_525 = arith.constant 4 : i32
    %swap3A_526 = arith.index_cast %swap3A_525 : i32 to index
    %swap3A_527 = arith.constant 80 : index
    %swap3A_528 = tpu.vector_load %arg6[%swap3A_526, %swap3A_527] {strides = array<i32>} : memref<24x128xi32, #tpu.memory_space<vmem>>, vector<1x16xi32>,
    %swap3A_529 = vector.shape_cast %swap3A_528 : vector<1x16xi32> to vector<16xi32>
    %swap3A_530 = vector.shape_cast %add3A_524 : vector<16xi32> to vector<1x16xi32>
    tpu.vector_store %arg6[%swap3A_526, %swap3A_527], %swap3A_530 {strides = array<i32>} : memref<24x128xi32, #tpu.memory_space<vmem>>, vector<1x16xi32>,
    %get3A_531 = arith.constant 0 : i32
    %get3A_532 = arith.index_cast %get3A_531 : i32 to index
    %get3A_533 = arith.constant 96 : index
    %get3A_534 = tpu.vector_load %arg5[%get3A_532, %get3A_533] {strides = array<i32>} : memref<1x512xi32, #tpu.memory_space<vmem>>, vector<1x16xi32>,
    %get3A_535 = vector.shape_cast %get3A_534 : vector<1x16xi32> to vector<16xi32>
    %add3A_536 = arith.constant 200704 : i32
    %add3A_537 = vector.broadcast %add3A_536 : i32 to vector<16xi32>
    %add3A_538 = arith.addi %get3A_535, %add3A_537 : vector<16xi32>
    %swap3A_539 = arith.constant 4 : i32
    %swap3A_540 = arith.index_cast %swap3A_539 : i32 to index
    %swap3A_541 = arith.constant 96 : index
    %swap3A_542 = tpu.vector_load %arg6[%swap3A_540, %swap3A_541] {strides = array<i32>} : memref<24x128xi32, #tpu.memory_space<vmem>>, vector<1x16xi32>,
    %swap3A_543 = vector.shape_cast %swap3A_542 : vector<1x16xi32> to vector<16xi32>
    %swap3A_544 = vector.shape_cast %add3A_538 : vector<16xi32> to vector<1x16xi32>
    tpu.vector_store %arg6[%swap3A_540, %swap3A_541], %swap3A_544 {strides = array<i32>} : memref<24x128xi32, #tpu.memory_space<vmem>>, vector<1x16xi32>,
    %get3A_545 = arith.constant 0 : i32
    %get3A_546 = arith.index_cast %get3A_545 : i32 to index
    %get3A_547 = arith.constant 112 : index
    %get3A_548 = tpu.vector_load %arg5[%get3A_546, %get3A_547] {strides = array<i32>} : memref<1x512xi32, #tpu.memory_space<vmem>>, vector<1x16xi32>,
    %get3A_549 = vector.shape_cast %get3A_548 : vector<1x16xi32> to vector<16xi32>
    %add3A_550 = arith.constant 200704 : i32
    %add3A_551 = vector.broadcast %add3A_550 : i32 to vector<16xi32>
    %add3A_552 = arith.addi %get3A_549, %add3A_551 : vector<16xi32>
    %swap3A_553 = arith.constant 4 : i32
    %swap3A_554 = arith.index_cast %swap3A_553 : i32 to index
    %swap3A_555 = arith.constant 112 : index
    %swap3A_556 = tpu.vector_load %arg6[%swap3A_554, %swap3A_555] {strides = array<i32>} : memref<24x128xi32, #tpu.memory_space<vmem>>, vector<1x16xi32>,
    %swap3A_557 = vector.shape_cast %swap3A_556 : vector<1x16xi32> to vector<16xi32>
    %swap3A_558 = vector.shape_cast %add3A_552 : vector<16xi32> to vector<1x16xi32>
    tpu.vector_store %arg6[%swap3A_554, %swap3A_555], %swap3A_558 {strides = array<i32>} : memref<24x128xi32, #tpu.memory_space<vmem>>, vector<1x16xi32>,
    %get3A_559 = arith.constant 0 : i32
    %get3A_560 = arith.index_cast %get3A_559 : i32 to index
    %get3A_561 = arith.constant 128 : index
    %get3A_562 = tpu.vector_load %arg5[%get3A_560, %get3A_561] {strides = array<i32>} : memref<1x512xi32, #tpu.memory_space<vmem>>, vector<1x16xi32>,
    %get3A_563 = vector.shape_cast %get3A_562 : vector<1x16xi32> to vector<16xi32>
    %add3A_564 = arith.constant 351232 : i32
    %add3A_565 = vector.broadcast %add3A_564 : i32 to vector<16xi32>
    %add3A_566 = arith.addi %get3A_563, %add3A_565 : vector<16xi32>
    %swap3A_567 = arith.constant 5 : i32
    %swap3A_568 = arith.index_cast %swap3A_567 : i32 to index
    %swap3A_569 = arith.constant 0 : index
    %swap3A_570 = tpu.vector_load %arg6[%swap3A_568, %swap3A_569] {strides = array<i32>} : memref<24x128xi32, #tpu.memory_space<vmem>>, vector<1x16xi32>,
    %swap3A_571 = vector.shape_cast %swap3A_570 : vector<1x16xi32> to vector<16xi32>
    %swap3A_572 = vector.shape_cast %add3A_566 : vector<16xi32> to vector<1x16xi32>
    tpu.vector_store %arg6[%swap3A_568, %swap3A_569], %swap3A_572 {strides = array<i32>} : memref<24x128xi32, #tpu.memory_space<vmem>>, vector<1x16xi32>,
    %get3A_573 = arith.constant 0 : i32
    %get3A_574 = arith.index_cast %get3A_573 : i32 to index
    %get3A_575 = arith.constant 144 : index
    %get3A_576 = tpu.vector_load %arg5[%get3A_574, %get3A_575] {strides = array<i32>} : memref<1x512xi32, #tpu.memory_space<vmem>>, vector<1x16xi32>,
    %get3A_577 = vector.shape_cast %get3A_576 : vector<1x16xi32> to vector<16xi32>
    %add3A_578 = arith.constant 351232 : i32
    %add3A_579 = vector.broadcast %add3A_578 : i32 to vector<16xi32>
    %add3A_580 = arith.addi %get3A_577, %add3A_579 : vector<16xi32>
    %swap3A_581 = arith.constant 5 : i32
    %swap3A_582 = arith.index_cast %swap3A_581 : i32 to index
    %swap3A_583 = arith.constant 16 : index
    %swap3A_584 = tpu.vector_load %arg6[%swap3A_582, %swap3A_583] {strides = array<i32>} : memref<24x128xi32, #tpu.memory_space<vmem>>, vector<1x16xi32>,
    %swap3A_585 = vector.shape_cast %swap3A_584 : vector<1x16xi32> to vector<16xi32>
    %swap3A_586 = vector.shape_cast %add3A_580 : vector<16xi32> to vector<1x16xi32>
    tpu.vector_store %arg6[%swap3A_582, %swap3A_583], %swap3A_586 {strides = array<i32>} : memref<24x128xi32, #tpu.memory_space<vmem>>, vector<1x16xi32>,
    %get3A_587 = arith.constant 0 : i32
    %get3A_588 = arith.index_cast %get3A_587 : i32 to index
    %get3A_589 = arith.constant 160 : index
    %get3A_590 = tpu.vector_load %arg5[%get3A_588, %get3A_589] {strides = array<i32>} : memref<1x512xi32, #tpu.memory_space<vmem>>, vector<1x16xi32>,
    %get3A_591 = vector.shape_cast %get3A_590 : vector<1x16xi32> to vector<16xi32>
    %add3A_592 = arith.constant 351232 : i32
    %add3A_593 = vector.broadcast %add3A_592 : i32 to vector<16xi32>
    %add3A_594 = arith.addi %get3A_591, %add3A_593 : vector<16xi32>
    %swap3A_595 = arith.constant 5 : i32
    %swap3A_596 = arith.index_cast %swap3A_595 : i32 to index
    %swap3A_597 = arith.constant 32 : index
    %swap3A_598 = tpu.vector_load %arg6[%swap3A_596, %swap3A_597] {strides = array<i32>} : memref<24x128xi32, #tpu.memory_space<vmem>>, vector<1x16xi32>,
    %swap3A_599 = vector.shape_cast %swap3A_598 : vector<1x16xi32> to vector<16xi32>
    %swap3A_600 = vector.shape_cast %add3A_594 : vector<16xi32> to vector<1x16xi32>
    tpu.vector_store %arg6[%swap3A_596, %swap3A_597], %swap3A_600 {strides = array<i32>} : memref<24x128xi32, #tpu.memory_space<vmem>>, vector<1x16xi32>,
    %get3A_601 = arith.constant 0 : i32
    %get3A_602 = arith.index_cast %get3A_601 : i32 to index
    %get3A_603 = arith.constant 176 : index
    %get3A_604 = tpu.vector_load %arg5[%get3A_602, %get3A_603] {strides = array<i32>} : memref<1x512xi32, #tpu.memory_space<vmem>>, vector<1x16xi32>,
    %get3A_605 = vector.shape_cast %get3A_604 : vector<1x16xi32> to vector<16xi32>
    %add3A_606 = arith.constant 351232 : i32
    %add3A_607 = vector.broadcast %add3A_606 : i32 to vector<16xi32>
    %add3A_608 = arith.addi %get3A_605, %add3A_607 : vector<16xi32>
    %swap3A_609 = arith.constant 5 : i32
    %swap3A_610 = arith.index_cast %swap3A_609 : i32 to index
    %swap3A_611 = arith.constant 48 : index
    %swap3A_612 = tpu.vector_load %arg6[%swap3A_610, %swap3A_611] {strides = array<i32>} : memref<24x128xi32, #tpu.memory_space<vmem>>, vector<1x16xi32>,
    %swap3A_613 = vector.shape_cast %swap3A_612 : vector<1x16xi32> to vector<16xi32>
    %swap3A_614 = vector.shape_cast %add3A_608 : vector<16xi32> to vector<1x16xi32>
    tpu.vector_store %arg6[%swap3A_610, %swap3A_611], %swap3A_614 {strides = array<i32>} : memref<24x128xi32, #tpu.memory_space<vmem>>, vector<1x16xi32>,
    %get3A_615 = arith.constant 0 : i32
    %get3A_616 = arith.index_cast %get3A_615 : i32 to index
    %get3A_617 = arith.constant 192 : index
    %get3A_618 = tpu.vector_load %arg5[%get3A_616, %get3A_617] {strides = array<i32>} : memref<1x512xi32, #tpu.memory_space<vmem>>, vector<1x16xi32>,
    %get3A_619 = vector.shape_cast %get3A_618 : vector<1x16xi32> to vector<16xi32>
    %add3A_620 = arith.constant 501760 : i32
    %add3A_621 = vector.broadcast %add3A_620 : i32 to vector<16xi32>
    %add3A_622 = arith.addi %get3A_619, %add3A_621 : vector<16xi32>
    %swap3A_623 = arith.constant 5 : i32
    %swap3A_624 = arith.index_cast %swap3A_623 : i32 to index
    %swap3A_625 = arith.constant 64 : index
    %swap3A_626 = tpu.vector_load %arg6[%swap3A_624, %swap3A_625] {strides = array<i32>} : memref<24x128xi32, #tpu.memory_space<vmem>>, vector<1x16xi32>,
    %swap3A_627 = vector.shape_cast %swap3A_626 : vector<1x16xi32> to vector<16xi32>
    %swap3A_628 = vector.shape_cast %add3A_622 : vector<16xi32> to vector<1x16xi32>
    tpu.vector_store %arg6[%swap3A_624, %swap3A_625], %swap3A_628 {strides = array<i32>} : memref<24x128xi32, #tpu.memory_space<vmem>>, vector<1x16xi32>,
    %get3A_629 = arith.constant 0 : i32
    %get3A_630 = arith.index_cast %get3A_629 : i32 to index
    %get3A_631 = arith.constant 208 : index
    %get3A_632 = tpu.vector_load %arg5[%get3A_630, %get3A_631] {strides = array<i32>} : memref<1x512xi32, #tpu.memory_space<vmem>>, vector<1x16xi32>,
    %get3A_633 = vector.shape_cast %get3A_632 : vector<1x16xi32> to vector<16xi32>
    %add3A_634 = arith.constant 501760 : i32
    %add3A_635 = vector.broadcast %add3A_634 : i32 to vector<16xi32>
    %add3A_636 = arith.addi %get3A_633, %add3A_635 : vector<16xi32>
    %swap3A_637 = arith.constant 5 : i32
    %swap3A_638 = arith.index_cast %swap3A_637 : i32 to index
    %swap3A_639 = arith.constant 80 : index
    %swap3A_640 = tpu.vector_load %arg6[%swap3A_638, %swap3A_639] {strides = array<i32>} : memref<24x128xi32, #tpu.memory_space<vmem>>, vector<1x16xi32>,
    %swap3A_641 = vector.shape_cast %swap3A_640 : vector<1x16xi32> to vector<16xi32>
    %swap3A_642 = vector.shape_cast %add3A_636 : vector<16xi32> to vector<1x16xi32>
    tpu.vector_store %arg6[%swap3A_638, %swap3A_639], %swap3A_642 {strides = array<i32>} : memref<24x128xi32, #tpu.memory_space<vmem>>, vector<1x16xi32>,
    %get3A_643 = arith.constant 0 : i32
    %get3A_644 = arith.index_cast %get3A_643 : i32 to index
    %get3A_645 = arith.constant 224 : index
    %get3A_646 = tpu.vector_load %arg5[%get3A_644, %get3A_645] {strides = array<i32>} : memref<1x512xi32, #tpu.memory_space<vmem>>, vector<1x16xi32>,
    %get3A_647 = vector.shape_cast %get3A_646 : vector<1x16xi32> to vector<16xi32>
    %add3A_648 = arith.constant 501760 : i32
    %add3A_649 = vector.broadcast %add3A_648 : i32 to vector<16xi32>
    %add3A_650 = arith.addi %get3A_647, %add3A_649 : vector<16xi32>
    %swap3A_651 = arith.constant 5 : i32
    %swap3A_652 = arith.index_cast %swap3A_651 : i32 to index
    %swap3A_653 = arith.constant 96 : index
    %swap3A_654 = tpu.vector_load %arg6[%swap3A_652, %swap3A_653] {strides = array<i32>} : memref<24x128xi32, #tpu.memory_space<vmem>>, vector<1x16xi32>,
    %swap3A_655 = vector.shape_cast %swap3A_654 : vector<1x16xi32> to vector<16xi32>
    %swap3A_656 = vector.shape_cast %add3A_650 : vector<16xi32> to vector<1x16xi32>
    tpu.vector_store %arg6[%swap3A_652, %swap3A_653], %swap3A_656 {strides = array<i32>} : memref<24x128xi32, #tpu.memory_space<vmem>>, vector<1x16xi32>,
    %get3A_657 = arith.constant 0 : i32
    %get3A_658 = arith.index_cast %get3A_657 : i32 to index
    %get3A_659 = arith.constant 240 : index
    %get3A_660 = tpu.vector_load %arg5[%get3A_658, %get3A_659] {strides = array<i32>} : memref<1x512xi32, #tpu.memory_space<vmem>>, vector<1x16xi32>,
    %get3A_661 = vector.shape_cast %get3A_660 : vector<1x16xi32> to vector<16xi32>
    %add3A_662 = arith.constant 501760 : i32
    %add3A_663 = vector.broadcast %add3A_662 : i32 to vector<16xi32>
    %add3A_664 = arith.addi %get3A_661, %add3A_663 : vector<16xi32>
    %swap3A_665 = arith.constant 5 : i32
    %swap3A_666 = arith.index_cast %swap3A_665 : i32 to index
    %swap3A_667 = arith.constant 112 : index
    %swap3A_668 = tpu.vector_load %arg6[%swap3A_666, %swap3A_667] {strides = array<i32>} : memref<24x128xi32, #tpu.memory_space<vmem>>, vector<1x16xi32>,
    %swap3A_669 = vector.shape_cast %swap3A_668 : vector<1x16xi32> to vector<16xi32>
    %swap3A_670 = vector.shape_cast %add3A_664 : vector<16xi32> to vector<1x16xi32>
    tpu.vector_store %arg6[%swap3A_666, %swap3A_667], %swap3A_670 {strides = array<i32>} : memref<24x128xi32, #tpu.memory_space<vmem>>, vector<1x16xi32>,
    %get3A_671 = arith.constant 0 : i32
    %get3A_672 = arith.index_cast %get3A_671 : i32 to index
    %get3A_673 = arith.constant 256 : index
    %get3A_674 = tpu.vector_load %arg5[%get3A_672, %get3A_673] {strides = array<i32>} : memref<1x512xi32, #tpu.memory_space<vmem>>, vector<1x16xi32>,
    %get3A_675 = vector.shape_cast %get3A_674 : vector<1x16xi32> to vector<16xi32>
    %add3A_676 = arith.constant 652288 : i32
    %add3A_677 = vector.broadcast %add3A_676 : i32 to vector<16xi32>
    %add3A_678 = arith.addi %get3A_675, %add3A_677 : vector<16xi32>
    %swap3A_679 = arith.constant 6 : i32
    %swap3A_680 = arith.index_cast %swap3A_679 : i32 to index
    %swap3A_681 = arith.constant 0 : index
    %swap3A_682 = tpu.vector_load %arg6[%swap3A_680, %swap3A_681] {strides = array<i32>} : memref<24x128xi32, #tpu.memory_space<vmem>>, vector<1x16xi32>,
    %swap3A_683 = vector.shape_cast %swap3A_682 : vector<1x16xi32> to vector<16xi32>
    %swap3A_684 = vector.shape_cast %add3A_678 : vector<16xi32> to vector<1x16xi32>
    tpu.vector_store %arg6[%swap3A_680, %swap3A_681], %swap3A_684 {strides = array<i32>} : memref<24x128xi32, #tpu.memory_space<vmem>>, vector<1x16xi32>,
    %get3A_685 = arith.constant 0 : i32
    %get3A_686 = arith.index_cast %get3A_685 : i32 to index
    %get3A_687 = arith.constant 272 : index
    %get3A_688 = tpu.vector_load %arg5[%get3A_686, %get3A_687] {strides = array<i32>} : memref<1x512xi32, #tpu.memory_space<vmem>>, vector<1x16xi32>,
    %get3A_689 = vector.shape_cast %get3A_688 : vector<1x16xi32> to vector<16xi32>
    %add3A_690 = arith.constant 652288 : i32
    %add3A_691 = vector.broadcast %add3A_690 : i32 to vector<16xi32>
    %add3A_692 = arith.addi %get3A_689, %add3A_691 : vector<16xi32>
    %swap3A_693 = arith.constant 6 : i32
    %swap3A_694 = arith.index_cast %swap3A_693 : i32 to index
    %swap3A_695 = arith.constant 16 : index
    %swap3A_696 = tpu.vector_load %arg6[%swap3A_694, %swap3A_695] {strides = array<i32>} : memref<24x128xi32, #tpu.memory_space<vmem>>, vector<1x16xi32>,
    %swap3A_697 = vector.shape_cast %swap3A_696 : vector<1x16xi32> to vector<16xi32>
    %swap3A_698 = vector.shape_cast %add3A_692 : vector<16xi32> to vector<1x16xi32>
    tpu.vector_store %arg6[%swap3A_694, %swap3A_695], %swap3A_698 {strides = array<i32>} : memref<24x128xi32, #tpu.memory_space<vmem>>, vector<1x16xi32>,
    %get3A_699 = arith.constant 0 : i32
    %get3A_700 = arith.index_cast %get3A_699 : i32 to index
    %get3A_701 = arith.constant 288 : index
    %get3A_702 = tpu.vector_load %arg5[%get3A_700, %get3A_701] {strides = array<i32>} : memref<1x512xi32, #tpu.memory_space<vmem>>, vector<1x16xi32>,
    %get3A_703 = vector.shape_cast %get3A_702 : vector<1x16xi32> to vector<16xi32>
    %add3A_704 = arith.constant 652288 : i32
    %add3A_705 = vector.broadcast %add3A_704 : i32 to vector<16xi32>
    %add3A_706 = arith.addi %get3A_703, %add3A_705 : vector<16xi32>
    %swap3A_707 = arith.constant 6 : i32
    %swap3A_708 = arith.index_cast %swap3A_707 : i32 to index
    %swap3A_709 = arith.constant 32 : index
    %swap3A_710 = tpu.vector_load %arg6[%swap3A_708, %swap3A_709] {strides = array<i32>} : memref<24x128xi32, #tpu.memory_space<vmem>>, vector<1x16xi32>,
    %swap3A_711 = vector.shape_cast %swap3A_710 : vector<1x16xi32> to vector<16xi32>
    %swap3A_712 = vector.shape_cast %add3A_706 : vector<16xi32> to vector<1x16xi32>
    tpu.vector_store %arg6[%swap3A_708, %swap3A_709], %swap3A_712 {strides = array<i32>} : memref<24x128xi32, #tpu.memory_space<vmem>>, vector<1x16xi32>,
    %get3A_713 = arith.constant 0 : i32
    %get3A_714 = arith.index_cast %get3A_713 : i32 to index
    %get3A_715 = arith.constant 304 : index
    %get3A_716 = tpu.vector_load %arg5[%get3A_714, %get3A_715] {strides = array<i32>} : memref<1x512xi32, #tpu.memory_space<vmem>>, vector<1x16xi32>,
    %get3A_717 = vector.shape_cast %get3A_716 : vector<1x16xi32> to vector<16xi32>
    %add3A_718 = arith.constant 652288 : i32
    %add3A_719 = vector.broadcast %add3A_718 : i32 to vector<16xi32>
    %add3A_720 = arith.addi %get3A_717, %add3A_719 : vector<16xi32>
    %swap3A_721 = arith.constant 6 : i32
    %swap3A_722 = arith.index_cast %swap3A_721 : i32 to index
    %swap3A_723 = arith.constant 48 : index
    %swap3A_724 = tpu.vector_load %arg6[%swap3A_722, %swap3A_723] {strides = array<i32>} : memref<24x128xi32, #tpu.memory_space<vmem>>, vector<1x16xi32>,
    %swap3A_725 = vector.shape_cast %swap3A_724 : vector<1x16xi32> to vector<16xi32>
    %swap3A_726 = vector.shape_cast %add3A_720 : vector<16xi32> to vector<1x16xi32>
    tpu.vector_store %arg6[%swap3A_722, %swap3A_723], %swap3A_726 {strides = array<i32>} : memref<24x128xi32, #tpu.memory_space<vmem>>, vector<1x16xi32>,
    %get3A_727 = arith.constant 0 : i32
    %get3A_728 = arith.index_cast %get3A_727 : i32 to index
    %get3A_729 = arith.constant 320 : index
    %get3A_730 = tpu.vector_load %arg5[%get3A_728, %get3A_729] {strides = array<i32>} : memref<1x512xi32, #tpu.memory_space<vmem>>, vector<1x16xi32>,
    %get3A_731 = vector.shape_cast %get3A_730 : vector<1x16xi32> to vector<16xi32>
    %add3A_732 = arith.constant 802816 : i32
    %add3A_733 = vector.broadcast %add3A_732 : i32 to vector<16xi32>
    %add3A_734 = arith.addi %get3A_731, %add3A_733 : vector<16xi32>
    %swap3A_735 = arith.constant 6 : i32
    %swap3A_736 = arith.index_cast %swap3A_735 : i32 to index
    %swap3A_737 = arith.constant 64 : index
    %swap3A_738 = tpu.vector_load %arg6[%swap3A_736, %swap3A_737] {strides = array<i32>} : memref<24x128xi32, #tpu.memory_space<vmem>>, vector<1x16xi32>,
    %swap3A_739 = vector.shape_cast %swap3A_738 : vector<1x16xi32> to vector<16xi32>
    %swap3A_740 = vector.shape_cast %add3A_734 : vector<16xi32> to vector<1x16xi32>
    tpu.vector_store %arg6[%swap3A_736, %swap3A_737], %swap3A_740 {strides = array<i32>} : memref<24x128xi32, #tpu.memory_space<vmem>>, vector<1x16xi32>,
    %get3A_741 = arith.constant 0 : i32
    %get3A_742 = arith.index_cast %get3A_741 : i32 to index
    %get3A_743 = arith.constant 336 : index
    %get3A_744 = tpu.vector_load %arg5[%get3A_742, %get3A_743] {strides = array<i32>} : memref<1x512xi32, #tpu.memory_space<vmem>>, vector<1x16xi32>,
    %get3A_745 = vector.shape_cast %get3A_744 : vector<1x16xi32> to vector<16xi32>
    %add3A_746 = arith.constant 802816 : i32
    %add3A_747 = vector.broadcast %add3A_746 : i32 to vector<16xi32>
    %add3A_748 = arith.addi %get3A_745, %add3A_747 : vector<16xi32>
    %swap3A_749 = arith.constant 6 : i32
    %swap3A_750 = arith.index_cast %swap3A_749 : i32 to index
    %swap3A_751 = arith.constant 80 : index
    %swap3A_752 = tpu.vector_load %arg6[%swap3A_750, %swap3A_751] {strides = array<i32>} : memref<24x128xi32, #tpu.memory_space<vmem>>, vector<1x16xi32>,
    %swap3A_753 = vector.shape_cast %swap3A_752 : vector<1x16xi32> to vector<16xi32>
    %swap3A_754 = vector.shape_cast %add3A_748 : vector<16xi32> to vector<1x16xi32>
    tpu.vector_store %arg6[%swap3A_750, %swap3A_751], %swap3A_754 {strides = array<i32>} : memref<24x128xi32, #tpu.memory_space<vmem>>, vector<1x16xi32>,
    %get3A_755 = arith.constant 0 : i32
    %get3A_756 = arith.index_cast %get3A_755 : i32 to index
    %get3A_757 = arith.constant 352 : index
    %get3A_758 = tpu.vector_load %arg5[%get3A_756, %get3A_757] {strides = array<i32>} : memref<1x512xi32, #tpu.memory_space<vmem>>, vector<1x16xi32>,
    %get3A_759 = vector.shape_cast %get3A_758 : vector<1x16xi32> to vector<16xi32>
    %add3A_760 = arith.constant 802816 : i32
    %add3A_761 = vector.broadcast %add3A_760 : i32 to vector<16xi32>
    %add3A_762 = arith.addi %get3A_759, %add3A_761 : vector<16xi32>
    %swap3A_763 = arith.constant 6 : i32
    %swap3A_764 = arith.index_cast %swap3A_763 : i32 to index
    %swap3A_765 = arith.constant 96 : index
    %swap3A_766 = tpu.vector_load %arg6[%swap3A_764, %swap3A_765] {strides = array<i32>} : memref<24x128xi32, #tpu.memory_space<vmem>>, vector<1x16xi32>,
    %swap3A_767 = vector.shape_cast %swap3A_766 : vector<1x16xi32> to vector<16xi32>
    %swap3A_768 = vector.shape_cast %add3A_762 : vector<16xi32> to vector<1x16xi32>
    tpu.vector_store %arg6[%swap3A_764, %swap3A_765], %swap3A_768 {strides = array<i32>} : memref<24x128xi32, #tpu.memory_space<vmem>>, vector<1x16xi32>,
    %get3A_769 = arith.constant 0 : i32
    %get3A_770 = arith.index_cast %get3A_769 : i32 to index
    %get3A_771 = arith.constant 368 : index
    %get3A_772 = tpu.vector_load %arg5[%get3A_770, %get3A_771] {strides = array<i32>} : memref<1x512xi32, #tpu.memory_space<vmem>>, vector<1x16xi32>,
    %get3A_773 = vector.shape_cast %get3A_772 : vector<1x16xi32> to vector<16xi32>
    %add3A_774 = arith.constant 802816 : i32
    %add3A_775 = vector.broadcast %add3A_774 : i32 to vector<16xi32>
    %add3A_776 = arith.addi %get3A_773, %add3A_775 : vector<16xi32>
    %swap3A_777 = arith.constant 6 : i32
    %swap3A_778 = arith.index_cast %swap3A_777 : i32 to index
    %swap3A_779 = arith.constant 112 : index
    %swap3A_780 = tpu.vector_load %arg6[%swap3A_778, %swap3A_779] {strides = array<i32>} : memref<24x128xi32, #tpu.memory_space<vmem>>, vector<1x16xi32>,
    %swap3A_781 = vector.shape_cast %swap3A_780 : vector<1x16xi32> to vector<16xi32>
    %swap3A_782 = vector.shape_cast %add3A_776 : vector<16xi32> to vector<1x16xi32>
    tpu.vector_store %arg6[%swap3A_778, %swap3A_779], %swap3A_782 {strides = array<i32>} : memref<24x128xi32, #tpu.memory_space<vmem>>, vector<1x16xi32>,
    %get3A_783 = arith.constant 0 : i32
    %get3A_784 = arith.index_cast %get3A_783 : i32 to index
    %get3A_785 = arith.constant 384 : index
    %get3A_786 = tpu.vector_load %arg5[%get3A_784, %get3A_785] {strides = array<i32>} : memref<1x512xi32, #tpu.memory_space<vmem>>, vector<1x16xi32>,
    %get3A_787 = vector.shape_cast %get3A_786 : vector<1x16xi32> to vector<16xi32>
    %add3A_788 = arith.constant 953344 : i32
    %add3A_789 = vector.broadcast %add3A_788 : i32 to vector<16xi32>
    %add3A_790 = arith.addi %get3A_787, %add3A_789 : vector<16xi32>
    %swap3A_791 = arith.constant 7 : i32
    %swap3A_792 = arith.index_cast %swap3A_791 : i32 to index
    %swap3A_793 = arith.constant 0 : index
    %swap3A_794 = tpu.vector_load %arg6[%swap3A_792, %swap3A_793] {strides = array<i32>} : memref<24x128xi32, #tpu.memory_space<vmem>>, vector<1x16xi32>,
    %swap3A_795 = vector.shape_cast %swap3A_794 : vector<1x16xi32> to vector<16xi32>
    %swap3A_796 = vector.shape_cast %add3A_790 : vector<16xi32> to vector<1x16xi32>
    tpu.vector_store %arg6[%swap3A_792, %swap3A_793], %swap3A_796 {strides = array<i32>} : memref<24x128xi32, #tpu.memory_space<vmem>>, vector<1x16xi32>,
    %get3A_797 = arith.constant 0 : i32
    %get3A_798 = arith.index_cast %get3A_797 : i32 to index
    %get3A_799 = arith.constant 400 : index
    %get3A_800 = tpu.vector_load %arg5[%get3A_798, %get3A_799] {strides = array<i32>} : memref<1x512xi32, #tpu.memory_space<vmem>>, vector<1x16xi32>,
    %get3A_801 = vector.shape_cast %get3A_800 : vector<1x16xi32> to vector<16xi32>
    %add3A_802 = arith.constant 953344 : i32
    %add3A_803 = vector.broadcast %add3A_802 : i32 to vector<16xi32>
    %add3A_804 = arith.addi %get3A_801, %add3A_803 : vector<16xi32>
    %swap3A_805 = arith.constant 7 : i32
    %swap3A_806 = arith.index_cast %swap3A_805 : i32 to index
    %swap3A_807 = arith.constant 16 : index
    %swap3A_808 = tpu.vector_load %arg6[%swap3A_806, %swap3A_807] {strides = array<i32>} : memref<24x128xi32, #tpu.memory_space<vmem>>, vector<1x16xi32>,
    %swap3A_809 = vector.shape_cast %swap3A_808 : vector<1x16xi32> to vector<16xi32>
    %swap3A_810 = vector.shape_cast %add3A_804 : vector<16xi32> to vector<1x16xi32>
    tpu.vector_store %arg6[%swap3A_806, %swap3A_807], %swap3A_810 {strides = array<i32>} : memref<24x128xi32, #tpu.memory_space<vmem>>, vector<1x16xi32>,
    %get3A_811 = arith.constant 0 : i32
    %get3A_812 = arith.index_cast %get3A_811 : i32 to index
    %get3A_813 = arith.constant 416 : index
    %get3A_814 = tpu.vector_load %arg5[%get3A_812, %get3A_813] {strides = array<i32>} : memref<1x512xi32, #tpu.memory_space<vmem>>, vector<1x16xi32>,
    %get3A_815 = vector.shape_cast %get3A_814 : vector<1x16xi32> to vector<16xi32>
    %add3A_816 = arith.constant 953344 : i32
    %add3A_817 = vector.broadcast %add3A_816 : i32 to vector<16xi32>
    %add3A_818 = arith.addi %get3A_815, %add3A_817 : vector<16xi32>
    %swap3A_819 = arith.constant 7 : i32
    %swap3A_820 = arith.index_cast %swap3A_819 : i32 to index
    %swap3A_821 = arith.constant 32 : index
    %swap3A_822 = tpu.vector_load %arg6[%swap3A_820, %swap3A_821] {strides = array<i32>} : memref<24x128xi32, #tpu.memory_space<vmem>>, vector<1x16xi32>,
    %swap3A_823 = vector.shape_cast %swap3A_822 : vector<1x16xi32> to vector<16xi32>
    %swap3A_824 = vector.shape_cast %add3A_818 : vector<16xi32> to vector<1x16xi32>
    tpu.vector_store %arg6[%swap3A_820, %swap3A_821], %swap3A_824 {strides = array<i32>} : memref<24x128xi32, #tpu.memory_space<vmem>>, vector<1x16xi32>,
    %get3A_825 = arith.constant 0 : i32
    %get3A_826 = arith.index_cast %get3A_825 : i32 to index
    %get3A_827 = arith.constant 432 : index
    %get3A_828 = tpu.vector_load %arg5[%get3A_826, %get3A_827] {strides = array<i32>} : memref<1x512xi32, #tpu.memory_space<vmem>>, vector<1x16xi32>,
    %get3A_829 = vector.shape_cast %get3A_828 : vector<1x16xi32> to vector<16xi32>
    %add3A_830 = arith.constant 953344 : i32
    %add3A_831 = vector.broadcast %add3A_830 : i32 to vector<16xi32>
    %add3A_832 = arith.addi %get3A_829, %add3A_831 : vector<16xi32>
    %swap3A_833 = arith.constant 7 : i32
    %swap3A_834 = arith.index_cast %swap3A_833 : i32 to index
    %swap3A_835 = arith.constant 48 : index
    %swap3A_836 = tpu.vector_load %arg6[%swap3A_834, %swap3A_835] {strides = array<i32>} : memref<24x128xi32, #tpu.memory_space<vmem>>, vector<1x16xi32>,
    %swap3A_837 = vector.shape_cast %swap3A_836 : vector<1x16xi32> to vector<16xi32>
    %swap3A_838 = vector.shape_cast %add3A_832 : vector<16xi32> to vector<1x16xi32>
    tpu.vector_store %arg6[%swap3A_834, %swap3A_835], %swap3A_838 {strides = array<i32>} : memref<24x128xi32, #tpu.memory_space<vmem>>, vector<1x16xi32>,
    %get3A_839 = arith.constant 0 : i32
    %get3A_840 = arith.index_cast %get3A_839 : i32 to index
    %get3A_841 = arith.constant 448 : index
    %get3A_842 = tpu.vector_load %arg5[%get3A_840, %get3A_841] {strides = array<i32>} : memref<1x512xi32, #tpu.memory_space<vmem>>, vector<1x16xi32>,
    %get3A_843 = vector.shape_cast %get3A_842 : vector<1x16xi32> to vector<16xi32>
    %add3A_844 = arith.constant 1103872 : i32
    %add3A_845 = vector.broadcast %add3A_844 : i32 to vector<16xi32>
    %add3A_846 = arith.addi %get3A_843, %add3A_845 : vector<16xi32>
    %swap3A_847 = arith.constant 7 : i32
    %swap3A_848 = arith.index_cast %swap3A_847 : i32 to index
    %swap3A_849 = arith.constant 64 : index
    %swap3A_850 = tpu.vector_load %arg6[%swap3A_848, %swap3A_849] {strides = array<i32>} : memref<24x128xi32, #tpu.memory_space<vmem>>, vector<1x16xi32>,
    %swap3A_851 = vector.shape_cast %swap3A_850 : vector<1x16xi32> to vector<16xi32>
    %swap3A_852 = vector.shape_cast %add3A_846 : vector<16xi32> to vector<1x16xi32>
    tpu.vector_store %arg6[%swap3A_848, %swap3A_849], %swap3A_852 {strides = array<i32>} : memref<24x128xi32, #tpu.memory_space<vmem>>, vector<1x16xi32>,
    %get3A_853 = arith.constant 0 : i32
    %get3A_854 = arith.index_cast %get3A_853 : i32 to index
    %get3A_855 = arith.constant 464 : index
    %get3A_856 = tpu.vector_load %arg5[%get3A_854, %get3A_855] {strides = array<i32>} : memref<1x512xi32, #tpu.memory_space<vmem>>, vector<1x16xi32>,
    %get3A_857 = vector.shape_cast %get3A_856 : vector<1x16xi32> to vector<16xi32>
    %add3A_858 = arith.constant 1103872 : i32
    %add3A_859 = vector.broadcast %add3A_858 : i32 to vector<16xi32>
    %add3A_860 = arith.addi %get3A_857, %add3A_859 : vector<16xi32>
    %swap3A_861 = arith.constant 7 : i32
    %swap3A_862 = arith.index_cast %swap3A_861 : i32 to index
    %swap3A_863 = arith.constant 80 : index
    %swap3A_864 = tpu.vector_load %arg6[%swap3A_862, %swap3A_863] {strides = array<i32>} : memref<24x128xi32, #tpu.memory_space<vmem>>, vector<1x16xi32>,
    %swap3A_865 = vector.shape_cast %swap3A_864 : vector<1x16xi32> to vector<16xi32>
    %swap3A_866 = vector.shape_cast %add3A_860 : vector<16xi32> to vector<1x16xi32>
    tpu.vector_store %arg6[%swap3A_862, %swap3A_863], %swap3A_866 {strides = array<i32>} : memref<24x128xi32, #tpu.memory_space<vmem>>, vector<1x16xi32>,
    %get3A_867 = arith.constant 0 : i32
    %get3A_868 = arith.index_cast %get3A_867 : i32 to index
    %get3A_869 = arith.constant 480 : index
    %get3A_870 = tpu.vector_load %arg5[%get3A_868, %get3A_869] {strides = array<i32>} : memref<1x512xi32, #tpu.memory_space<vmem>>, vector<1x16xi32>,
    %get3A_871 = vector.shape_cast %get3A_870 : vector<1x16xi32> to vector<16xi32>
    %add3A_872 = arith.constant 1103872 : i32
    %add3A_873 = vector.broadcast %add3A_872 : i32 to vector<16xi32>
    %add3A_874 = arith.addi %get3A_871, %add3A_873 : vector<16xi32>
    %swap3A_875 = arith.constant 7 : i32
    %swap3A_876 = arith.index_cast %swap3A_875 : i32 to index
    %swap3A_877 = arith.constant 96 : index
    %swap3A_878 = tpu.vector_load %arg6[%swap3A_876, %swap3A_877] {strides = array<i32>} : memref<24x128xi32, #tpu.memory_space<vmem>>, vector<1x16xi32>,
    %swap3A_879 = vector.shape_cast %swap3A_878 : vector<1x16xi32> to vector<16xi32>
    %swap3A_880 = vector.shape_cast %add3A_874 : vector<16xi32> to vector<1x16xi32>
    tpu.vector_store %arg6[%swap3A_876, %swap3A_877], %swap3A_880 {strides = array<i32>} : memref<24x128xi32, #tpu.memory_space<vmem>>, vector<1x16xi32>,
    %get3A_881 = arith.constant 0 : i32
    %get3A_882 = arith.index_cast %get3A_881 : i32 to index
    %get3A_883 = arith.constant 496 : index
    %get3A_884 = tpu.vector_load %arg5[%get3A_882, %get3A_883] {strides = array<i32>} : memref<1x512xi32, #tpu.memory_space<vmem>>, vector<1x16xi32>,
    %get3A_885 = vector.shape_cast %get3A_884 : vector<1x16xi32> to vector<16xi32>
    %add3A_886 = arith.constant 1103872 : i32
    %add3A_887 = vector.broadcast %add3A_886 : i32 to vector<16xi32>
    %add3A_888 = arith.addi %get3A_885, %add3A_887 : vector<16xi32>
    %swap3A_889 = arith.constant 7 : i32
    %swap3A_890 = arith.index_cast %swap3A_889 : i32 to index
    %swap3A_891 = arith.constant 112 : index
    %swap3A_892 = tpu.vector_load %arg6[%swap3A_890, %swap3A_891] {strides = array<i32>} : memref<24x128xi32, #tpu.memory_space<vmem>>, vector<1x16xi32>,
    %swap3A_893 = vector.shape_cast %swap3A_892 : vector<1x16xi32> to vector<16xi32>
    %swap3A_894 = vector.shape_cast %add3A_888 : vector<16xi32> to vector<1x16xi32>
    tpu.vector_store %arg6[%swap3A_890, %swap3A_891], %swap3A_894 {strides = array<i32>} : memref<24x128xi32, #tpu.memory_space<vmem>>, vector<1x16xi32>,
    %get3A_895 = arith.constant 0 : i32
    %get3A_896 = arith.index_cast %get3A_895 : i32 to index
    %get3A_897 = arith.constant 0 : index
    %get3A_898 = tpu.vector_load %arg5[%get3A_896, %get3A_897] {strides = array<i32>} : memref<1x512xi32, #tpu.memory_space<vmem>>, vector<1x16xi32>,
    %get3A_899 = vector.shape_cast %get3A_898 : vector<1x16xi32> to vector<16xi32>
    %add3A_900 = arith.constant 100352 : i32
    %add3A_901 = vector.broadcast %add3A_900 : i32 to vector<16xi32>
    %add3A_902 = arith.addi %get3A_899, %add3A_901 : vector<16xi32>
    %swap3A_903 = arith.constant 8 : i32
    %swap3A_904 = arith.index_cast %swap3A_903 : i32 to index
    %swap3A_905 = arith.constant 0 : index
    %swap3A_906 = tpu.vector_load %arg6[%swap3A_904, %swap3A_905] {strides = array<i32>} : memref<24x128xi32, #tpu.memory_space<vmem>>, vector<1x16xi32>,
    %swap3A_907 = vector.shape_cast %swap3A_906 : vector<1x16xi32> to vector<16xi32>
    %swap3A_908 = vector.shape_cast %add3A_902 : vector<16xi32> to vector<1x16xi32>
    tpu.vector_store %arg6[%swap3A_904, %swap3A_905], %swap3A_908 {strides = array<i32>} : memref<24x128xi32, #tpu.memory_space<vmem>>, vector<1x16xi32>,
    %get3A_909 = arith.constant 0 : i32
    %get3A_910 = arith.index_cast %get3A_909 : i32 to index
    %get3A_911 = arith.constant 16 : index
    %get3A_912 = tpu.vector_load %arg5[%get3A_910, %get3A_911] {strides = array<i32>} : memref<1x512xi32, #tpu.memory_space<vmem>>, vector<1x16xi32>,
    %get3A_913 = vector.shape_cast %get3A_912 : vector<1x16xi32> to vector<16xi32>
    %add3A_914 = arith.constant 100352 : i32
    %add3A_915 = vector.broadcast %add3A_914 : i32 to vector<16xi32>
    %add3A_916 = arith.addi %get3A_913, %add3A_915 : vector<16xi32>
    %swap3A_917 = arith.constant 8 : i32
    %swap3A_918 = arith.index_cast %swap3A_917 : i32 to index
    %swap3A_919 = arith.constant 16 : index
    %swap3A_920 = tpu.vector_load %arg6[%swap3A_918, %swap3A_919] {strides = array<i32>} : memref<24x128xi32, #tpu.memory_space<vmem>>, vector<1x16xi32>,
    %swap3A_921 = vector.shape_cast %swap3A_920 : vector<1x16xi32> to vector<16xi32>
    %swap3A_922 = vector.shape_cast %add3A_916 : vector<16xi32> to vector<1x16xi32>
    tpu.vector_store %arg6[%swap3A_918, %swap3A_919], %swap3A_922 {strides = array<i32>} : memref<24x128xi32, #tpu.memory_space<vmem>>, vector<1x16xi32>,
    %get3A_923 = arith.constant 0 : i32
    %get3A_924 = arith.index_cast %get3A_923 : i32 to index
    %get3A_925 = arith.constant 32 : index
    %get3A_926 = tpu.vector_load %arg5[%get3A_924, %get3A_925] {strides = array<i32>} : memref<1x512xi32, #tpu.memory_space<vmem>>, vector<1x16xi32>,
    %get3A_927 = vector.shape_cast %get3A_926 : vector<1x16xi32> to vector<16xi32>
    %add3A_928 = arith.constant 100352 : i32
    %add3A_929 = vector.broadcast %add3A_928 : i32 to vector<16xi32>
    %add3A_930 = arith.addi %get3A_927, %add3A_929 : vector<16xi32>
    %swap3A_931 = arith.constant 8 : i32
    %swap3A_932 = arith.index_cast %swap3A_931 : i32 to index
    %swap3A_933 = arith.constant 32 : index
    %swap3A_934 = tpu.vector_load %arg6[%swap3A_932, %swap3A_933] {strides = array<i32>} : memref<24x128xi32, #tpu.memory_space<vmem>>, vector<1x16xi32>,
    %swap3A_935 = vector.shape_cast %swap3A_934 : vector<1x16xi32> to vector<16xi32>
    %swap3A_936 = vector.shape_cast %add3A_930 : vector<16xi32> to vector<1x16xi32>
    tpu.vector_store %arg6[%swap3A_932, %swap3A_933], %swap3A_936 {strides = array<i32>} : memref<24x128xi32, #tpu.memory_space<vmem>>, vector<1x16xi32>,
    %get3A_937 = arith.constant 0 : i32
    %get3A_938 = arith.index_cast %get3A_937 : i32 to index
    %get3A_939 = arith.constant 48 : index
    %get3A_940 = tpu.vector_load %arg5[%get3A_938, %get3A_939] {strides = array<i32>} : memref<1x512xi32, #tpu.memory_space<vmem>>, vector<1x16xi32>,
    %get3A_941 = vector.shape_cast %get3A_940 : vector<1x16xi32> to vector<16xi32>
    %add3A_942 = arith.constant 100352 : i32
    %add3A_943 = vector.broadcast %add3A_942 : i32 to vector<16xi32>
    %add3A_944 = arith.addi %get3A_941, %add3A_943 : vector<16xi32>
    %swap3A_945 = arith.constant 8 : i32
    %swap3A_946 = arith.index_cast %swap3A_945 : i32 to index
    %swap3A_947 = arith.constant 48 : index
    %swap3A_948 = tpu.vector_load %arg6[%swap3A_946, %swap3A_947] {strides = array<i32>} : memref<24x128xi32, #tpu.memory_space<vmem>>, vector<1x16xi32>,
    %swap3A_949 = vector.shape_cast %swap3A_948 : vector<1x16xi32> to vector<16xi32>
    %swap3A_950 = vector.shape_cast %add3A_944 : vector<16xi32> to vector<1x16xi32>
    tpu.vector_store %arg6[%swap3A_946, %swap3A_947], %swap3A_950 {strides = array<i32>} : memref<24x128xi32, #tpu.memory_space<vmem>>, vector<1x16xi32>,
    %get3A_951 = arith.constant 0 : i32
    %get3A_952 = arith.index_cast %get3A_951 : i32 to index
    %get3A_953 = arith.constant 64 : index
    %get3A_954 = tpu.vector_load %arg5[%get3A_952, %get3A_953] {strides = array<i32>} : memref<1x512xi32, #tpu.memory_space<vmem>>, vector<1x16xi32>,
    %get3A_955 = vector.shape_cast %get3A_954 : vector<1x16xi32> to vector<16xi32>
    %add3A_956 = arith.constant 250880 : i32
    %add3A_957 = vector.broadcast %add3A_956 : i32 to vector<16xi32>
    %add3A_958 = arith.addi %get3A_955, %add3A_957 : vector<16xi32>
    %swap3A_959 = arith.constant 8 : i32
    %swap3A_960 = arith.index_cast %swap3A_959 : i32 to index
    %swap3A_961 = arith.constant 64 : index
    %swap3A_962 = tpu.vector_load %arg6[%swap3A_960, %swap3A_961] {strides = array<i32>} : memref<24x128xi32, #tpu.memory_space<vmem>>, vector<1x16xi32>,
    %swap3A_963 = vector.shape_cast %swap3A_962 : vector<1x16xi32> to vector<16xi32>
    %swap3A_964 = vector.shape_cast %add3A_958 : vector<16xi32> to vector<1x16xi32>
    tpu.vector_store %arg6[%swap3A_960, %swap3A_961], %swap3A_964 {strides = array<i32>} : memref<24x128xi32, #tpu.memory_space<vmem>>, vector<1x16xi32>,
    %get3A_965 = arith.constant 0 : i32
    %get3A_966 = arith.index_cast %get3A_965 : i32 to index
    %get3A_967 = arith.constant 80 : index
    %get3A_968 = tpu.vector_load %arg5[%get3A_966, %get3A_967] {strides = array<i32>} : memref<1x512xi32, #tpu.memory_space<vmem>>, vector<1x16xi32>,
    %get3A_969 = vector.shape_cast %get3A_968 : vector<1x16xi32> to vector<16xi32>
    %add3A_970 = arith.constant 250880 : i32
    %add3A_971 = vector.broadcast %add3A_970 : i32 to vector<16xi32>
    %add3A_972 = arith.addi %get3A_969, %add3A_971 : vector<16xi32>
    %swap3A_973 = arith.constant 8 : i32
    %swap3A_974 = arith.index_cast %swap3A_973 : i32 to index
    %swap3A_975 = arith.constant 80 : index
    %swap3A_976 = tpu.vector_load %arg6[%swap3A_974, %swap3A_975] {strides = array<i32>} : memref<24x128xi32, #tpu.memory_space<vmem>>, vector<1x16xi32>,
    %swap3A_977 = vector.shape_cast %swap3A_976 : vector<1x16xi32> to vector<16xi32>
    %swap3A_978 = vector.shape_cast %add3A_972 : vector<16xi32> to vector<1x16xi32>
    tpu.vector_store %arg6[%swap3A_974, %swap3A_975], %swap3A_978 {strides = array<i32>} : memref<24x128xi32, #tpu.memory_space<vmem>>, vector<1x16xi32>,
    %get3A_979 = arith.constant 0 : i32
    %get3A_980 = arith.index_cast %get3A_979 : i32 to index
    %get3A_981 = arith.constant 96 : index
    %get3A_982 = tpu.vector_load %arg5[%get3A_980, %get3A_981] {strides = array<i32>} : memref<1x512xi32, #tpu.memory_space<vmem>>, vector<1x16xi32>,
    %get3A_983 = vector.shape_cast %get3A_982 : vector<1x16xi32> to vector<16xi32>
    %add3A_984 = arith.constant 250880 : i32
    %add3A_985 = vector.broadcast %add3A_984 : i32 to vector<16xi32>
    %add3A_986 = arith.addi %get3A_983, %add3A_985 : vector<16xi32>
    %swap3A_987 = arith.constant 8 : i32
    %swap3A_988 = arith.index_cast %swap3A_987 : i32 to index
    %swap3A_989 = arith.constant 96 : index
    %swap3A_990 = tpu.vector_load %arg6[%swap3A_988, %swap3A_989] {strides = array<i32>} : memref<24x128xi32, #tpu.memory_space<vmem>>, vector<1x16xi32>,
    %swap3A_991 = vector.shape_cast %swap3A_990 : vector<1x16xi32> to vector<16xi32>
    %swap3A_992 = vector.shape_cast %add3A_986 : vector<16xi32> to vector<1x16xi32>
    tpu.vector_store %arg6[%swap3A_988, %swap3A_989], %swap3A_992 {strides = array<i32>} : memref<24x128xi32, #tpu.memory_space<vmem>>, vector<1x16xi32>,
    %get3A_993 = arith.constant 0 : i32
    %get3A_994 = arith.index_cast %get3A_993 : i32 to index
    %get3A_995 = arith.constant 112 : index
    %get3A_996 = tpu.vector_load %arg5[%get3A_994, %get3A_995] {strides = array<i32>} : memref<1x512xi32, #tpu.memory_space<vmem>>, vector<1x16xi32>,
    %get3A_997 = vector.shape_cast %get3A_996 : vector<1x16xi32> to vector<16xi32>
    %add3A_998 = arith.constant 250880 : i32
    %add3A_999 = vector.broadcast %add3A_998 : i32 to vector<16xi32>
    %add3A_1000 = arith.addi %get3A_997, %add3A_999 : vector<16xi32>
    %swap3A_1001 = arith.constant 8 : i32
    %swap3A_1002 = arith.index_cast %swap3A_1001 : i32 to index
    %swap3A_1003 = arith.constant 112 : index
    %swap3A_1004 = tpu.vector_load %arg6[%swap3A_1002, %swap3A_1003] {strides = array<i32>} : memref<24x128xi32, #tpu.memory_space<vmem>>, vector<1x16xi32>,
    %swap3A_1005 = vector.shape_cast %swap3A_1004 : vector<1x16xi32> to vector<16xi32>
    %swap3A_1006 = vector.shape_cast %add3A_1000 : vector<16xi32> to vector<1x16xi32>
    tpu.vector_store %arg6[%swap3A_1002, %swap3A_1003], %swap3A_1006 {strides = array<i32>} : memref<24x128xi32, #tpu.memory_space<vmem>>, vector<1x16xi32>,
    %get3A_1007 = arith.constant 0 : i32
    %get3A_1008 = arith.index_cast %get3A_1007 : i32 to index
    %get3A_1009 = arith.constant 128 : index
    %get3A_1010 = tpu.vector_load %arg5[%get3A_1008, %get3A_1009] {strides = array<i32>} : memref<1x512xi32, #tpu.memory_space<vmem>>, vector<1x16xi32>,
    %get3A_1011 = vector.shape_cast %get3A_1010 : vector<1x16xi32> to vector<16xi32>
    %add3A_1012 = arith.constant 401408 : i32
    %add3A_1013 = vector.broadcast %add3A_1012 : i32 to vector<16xi32>
    %add3A_1014 = arith.addi %get3A_1011, %add3A_1013 : vector<16xi32>
    %swap3A_1015 = arith.constant 9 : i32
    %swap3A_1016 = arith.index_cast %swap3A_1015 : i32 to index
    %swap3A_1017 = arith.constant 0 : index
    %swap3A_1018 = tpu.vector_load %arg6[%swap3A_1016, %swap3A_1017] {strides = array<i32>} : memref<24x128xi32, #tpu.memory_space<vmem>>, vector<1x16xi32>,
    %swap3A_1019 = vector.shape_cast %swap3A_1018 : vector<1x16xi32> to vector<16xi32>
    %swap3A_1020 = vector.shape_cast %add3A_1014 : vector<16xi32> to vector<1x16xi32>
    tpu.vector_store %arg6[%swap3A_1016, %swap3A_1017], %swap3A_1020 {strides = array<i32>} : memref<24x128xi32, #tpu.memory_space<vmem>>, vector<1x16xi32>,
    %get3A_1021 = arith.constant 0 : i32
    %get3A_1022 = arith.index_cast %get3A_1021 : i32 to index
    %get3A_1023 = arith.constant 144 : index
    %get3A_1024 = tpu.vector_load %arg5[%get3A_1022, %get3A_1023] {strides = array<i32>} : memref<1x512xi32, #tpu.memory_space<vmem>>, vector<1x16xi32>,
    %get3A_1025 = vector.shape_cast %get3A_1024 : vector<1x16xi32> to vector<16xi32>
    %add3A_1026 = arith.constant 401408 : i32
    %add3A_1027 = vector.broadcast %add3A_1026 : i32 to vector<16xi32>
    %add3A_1028 = arith.addi %get3A_1025, %add3A_1027 : vector<16xi32>
    %swap3A_1029 = arith.constant 9 : i32
    %swap3A_1030 = arith.index_cast %swap3A_1029 : i32 to index
    %swap3A_1031 = arith.constant 16 : index
    %swap3A_1032 = tpu.vector_load %arg6[%swap3A_1030, %swap3A_1031] {strides = array<i32>} : memref<24x128xi32, #tpu.memory_space<vmem>>, vector<1x16xi32>,
    %swap3A_1033 = vector.shape_cast %swap3A_1032 : vector<1x16xi32> to vector<16xi32>
    %swap3A_1034 = vector.shape_cast %add3A_1028 : vector<16xi32> to vector<1x16xi32>
    tpu.vector_store %arg6[%swap3A_1030, %swap3A_1031], %swap3A_1034 {strides = array<i32>} : memref<24x128xi32, #tpu.memory_space<vmem>>, vector<1x16xi32>,
    %get3A_1035 = arith.constant 0 : i32
    %get3A_1036 = arith.index_cast %get3A_1035 : i32 to index
    %get3A_1037 = arith.constant 160 : index
    %get3A_1038 = tpu.vector_load %arg5[%get3A_1036, %get3A_1037] {strides = array<i32>} : memref<1x512xi32, #tpu.memory_space<vmem>>, vector<1x16xi32>,
    %get3A_1039 = vector.shape_cast %get3A_1038 : vector<1x16xi32> to vector<16xi32>
    %add3A_1040 = arith.constant 401408 : i32
    %add3A_1041 = vector.broadcast %add3A_1040 : i32 to vector<16xi32>
    %add3A_1042 = arith.addi %get3A_1039, %add3A_1041 : vector<16xi32>
    %swap3A_1043 = arith.constant 9 : i32
    %swap3A_1044 = arith.index_cast %swap3A_1043 : i32 to index
    %swap3A_1045 = arith.constant 32 : index
    %swap3A_1046 = tpu.vector_load %arg6[%swap3A_1044, %swap3A_1045] {strides = array<i32>} : memref<24x128xi32, #tpu.memory_space<vmem>>, vector<1x16xi32>,
    %swap3A_1047 = vector.shape_cast %swap3A_1046 : vector<1x16xi32> to vector<16xi32>
    %swap3A_1048 = vector.shape_cast %add3A_1042 : vector<16xi32> to vector<1x16xi32>
    tpu.vector_store %arg6[%swap3A_1044, %swap3A_1045], %swap3A_1048 {strides = array<i32>} : memref<24x128xi32, #tpu.memory_space<vmem>>, vector<1x16xi32>,
    %get3A_1049 = arith.constant 0 : i32
    %get3A_1050 = arith.index_cast %get3A_1049 : i32 to index
    %get3A_1051 = arith.constant 176 : index
    %get3A_1052 = tpu.vector_load %arg5[%get3A_1050, %get3A_1051] {strides = array<i32>} : memref<1x512xi32, #tpu.memory_space<vmem>>, vector<1x16xi32>,
    %get3A_1053 = vector.shape_cast %get3A_1052 : vector<1x16xi32> to vector<16xi32>
    %add3A_1054 = arith.constant 401408 : i32
    %add3A_1055 = vector.broadcast %add3A_1054 : i32 to vector<16xi32>
    %add3A_1056 = arith.addi %get3A_1053, %add3A_1055 : vector<16xi32>
    %swap3A_1057 = arith.constant 9 : i32
    %swap3A_1058 = arith.index_cast %swap3A_1057 : i32 to index
    %swap3A_1059 = arith.constant 48 : index
    %swap3A_1060 = tpu.vector_load %arg6[%swap3A_1058, %swap3A_1059] {strides = array<i32>} : memref<24x128xi32, #tpu.memory_space<vmem>>, vector<1x16xi32>,
    %swap3A_1061 = vector.shape_cast %swap3A_1060 : vector<1x16xi32> to vector<16xi32>
    %swap3A_1062 = vector.shape_cast %add3A_1056 : vector<16xi32> to vector<1x16xi32>
    tpu.vector_store %arg6[%swap3A_1058, %swap3A_1059], %swap3A_1062 {strides = array<i32>} : memref<24x128xi32, #tpu.memory_space<vmem>>, vector<1x16xi32>,
    %get3A_1063 = arith.constant 0 : i32
    %get3A_1064 = arith.index_cast %get3A_1063 : i32 to index
    %get3A_1065 = arith.constant 192 : index
    %get3A_1066 = tpu.vector_load %arg5[%get3A_1064, %get3A_1065] {strides = array<i32>} : memref<1x512xi32, #tpu.memory_space<vmem>>, vector<1x16xi32>,
    %get3A_1067 = vector.shape_cast %get3A_1066 : vector<1x16xi32> to vector<16xi32>
    %add3A_1068 = arith.constant 551936 : i32
    %add3A_1069 = vector.broadcast %add3A_1068 : i32 to vector<16xi32>
    %add3A_1070 = arith.addi %get3A_1067, %add3A_1069 : vector<16xi32>
    %swap3A_1071 = arith.constant 9 : i32
    %swap3A_1072 = arith.index_cast %swap3A_1071 : i32 to index
    %swap3A_1073 = arith.constant 64 : index
    %swap3A_1074 = tpu.vector_load %arg6[%swap3A_1072, %swap3A_1073] {strides = array<i32>} : memref<24x128xi32, #tpu.memory_space<vmem>>, vector<1x16xi32>,
    %swap3A_1075 = vector.shape_cast %swap3A_1074 : vector<1x16xi32> to vector<16xi32>
    %swap3A_1076 = vector.shape_cast %add3A_1070 : vector<16xi32> to vector<1x16xi32>
    tpu.vector_store %arg6[%swap3A_1072, %swap3A_1073], %swap3A_1076 {strides = array<i32>} : memref<24x128xi32, #tpu.memory_space<vmem>>, vector<1x16xi32>,
    %get3A_1077 = arith.constant 0 : i32
    %get3A_1078 = arith.index_cast %get3A_1077 : i32 to index
    %get3A_1079 = arith.constant 208 : index
    %get3A_1080 = tpu.vector_load %arg5[%get3A_1078, %get3A_1079] {strides = array<i32>} : memref<1x512xi32, #tpu.memory_space<vmem>>, vector<1x16xi32>,
    %get3A_1081 = vector.shape_cast %get3A_1080 : vector<1x16xi32> to vector<16xi32>
    %add3A_1082 = arith.constant 551936 : i32
    %add3A_1083 = vector.broadcast %add3A_1082 : i32 to vector<16xi32>
    %add3A_1084 = arith.addi %get3A_1081, %add3A_1083 : vector<16xi32>
    %swap3A_1085 = arith.constant 9 : i32
    %swap3A_1086 = arith.index_cast %swap3A_1085 : i32 to index
    %swap3A_1087 = arith.constant 80 : index
    %swap3A_1088 = tpu.vector_load %arg6[%swap3A_1086, %swap3A_1087] {strides = array<i32>} : memref<24x128xi32, #tpu.memory_space<vmem>>, vector<1x16xi32>,
    %swap3A_1089 = vector.shape_cast %swap3A_1088 : vector<1x16xi32> to vector<16xi32>
    %swap3A_1090 = vector.shape_cast %add3A_1084 : vector<16xi32> to vector<1x16xi32>
    tpu.vector_store %arg6[%swap3A_1086, %swap3A_1087], %swap3A_1090 {strides = array<i32>} : memref<24x128xi32, #tpu.memory_space<vmem>>, vector<1x16xi32>,
    %get3A_1091 = arith.constant 0 : i32
    %get3A_1092 = arith.index_cast %get3A_1091 : i32 to index
    %get3A_1093 = arith.constant 224 : index
    %get3A_1094 = tpu.vector_load %arg5[%get3A_1092, %get3A_1093] {strides = array<i32>} : memref<1x512xi32, #tpu.memory_space<vmem>>, vector<1x16xi32>,
    %get3A_1095 = vector.shape_cast %get3A_1094 : vector<1x16xi32> to vector<16xi32>
    %add3A_1096 = arith.constant 551936 : i32
    %add3A_1097 = vector.broadcast %add3A_1096 : i32 to vector<16xi32>
    %add3A_1098 = arith.addi %get3A_1095, %add3A_1097 : vector<16xi32>
    %swap3A_1099 = arith.constant 9 : i32
    %swap3A_1100 = arith.index_cast %swap3A_1099 : i32 to index
    %swap3A_1101 = arith.constant 96 : index
    %swap3A_1102 = tpu.vector_load %arg6[%swap3A_1100, %swap3A_1101] {strides = array<i32>} : memref<24x128xi32, #tpu.memory_space<vmem>>, vector<1x16xi32>,
    %swap3A_1103 = vector.shape_cast %swap3A_1102 : vector<1x16xi32> to vector<16xi32>
    %swap3A_1104 = vector.shape_cast %add3A_1098 : vector<16xi32> to vector<1x16xi32>
    tpu.vector_store %arg6[%swap3A_1100, %swap3A_1101], %swap3A_1104 {strides = array<i32>} : memref<24x128xi32, #tpu.memory_space<vmem>>, vector<1x16xi32>,
    %get3A_1105 = arith.constant 0 : i32
    %get3A_1106 = arith.index_cast %get3A_1105 : i32 to index
    %get3A_1107 = arith.constant 240 : index
    %get3A_1108 = tpu.vector_load %arg5[%get3A_1106, %get3A_1107] {strides = array<i32>} : memref<1x512xi32, #tpu.memory_space<vmem>>, vector<1x16xi32>,
    %get3A_1109 = vector.shape_cast %get3A_1108 : vector<1x16xi32> to vector<16xi32>
    %add3A_1110 = arith.constant 551936 : i32
    %add3A_1111 = vector.broadcast %add3A_1110 : i32 to vector<16xi32>
    %add3A_1112 = arith.addi %get3A_1109, %add3A_1111 : vector<16xi32>
    %swap3A_1113 = arith.constant 9 : i32
    %swap3A_1114 = arith.index_cast %swap3A_1113 : i32 to index
    %swap3A_1115 = arith.constant 112 : index
    %swap3A_1116 = tpu.vector_load %arg6[%swap3A_1114, %swap3A_1115] {strides = array<i32>} : memref<24x128xi32, #tpu.memory_space<vmem>>, vector<1x16xi32>,
    %swap3A_1117 = vector.shape_cast %swap3A_1116 : vector<1x16xi32> to vector<16xi32>
    %swap3A_1118 = vector.shape_cast %add3A_1112 : vector<16xi32> to vector<1x16xi32>
    tpu.vector_store %arg6[%swap3A_1114, %swap3A_1115], %swap3A_1118 {strides = array<i32>} : memref<24x128xi32, #tpu.memory_space<vmem>>, vector<1x16xi32>,
    %get3A_1119 = arith.constant 0 : i32
    %get3A_1120 = arith.index_cast %get3A_1119 : i32 to index
    %get3A_1121 = arith.constant 256 : index
    %get3A_1122 = tpu.vector_load %arg5[%get3A_1120, %get3A_1121] {strides = array<i32>} : memref<1x512xi32, #tpu.memory_space<vmem>>, vector<1x16xi32>,
    %get3A_1123 = vector.shape_cast %get3A_1122 : vector<1x16xi32> to vector<16xi32>
    %add3A_1124 = arith.constant 702464 : i32
    %add3A_1125 = vector.broadcast %add3A_1124 : i32 to vector<16xi32>
    %add3A_1126 = arith.addi %get3A_1123, %add3A_1125 : vector<16xi32>
    %swap3A_1127 = arith.constant 10 : i32
    %swap3A_1128 = arith.index_cast %swap3A_1127 : i32 to index
    %swap3A_1129 = arith.constant 0 : index
    %swap3A_1130 = tpu.vector_load %arg6[%swap3A_1128, %swap3A_1129] {strides = array<i32>} : memref<24x128xi32, #tpu.memory_space<vmem>>, vector<1x16xi32>,
    %swap3A_1131 = vector.shape_cast %swap3A_1130 : vector<1x16xi32> to vector<16xi32>
    %swap3A_1132 = vector.shape_cast %add3A_1126 : vector<16xi32> to vector<1x16xi32>
    tpu.vector_store %arg6[%swap3A_1128, %swap3A_1129], %swap3A_1132 {strides = array<i32>} : memref<24x128xi32, #tpu.memory_space<vmem>>, vector<1x16xi32>,
    %get3A_1133 = arith.constant 0 : i32
    %get3A_1134 = arith.index_cast %get3A_1133 : i32 to index
    %get3A_1135 = arith.constant 272 : index
    %get3A_1136 = tpu.vector_load %arg5[%get3A_1134, %get3A_1135] {strides = array<i32>} : memref<1x512xi32, #tpu.memory_space<vmem>>, vector<1x16xi32>,
    %get3A_1137 = vector.shape_cast %get3A_1136 : vector<1x16xi32> to vector<16xi32>
    %add3A_1138 = arith.constant 702464 : i32
    %add3A_1139 = vector.broadcast %add3A_1138 : i32 to vector<16xi32>
    %add3A_1140 = arith.addi %get3A_1137, %add3A_1139 : vector<16xi32>
    %swap3A_1141 = arith.constant 10 : i32
    %swap3A_1142 = arith.index_cast %swap3A_1141 : i32 to index
    %swap3A_1143 = arith.constant 16 : index
    %swap3A_1144 = tpu.vector_load %arg6[%swap3A_1142, %swap3A_1143] {strides = array<i32>} : memref<24x128xi32, #tpu.memory_space<vmem>>, vector<1x16xi32>,
    %swap3A_1145 = vector.shape_cast %swap3A_1144 : vector<1x16xi32> to vector<16xi32>
    %swap3A_1146 = vector.shape_cast %add3A_1140 : vector<16xi32> to vector<1x16xi32>
    tpu.vector_store %arg6[%swap3A_1142, %swap3A_1143], %swap3A_1146 {strides = array<i32>} : memref<24x128xi32, #tpu.memory_space<vmem>>, vector<1x16xi32>,
    %get3A_1147 = arith.constant 0 : i32
    %get3A_1148 = arith.index_cast %get3A_1147 : i32 to index
    %get3A_1149 = arith.constant 288 : index
    %get3A_1150 = tpu.vector_load %arg5[%get3A_1148, %get3A_1149] {strides = array<i32>} : memref<1x512xi32, #tpu.memory_space<vmem>>, vector<1x16xi32>,
    %get3A_1151 = vector.shape_cast %get3A_1150 : vector<1x16xi32> to vector<16xi32>
    %add3A_1152 = arith.constant 702464 : i32
    %add3A_1153 = vector.broadcast %add3A_1152 : i32 to vector<16xi32>
    %add3A_1154 = arith.addi %get3A_1151, %add3A_1153 : vector<16xi32>
    %swap3A_1155 = arith.constant 10 : i32
    %swap3A_1156 = arith.index_cast %swap3A_1155 : i32 to index
    %swap3A_1157 = arith.constant 32 : index
    %swap3A_1158 = tpu.vector_load %arg6[%swap3A_1156, %swap3A_1157] {strides = array<i32>} : memref<24x128xi32, #tpu.memory_space<vmem>>, vector<1x16xi32>,
    %swap3A_1159 = vector.shape_cast %swap3A_1158 : vector<1x16xi32> to vector<16xi32>
    %swap3A_1160 = vector.shape_cast %add3A_1154 : vector<16xi32> to vector<1x16xi32>
    tpu.vector_store %arg6[%swap3A_1156, %swap3A_1157], %swap3A_1160 {strides = array<i32>} : memref<24x128xi32, #tpu.memory_space<vmem>>, vector<1x16xi32>,
    %get3A_1161 = arith.constant 0 : i32
    %get3A_1162 = arith.index_cast %get3A_1161 : i32 to index
    %get3A_1163 = arith.constant 304 : index
    %get3A_1164 = tpu.vector_load %arg5[%get3A_1162, %get3A_1163] {strides = array<i32>} : memref<1x512xi32, #tpu.memory_space<vmem>>, vector<1x16xi32>,
    %get3A_1165 = vector.shape_cast %get3A_1164 : vector<1x16xi32> to vector<16xi32>
    %add3A_1166 = arith.constant 702464 : i32
    %add3A_1167 = vector.broadcast %add3A_1166 : i32 to vector<16xi32>
    %add3A_1168 = arith.addi %get3A_1165, %add3A_1167 : vector<16xi32>
    %swap3A_1169 = arith.constant 10 : i32
    %swap3A_1170 = arith.index_cast %swap3A_1169 : i32 to index
    %swap3A_1171 = arith.constant 48 : index
    %swap3A_1172 = tpu.vector_load %arg6[%swap3A_1170, %swap3A_1171] {strides = array<i32>} : memref<24x128xi32, #tpu.memory_space<vmem>>, vector<1x16xi32>,
    %swap3A_1173 = vector.shape_cast %swap3A_1172 : vector<1x16xi32> to vector<16xi32>
    %swap3A_1174 = vector.shape_cast %add3A_1168 : vector<16xi32> to vector<1x16xi32>
    tpu.vector_store %arg6[%swap3A_1170, %swap3A_1171], %swap3A_1174 {strides = array<i32>} : memref<24x128xi32, #tpu.memory_space<vmem>>, vector<1x16xi32>,
    %get3A_1175 = arith.constant 0 : i32
    %get3A_1176 = arith.index_cast %get3A_1175 : i32 to index
    %get3A_1177 = arith.constant 320 : index
    %get3A_1178 = tpu.vector_load %arg5[%get3A_1176, %get3A_1177] {strides = array<i32>} : memref<1x512xi32, #tpu.memory_space<vmem>>, vector<1x16xi32>,
    %get3A_1179 = vector.shape_cast %get3A_1178 : vector<1x16xi32> to vector<16xi32>
    %add3A_1180 = arith.constant 852992 : i32
    %add3A_1181 = vector.broadcast %add3A_1180 : i32 to vector<16xi32>
    %add3A_1182 = arith.addi %get3A_1179, %add3A_1181 : vector<16xi32>
    %swap3A_1183 = arith.constant 10 : i32
    %swap3A_1184 = arith.index_cast %swap3A_1183 : i32 to index
    %swap3A_1185 = arith.constant 64 : index
    %swap3A_1186 = tpu.vector_load %arg6[%swap3A_1184, %swap3A_1185] {strides = array<i32>} : memref<24x128xi32, #tpu.memory_space<vmem>>, vector<1x16xi32>,
    %swap3A_1187 = vector.shape_cast %swap3A_1186 : vector<1x16xi32> to vector<16xi32>
    %swap3A_1188 = vector.shape_cast %add3A_1182 : vector<16xi32> to vector<1x16xi32>
    tpu.vector_store %arg6[%swap3A_1184, %swap3A_1185], %swap3A_1188 {strides = array<i32>} : memref<24x128xi32, #tpu.memory_space<vmem>>, vector<1x16xi32>,
    %get3A_1189 = arith.constant 0 : i32
    %get3A_1190 = arith.index_cast %get3A_1189 : i32 to index
    %get3A_1191 = arith.constant 336 : index
    %get3A_1192 = tpu.vector_load %arg5[%get3A_1190, %get3A_1191] {strides = array<i32>} : memref<1x512xi32, #tpu.memory_space<vmem>>, vector<1x16xi32>,
    %get3A_1193 = vector.shape_cast %get3A_1192 : vector<1x16xi32> to vector<16xi32>
    %add3A_1194 = arith.constant 852992 : i32
    %add3A_1195 = vector.broadcast %add3A_1194 : i32 to vector<16xi32>
    %add3A_1196 = arith.addi %get3A_1193, %add3A_1195 : vector<16xi32>
    %swap3A_1197 = arith.constant 10 : i32
    %swap3A_1198 = arith.index_cast %swap3A_1197 : i32 to index
    %swap3A_1199 = arith.constant 80 : index
    %swap3A_1200 = tpu.vector_load %arg6[%swap3A_1198, %swap3A_1199] {strides = array<i32>} : memref<24x128xi32, #tpu.memory_space<vmem>>, vector<1x16xi32>,
    %swap3A_1201 = vector.shape_cast %swap3A_1200 : vector<1x16xi32> to vector<16xi32>
    %swap3A_1202 = vector.shape_cast %add3A_1196 : vector<16xi32> to vector<1x16xi32>
    tpu.vector_store %arg6[%swap3A_1198, %swap3A_1199], %swap3A_1202 {strides = array<i32>} : memref<24x128xi32, #tpu.memory_space<vmem>>, vector<1x16xi32>,
    %get3A_1203 = arith.constant 0 : i32
    %get3A_1204 = arith.index_cast %get3A_1203 : i32 to index
    %get3A_1205 = arith.constant 352 : index
    %get3A_1206 = tpu.vector_load %arg5[%get3A_1204, %get3A_1205] {strides = array<i32>} : memref<1x512xi32, #tpu.memory_space<vmem>>, vector<1x16xi32>,
    %get3A_1207 = vector.shape_cast %get3A_1206 : vector<1x16xi32> to vector<16xi32>
    %add3A_1208 = arith.constant 852992 : i32
    %add3A_1209 = vector.broadcast %add3A_1208 : i32 to vector<16xi32>
    %add3A_1210 = arith.addi %get3A_1207, %add3A_1209 : vector<16xi32>
    %swap3A_1211 = arith.constant 10 : i32
    %swap3A_1212 = arith.index_cast %swap3A_1211 : i32 to index
    %swap3A_1213 = arith.constant 96 : index
    %swap3A_1214 = tpu.vector_load %arg6[%swap3A_1212, %swap3A_1213] {strides = array<i32>} : memref<24x128xi32, #tpu.memory_space<vmem>>, vector<1x16xi32>,
    %swap3A_1215 = vector.shape_cast %swap3A_1214 : vector<1x16xi32> to vector<16xi32>
    %swap3A_1216 = vector.shape_cast %add3A_1210 : vector<16xi32> to vector<1x16xi32>
    tpu.vector_store %arg6[%swap3A_1212, %swap3A_1213], %swap3A_1216 {strides = array<i32>} : memref<24x128xi32, #tpu.memory_space<vmem>>, vector<1x16xi32>,
    %get3A_1217 = arith.constant 0 : i32
    %get3A_1218 = arith.index_cast %get3A_1217 : i32 to index
    %get3A_1219 = arith.constant 368 : index
    %get3A_1220 = tpu.vector_load %arg5[%get3A_1218, %get3A_1219] {strides = array<i32>} : memref<1x512xi32, #tpu.memory_space<vmem>>, vector<1x16xi32>,
    %get3A_1221 = vector.shape_cast %get3A_1220 : vector<1x16xi32> to vector<16xi32>
    %add3A_1222 = arith.constant 852992 : i32
    %add3A_1223 = vector.broadcast %add3A_1222 : i32 to vector<16xi32>
    %add3A_1224 = arith.addi %get3A_1221, %add3A_1223 : vector<16xi32>
    %swap3A_1225 = arith.constant 10 : i32
    %swap3A_1226 = arith.index_cast %swap3A_1225 : i32 to index
    %swap3A_1227 = arith.constant 112 : index
    %swap3A_1228 = tpu.vector_load %arg6[%swap3A_1226, %swap3A_1227] {strides = array<i32>} : memref<24x128xi32, #tpu.memory_space<vmem>>, vector<1x16xi32>,
    %swap3A_1229 = vector.shape_cast %swap3A_1228 : vector<1x16xi32> to vector<16xi32>
    %swap3A_1230 = vector.shape_cast %add3A_1224 : vector<16xi32> to vector<1x16xi32>
    tpu.vector_store %arg6[%swap3A_1226, %swap3A_1227], %swap3A_1230 {strides = array<i32>} : memref<24x128xi32, #tpu.memory_space<vmem>>, vector<1x16xi32>,
    %get3A_1231 = arith.constant 0 : i32
    %get3A_1232 = arith.index_cast %get3A_1231 : i32 to index
    %get3A_1233 = arith.constant 384 : index
    %get3A_1234 = tpu.vector_load %arg5[%get3A_1232, %get3A_1233] {strides = array<i32>} : memref<1x512xi32, #tpu.memory_space<vmem>>, vector<1x16xi32>,
    %get3A_1235 = vector.shape_cast %get3A_1234 : vector<1x16xi32> to vector<16xi32>
    %add3A_1236 = arith.constant 1003520 : i32
    %add3A_1237 = vector.broadcast %add3A_1236 : i32 to vector<16xi32>
    %add3A_1238 = arith.addi %get3A_1235, %add3A_1237 : vector<16xi32>
    %swap3A_1239 = arith.constant 11 : i32
    %swap3A_1240 = arith.index_cast %swap3A_1239 : i32 to index
    %swap3A_1241 = arith.constant 0 : index
    %swap3A_1242 = tpu.vector_load %arg6[%swap3A_1240, %swap3A_1241] {strides = array<i32>} : memref<24x128xi32, #tpu.memory_space<vmem>>, vector<1x16xi32>,
    %swap3A_1243 = vector.shape_cast %swap3A_1242 : vector<1x16xi32> to vector<16xi32>
    %swap3A_1244 = vector.shape_cast %add3A_1238 : vector<16xi32> to vector<1x16xi32>
    tpu.vector_store %arg6[%swap3A_1240, %swap3A_1241], %swap3A_1244 {strides = array<i32>} : memref<24x128xi32, #tpu.memory_space<vmem>>, vector<1x16xi32>,
    %get3A_1245 = arith.constant 0 : i32
    %get3A_1246 = arith.index_cast %get3A_1245 : i32 to index
    %get3A_1247 = arith.constant 400 : index
    %get3A_1248 = tpu.vector_load %arg5[%get3A_1246, %get3A_1247] {strides = array<i32>} : memref<1x512xi32, #tpu.memory_space<vmem>>, vector<1x16xi32>,
    %get3A_1249 = vector.shape_cast %get3A_1248 : vector<1x16xi32> to vector<16xi32>
    %add3A_1250 = arith.constant 1003520 : i32
    %add3A_1251 = vector.broadcast %add3A_1250 : i32 to vector<16xi32>
    %add3A_1252 = arith.addi %get3A_1249, %add3A_1251 : vector<16xi32>
    %swap3A_1253 = arith.constant 11 : i32
    %swap3A_1254 = arith.index_cast %swap3A_1253 : i32 to index
    %swap3A_1255 = arith.constant 16 : index
    %swap3A_1256 = tpu.vector_load %arg6[%swap3A_1254, %swap3A_1255] {strides = array<i32>} : memref<24x128xi32, #tpu.memory_space<vmem>>, vector<1x16xi32>,
    %swap3A_1257 = vector.shape_cast %swap3A_1256 : vector<1x16xi32> to vector<16xi32>
    %swap3A_1258 = vector.shape_cast %add3A_1252 : vector<16xi32> to vector<1x16xi32>
    tpu.vector_store %arg6[%swap3A_1254, %swap3A_1255], %swap3A_1258 {strides = array<i32>} : memref<24x128xi32, #tpu.memory_space<vmem>>, vector<1x16xi32>,
    %get3A_1259 = arith.constant 0 : i32
    %get3A_1260 = arith.index_cast %get3A_1259 : i32 to index
    %get3A_1261 = arith.constant 416 : index
    %get3A_1262 = tpu.vector_load %arg5[%get3A_1260, %get3A_1261] {strides = array<i32>} : memref<1x512xi32, #tpu.memory_space<vmem>>, vector<1x16xi32>,
    %get3A_1263 = vector.shape_cast %get3A_1262 : vector<1x16xi32> to vector<16xi32>
    %add3A_1264 = arith.constant 1003520 : i32
    %add3A_1265 = vector.broadcast %add3A_1264 : i32 to vector<16xi32>
    %add3A_1266 = arith.addi %get3A_1263, %add3A_1265 : vector<16xi32>
    %swap3A_1267 = arith.constant 11 : i32
    %swap3A_1268 = arith.index_cast %swap3A_1267 : i32 to index
    %swap3A_1269 = arith.constant 32 : index
    %swap3A_1270 = tpu.vector_load %arg6[%swap3A_1268, %swap3A_1269] {strides = array<i32>} : memref<24x128xi32, #tpu.memory_space<vmem>>, vector<1x16xi32>,
    %swap3A_1271 = vector.shape_cast %swap3A_1270 : vector<1x16xi32> to vector<16xi32>
    %swap3A_1272 = vector.shape_cast %add3A_1266 : vector<16xi32> to vector<1x16xi32>
    tpu.vector_store %arg6[%swap3A_1268, %swap3A_1269], %swap3A_1272 {strides = array<i32>} : memref<24x128xi32, #tpu.memory_space<vmem>>, vector<1x16xi32>,
    %get3A_1273 = arith.constant 0 : i32
    %get3A_1274 = arith.index_cast %get3A_1273 : i32 to index
    %get3A_1275 = arith.constant 432 : index
    %get3A_1276 = tpu.vector_load %arg5[%get3A_1274, %get3A_1275] {strides = array<i32>} : memref<1x512xi32, #tpu.memory_space<vmem>>, vector<1x16xi32>,
    %get3A_1277 = vector.shape_cast %get3A_1276 : vector<1x16xi32> to vector<16xi32>
    %add3A_1278 = arith.constant 1003520 : i32
    %add3A_1279 = vector.broadcast %add3A_1278 : i32 to vector<16xi32>
    %add3A_1280 = arith.addi %get3A_1277, %add3A_1279 : vector<16xi32>
    %swap3A_1281 = arith.constant 11 : i32
    %swap3A_1282 = arith.index_cast %swap3A_1281 : i32 to index
    %swap3A_1283 = arith.constant 48 : index
    %swap3A_1284 = tpu.vector_load %arg6[%swap3A_1282, %swap3A_1283] {strides = array<i32>} : memref<24x128xi32, #tpu.memory_space<vmem>>, vector<1x16xi32>,
    %swap3A_1285 = vector.shape_cast %swap3A_1284 : vector<1x16xi32> to vector<16xi32>
    %swap3A_1286 = vector.shape_cast %add3A_1280 : vector<16xi32> to vector<1x16xi32>
    tpu.vector_store %arg6[%swap3A_1282, %swap3A_1283], %swap3A_1286 {strides = array<i32>} : memref<24x128xi32, #tpu.memory_space<vmem>>, vector<1x16xi32>,
    %get3A_1287 = arith.constant 0 : i32
    %get3A_1288 = arith.index_cast %get3A_1287 : i32 to index
    %get3A_1289 = arith.constant 448 : index
    %get3A_1290 = tpu.vector_load %arg5[%get3A_1288, %get3A_1289] {strides = array<i32>} : memref<1x512xi32, #tpu.memory_space<vmem>>, vector<1x16xi32>,
    %get3A_1291 = vector.shape_cast %get3A_1290 : vector<1x16xi32> to vector<16xi32>
    %add3A_1292 = arith.constant 1154048 : i32
    %add3A_1293 = vector.broadcast %add3A_1292 : i32 to vector<16xi32>
    %add3A_1294 = arith.addi %get3A_1291, %add3A_1293 : vector<16xi32>
    %swap3A_1295 = arith.constant 11 : i32
    %swap3A_1296 = arith.index_cast %swap3A_1295 : i32 to index
    %swap3A_1297 = arith.constant 64 : index
    %swap3A_1298 = tpu.vector_load %arg6[%swap3A_1296, %swap3A_1297] {strides = array<i32>} : memref<24x128xi32, #tpu.memory_space<vmem>>, vector<1x16xi32>,
    %swap3A_1299 = vector.shape_cast %swap3A_1298 : vector<1x16xi32> to vector<16xi32>
    %swap3A_1300 = vector.shape_cast %add3A_1294 : vector<16xi32> to vector<1x16xi32>
    tpu.vector_store %arg6[%swap3A_1296, %swap3A_1297], %swap3A_1300 {strides = array<i32>} : memref<24x128xi32, #tpu.memory_space<vmem>>, vector<1x16xi32>,
    %get3A_1301 = arith.constant 0 : i32
    %get3A_1302 = arith.index_cast %get3A_1301 : i32 to index
    %get3A_1303 = arith.constant 464 : index
    %get3A_1304 = tpu.vector_load %arg5[%get3A_1302, %get3A_1303] {strides = array<i32>} : memref<1x512xi32, #tpu.memory_space<vmem>>, vector<1x16xi32>,
    %get3A_1305 = vector.shape_cast %get3A_1304 : vector<1x16xi32> to vector<16xi32>
    %add3A_1306 = arith.constant 1154048 : i32
    %add3A_1307 = vector.broadcast %add3A_1306 : i32 to vector<16xi32>
    %add3A_1308 = arith.addi %get3A_1305, %add3A_1307 : vector<16xi32>
    %swap3A_1309 = arith.constant 11 : i32
    %swap3A_1310 = arith.index_cast %swap3A_1309 : i32 to index
    %swap3A_1311 = arith.constant 80 : index
    %swap3A_1312 = tpu.vector_load %arg6[%swap3A_1310, %swap3A_1311] {strides = array<i32>} : memref<24x128xi32, #tpu.memory_space<vmem>>, vector<1x16xi32>,
    %swap3A_1313 = vector.shape_cast %swap3A_1312 : vector<1x16xi32> to vector<16xi32>
    %swap3A_1314 = vector.shape_cast %add3A_1308 : vector<16xi32> to vector<1x16xi32>
    tpu.vector_store %arg6[%swap3A_1310, %swap3A_1311], %swap3A_1314 {strides = array<i32>} : memref<24x128xi32, #tpu.memory_space<vmem>>, vector<1x16xi32>,
    %get3A_1315 = arith.constant 0 : i32
    %get3A_1316 = arith.index_cast %get3A_1315 : i32 to index
    %get3A_1317 = arith.constant 480 : index
    %get3A_1318 = tpu.vector_load %arg5[%get3A_1316, %get3A_1317] {strides = array<i32>} : memref<1x512xi32, #tpu.memory_space<vmem>>, vector<1x16xi32>,
    %get3A_1319 = vector.shape_cast %get3A_1318 : vector<1x16xi32> to vector<16xi32>
    %add3A_1320 = arith.constant 1154048 : i32
    %add3A_1321 = vector.broadcast %add3A_1320 : i32 to vector<16xi32>
    %add3A_1322 = arith.addi %get3A_1319, %add3A_1321 : vector<16xi32>
    %swap3A_1323 = arith.constant 11 : i32
    %swap3A_1324 = arith.index_cast %swap3A_1323 : i32 to index
    %swap3A_1325 = arith.constant 96 : index
    %swap3A_1326 = tpu.vector_load %arg6[%swap3A_1324, %swap3A_1325] {strides = array<i32>} : memref<24x128xi32, #tpu.memory_space<vmem>>, vector<1x16xi32>,
    %swap3A_1327 = vector.shape_cast %swap3A_1326 : vector<1x16xi32> to vector<16xi32>
    %swap3A_1328 = vector.shape_cast %add3A_1322 : vector<16xi32> to vector<1x16xi32>
    tpu.vector_store %arg6[%swap3A_1324, %swap3A_1325], %swap3A_1328 {strides = array<i32>} : memref<24x128xi32, #tpu.memory_space<vmem>>, vector<1x16xi32>,
    %get3A_1329 = arith.constant 0 : i32
    %get3A_1330 = arith.index_cast %get3A_1329 : i32 to index
    %get3A_1331 = arith.constant 496 : index
    %get3A_1332 = tpu.vector_load %arg5[%get3A_1330, %get3A_1331] {strides = array<i32>} : memref<1x512xi32, #tpu.memory_space<vmem>>, vector<1x16xi32>,
    %get3A_1333 = vector.shape_cast %get3A_1332 : vector<1x16xi32> to vector<16xi32>
    %add3A_1334 = arith.constant 1154048 : i32
    %add3A_1335 = vector.broadcast %add3A_1334 : i32 to vector<16xi32>
    %add3A_1336 = arith.addi %get3A_1333, %add3A_1335 : vector<16xi32>
    %swap3A_1337 = arith.constant 11 : i32
    %swap3A_1338 = arith.index_cast %swap3A_1337 : i32 to index
    %swap3A_1339 = arith.constant 112 : index
    %swap3A_1340 = tpu.vector_load %arg6[%swap3A_1338, %swap3A_1339] {strides = array<i32>} : memref<24x128xi32, #tpu.memory_space<vmem>>, vector<1x16xi32>,
    %swap3A_1341 = vector.shape_cast %swap3A_1340 : vector<1x16xi32> to vector<16xi32>
    %swap3A_1342 = vector.shape_cast %add3A_1336 : vector<16xi32> to vector<1x16xi32>
    tpu.vector_store %arg6[%swap3A_1338, %swap3A_1339], %swap3A_1342 {strides = array<i32>} : memref<24x128xi32, #tpu.memory_space<vmem>>, vector<1x16xi32>,
    %get3A_1343 = arith.constant 0 : i32
    %get3A_1344 = arith.index_cast %get3A_1343 : i32 to index
    %get3A_1345 = arith.constant 0 : index
    %get3A_1346 = tpu.vector_load %arg5[%get3A_1344, %get3A_1345] {strides = array<i32>} : memref<1x512xi32, #tpu.memory_space<vmem>>, vector<1x16xi32>,
    %get3A_1347 = vector.shape_cast %get3A_1346 : vector<1x16xi32> to vector<16xi32>
    %add3A_1348 = arith.constant 1204224 : i32
    %add3A_1349 = vector.broadcast %add3A_1348 : i32 to vector<16xi32>
    %add3A_1350 = arith.addi %get3A_1347, %add3A_1349 : vector<16xi32>
    %swap3A_1351 = arith.constant 12 : i32
    %swap3A_1352 = arith.index_cast %swap3A_1351 : i32 to index
    %swap3A_1353 = arith.constant 0 : index
    %swap3A_1354 = tpu.vector_load %arg6[%swap3A_1352, %swap3A_1353] {strides = array<i32>} : memref<24x128xi32, #tpu.memory_space<vmem>>, vector<1x16xi32>,
    %swap3A_1355 = vector.shape_cast %swap3A_1354 : vector<1x16xi32> to vector<16xi32>
    %swap3A_1356 = vector.shape_cast %add3A_1350 : vector<16xi32> to vector<1x16xi32>
    tpu.vector_store %arg6[%swap3A_1352, %swap3A_1353], %swap3A_1356 {strides = array<i32>} : memref<24x128xi32, #tpu.memory_space<vmem>>, vector<1x16xi32>,
    %get3A_1357 = arith.constant 0 : i32
    %get3A_1358 = arith.index_cast %get3A_1357 : i32 to index
    %get3A_1359 = arith.constant 16 : index
    %get3A_1360 = tpu.vector_load %arg5[%get3A_1358, %get3A_1359] {strides = array<i32>} : memref<1x512xi32, #tpu.memory_space<vmem>>, vector<1x16xi32>,
    %get3A_1361 = vector.shape_cast %get3A_1360 : vector<1x16xi32> to vector<16xi32>
    %add3A_1362 = arith.constant 1204224 : i32
    %add3A_1363 = vector.broadcast %add3A_1362 : i32 to vector<16xi32>
    %add3A_1364 = arith.addi %get3A_1361, %add3A_1363 : vector<16xi32>
    %swap3A_1365 = arith.constant 12 : i32
    %swap3A_1366 = arith.index_cast %swap3A_1365 : i32 to index
    %swap3A_1367 = arith.constant 16 : index
    %swap3A_1368 = tpu.vector_load %arg6[%swap3A_1366, %swap3A_1367] {strides = array<i32>} : memref<24x128xi32, #tpu.memory_space<vmem>>, vector<1x16xi32>,
    %swap3A_1369 = vector.shape_cast %swap3A_1368 : vector<1x16xi32> to vector<16xi32>
    %swap3A_1370 = vector.shape_cast %add3A_1364 : vector<16xi32> to vector<1x16xi32>
    tpu.vector_store %arg6[%swap3A_1366, %swap3A_1367], %swap3A_1370 {strides = array<i32>} : memref<24x128xi32, #tpu.memory_space<vmem>>, vector<1x16xi32>,
    %get3A_1371 = arith.constant 0 : i32
    %get3A_1372 = arith.index_cast %get3A_1371 : i32 to index
    %get3A_1373 = arith.constant 32 : index
    %get3A_1374 = tpu.vector_load %arg5[%get3A_1372, %get3A_1373] {strides = array<i32>} : memref<1x512xi32, #tpu.memory_space<vmem>>, vector<1x16xi32>,
    %get3A_1375 = vector.shape_cast %get3A_1374 : vector<1x16xi32> to vector<16xi32>
    %add3A_1376 = arith.constant 1204224 : i32
    %add3A_1377 = vector.broadcast %add3A_1376 : i32 to vector<16xi32>
    %add3A_1378 = arith.addi %get3A_1375, %add3A_1377 : vector<16xi32>
    %swap3A_1379 = arith.constant 12 : i32
    %swap3A_1380 = arith.index_cast %swap3A_1379 : i32 to index
    %swap3A_1381 = arith.constant 32 : index
    %swap3A_1382 = tpu.vector_load %arg6[%swap3A_1380, %swap3A_1381] {strides = array<i32>} : memref<24x128xi32, #tpu.memory_space<vmem>>, vector<1x16xi32>,
    %swap3A_1383 = vector.shape_cast %swap3A_1382 : vector<1x16xi32> to vector<16xi32>
    %swap3A_1384 = vector.shape_cast %add3A_1378 : vector<16xi32> to vector<1x16xi32>
    tpu.vector_store %arg6[%swap3A_1380, %swap3A_1381], %swap3A_1384 {strides = array<i32>} : memref<24x128xi32, #tpu.memory_space<vmem>>, vector<1x16xi32>,
    %get3A_1385 = arith.constant 0 : i32
    %get3A_1386 = arith.index_cast %get3A_1385 : i32 to index
    %get3A_1387 = arith.constant 48 : index
    %get3A_1388 = tpu.vector_load %arg5[%get3A_1386, %get3A_1387] {strides = array<i32>} : memref<1x512xi32, #tpu.memory_space<vmem>>, vector<1x16xi32>,
    %get3A_1389 = vector.shape_cast %get3A_1388 : vector<1x16xi32> to vector<16xi32>
    %add3A_1390 = arith.constant 1204224 : i32
    %add3A_1391 = vector.broadcast %add3A_1390 : i32 to vector<16xi32>
    %add3A_1392 = arith.addi %get3A_1389, %add3A_1391 : vector<16xi32>
    %swap3A_1393 = arith.constant 12 : i32
    %swap3A_1394 = arith.index_cast %swap3A_1393 : i32 to index
    %swap3A_1395 = arith.constant 48 : index
    %swap3A_1396 = tpu.vector_load %arg6[%swap3A_1394, %swap3A_1395] {strides = array<i32>} : memref<24x128xi32, #tpu.memory_space<vmem>>, vector<1x16xi32>,
    %swap3A_1397 = vector.shape_cast %swap3A_1396 : vector<1x16xi32> to vector<16xi32>
    %swap3A_1398 = vector.shape_cast %add3A_1392 : vector<16xi32> to vector<1x16xi32>
    tpu.vector_store %arg6[%swap3A_1394, %swap3A_1395], %swap3A_1398 {strides = array<i32>} : memref<24x128xi32, #tpu.memory_space<vmem>>, vector<1x16xi32>,
    %get3A_1399 = arith.constant 0 : i32
    %get3A_1400 = arith.index_cast %get3A_1399 : i32 to index
    %get3A_1401 = arith.constant 64 : index
    %get3A_1402 = tpu.vector_load %arg5[%get3A_1400, %get3A_1401] {strides = array<i32>} : memref<1x512xi32, #tpu.memory_space<vmem>>, vector<1x16xi32>,
    %get3A_1403 = vector.shape_cast %get3A_1402 : vector<1x16xi32> to vector<16xi32>
    %add3A_1404 = arith.constant 1354752 : i32
    %add3A_1405 = vector.broadcast %add3A_1404 : i32 to vector<16xi32>
    %add3A_1406 = arith.addi %get3A_1403, %add3A_1405 : vector<16xi32>
    %swap3A_1407 = arith.constant 12 : i32
    %swap3A_1408 = arith.index_cast %swap3A_1407 : i32 to index
    %swap3A_1409 = arith.constant 64 : index
    %swap3A_1410 = tpu.vector_load %arg6[%swap3A_1408, %swap3A_1409] {strides = array<i32>} : memref<24x128xi32, #tpu.memory_space<vmem>>, vector<1x16xi32>,
    %swap3A_1411 = vector.shape_cast %swap3A_1410 : vector<1x16xi32> to vector<16xi32>
    %swap3A_1412 = vector.shape_cast %add3A_1406 : vector<16xi32> to vector<1x16xi32>
    tpu.vector_store %arg6[%swap3A_1408, %swap3A_1409], %swap3A_1412 {strides = array<i32>} : memref<24x128xi32, #tpu.memory_space<vmem>>, vector<1x16xi32>,
    %get3A_1413 = arith.constant 0 : i32
    %get3A_1414 = arith.index_cast %get3A_1413 : i32 to index
    %get3A_1415 = arith.constant 80 : index
    %get3A_1416 = tpu.vector_load %arg5[%get3A_1414, %get3A_1415] {strides = array<i32>} : memref<1x512xi32, #tpu.memory_space<vmem>>, vector<1x16xi32>,
    %get3A_1417 = vector.shape_cast %get3A_1416 : vector<1x16xi32> to vector<16xi32>
    %add3A_1418 = arith.constant 1354752 : i32
    %add3A_1419 = vector.broadcast %add3A_1418 : i32 to vector<16xi32>
    %add3A_1420 = arith.addi %get3A_1417, %add3A_1419 : vector<16xi32>
    %swap3A_1421 = arith.constant 12 : i32
    %swap3A_1422 = arith.index_cast %swap3A_1421 : i32 to index
    %swap3A_1423 = arith.constant 80 : index
    %swap3A_1424 = tpu.vector_load %arg6[%swap3A_1422, %swap3A_1423] {strides = array<i32>} : memref<24x128xi32, #tpu.memory_space<vmem>>, vector<1x16xi32>,
    %swap3A_1425 = vector.shape_cast %swap3A_1424 : vector<1x16xi32> to vector<16xi32>
    %swap3A_1426 = vector.shape_cast %add3A_1420 : vector<16xi32> to vector<1x16xi32>
    tpu.vector_store %arg6[%swap3A_1422, %swap3A_1423], %swap3A_1426 {strides = array<i32>} : memref<24x128xi32, #tpu.memory_space<vmem>>, vector<1x16xi32>,
    %get3A_1427 = arith.constant 0 : i32
    %get3A_1428 = arith.index_cast %get3A_1427 : i32 to index
    %get3A_1429 = arith.constant 96 : index
    %get3A_1430 = tpu.vector_load %arg5[%get3A_1428, %get3A_1429] {strides = array<i32>} : memref<1x512xi32, #tpu.memory_space<vmem>>, vector<1x16xi32>,
    %get3A_1431 = vector.shape_cast %get3A_1430 : vector<1x16xi32> to vector<16xi32>
    %add3A_1432 = arith.constant 1354752 : i32
    %add3A_1433 = vector.broadcast %add3A_1432 : i32 to vector<16xi32>
    %add3A_1434 = arith.addi %get3A_1431, %add3A_1433 : vector<16xi32>
    %swap3A_1435 = arith.constant 12 : i32
    %swap3A_1436 = arith.index_cast %swap3A_1435 : i32 to index
    %swap3A_1437 = arith.constant 96 : index
    %swap3A_1438 = tpu.vector_load %arg6[%swap3A_1436, %swap3A_1437] {strides = array<i32>} : memref<24x128xi32, #tpu.memory_space<vmem>>, vector<1x16xi32>,
    %swap3A_1439 = vector.shape_cast %swap3A_1438 : vector<1x16xi32> to vector<16xi32>
    %swap3A_1440 = vector.shape_cast %add3A_1434 : vector<16xi32> to vector<1x16xi32>
    tpu.vector_store %arg6[%swap3A_1436, %swap3A_1437], %swap3A_1440 {strides = array<i32>} : memref<24x128xi32, #tpu.memory_space<vmem>>, vector<1x16xi32>,
    %get3A_1441 = arith.constant 0 : i32
    %get3A_1442 = arith.index_cast %get3A_1441 : i32 to index
    %get3A_1443 = arith.constant 112 : index
    %get3A_1444 = tpu.vector_load %arg5[%get3A_1442, %get3A_1443] {strides = array<i32>} : memref<1x512xi32, #tpu.memory_space<vmem>>, vector<1x16xi32>,
    %get3A_1445 = vector.shape_cast %get3A_1444 : vector<1x16xi32> to vector<16xi32>
    %add3A_1446 = arith.constant 1354752 : i32
    %add3A_1447 = vector.broadcast %add3A_1446 : i32 to vector<16xi32>
    %add3A_1448 = arith.addi %get3A_1445, %add3A_1447 : vector<16xi32>
    %swap3A_1449 = arith.constant 12 : i32
    %swap3A_1450 = arith.index_cast %swap3A_1449 : i32 to index
    %swap3A_1451 = arith.constant 112 : index
    %swap3A_1452 = tpu.vector_load %arg6[%swap3A_1450, %swap3A_1451] {strides = array<i32>} : memref<24x128xi32, #tpu.memory_space<vmem>>, vector<1x16xi32>,
    %swap3A_1453 = vector.shape_cast %swap3A_1452 : vector<1x16xi32> to vector<16xi32>
    %swap3A_1454 = vector.shape_cast %add3A_1448 : vector<16xi32> to vector<1x16xi32>
    tpu.vector_store %arg6[%swap3A_1450, %swap3A_1451], %swap3A_1454 {strides = array<i32>} : memref<24x128xi32, #tpu.memory_space<vmem>>, vector<1x16xi32>,
    %get3A_1455 = arith.constant 0 : i32
    %get3A_1456 = arith.index_cast %get3A_1455 : i32 to index
    %get3A_1457 = arith.constant 128 : index
    %get3A_1458 = tpu.vector_load %arg5[%get3A_1456, %get3A_1457] {strides = array<i32>} : memref<1x512xi32, #tpu.memory_space<vmem>>, vector<1x16xi32>,
    %get3A_1459 = vector.shape_cast %get3A_1458 : vector<1x16xi32> to vector<16xi32>
    %add3A_1460 = arith.constant 1505280 : i32
    %add3A_1461 = vector.broadcast %add3A_1460 : i32 to vector<16xi32>
    %add3A_1462 = arith.addi %get3A_1459, %add3A_1461 : vector<16xi32>
    %swap3A_1463 = arith.constant 13 : i32
    %swap3A_1464 = arith.index_cast %swap3A_1463 : i32 to index
    %swap3A_1465 = arith.constant 0 : index
    %swap3A_1466 = tpu.vector_load %arg6[%swap3A_1464, %swap3A_1465] {strides = array<i32>} : memref<24x128xi32, #tpu.memory_space<vmem>>, vector<1x16xi32>,
    %swap3A_1467 = vector.shape_cast %swap3A_1466 : vector<1x16xi32> to vector<16xi32>
    %swap3A_1468 = vector.shape_cast %add3A_1462 : vector<16xi32> to vector<1x16xi32>
    tpu.vector_store %arg6[%swap3A_1464, %swap3A_1465], %swap3A_1468 {strides = array<i32>} : memref<24x128xi32, #tpu.memory_space<vmem>>, vector<1x16xi32>,
    %get3A_1469 = arith.constant 0 : i32
    %get3A_1470 = arith.index_cast %get3A_1469 : i32 to index
    %get3A_1471 = arith.constant 144 : index
    %get3A_1472 = tpu.vector_load %arg5[%get3A_1470, %get3A_1471] {strides = array<i32>} : memref<1x512xi32, #tpu.memory_space<vmem>>, vector<1x16xi32>,
    %get3A_1473 = vector.shape_cast %get3A_1472 : vector<1x16xi32> to vector<16xi32>
    %add3A_1474 = arith.constant 1505280 : i32
    %add3A_1475 = vector.broadcast %add3A_1474 : i32 to vector<16xi32>
    %add3A_1476 = arith.addi %get3A_1473, %add3A_1475 : vector<16xi32>
    %swap3A_1477 = arith.constant 13 : i32
    %swap3A_1478 = arith.index_cast %swap3A_1477 : i32 to index
    %swap3A_1479 = arith.constant 16 : index
    %swap3A_1480 = tpu.vector_load %arg6[%swap3A_1478, %swap3A_1479] {strides = array<i32>} : memref<24x128xi32, #tpu.memory_space<vmem>>, vector<1x16xi32>,
    %swap3A_1481 = vector.shape_cast %swap3A_1480 : vector<1x16xi32> to vector<16xi32>
    %swap3A_1482 = vector.shape_cast %add3A_1476 : vector<16xi32> to vector<1x16xi32>
    tpu.vector_store %arg6[%swap3A_1478, %swap3A_1479], %swap3A_1482 {strides = array<i32>} : memref<24x128xi32, #tpu.memory_space<vmem>>, vector<1x16xi32>,
    %get3A_1483 = arith.constant 0 : i32
    %get3A_1484 = arith.index_cast %get3A_1483 : i32 to index
    %get3A_1485 = arith.constant 160 : index
    %get3A_1486 = tpu.vector_load %arg5[%get3A_1484, %get3A_1485] {strides = array<i32>} : memref<1x512xi32, #tpu.memory_space<vmem>>, vector<1x16xi32>,
    %get3A_1487 = vector.shape_cast %get3A_1486 : vector<1x16xi32> to vector<16xi32>
    %add3A_1488 = arith.constant 1505280 : i32
    %add3A_1489 = vector.broadcast %add3A_1488 : i32 to vector<16xi32>
    %add3A_1490 = arith.addi %get3A_1487, %add3A_1489 : vector<16xi32>
    %swap3A_1491 = arith.constant 13 : i32
    %swap3A_1492 = arith.index_cast %swap3A_1491 : i32 to index
    %swap3A_1493 = arith.constant 32 : index
    %swap3A_1494 = tpu.vector_load %arg6[%swap3A_1492, %swap3A_1493] {strides = array<i32>} : memref<24x128xi32, #tpu.memory_space<vmem>>, vector<1x16xi32>,
    %swap3A_1495 = vector.shape_cast %swap3A_1494 : vector<1x16xi32> to vector<16xi32>
    %swap3A_1496 = vector.shape_cast %add3A_1490 : vector<16xi32> to vector<1x16xi32>
    tpu.vector_store %arg6[%swap3A_1492, %swap3A_1493], %swap3A_1496 {strides = array<i32>} : memref<24x128xi32, #tpu.memory_space<vmem>>, vector<1x16xi32>,
    %get3A_1497 = arith.constant 0 : i32
    %get3A_1498 = arith.index_cast %get3A_1497 : i32 to index
    %get3A_1499 = arith.constant 176 : index
    %get3A_1500 = tpu.vector_load %arg5[%get3A_1498, %get3A_1499] {strides = array<i32>} : memref<1x512xi32, #tpu.memory_space<vmem>>, vector<1x16xi32>,
    %get3A_1501 = vector.shape_cast %get3A_1500 : vector<1x16xi32> to vector<16xi32>
    %add3A_1502 = arith.constant 1505280 : i32
    %add3A_1503 = vector.broadcast %add3A_1502 : i32 to vector<16xi32>
    %add3A_1504 = arith.addi %get3A_1501, %add3A_1503 : vector<16xi32>
    %swap3A_1505 = arith.constant 13 : i32
    %swap3A_1506 = arith.index_cast %swap3A_1505 : i32 to index
    %swap3A_1507 = arith.constant 48 : index
    %swap3A_1508 = tpu.vector_load %arg6[%swap3A_1506, %swap3A_1507] {strides = array<i32>} : memref<24x128xi32, #tpu.memory_space<vmem>>, vector<1x16xi32>,
    %swap3A_1509 = vector.shape_cast %swap3A_1508 : vector<1x16xi32> to vector<16xi32>
    %swap3A_1510 = vector.shape_cast %add3A_1504 : vector<16xi32> to vector<1x16xi32>
    tpu.vector_store %arg6[%swap3A_1506, %swap3A_1507], %swap3A_1510 {strides = array<i32>} : memref<24x128xi32, #tpu.memory_space<vmem>>, vector<1x16xi32>,
    %get3A_1511 = arith.constant 0 : i32
    %get3A_1512 = arith.index_cast %get3A_1511 : i32 to index
    %get3A_1513 = arith.constant 192 : index
    %get3A_1514 = tpu.vector_load %arg5[%get3A_1512, %get3A_1513] {strides = array<i32>} : memref<1x512xi32, #tpu.memory_space<vmem>>, vector<1x16xi32>,
    %get3A_1515 = vector.shape_cast %get3A_1514 : vector<1x16xi32> to vector<16xi32>
    %add3A_1516 = arith.constant 1655808 : i32
    %add3A_1517 = vector.broadcast %add3A_1516 : i32 to vector<16xi32>
    %add3A_1518 = arith.addi %get3A_1515, %add3A_1517 : vector<16xi32>
    %swap3A_1519 = arith.constant 13 : i32
    %swap3A_1520 = arith.index_cast %swap3A_1519 : i32 to index
    %swap3A_1521 = arith.constant 64 : index
    %swap3A_1522 = tpu.vector_load %arg6[%swap3A_1520, %swap3A_1521] {strides = array<i32>} : memref<24x128xi32, #tpu.memory_space<vmem>>, vector<1x16xi32>,
    %swap3A_1523 = vector.shape_cast %swap3A_1522 : vector<1x16xi32> to vector<16xi32>
    %swap3A_1524 = vector.shape_cast %add3A_1518 : vector<16xi32> to vector<1x16xi32>
    tpu.vector_store %arg6[%swap3A_1520, %swap3A_1521], %swap3A_1524 {strides = array<i32>} : memref<24x128xi32, #tpu.memory_space<vmem>>, vector<1x16xi32>,
    %get3A_1525 = arith.constant 0 : i32
    %get3A_1526 = arith.index_cast %get3A_1525 : i32 to index
    %get3A_1527 = arith.constant 208 : index
    %get3A_1528 = tpu.vector_load %arg5[%get3A_1526, %get3A_1527] {strides = array<i32>} : memref<1x512xi32, #tpu.memory_space<vmem>>, vector<1x16xi32>,
    %get3A_1529 = vector.shape_cast %get3A_1528 : vector<1x16xi32> to vector<16xi32>
    %add3A_1530 = arith.constant 1655808 : i32
    %add3A_1531 = vector.broadcast %add3A_1530 : i32 to vector<16xi32>
    %add3A_1532 = arith.addi %get3A_1529, %add3A_1531 : vector<16xi32>
    %swap3A_1533 = arith.constant 13 : i32
    %swap3A_1534 = arith.index_cast %swap3A_1533 : i32 to index
    %swap3A_1535 = arith.constant 80 : index
    %swap3A_1536 = tpu.vector_load %arg6[%swap3A_1534, %swap3A_1535] {strides = array<i32>} : memref<24x128xi32, #tpu.memory_space<vmem>>, vector<1x16xi32>,
    %swap3A_1537 = vector.shape_cast %swap3A_1536 : vector<1x16xi32> to vector<16xi32>
    %swap3A_1538 = vector.shape_cast %add3A_1532 : vector<16xi32> to vector<1x16xi32>
    tpu.vector_store %arg6[%swap3A_1534, %swap3A_1535], %swap3A_1538 {strides = array<i32>} : memref<24x128xi32, #tpu.memory_space<vmem>>, vector<1x16xi32>,
    %get3A_1539 = arith.constant 0 : i32
    %get3A_1540 = arith.index_cast %get3A_1539 : i32 to index
    %get3A_1541 = arith.constant 224 : index
    %get3A_1542 = tpu.vector_load %arg5[%get3A_1540, %get3A_1541] {strides = array<i32>} : memref<1x512xi32, #tpu.memory_space<vmem>>, vector<1x16xi32>,
    %get3A_1543 = vector.shape_cast %get3A_1542 : vector<1x16xi32> to vector<16xi32>
    %add3A_1544 = arith.constant 1655808 : i32
    %add3A_1545 = vector.broadcast %add3A_1544 : i32 to vector<16xi32>
    %add3A_1546 = arith.addi %get3A_1543, %add3A_1545 : vector<16xi32>
    %swap3A_1547 = arith.constant 13 : i32
    %swap3A_1548 = arith.index_cast %swap3A_1547 : i32 to index
    %swap3A_1549 = arith.constant 96 : index
    %swap3A_1550 = tpu.vector_load %arg6[%swap3A_1548, %swap3A_1549] {strides = array<i32>} : memref<24x128xi32, #tpu.memory_space<vmem>>, vector<1x16xi32>,
    %swap3A_1551 = vector.shape_cast %swap3A_1550 : vector<1x16xi32> to vector<16xi32>
    %swap3A_1552 = vector.shape_cast %add3A_1546 : vector<16xi32> to vector<1x16xi32>
    tpu.vector_store %arg6[%swap3A_1548, %swap3A_1549], %swap3A_1552 {strides = array<i32>} : memref<24x128xi32, #tpu.memory_space<vmem>>, vector<1x16xi32>,
    %get3A_1553 = arith.constant 0 : i32
    %get3A_1554 = arith.index_cast %get3A_1553 : i32 to index
    %get3A_1555 = arith.constant 240 : index
    %get3A_1556 = tpu.vector_load %arg5[%get3A_1554, %get3A_1555] {strides = array<i32>} : memref<1x512xi32, #tpu.memory_space<vmem>>, vector<1x16xi32>,
    %get3A_1557 = vector.shape_cast %get3A_1556 : vector<1x16xi32> to vector<16xi32>
    %add3A_1558 = arith.constant 1655808 : i32
    %add3A_1559 = vector.broadcast %add3A_1558 : i32 to vector<16xi32>
    %add3A_1560 = arith.addi %get3A_1557, %add3A_1559 : vector<16xi32>
    %swap3A_1561 = arith.constant 13 : i32
    %swap3A_1562 = arith.index_cast %swap3A_1561 : i32 to index
    %swap3A_1563 = arith.constant 112 : index
    %swap3A_1564 = tpu.vector_load %arg6[%swap3A_1562, %swap3A_1563] {strides = array<i32>} : memref<24x128xi32, #tpu.memory_space<vmem>>, vector<1x16xi32>,
    %swap3A_1565 = vector.shape_cast %swap3A_1564 : vector<1x16xi32> to vector<16xi32>
    %swap3A_1566 = vector.shape_cast %add3A_1560 : vector<16xi32> to vector<1x16xi32>
    tpu.vector_store %arg6[%swap3A_1562, %swap3A_1563], %swap3A_1566 {strides = array<i32>} : memref<24x128xi32, #tpu.memory_space<vmem>>, vector<1x16xi32>,
    %get3A_1567 = arith.constant 0 : i32
    %get3A_1568 = arith.index_cast %get3A_1567 : i32 to index
    %get3A_1569 = arith.constant 256 : index
    %get3A_1570 = tpu.vector_load %arg5[%get3A_1568, %get3A_1569] {strides = array<i32>} : memref<1x512xi32, #tpu.memory_space<vmem>>, vector<1x16xi32>,
    %get3A_1571 = vector.shape_cast %get3A_1570 : vector<1x16xi32> to vector<16xi32>
    %add3A_1572 = arith.constant 1806336 : i32
    %add3A_1573 = vector.broadcast %add3A_1572 : i32 to vector<16xi32>
    %add3A_1574 = arith.addi %get3A_1571, %add3A_1573 : vector<16xi32>
    %swap3A_1575 = arith.constant 14 : i32
    %swap3A_1576 = arith.index_cast %swap3A_1575 : i32 to index
    %swap3A_1577 = arith.constant 0 : index
    %swap3A_1578 = tpu.vector_load %arg6[%swap3A_1576, %swap3A_1577] {strides = array<i32>} : memref<24x128xi32, #tpu.memory_space<vmem>>, vector<1x16xi32>,
    %swap3A_1579 = vector.shape_cast %swap3A_1578 : vector<1x16xi32> to vector<16xi32>
    %swap3A_1580 = vector.shape_cast %add3A_1574 : vector<16xi32> to vector<1x16xi32>
    tpu.vector_store %arg6[%swap3A_1576, %swap3A_1577], %swap3A_1580 {strides = array<i32>} : memref<24x128xi32, #tpu.memory_space<vmem>>, vector<1x16xi32>,
    %get3A_1581 = arith.constant 0 : i32
    %get3A_1582 = arith.index_cast %get3A_1581 : i32 to index
    %get3A_1583 = arith.constant 272 : index
    %get3A_1584 = tpu.vector_load %arg5[%get3A_1582, %get3A_1583] {strides = array<i32>} : memref<1x512xi32, #tpu.memory_space<vmem>>, vector<1x16xi32>,
    %get3A_1585 = vector.shape_cast %get3A_1584 : vector<1x16xi32> to vector<16xi32>
    %add3A_1586 = arith.constant 1806336 : i32
    %add3A_1587 = vector.broadcast %add3A_1586 : i32 to vector<16xi32>
    %add3A_1588 = arith.addi %get3A_1585, %add3A_1587 : vector<16xi32>
    %swap3A_1589 = arith.constant 14 : i32
    %swap3A_1590 = arith.index_cast %swap3A_1589 : i32 to index
    %swap3A_1591 = arith.constant 16 : index
    %swap3A_1592 = tpu.vector_load %arg6[%swap3A_1590, %swap3A_1591] {strides = array<i32>} : memref<24x128xi32, #tpu.memory_space<vmem>>, vector<1x16xi32>,
    %swap3A_1593 = vector.shape_cast %swap3A_1592 : vector<1x16xi32> to vector<16xi32>
    %swap3A_1594 = vector.shape_cast %add3A_1588 : vector<16xi32> to vector<1x16xi32>
    tpu.vector_store %arg6[%swap3A_1590, %swap3A_1591], %swap3A_1594 {strides = array<i32>} : memref<24x128xi32, #tpu.memory_space<vmem>>, vector<1x16xi32>,
    %get3A_1595 = arith.constant 0 : i32
    %get3A_1596 = arith.index_cast %get3A_1595 : i32 to index
    %get3A_1597 = arith.constant 288 : index
    %get3A_1598 = tpu.vector_load %arg5[%get3A_1596, %get3A_1597] {strides = array<i32>} : memref<1x512xi32, #tpu.memory_space<vmem>>, vector<1x16xi32>,
    %get3A_1599 = vector.shape_cast %get3A_1598 : vector<1x16xi32> to vector<16xi32>
    %add3A_1600 = arith.constant 1806336 : i32
    %add3A_1601 = vector.broadcast %add3A_1600 : i32 to vector<16xi32>
    %add3A_1602 = arith.addi %get3A_1599, %add3A_1601 : vector<16xi32>
    %swap3A_1603 = arith.constant 14 : i32
    %swap3A_1604 = arith.index_cast %swap3A_1603 : i32 to index
    %swap3A_1605 = arith.constant 32 : index
    %swap3A_1606 = tpu.vector_load %arg6[%swap3A_1604, %swap3A_1605] {strides = array<i32>} : memref<24x128xi32, #tpu.memory_space<vmem>>, vector<1x16xi32>,
    %swap3A_1607 = vector.shape_cast %swap3A_1606 : vector<1x16xi32> to vector<16xi32>
    %swap3A_1608 = vector.shape_cast %add3A_1602 : vector<16xi32> to vector<1x16xi32>
    tpu.vector_store %arg6[%swap3A_1604, %swap3A_1605], %swap3A_1608 {strides = array<i32>} : memref<24x128xi32, #tpu.memory_space<vmem>>, vector<1x16xi32>,
    %get3A_1609 = arith.constant 0 : i32
    %get3A_1610 = arith.index_cast %get3A_1609 : i32 to index
    %get3A_1611 = arith.constant 304 : index
    %get3A_1612 = tpu.vector_load %arg5[%get3A_1610, %get3A_1611] {strides = array<i32>} : memref<1x512xi32, #tpu.memory_space<vmem>>, vector<1x16xi32>,
    %get3A_1613 = vector.shape_cast %get3A_1612 : vector<1x16xi32> to vector<16xi32>
    %add3A_1614 = arith.constant 1806336 : i32
    %add3A_1615 = vector.broadcast %add3A_1614 : i32 to vector<16xi32>
    %add3A_1616 = arith.addi %get3A_1613, %add3A_1615 : vector<16xi32>
    %swap3A_1617 = arith.constant 14 : i32
    %swap3A_1618 = arith.index_cast %swap3A_1617 : i32 to index
    %swap3A_1619 = arith.constant 48 : index
    %swap3A_1620 = tpu.vector_load %arg6[%swap3A_1618, %swap3A_1619] {strides = array<i32>} : memref<24x128xi32, #tpu.memory_space<vmem>>, vector<1x16xi32>,
    %swap3A_1621 = vector.shape_cast %swap3A_1620 : vector<1x16xi32> to vector<16xi32>
    %swap3A_1622 = vector.shape_cast %add3A_1616 : vector<16xi32> to vector<1x16xi32>
    tpu.vector_store %arg6[%swap3A_1618, %swap3A_1619], %swap3A_1622 {strides = array<i32>} : memref<24x128xi32, #tpu.memory_space<vmem>>, vector<1x16xi32>,
    %get3A_1623 = arith.constant 0 : i32
    %get3A_1624 = arith.index_cast %get3A_1623 : i32 to index
    %get3A_1625 = arith.constant 320 : index
    %get3A_1626 = tpu.vector_load %arg5[%get3A_1624, %get3A_1625] {strides = array<i32>} : memref<1x512xi32, #tpu.memory_space<vmem>>, vector<1x16xi32>,
    %get3A_1627 = vector.shape_cast %get3A_1626 : vector<1x16xi32> to vector<16xi32>
    %add3A_1628 = arith.constant 1956864 : i32
    %add3A_1629 = vector.broadcast %add3A_1628 : i32 to vector<16xi32>
    %add3A_1630 = arith.addi %get3A_1627, %add3A_1629 : vector<16xi32>
    %swap3A_1631 = arith.constant 14 : i32
    %swap3A_1632 = arith.index_cast %swap3A_1631 : i32 to index
    %swap3A_1633 = arith.constant 64 : index
    %swap3A_1634 = tpu.vector_load %arg6[%swap3A_1632, %swap3A_1633] {strides = array<i32>} : memref<24x128xi32, #tpu.memory_space<vmem>>, vector<1x16xi32>,
    %swap3A_1635 = vector.shape_cast %swap3A_1634 : vector<1x16xi32> to vector<16xi32>
    %swap3A_1636 = vector.shape_cast %add3A_1630 : vector<16xi32> to vector<1x16xi32>
    tpu.vector_store %arg6[%swap3A_1632, %swap3A_1633], %swap3A_1636 {strides = array<i32>} : memref<24x128xi32, #tpu.memory_space<vmem>>, vector<1x16xi32>,
    %get3A_1637 = arith.constant 0 : i32
    %get3A_1638 = arith.index_cast %get3A_1637 : i32 to index
    %get3A_1639 = arith.constant 336 : index
    %get3A_1640 = tpu.vector_load %arg5[%get3A_1638, %get3A_1639] {strides = array<i32>} : memref<1x512xi32, #tpu.memory_space<vmem>>, vector<1x16xi32>,
    %get3A_1641 = vector.shape_cast %get3A_1640 : vector<1x16xi32> to vector<16xi32>
    %add3A_1642 = arith.constant 1956864 : i32
    %add3A_1643 = vector.broadcast %add3A_1642 : i32 to vector<16xi32>
    %add3A_1644 = arith.addi %get3A_1641, %add3A_1643 : vector<16xi32>
    %swap3A_1645 = arith.constant 14 : i32
    %swap3A_1646 = arith.index_cast %swap3A_1645 : i32 to index
    %swap3A_1647 = arith.constant 80 : index
    %swap3A_1648 = tpu.vector_load %arg6[%swap3A_1646, %swap3A_1647] {strides = array<i32>} : memref<24x128xi32, #tpu.memory_space<vmem>>, vector<1x16xi32>,
    %swap3A_1649 = vector.shape_cast %swap3A_1648 : vector<1x16xi32> to vector<16xi32>
    %swap3A_1650 = vector.shape_cast %add3A_1644 : vector<16xi32> to vector<1x16xi32>
    tpu.vector_store %arg6[%swap3A_1646, %swap3A_1647], %swap3A_1650 {strides = array<i32>} : memref<24x128xi32, #tpu.memory_space<vmem>>, vector<1x16xi32>,
    %get3A_1651 = arith.constant 0 : i32
    %get3A_1652 = arith.index_cast %get3A_1651 : i32 to index
    %get3A_1653 = arith.constant 352 : index
    %get3A_1654 = tpu.vector_load %arg5[%get3A_1652, %get3A_1653] {strides = array<i32>} : memref<1x512xi32, #tpu.memory_space<vmem>>, vector<1x16xi32>,
    %get3A_1655 = vector.shape_cast %get3A_1654 : vector<1x16xi32> to vector<16xi32>
    %add3A_1656 = arith.constant 1956864 : i32
    %add3A_1657 = vector.broadcast %add3A_1656 : i32 to vector<16xi32>
    %add3A_1658 = arith.addi %get3A_1655, %add3A_1657 : vector<16xi32>
    %swap3A_1659 = arith.constant 14 : i32
    %swap3A_1660 = arith.index_cast %swap3A_1659 : i32 to index
    %swap3A_1661 = arith.constant 96 : index
    %swap3A_1662 = tpu.vector_load %arg6[%swap3A_1660, %swap3A_1661] {strides = array<i32>} : memref<24x128xi32, #tpu.memory_space<vmem>>, vector<1x16xi32>,
    %swap3A_1663 = vector.shape_cast %swap3A_1662 : vector<1x16xi32> to vector<16xi32>
    %swap3A_1664 = vector.shape_cast %add3A_1658 : vector<16xi32> to vector<1x16xi32>
    tpu.vector_store %arg6[%swap3A_1660, %swap3A_1661], %swap3A_1664 {strides = array<i32>} : memref<24x128xi32, #tpu.memory_space<vmem>>, vector<1x16xi32>,
    %get3A_1665 = arith.constant 0 : i32
    %get3A_1666 = arith.index_cast %get3A_1665 : i32 to index
    %get3A_1667 = arith.constant 368 : index
    %get3A_1668 = tpu.vector_load %arg5[%get3A_1666, %get3A_1667] {strides = array<i32>} : memref<1x512xi32, #tpu.memory_space<vmem>>, vector<1x16xi32>,
    %get3A_1669 = vector.shape_cast %get3A_1668 : vector<1x16xi32> to vector<16xi32>
    %add3A_1670 = arith.constant 1956864 : i32
    %add3A_1671 = vector.broadcast %add3A_1670 : i32 to vector<16xi32>
    %add3A_1672 = arith.addi %get3A_1669, %add3A_1671 : vector<16xi32>
    %swap3A_1673 = arith.constant 14 : i32
    %swap3A_1674 = arith.index_cast %swap3A_1673 : i32 to index
    %swap3A_1675 = arith.constant 112 : index
    %swap3A_1676 = tpu.vector_load %arg6[%swap3A_1674, %swap3A_1675] {strides = array<i32>} : memref<24x128xi32, #tpu.memory_space<vmem>>, vector<1x16xi32>,
    %swap3A_1677 = vector.shape_cast %swap3A_1676 : vector<1x16xi32> to vector<16xi32>
    %swap3A_1678 = vector.shape_cast %add3A_1672 : vector<16xi32> to vector<1x16xi32>
    tpu.vector_store %arg6[%swap3A_1674, %swap3A_1675], %swap3A_1678 {strides = array<i32>} : memref<24x128xi32, #tpu.memory_space<vmem>>, vector<1x16xi32>,
    %get3A_1679 = arith.constant 0 : i32
    %get3A_1680 = arith.index_cast %get3A_1679 : i32 to index
    %get3A_1681 = arith.constant 384 : index
    %get3A_1682 = tpu.vector_load %arg5[%get3A_1680, %get3A_1681] {strides = array<i32>} : memref<1x512xi32, #tpu.memory_space<vmem>>, vector<1x16xi32>,
    %get3A_1683 = vector.shape_cast %get3A_1682 : vector<1x16xi32> to vector<16xi32>
    %add3A_1684 = arith.constant 2107392 : i32
    %add3A_1685 = vector.broadcast %add3A_1684 : i32 to vector<16xi32>
    %add3A_1686 = arith.addi %get3A_1683, %add3A_1685 : vector<16xi32>
    %swap3A_1687 = arith.constant 15 : i32
    %swap3A_1688 = arith.index_cast %swap3A_1687 : i32 to index
    %swap3A_1689 = arith.constant 0 : index
    %swap3A_1690 = tpu.vector_load %arg6[%swap3A_1688, %swap3A_1689] {strides = array<i32>} : memref<24x128xi32, #tpu.memory_space<vmem>>, vector<1x16xi32>,
    %swap3A_1691 = vector.shape_cast %swap3A_1690 : vector<1x16xi32> to vector<16xi32>
    %swap3A_1692 = vector.shape_cast %add3A_1686 : vector<16xi32> to vector<1x16xi32>
    tpu.vector_store %arg6[%swap3A_1688, %swap3A_1689], %swap3A_1692 {strides = array<i32>} : memref<24x128xi32, #tpu.memory_space<vmem>>, vector<1x16xi32>,
    %get3A_1693 = arith.constant 0 : i32
    %get3A_1694 = arith.index_cast %get3A_1693 : i32 to index
    %get3A_1695 = arith.constant 400 : index
    %get3A_1696 = tpu.vector_load %arg5[%get3A_1694, %get3A_1695] {strides = array<i32>} : memref<1x512xi32, #tpu.memory_space<vmem>>, vector<1x16xi32>,
    %get3A_1697 = vector.shape_cast %get3A_1696 : vector<1x16xi32> to vector<16xi32>
    %add3A_1698 = arith.constant 2107392 : i32
    %add3A_1699 = vector.broadcast %add3A_1698 : i32 to vector<16xi32>
    %add3A_1700 = arith.addi %get3A_1697, %add3A_1699 : vector<16xi32>
    %swap3A_1701 = arith.constant 15 : i32
    %swap3A_1702 = arith.index_cast %swap3A_1701 : i32 to index
    %swap3A_1703 = arith.constant 16 : index
    %swap3A_1704 = tpu.vector_load %arg6[%swap3A_1702, %swap3A_1703] {strides = array<i32>} : memref<24x128xi32, #tpu.memory_space<vmem>>, vector<1x16xi32>,
    %swap3A_1705 = vector.shape_cast %swap3A_1704 : vector<1x16xi32> to vector<16xi32>
    %swap3A_1706 = vector.shape_cast %add3A_1700 : vector<16xi32> to vector<1x16xi32>
    tpu.vector_store %arg6[%swap3A_1702, %swap3A_1703], %swap3A_1706 {strides = array<i32>} : memref<24x128xi32, #tpu.memory_space<vmem>>, vector<1x16xi32>,
    %get3A_1707 = arith.constant 0 : i32
    %get3A_1708 = arith.index_cast %get3A_1707 : i32 to index
    %get3A_1709 = arith.constant 416 : index
    %get3A_1710 = tpu.vector_load %arg5[%get3A_1708, %get3A_1709] {strides = array<i32>} : memref<1x512xi32, #tpu.memory_space<vmem>>, vector<1x16xi32>,
    %get3A_1711 = vector.shape_cast %get3A_1710 : vector<1x16xi32> to vector<16xi32>
    %add3A_1712 = arith.constant 2107392 : i32
    %add3A_1713 = vector.broadcast %add3A_1712 : i32 to vector<16xi32>
    %add3A_1714 = arith.addi %get3A_1711, %add3A_1713 : vector<16xi32>
    %swap3A_1715 = arith.constant 15 : i32
    %swap3A_1716 = arith.index_cast %swap3A_1715 : i32 to index
    %swap3A_1717 = arith.constant 32 : index
    %swap3A_1718 = tpu.vector_load %arg6[%swap3A_1716, %swap3A_1717] {strides = array<i32>} : memref<24x128xi32, #tpu.memory_space<vmem>>, vector<1x16xi32>,
    %swap3A_1719 = vector.shape_cast %swap3A_1718 : vector<1x16xi32> to vector<16xi32>
    %swap3A_1720 = vector.shape_cast %add3A_1714 : vector<16xi32> to vector<1x16xi32>
    tpu.vector_store %arg6[%swap3A_1716, %swap3A_1717], %swap3A_1720 {strides = array<i32>} : memref<24x128xi32, #tpu.memory_space<vmem>>, vector<1x16xi32>,
    %get3A_1721 = arith.constant 0 : i32
    %get3A_1722 = arith.index_cast %get3A_1721 : i32 to index
    %get3A_1723 = arith.constant 432 : index
    %get3A_1724 = tpu.vector_load %arg5[%get3A_1722, %get3A_1723] {strides = array<i32>} : memref<1x512xi32, #tpu.memory_space<vmem>>, vector<1x16xi32>,
    %get3A_1725 = vector.shape_cast %get3A_1724 : vector<1x16xi32> to vector<16xi32>
    %add3A_1726 = arith.constant 2107392 : i32
    %add3A_1727 = vector.broadcast %add3A_1726 : i32 to vector<16xi32>
    %add3A_1728 = arith.addi %get3A_1725, %add3A_1727 : vector<16xi32>
    %swap3A_1729 = arith.constant 15 : i32
    %swap3A_1730 = arith.index_cast %swap3A_1729 : i32 to index
    %swap3A_1731 = arith.constant 48 : index
    %swap3A_1732 = tpu.vector_load %arg6[%swap3A_1730, %swap3A_1731] {strides = array<i32>} : memref<24x128xi32, #tpu.memory_space<vmem>>, vector<1x16xi32>,
    %swap3A_1733 = vector.shape_cast %swap3A_1732 : vector<1x16xi32> to vector<16xi32>
    %swap3A_1734 = vector.shape_cast %add3A_1728 : vector<16xi32> to vector<1x16xi32>
    tpu.vector_store %arg6[%swap3A_1730, %swap3A_1731], %swap3A_1734 {strides = array<i32>} : memref<24x128xi32, #tpu.memory_space<vmem>>, vector<1x16xi32>,
    %get3A_1735 = arith.constant 0 : i32
    %get3A_1736 = arith.index_cast %get3A_1735 : i32 to index
    %get3A_1737 = arith.constant 448 : index
    %get3A_1738 = tpu.vector_load %arg5[%get3A_1736, %get3A_1737] {strides = array<i32>} : memref<1x512xi32, #tpu.memory_space<vmem>>, vector<1x16xi32>,
    %get3A_1739 = vector.shape_cast %get3A_1738 : vector<1x16xi32> to vector<16xi32>
    %add3A_1740 = arith.constant 2257920 : i32
    %add3A_1741 = vector.broadcast %add3A_1740 : i32 to vector<16xi32>
    %add3A_1742 = arith.addi %get3A_1739, %add3A_1741 : vector<16xi32>
    %swap3A_1743 = arith.constant 15 : i32
    %swap3A_1744 = arith.index_cast %swap3A_1743 : i32 to index
    %swap3A_1745 = arith.constant 64 : index
    %swap3A_1746 = tpu.vector_load %arg6[%swap3A_1744, %swap3A_1745] {strides = array<i32>} : memref<24x128xi32, #tpu.memory_space<vmem>>, vector<1x16xi32>,
    %swap3A_1747 = vector.shape_cast %swap3A_1746 : vector<1x16xi32> to vector<16xi32>
    %swap3A_1748 = vector.shape_cast %add3A_1742 : vector<16xi32> to vector<1x16xi32>
    tpu.vector_store %arg6[%swap3A_1744, %swap3A_1745], %swap3A_1748 {strides = array<i32>} : memref<24x128xi32, #tpu.memory_space<vmem>>, vector<1x16xi32>,
    %get3A_1749 = arith.constant 0 : i32
    %get3A_1750 = arith.index_cast %get3A_1749 : i32 to index
    %get3A_1751 = arith.constant 464 : index
    %get3A_1752 = tpu.vector_load %arg5[%get3A_1750, %get3A_1751] {strides = array<i32>} : memref<1x512xi32, #tpu.memory_space<vmem>>, vector<1x16xi32>,
    %get3A_1753 = vector.shape_cast %get3A_1752 : vector<1x16xi32> to vector<16xi32>
    %add3A_1754 = arith.constant 2257920 : i32
    %add3A_1755 = vector.broadcast %add3A_1754 : i32 to vector<16xi32>
    %add3A_1756 = arith.addi %get3A_1753, %add3A_1755 : vector<16xi32>
    %swap3A_1757 = arith.constant 15 : i32
    %swap3A_1758 = arith.index_cast %swap3A_1757 : i32 to index
    %swap3A_1759 = arith.constant 80 : index
    %swap3A_1760 = tpu.vector_load %arg6[%swap3A_1758, %swap3A_1759] {strides = array<i32>} : memref<24x128xi32, #tpu.memory_space<vmem>>, vector<1x16xi32>,
    %swap3A_1761 = vector.shape_cast %swap3A_1760 : vector<1x16xi32> to vector<16xi32>
    %swap3A_1762 = vector.shape_cast %add3A_1756 : vector<16xi32> to vector<1x16xi32>
    tpu.vector_store %arg6[%swap3A_1758, %swap3A_1759], %swap3A_1762 {strides = array<i32>} : memref<24x128xi32, #tpu.memory_space<vmem>>, vector<1x16xi32>,
    %get3A_1763 = arith.constant 0 : i32
    %get3A_1764 = arith.index_cast %get3A_1763 : i32 to index
    %get3A_1765 = arith.constant 480 : index
    %get3A_1766 = tpu.vector_load %arg5[%get3A_1764, %get3A_1765] {strides = array<i32>} : memref<1x512xi32, #tpu.memory_space<vmem>>, vector<1x16xi32>,
    %get3A_1767 = vector.shape_cast %get3A_1766 : vector<1x16xi32> to vector<16xi32>
    %add3A_1768 = arith.constant 2257920 : i32
    %add3A_1769 = vector.broadcast %add3A_1768 : i32 to vector<16xi32>
    %add3A_1770 = arith.addi %get3A_1767, %add3A_1769 : vector<16xi32>
    %swap3A_1771 = arith.constant 15 : i32
    %swap3A_1772 = arith.index_cast %swap3A_1771 : i32 to index
    %swap3A_1773 = arith.constant 96 : index
    %swap3A_1774 = tpu.vector_load %arg6[%swap3A_1772, %swap3A_1773] {strides = array<i32>} : memref<24x128xi32, #tpu.memory_space<vmem>>, vector<1x16xi32>,
    %swap3A_1775 = vector.shape_cast %swap3A_1774 : vector<1x16xi32> to vector<16xi32>
    %swap3A_1776 = vector.shape_cast %add3A_1770 : vector<16xi32> to vector<1x16xi32>
    tpu.vector_store %arg6[%swap3A_1772, %swap3A_1773], %swap3A_1776 {strides = array<i32>} : memref<24x128xi32, #tpu.memory_space<vmem>>, vector<1x16xi32>,
    %get3A_1777 = arith.constant 0 : i32
    %get3A_1778 = arith.index_cast %get3A_1777 : i32 to index
    %get3A_1779 = arith.constant 496 : index
    %get3A_1780 = tpu.vector_load %arg5[%get3A_1778, %get3A_1779] {strides = array<i32>} : memref<1x512xi32, #tpu.memory_space<vmem>>, vector<1x16xi32>,
    %get3A_1781 = vector.shape_cast %get3A_1780 : vector<1x16xi32> to vector<16xi32>
    %add3A_1782 = arith.constant 2257920 : i32
    %add3A_1783 = vector.broadcast %add3A_1782 : i32 to vector<16xi32>
    %add3A_1784 = arith.addi %get3A_1781, %add3A_1783 : vector<16xi32>
    %swap3A_1785 = arith.constant 15 : i32
    %swap3A_1786 = arith.index_cast %swap3A_1785 : i32 to index
    %swap3A_1787 = arith.constant 112 : index
    %swap3A_1788 = tpu.vector_load %arg6[%swap3A_1786, %swap3A_1787] {strides = array<i32>} : memref<24x128xi32, #tpu.memory_space<vmem>>, vector<1x16xi32>,
    %swap3A_1789 = vector.shape_cast %swap3A_1788 : vector<1x16xi32> to vector<16xi32>
    %swap3A_1790 = vector.shape_cast %add3A_1784 : vector<16xi32> to vector<1x16xi32>
    tpu.vector_store %arg6[%swap3A_1786, %swap3A_1787], %swap3A_1790 {strides = array<i32>} : memref<24x128xi32, #tpu.memory_space<vmem>>, vector<1x16xi32>,
    %get3A_1791 = arith.constant 0 : i32
    %get3A_1792 = arith.index_cast %get3A_1791 : i32 to index
    %get3A_1793 = arith.constant 0 : index
    %get3A_1794 = tpu.vector_load %arg5[%get3A_1792, %get3A_1793] {strides = array<i32>} : memref<1x512xi32, #tpu.memory_space<vmem>>, vector<1x16xi32>,
    %get3A_1795 = vector.shape_cast %get3A_1794 : vector<1x16xi32> to vector<16xi32>
    %add3A_1796 = arith.constant 1254400 : i32
    %add3A_1797 = vector.broadcast %add3A_1796 : i32 to vector<16xi32>
    %add3A_1798 = arith.addi %get3A_1795, %add3A_1797 : vector<16xi32>
    %swap3A_1799 = arith.constant 16 : i32
    %swap3A_1800 = arith.index_cast %swap3A_1799 : i32 to index
    %swap3A_1801 = arith.constant 0 : index
    %swap3A_1802 = tpu.vector_load %arg6[%swap3A_1800, %swap3A_1801] {strides = array<i32>} : memref<24x128xi32, #tpu.memory_space<vmem>>, vector<1x16xi32>,
    %swap3A_1803 = vector.shape_cast %swap3A_1802 : vector<1x16xi32> to vector<16xi32>
    %swap3A_1804 = vector.shape_cast %add3A_1798 : vector<16xi32> to vector<1x16xi32>
    tpu.vector_store %arg6[%swap3A_1800, %swap3A_1801], %swap3A_1804 {strides = array<i32>} : memref<24x128xi32, #tpu.memory_space<vmem>>, vector<1x16xi32>,
    %get3A_1805 = arith.constant 0 : i32
    %get3A_1806 = arith.index_cast %get3A_1805 : i32 to index
    %get3A_1807 = arith.constant 16 : index
    %get3A_1808 = tpu.vector_load %arg5[%get3A_1806, %get3A_1807] {strides = array<i32>} : memref<1x512xi32, #tpu.memory_space<vmem>>, vector<1x16xi32>,
    %get3A_1809 = vector.shape_cast %get3A_1808 : vector<1x16xi32> to vector<16xi32>
    %add3A_1810 = arith.constant 1254400 : i32
    %add3A_1811 = vector.broadcast %add3A_1810 : i32 to vector<16xi32>
    %add3A_1812 = arith.addi %get3A_1809, %add3A_1811 : vector<16xi32>
    %swap3A_1813 = arith.constant 16 : i32
    %swap3A_1814 = arith.index_cast %swap3A_1813 : i32 to index
    %swap3A_1815 = arith.constant 16 : index
    %swap3A_1816 = tpu.vector_load %arg6[%swap3A_1814, %swap3A_1815] {strides = array<i32>} : memref<24x128xi32, #tpu.memory_space<vmem>>, vector<1x16xi32>,
    %swap3A_1817 = vector.shape_cast %swap3A_1816 : vector<1x16xi32> to vector<16xi32>
    %swap3A_1818 = vector.shape_cast %add3A_1812 : vector<16xi32> to vector<1x16xi32>
    tpu.vector_store %arg6[%swap3A_1814, %swap3A_1815], %swap3A_1818 {strides = array<i32>} : memref<24x128xi32, #tpu.memory_space<vmem>>, vector<1x16xi32>,
    %get3A_1819 = arith.constant 0 : i32
    %get3A_1820 = arith.index_cast %get3A_1819 : i32 to index
    %get3A_1821 = arith.constant 32 : index
    %get3A_1822 = tpu.vector_load %arg5[%get3A_1820, %get3A_1821] {strides = array<i32>} : memref<1x512xi32, #tpu.memory_space<vmem>>, vector<1x16xi32>,
    %get3A_1823 = vector.shape_cast %get3A_1822 : vector<1x16xi32> to vector<16xi32>
    %add3A_1824 = arith.constant 1254400 : i32
    %add3A_1825 = vector.broadcast %add3A_1824 : i32 to vector<16xi32>
    %add3A_1826 = arith.addi %get3A_1823, %add3A_1825 : vector<16xi32>
    %swap3A_1827 = arith.constant 16 : i32
    %swap3A_1828 = arith.index_cast %swap3A_1827 : i32 to index
    %swap3A_1829 = arith.constant 32 : index
    %swap3A_1830 = tpu.vector_load %arg6[%swap3A_1828, %swap3A_1829] {strides = array<i32>} : memref<24x128xi32, #tpu.memory_space<vmem>>, vector<1x16xi32>,
    %swap3A_1831 = vector.shape_cast %swap3A_1830 : vector<1x16xi32> to vector<16xi32>
    %swap3A_1832 = vector.shape_cast %add3A_1826 : vector<16xi32> to vector<1x16xi32>
    tpu.vector_store %arg6[%swap3A_1828, %swap3A_1829], %swap3A_1832 {strides = array<i32>} : memref<24x128xi32, #tpu.memory_space<vmem>>, vector<1x16xi32>,
    %get3A_1833 = arith.constant 0 : i32
    %get3A_1834 = arith.index_cast %get3A_1833 : i32 to index
    %get3A_1835 = arith.constant 48 : index
    %get3A_1836 = tpu.vector_load %arg5[%get3A_1834, %get3A_1835] {strides = array<i32>} : memref<1x512xi32, #tpu.memory_space<vmem>>, vector<1x16xi32>,
    %get3A_1837 = vector.shape_cast %get3A_1836 : vector<1x16xi32> to vector<16xi32>
    %add3A_1838 = arith.constant 1254400 : i32
    %add3A_1839 = vector.broadcast %add3A_1838 : i32 to vector<16xi32>
    %add3A_1840 = arith.addi %get3A_1837, %add3A_1839 : vector<16xi32>
    %swap3A_1841 = arith.constant 16 : i32
    %swap3A_1842 = arith.index_cast %swap3A_1841 : i32 to index
    %swap3A_1843 = arith.constant 48 : index
    %swap3A_1844 = tpu.vector_load %arg6[%swap3A_1842, %swap3A_1843] {strides = array<i32>} : memref<24x128xi32, #tpu.memory_space<vmem>>, vector<1x16xi32>,
    %swap3A_1845 = vector.shape_cast %swap3A_1844 : vector<1x16xi32> to vector<16xi32>
    %swap3A_1846 = vector.shape_cast %add3A_1840 : vector<16xi32> to vector<1x16xi32>
    tpu.vector_store %arg6[%swap3A_1842, %swap3A_1843], %swap3A_1846 {strides = array<i32>} : memref<24x128xi32, #tpu.memory_space<vmem>>, vector<1x16xi32>,
    %get3A_1847 = arith.constant 0 : i32
    %get3A_1848 = arith.index_cast %get3A_1847 : i32 to index
    %get3A_1849 = arith.constant 64 : index
    %get3A_1850 = tpu.vector_load %arg5[%get3A_1848, %get3A_1849] {strides = array<i32>} : memref<1x512xi32, #tpu.memory_space<vmem>>, vector<1x16xi32>,
    %get3A_1851 = vector.shape_cast %get3A_1850 : vector<1x16xi32> to vector<16xi32>
    %add3A_1852 = arith.constant 1404928 : i32
    %add3A_1853 = vector.broadcast %add3A_1852 : i32 to vector<16xi32>
    %add3A_1854 = arith.addi %get3A_1851, %add3A_1853 : vector<16xi32>
    %swap3A_1855 = arith.constant 16 : i32
    %swap3A_1856 = arith.index_cast %swap3A_1855 : i32 to index
    %swap3A_1857 = arith.constant 64 : index
    %swap3A_1858 = tpu.vector_load %arg6[%swap3A_1856, %swap3A_1857] {strides = array<i32>} : memref<24x128xi32, #tpu.memory_space<vmem>>, vector<1x16xi32>,
    %swap3A_1859 = vector.shape_cast %swap3A_1858 : vector<1x16xi32> to vector<16xi32>
    %swap3A_1860 = vector.shape_cast %add3A_1854 : vector<16xi32> to vector<1x16xi32>
    tpu.vector_store %arg6[%swap3A_1856, %swap3A_1857], %swap3A_1860 {strides = array<i32>} : memref<24x128xi32, #tpu.memory_space<vmem>>, vector<1x16xi32>,
    %get3A_1861 = arith.constant 0 : i32
    %get3A_1862 = arith.index_cast %get3A_1861 : i32 to index
    %get3A_1863 = arith.constant 80 : index
    %get3A_1864 = tpu.vector_load %arg5[%get3A_1862, %get3A_1863] {strides = array<i32>} : memref<1x512xi32, #tpu.memory_space<vmem>>, vector<1x16xi32>,
    %get3A_1865 = vector.shape_cast %get3A_1864 : vector<1x16xi32> to vector<16xi32>
    %add3A_1866 = arith.constant 1404928 : i32
    %add3A_1867 = vector.broadcast %add3A_1866 : i32 to vector<16xi32>
    %add3A_1868 = arith.addi %get3A_1865, %add3A_1867 : vector<16xi32>
    %swap3A_1869 = arith.constant 16 : i32
    %swap3A_1870 = arith.index_cast %swap3A_1869 : i32 to index
    %swap3A_1871 = arith.constant 80 : index
    %swap3A_1872 = tpu.vector_load %arg6[%swap3A_1870, %swap3A_1871] {strides = array<i32>} : memref<24x128xi32, #tpu.memory_space<vmem>>, vector<1x16xi32>,
    %swap3A_1873 = vector.shape_cast %swap3A_1872 : vector<1x16xi32> to vector<16xi32>
    %swap3A_1874 = vector.shape_cast %add3A_1868 : vector<16xi32> to vector<1x16xi32>
    tpu.vector_store %arg6[%swap3A_1870, %swap3A_1871], %swap3A_1874 {strides = array<i32>} : memref<24x128xi32, #tpu.memory_space<vmem>>, vector<1x16xi32>,
    %get3A_1875 = arith.constant 0 : i32
    %get3A_1876 = arith.index_cast %get3A_1875 : i32 to index
    %get3A_1877 = arith.constant 96 : index
    %get3A_1878 = tpu.vector_load %arg5[%get3A_1876, %get3A_1877] {strides = array<i32>} : memref<1x512xi32, #tpu.memory_space<vmem>>, vector<1x16xi32>,
    %get3A_1879 = vector.shape_cast %get3A_1878 : vector<1x16xi32> to vector<16xi32>
    %add3A_1880 = arith.constant 1404928 : i32
    %add3A_1881 = vector.broadcast %add3A_1880 : i32 to vector<16xi32>
    %add3A_1882 = arith.addi %get3A_1879, %add3A_1881 : vector<16xi32>
    %swap3A_1883 = arith.constant 16 : i32
    %swap3A_1884 = arith.index_cast %swap3A_1883 : i32 to index
    %swap3A_1885 = arith.constant 96 : index
    %swap3A_1886 = tpu.vector_load %arg6[%swap3A_1884, %swap3A_1885] {strides = array<i32>} : memref<24x128xi32, #tpu.memory_space<vmem>>, vector<1x16xi32>,
    %swap3A_1887 = vector.shape_cast %swap3A_1886 : vector<1x16xi32> to vector<16xi32>
    %swap3A_1888 = vector.shape_cast %add3A_1882 : vector<16xi32> to vector<1x16xi32>
    tpu.vector_store %arg6[%swap3A_1884, %swap3A_1885], %swap3A_1888 {strides = array<i32>} : memref<24x128xi32, #tpu.memory_space<vmem>>, vector<1x16xi32>,
    %get3A_1889 = arith.constant 0 : i32
    %get3A_1890 = arith.index_cast %get3A_1889 : i32 to index
    %get3A_1891 = arith.constant 112 : index
    %get3A_1892 = tpu.vector_load %arg5[%get3A_1890, %get3A_1891] {strides = array<i32>} : memref<1x512xi32, #tpu.memory_space<vmem>>, vector<1x16xi32>,
    %get3A_1893 = vector.shape_cast %get3A_1892 : vector<1x16xi32> to vector<16xi32>
    %add3A_1894 = arith.constant 1404928 : i32
    %add3A_1895 = vector.broadcast %add3A_1894 : i32 to vector<16xi32>
    %add3A_1896 = arith.addi %get3A_1893, %add3A_1895 : vector<16xi32>
    %swap3A_1897 = arith.constant 16 : i32
    %swap3A_1898 = arith.index_cast %swap3A_1897 : i32 to index
    %swap3A_1899 = arith.constant 112 : index
    %swap3A_1900 = tpu.vector_load %arg6[%swap3A_1898, %swap3A_1899] {strides = array<i32>} : memref<24x128xi32, #tpu.memory_space<vmem>>, vector<1x16xi32>,
    %swap3A_1901 = vector.shape_cast %swap3A_1900 : vector<1x16xi32> to vector<16xi32>
    %swap3A_1902 = vector.shape_cast %add3A_1896 : vector<16xi32> to vector<1x16xi32>
    tpu.vector_store %arg6[%swap3A_1898, %swap3A_1899], %swap3A_1902 {strides = array<i32>} : memref<24x128xi32, #tpu.memory_space<vmem>>, vector<1x16xi32>,
    %get3A_1903 = arith.constant 0 : i32
    %get3A_1904 = arith.index_cast %get3A_1903 : i32 to index
    %get3A_1905 = arith.constant 128 : index
    %get3A_1906 = tpu.vector_load %arg5[%get3A_1904, %get3A_1905] {strides = array<i32>} : memref<1x512xi32, #tpu.memory_space<vmem>>, vector<1x16xi32>,
    %get3A_1907 = vector.shape_cast %get3A_1906 : vector<1x16xi32> to vector<16xi32>
    %add3A_1908 = arith.constant 1555456 : i32
    %add3A_1909 = vector.broadcast %add3A_1908 : i32 to vector<16xi32>
    %add3A_1910 = arith.addi %get3A_1907, %add3A_1909 : vector<16xi32>
    %swap3A_1911 = arith.constant 17 : i32
    %swap3A_1912 = arith.index_cast %swap3A_1911 : i32 to index
    %swap3A_1913 = arith.constant 0 : index
    %swap3A_1914 = tpu.vector_load %arg6[%swap3A_1912, %swap3A_1913] {strides = array<i32>} : memref<24x128xi32, #tpu.memory_space<vmem>>, vector<1x16xi32>,
    %swap3A_1915 = vector.shape_cast %swap3A_1914 : vector<1x16xi32> to vector<16xi32>
    %swap3A_1916 = vector.shape_cast %add3A_1910 : vector<16xi32> to vector<1x16xi32>
    tpu.vector_store %arg6[%swap3A_1912, %swap3A_1913], %swap3A_1916 {strides = array<i32>} : memref<24x128xi32, #tpu.memory_space<vmem>>, vector<1x16xi32>,
    %get3A_1917 = arith.constant 0 : i32
    %get3A_1918 = arith.index_cast %get3A_1917 : i32 to index
    %get3A_1919 = arith.constant 144 : index
    %get3A_1920 = tpu.vector_load %arg5[%get3A_1918, %get3A_1919] {strides = array<i32>} : memref<1x512xi32, #tpu.memory_space<vmem>>, vector<1x16xi32>,
    %get3A_1921 = vector.shape_cast %get3A_1920 : vector<1x16xi32> to vector<16xi32>
    %add3A_1922 = arith.constant 1555456 : i32
    %add3A_1923 = vector.broadcast %add3A_1922 : i32 to vector<16xi32>
    %add3A_1924 = arith.addi %get3A_1921, %add3A_1923 : vector<16xi32>
    %swap3A_1925 = arith.constant 17 : i32
    %swap3A_1926 = arith.index_cast %swap3A_1925 : i32 to index
    %swap3A_1927 = arith.constant 16 : index
    %swap3A_1928 = tpu.vector_load %arg6[%swap3A_1926, %swap3A_1927] {strides = array<i32>} : memref<24x128xi32, #tpu.memory_space<vmem>>, vector<1x16xi32>,
    %swap3A_1929 = vector.shape_cast %swap3A_1928 : vector<1x16xi32> to vector<16xi32>
    %swap3A_1930 = vector.shape_cast %add3A_1924 : vector<16xi32> to vector<1x16xi32>
    tpu.vector_store %arg6[%swap3A_1926, %swap3A_1927], %swap3A_1930 {strides = array<i32>} : memref<24x128xi32, #tpu.memory_space<vmem>>, vector<1x16xi32>,
    %get3A_1931 = arith.constant 0 : i32
    %get3A_1932 = arith.index_cast %get3A_1931 : i32 to index
    %get3A_1933 = arith.constant 160 : index
    %get3A_1934 = tpu.vector_load %arg5[%get3A_1932, %get3A_1933] {strides = array<i32>} : memref<1x512xi32, #tpu.memory_space<vmem>>, vector<1x16xi32>,
    %get3A_1935 = vector.shape_cast %get3A_1934 : vector<1x16xi32> to vector<16xi32>
    %add3A_1936 = arith.constant 1555456 : i32
    %add3A_1937 = vector.broadcast %add3A_1936 : i32 to vector<16xi32>
    %add3A_1938 = arith.addi %get3A_1935, %add3A_1937 : vector<16xi32>
    %swap3A_1939 = arith.constant 17 : i32
    %swap3A_1940 = arith.index_cast %swap3A_1939 : i32 to index
    %swap3A_1941 = arith.constant 32 : index
    %swap3A_1942 = tpu.vector_load %arg6[%swap3A_1940, %swap3A_1941] {strides = array<i32>} : memref<24x128xi32, #tpu.memory_space<vmem>>, vector<1x16xi32>,
    %swap3A_1943 = vector.shape_cast %swap3A_1942 : vector<1x16xi32> to vector<16xi32>
    %swap3A_1944 = vector.shape_cast %add3A_1938 : vector<16xi32> to vector<1x16xi32>
    tpu.vector_store %arg6[%swap3A_1940, %swap3A_1941], %swap3A_1944 {strides = array<i32>} : memref<24x128xi32, #tpu.memory_space<vmem>>, vector<1x16xi32>,
    %get3A_1945 = arith.constant 0 : i32
    %get3A_1946 = arith.index_cast %get3A_1945 : i32 to index
    %get3A_1947 = arith.constant 176 : index
    %get3A_1948 = tpu.vector_load %arg5[%get3A_1946, %get3A_1947] {strides = array<i32>} : memref<1x512xi32, #tpu.memory_space<vmem>>, vector<1x16xi32>,
    %get3A_1949 = vector.shape_cast %get3A_1948 : vector<1x16xi32> to vector<16xi32>
    %add3A_1950 = arith.constant 1555456 : i32
    %add3A_1951 = vector.broadcast %add3A_1950 : i32 to vector<16xi32>
    %add3A_1952 = arith.addi %get3A_1949, %add3A_1951 : vector<16xi32>
    %swap3A_1953 = arith.constant 17 : i32
    %swap3A_1954 = arith.index_cast %swap3A_1953 : i32 to index
    %swap3A_1955 = arith.constant 48 : index
    %swap3A_1956 = tpu.vector_load %arg6[%swap3A_1954, %swap3A_1955] {strides = array<i32>} : memref<24x128xi32, #tpu.memory_space<vmem>>, vector<1x16xi32>,
    %swap3A_1957 = vector.shape_cast %swap3A_1956 : vector<1x16xi32> to vector<16xi32>
    %swap3A_1958 = vector.shape_cast %add3A_1952 : vector<16xi32> to vector<1x16xi32>
    tpu.vector_store %arg6[%swap3A_1954, %swap3A_1955], %swap3A_1958 {strides = array<i32>} : memref<24x128xi32, #tpu.memory_space<vmem>>, vector<1x16xi32>,
    %get3A_1959 = arith.constant 0 : i32
    %get3A_1960 = arith.index_cast %get3A_1959 : i32 to index
    %get3A_1961 = arith.constant 192 : index
    %get3A_1962 = tpu.vector_load %arg5[%get3A_1960, %get3A_1961] {strides = array<i32>} : memref<1x512xi32, #tpu.memory_space<vmem>>, vector<1x16xi32>,
    %get3A_1963 = vector.shape_cast %get3A_1962 : vector<1x16xi32> to vector<16xi32>
    %add3A_1964 = arith.constant 1705984 : i32
    %add3A_1965 = vector.broadcast %add3A_1964 : i32 to vector<16xi32>
    %add3A_1966 = arith.addi %get3A_1963, %add3A_1965 : vector<16xi32>
    %swap3A_1967 = arith.constant 17 : i32
    %swap3A_1968 = arith.index_cast %swap3A_1967 : i32 to index
    %swap3A_1969 = arith.constant 64 : index
    %swap3A_1970 = tpu.vector_load %arg6[%swap3A_1968, %swap3A_1969] {strides = array<i32>} : memref<24x128xi32, #tpu.memory_space<vmem>>, vector<1x16xi32>,
    %swap3A_1971 = vector.shape_cast %swap3A_1970 : vector<1x16xi32> to vector<16xi32>
    %swap3A_1972 = vector.shape_cast %add3A_1966 : vector<16xi32> to vector<1x16xi32>
    tpu.vector_store %arg6[%swap3A_1968, %swap3A_1969], %swap3A_1972 {strides = array<i32>} : memref<24x128xi32, #tpu.memory_space<vmem>>, vector<1x16xi32>,
    %get3A_1973 = arith.constant 0 : i32
    %get3A_1974 = arith.index_cast %get3A_1973 : i32 to index
    %get3A_1975 = arith.constant 208 : index
    %get3A_1976 = tpu.vector_load %arg5[%get3A_1974, %get3A_1975] {strides = array<i32>} : memref<1x512xi32, #tpu.memory_space<vmem>>, vector<1x16xi32>,
    %get3A_1977 = vector.shape_cast %get3A_1976 : vector<1x16xi32> to vector<16xi32>
    %add3A_1978 = arith.constant 1705984 : i32
    %add3A_1979 = vector.broadcast %add3A_1978 : i32 to vector<16xi32>
    %add3A_1980 = arith.addi %get3A_1977, %add3A_1979 : vector<16xi32>
    %swap3A_1981 = arith.constant 17 : i32
    %swap3A_1982 = arith.index_cast %swap3A_1981 : i32 to index
    %swap3A_1983 = arith.constant 80 : index
    %swap3A_1984 = tpu.vector_load %arg6[%swap3A_1982, %swap3A_1983] {strides = array<i32>} : memref<24x128xi32, #tpu.memory_space<vmem>>, vector<1x16xi32>,
    %swap3A_1985 = vector.shape_cast %swap3A_1984 : vector<1x16xi32> to vector<16xi32>
    %swap3A_1986 = vector.shape_cast %add3A_1980 : vector<16xi32> to vector<1x16xi32>
    tpu.vector_store %arg6[%swap3A_1982, %swap3A_1983], %swap3A_1986 {strides = array<i32>} : memref<24x128xi32, #tpu.memory_space<vmem>>, vector<1x16xi32>,
    %get3A_1987 = arith.constant 0 : i32
    %get3A_1988 = arith.index_cast %get3A_1987 : i32 to index
    %get3A_1989 = arith.constant 224 : index
    %get3A_1990 = tpu.vector_load %arg5[%get3A_1988, %get3A_1989] {strides = array<i32>} : memref<1x512xi32, #tpu.memory_space<vmem>>, vector<1x16xi32>,
    %get3A_1991 = vector.shape_cast %get3A_1990 : vector<1x16xi32> to vector<16xi32>
    %add3A_1992 = arith.constant 1705984 : i32
    %add3A_1993 = vector.broadcast %add3A_1992 : i32 to vector<16xi32>
    %add3A_1994 = arith.addi %get3A_1991, %add3A_1993 : vector<16xi32>
    %swap3A_1995 = arith.constant 17 : i32
    %swap3A_1996 = arith.index_cast %swap3A_1995 : i32 to index
    %swap3A_1997 = arith.constant 96 : index
    %swap3A_1998 = tpu.vector_load %arg6[%swap3A_1996, %swap3A_1997] {strides = array<i32>} : memref<24x128xi32, #tpu.memory_space<vmem>>, vector<1x16xi32>,
    %swap3A_1999 = vector.shape_cast %swap3A_1998 : vector<1x16xi32> to vector<16xi32>
    %swap3A_2000 = vector.shape_cast %add3A_1994 : vector<16xi32> to vector<1x16xi32>
    tpu.vector_store %arg6[%swap3A_1996, %swap3A_1997], %swap3A_2000 {strides = array<i32>} : memref<24x128xi32, #tpu.memory_space<vmem>>, vector<1x16xi32>,
    %get3A_2001 = arith.constant 0 : i32
    %get3A_2002 = arith.index_cast %get3A_2001 : i32 to index
    %get3A_2003 = arith.constant 240 : index
    %get3A_2004 = tpu.vector_load %arg5[%get3A_2002, %get3A_2003] {strides = array<i32>} : memref<1x512xi32, #tpu.memory_space<vmem>>, vector<1x16xi32>,
    %get3A_2005 = vector.shape_cast %get3A_2004 : vector<1x16xi32> to vector<16xi32>
    %add3A_2006 = arith.constant 1705984 : i32
    %add3A_2007 = vector.broadcast %add3A_2006 : i32 to vector<16xi32>
    %add3A_2008 = arith.addi %get3A_2005, %add3A_2007 : vector<16xi32>
    %swap3A_2009 = arith.constant 17 : i32
    %swap3A_2010 = arith.index_cast %swap3A_2009 : i32 to index
    %swap3A_2011 = arith.constant 112 : index
    %swap3A_2012 = tpu.vector_load %arg6[%swap3A_2010, %swap3A_2011] {strides = array<i32>} : memref<24x128xi32, #tpu.memory_space<vmem>>, vector<1x16xi32>,
    %swap3A_2013 = vector.shape_cast %swap3A_2012 : vector<1x16xi32> to vector<16xi32>
    %swap3A_2014 = vector.shape_cast %add3A_2008 : vector<16xi32> to vector<1x16xi32>
    tpu.vector_store %arg6[%swap3A_2010, %swap3A_2011], %swap3A_2014 {strides = array<i32>} : memref<24x128xi32, #tpu.memory_space<vmem>>, vector<1x16xi32>,
    %get3A_2015 = arith.constant 0 : i32
    %get3A_2016 = arith.index_cast %get3A_2015 : i32 to index
    %get3A_2017 = arith.constant 256 : index
    %get3A_2018 = tpu.vector_load %arg5[%get3A_2016, %get3A_2017] {strides = array<i32>} : memref<1x512xi32, #tpu.memory_space<vmem>>, vector<1x16xi32>,
    %get3A_2019 = vector.shape_cast %get3A_2018 : vector<1x16xi32> to vector<16xi32>
    %add3A_2020 = arith.constant 1856512 : i32
    %add3A_2021 = vector.broadcast %add3A_2020 : i32 to vector<16xi32>
    %add3A_2022 = arith.addi %get3A_2019, %add3A_2021 : vector<16xi32>
    %swap3A_2023 = arith.constant 18 : i32
    %swap3A_2024 = arith.index_cast %swap3A_2023 : i32 to index
    %swap3A_2025 = arith.constant 0 : index
    %swap3A_2026 = tpu.vector_load %arg6[%swap3A_2024, %swap3A_2025] {strides = array<i32>} : memref<24x128xi32, #tpu.memory_space<vmem>>, vector<1x16xi32>,
    %swap3A_2027 = vector.shape_cast %swap3A_2026 : vector<1x16xi32> to vector<16xi32>
    %swap3A_2028 = vector.shape_cast %add3A_2022 : vector<16xi32> to vector<1x16xi32>
    tpu.vector_store %arg6[%swap3A_2024, %swap3A_2025], %swap3A_2028 {strides = array<i32>} : memref<24x128xi32, #tpu.memory_space<vmem>>, vector<1x16xi32>,
    %get3A_2029 = arith.constant 0 : i32
    %get3A_2030 = arith.index_cast %get3A_2029 : i32 to index
    %get3A_2031 = arith.constant 272 : index
    %get3A_2032 = tpu.vector_load %arg5[%get3A_2030, %get3A_2031] {strides = array<i32>} : memref<1x512xi32, #tpu.memory_space<vmem>>, vector<1x16xi32>,
    %get3A_2033 = vector.shape_cast %get3A_2032 : vector<1x16xi32> to vector<16xi32>
    %add3A_2034 = arith.constant 1856512 : i32
    %add3A_2035 = vector.broadcast %add3A_2034 : i32 to vector<16xi32>
    %add3A_2036 = arith.addi %get3A_2033, %add3A_2035 : vector<16xi32>
    %swap3A_2037 = arith.constant 18 : i32
    %swap3A_2038 = arith.index_cast %swap3A_2037 : i32 to index
    %swap3A_2039 = arith.constant 16 : index
    %swap3A_2040 = tpu.vector_load %arg6[%swap3A_2038, %swap3A_2039] {strides = array<i32>} : memref<24x128xi32, #tpu.memory_space<vmem>>, vector<1x16xi32>,
    %swap3A_2041 = vector.shape_cast %swap3A_2040 : vector<1x16xi32> to vector<16xi32>
    %swap3A_2042 = vector.shape_cast %add3A_2036 : vector<16xi32> to vector<1x16xi32>
    tpu.vector_store %arg6[%swap3A_2038, %swap3A_2039], %swap3A_2042 {strides = array<i32>} : memref<24x128xi32, #tpu.memory_space<vmem>>, vector<1x16xi32>,
    %get3A_2043 = arith.constant 0 : i32
    %get3A_2044 = arith.index_cast %get3A_2043 : i32 to index
    %get3A_2045 = arith.constant 288 : index
    %get3A_2046 = tpu.vector_load %arg5[%get3A_2044, %get3A_2045] {strides = array<i32>} : memref<1x512xi32, #tpu.memory_space<vmem>>, vector<1x16xi32>,
    %get3A_2047 = vector.shape_cast %get3A_2046 : vector<1x16xi32> to vector<16xi32>
    %add3A_2048 = arith.constant 1856512 : i32
    %add3A_2049 = vector.broadcast %add3A_2048 : i32 to vector<16xi32>
    %add3A_2050 = arith.addi %get3A_2047, %add3A_2049 : vector<16xi32>
    %swap3A_2051 = arith.constant 18 : i32
    %swap3A_2052 = arith.index_cast %swap3A_2051 : i32 to index
    %swap3A_2053 = arith.constant 32 : index
    %swap3A_2054 = tpu.vector_load %arg6[%swap3A_2052, %swap3A_2053] {strides = array<i32>} : memref<24x128xi32, #tpu.memory_space<vmem>>, vector<1x16xi32>,
    %swap3A_2055 = vector.shape_cast %swap3A_2054 : vector<1x16xi32> to vector<16xi32>
    %swap3A_2056 = vector.shape_cast %add3A_2050 : vector<16xi32> to vector<1x16xi32>
    tpu.vector_store %arg6[%swap3A_2052, %swap3A_2053], %swap3A_2056 {strides = array<i32>} : memref<24x128xi32, #tpu.memory_space<vmem>>, vector<1x16xi32>,
    %get3A_2057 = arith.constant 0 : i32
    %get3A_2058 = arith.index_cast %get3A_2057 : i32 to index
    %get3A_2059 = arith.constant 304 : index
    %get3A_2060 = tpu.vector_load %arg5[%get3A_2058, %get3A_2059] {strides = array<i32>} : memref<1x512xi32, #tpu.memory_space<vmem>>, vector<1x16xi32>,
    %get3A_2061 = vector.shape_cast %get3A_2060 : vector<1x16xi32> to vector<16xi32>
    %add3A_2062 = arith.constant 1856512 : i32
    %add3A_2063 = vector.broadcast %add3A_2062 : i32 to vector<16xi32>
    %add3A_2064 = arith.addi %get3A_2061, %add3A_2063 : vector<16xi32>
    %swap3A_2065 = arith.constant 18 : i32
    %swap3A_2066 = arith.index_cast %swap3A_2065 : i32 to index
    %swap3A_2067 = arith.constant 48 : index
    %swap3A_2068 = tpu.vector_load %arg6[%swap3A_2066, %swap3A_2067] {strides = array<i32>} : memref<24x128xi32, #tpu.memory_space<vmem>>, vector<1x16xi32>,
    %swap3A_2069 = vector.shape_cast %swap3A_2068 : vector<1x16xi32> to vector<16xi32>
    %swap3A_2070 = vector.shape_cast %add3A_2064 : vector<16xi32> to vector<1x16xi32>
    tpu.vector_store %arg6[%swap3A_2066, %swap3A_2067], %swap3A_2070 {strides = array<i32>} : memref<24x128xi32, #tpu.memory_space<vmem>>, vector<1x16xi32>,
    %get3A_2071 = arith.constant 0 : i32
    %get3A_2072 = arith.index_cast %get3A_2071 : i32 to index
    %get3A_2073 = arith.constant 320 : index
    %get3A_2074 = tpu.vector_load %arg5[%get3A_2072, %get3A_2073] {strides = array<i32>} : memref<1x512xi32, #tpu.memory_space<vmem>>, vector<1x16xi32>,
    %get3A_2075 = vector.shape_cast %get3A_2074 : vector<1x16xi32> to vector<16xi32>
    %add3A_2076 = arith.constant 2007040 : i32
    %add3A_2077 = vector.broadcast %add3A_2076 : i32 to vector<16xi32>
    %add3A_2078 = arith.addi %get3A_2075, %add3A_2077 : vector<16xi32>
    %swap3A_2079 = arith.constant 18 : i32
    %swap3A_2080 = arith.index_cast %swap3A_2079 : i32 to index
    %swap3A_2081 = arith.constant 64 : index
    %swap3A_2082 = tpu.vector_load %arg6[%swap3A_2080, %swap3A_2081] {strides = array<i32>} : memref<24x128xi32, #tpu.memory_space<vmem>>, vector<1x16xi32>,
    %swap3A_2083 = vector.shape_cast %swap3A_2082 : vector<1x16xi32> to vector<16xi32>
    %swap3A_2084 = vector.shape_cast %add3A_2078 : vector<16xi32> to vector<1x16xi32>
    tpu.vector_store %arg6[%swap3A_2080, %swap3A_2081], %swap3A_2084 {strides = array<i32>} : memref<24x128xi32, #tpu.memory_space<vmem>>, vector<1x16xi32>,
    %get3A_2085 = arith.constant 0 : i32
    %get3A_2086 = arith.index_cast %get3A_2085 : i32 to index
    %get3A_2087 = arith.constant 336 : index
    %get3A_2088 = tpu.vector_load %arg5[%get3A_2086, %get3A_2087] {strides = array<i32>} : memref<1x512xi32, #tpu.memory_space<vmem>>, vector<1x16xi32>,
    %get3A_2089 = vector.shape_cast %get3A_2088 : vector<1x16xi32> to vector<16xi32>
    %add3A_2090 = arith.constant 2007040 : i32
    %add3A_2091 = vector.broadcast %add3A_2090 : i32 to vector<16xi32>
    %add3A_2092 = arith.addi %get3A_2089, %add3A_2091 : vector<16xi32>
    %swap3A_2093 = arith.constant 18 : i32
    %swap3A_2094 = arith.index_cast %swap3A_2093 : i32 to index
    %swap3A_2095 = arith.constant 80 : index
    %swap3A_2096 = tpu.vector_load %arg6[%swap3A_2094, %swap3A_2095] {strides = array<i32>} : memref<24x128xi32, #tpu.memory_space<vmem>>, vector<1x16xi32>,
    %swap3A_2097 = vector.shape_cast %swap3A_2096 : vector<1x16xi32> to vector<16xi32>
    %swap3A_2098 = vector.shape_cast %add3A_2092 : vector<16xi32> to vector<1x16xi32>
    tpu.vector_store %arg6[%swap3A_2094, %swap3A_2095], %swap3A_2098 {strides = array<i32>} : memref<24x128xi32, #tpu.memory_space<vmem>>, vector<1x16xi32>,
    %get3A_2099 = arith.constant 0 : i32
    %get3A_2100 = arith.index_cast %get3A_2099 : i32 to index
    %get3A_2101 = arith.constant 352 : index
    %get3A_2102 = tpu.vector_load %arg5[%get3A_2100, %get3A_2101] {strides = array<i32>} : memref<1x512xi32, #tpu.memory_space<vmem>>, vector<1x16xi32>,
    %get3A_2103 = vector.shape_cast %get3A_2102 : vector<1x16xi32> to vector<16xi32>
    %add3A_2104 = arith.constant 2007040 : i32
    %add3A_2105 = vector.broadcast %add3A_2104 : i32 to vector<16xi32>
    %add3A_2106 = arith.addi %get3A_2103, %add3A_2105 : vector<16xi32>
    %swap3A_2107 = arith.constant 18 : i32
    %swap3A_2108 = arith.index_cast %swap3A_2107 : i32 to index
    %swap3A_2109 = arith.constant 96 : index
    %swap3A_2110 = tpu.vector_load %arg6[%swap3A_2108, %swap3A_2109] {strides = array<i32>} : memref<24x128xi32, #tpu.memory_space<vmem>>, vector<1x16xi32>,
    %swap3A_2111 = vector.shape_cast %swap3A_2110 : vector<1x16xi32> to vector<16xi32>
    %swap3A_2112 = vector.shape_cast %add3A_2106 : vector<16xi32> to vector<1x16xi32>
    tpu.vector_store %arg6[%swap3A_2108, %swap3A_2109], %swap3A_2112 {strides = array<i32>} : memref<24x128xi32, #tpu.memory_space<vmem>>, vector<1x16xi32>,
    %get3A_2113 = arith.constant 0 : i32
    %get3A_2114 = arith.index_cast %get3A_2113 : i32 to index
    %get3A_2115 = arith.constant 368 : index
    %get3A_2116 = tpu.vector_load %arg5[%get3A_2114, %get3A_2115] {strides = array<i32>} : memref<1x512xi32, #tpu.memory_space<vmem>>, vector<1x16xi32>,
    %get3A_2117 = vector.shape_cast %get3A_2116 : vector<1x16xi32> to vector<16xi32>
    %add3A_2118 = arith.constant 2007040 : i32
    %add3A_2119 = vector.broadcast %add3A_2118 : i32 to vector<16xi32>
    %add3A_2120 = arith.addi %get3A_2117, %add3A_2119 : vector<16xi32>
    %swap3A_2121 = arith.constant 18 : i32
    %swap3A_2122 = arith.index_cast %swap3A_2121 : i32 to index
    %swap3A_2123 = arith.constant 112 : index
    %swap3A_2124 = tpu.vector_load %arg6[%swap3A_2122, %swap3A_2123] {strides = array<i32>} : memref<24x128xi32, #tpu.memory_space<vmem>>, vector<1x16xi32>,
    %swap3A_2125 = vector.shape_cast %swap3A_2124 : vector<1x16xi32> to vector<16xi32>
    %swap3A_2126 = vector.shape_cast %add3A_2120 : vector<16xi32> to vector<1x16xi32>
    tpu.vector_store %arg6[%swap3A_2122, %swap3A_2123], %swap3A_2126 {strides = array<i32>} : memref<24x128xi32, #tpu.memory_space<vmem>>, vector<1x16xi32>,
    %get3A_2127 = arith.constant 0 : i32
    %get3A_2128 = arith.index_cast %get3A_2127 : i32 to index
    %get3A_2129 = arith.constant 384 : index
    %get3A_2130 = tpu.vector_load %arg5[%get3A_2128, %get3A_2129] {strides = array<i32>} : memref<1x512xi32, #tpu.memory_space<vmem>>, vector<1x16xi32>,
    %get3A_2131 = vector.shape_cast %get3A_2130 : vector<1x16xi32> to vector<16xi32>
    %add3A_2132 = arith.constant 2157568 : i32
    %add3A_2133 = vector.broadcast %add3A_2132 : i32 to vector<16xi32>
    %add3A_2134 = arith.addi %get3A_2131, %add3A_2133 : vector<16xi32>
    %swap3A_2135 = arith.constant 19 : i32
    %swap3A_2136 = arith.index_cast %swap3A_2135 : i32 to index
    %swap3A_2137 = arith.constant 0 : index
    %swap3A_2138 = tpu.vector_load %arg6[%swap3A_2136, %swap3A_2137] {strides = array<i32>} : memref<24x128xi32, #tpu.memory_space<vmem>>, vector<1x16xi32>,
    %swap3A_2139 = vector.shape_cast %swap3A_2138 : vector<1x16xi32> to vector<16xi32>
    %swap3A_2140 = vector.shape_cast %add3A_2134 : vector<16xi32> to vector<1x16xi32>
    tpu.vector_store %arg6[%swap3A_2136, %swap3A_2137], %swap3A_2140 {strides = array<i32>} : memref<24x128xi32, #tpu.memory_space<vmem>>, vector<1x16xi32>,
    %get3A_2141 = arith.constant 0 : i32
    %get3A_2142 = arith.index_cast %get3A_2141 : i32 to index
    %get3A_2143 = arith.constant 400 : index
    %get3A_2144 = tpu.vector_load %arg5[%get3A_2142, %get3A_2143] {strides = array<i32>} : memref<1x512xi32, #tpu.memory_space<vmem>>, vector<1x16xi32>,
    %get3A_2145 = vector.shape_cast %get3A_2144 : vector<1x16xi32> to vector<16xi32>
    %add3A_2146 = arith.constant 2157568 : i32
    %add3A_2147 = vector.broadcast %add3A_2146 : i32 to vector<16xi32>
    %add3A_2148 = arith.addi %get3A_2145, %add3A_2147 : vector<16xi32>
    %swap3A_2149 = arith.constant 19 : i32
    %swap3A_2150 = arith.index_cast %swap3A_2149 : i32 to index
    %swap3A_2151 = arith.constant 16 : index
    %swap3A_2152 = tpu.vector_load %arg6[%swap3A_2150, %swap3A_2151] {strides = array<i32>} : memref<24x128xi32, #tpu.memory_space<vmem>>, vector<1x16xi32>,
    %swap3A_2153 = vector.shape_cast %swap3A_2152 : vector<1x16xi32> to vector<16xi32>
    %swap3A_2154 = vector.shape_cast %add3A_2148 : vector<16xi32> to vector<1x16xi32>
    tpu.vector_store %arg6[%swap3A_2150, %swap3A_2151], %swap3A_2154 {strides = array<i32>} : memref<24x128xi32, #tpu.memory_space<vmem>>, vector<1x16xi32>,
    %get3A_2155 = arith.constant 0 : i32
    %get3A_2156 = arith.index_cast %get3A_2155 : i32 to index
    %get3A_2157 = arith.constant 416 : index
    %get3A_2158 = tpu.vector_load %arg5[%get3A_2156, %get3A_2157] {strides = array<i32>} : memref<1x512xi32, #tpu.memory_space<vmem>>, vector<1x16xi32>,
    %get3A_2159 = vector.shape_cast %get3A_2158 : vector<1x16xi32> to vector<16xi32>
    %add3A_2160 = arith.constant 2157568 : i32
    %add3A_2161 = vector.broadcast %add3A_2160 : i32 to vector<16xi32>
    %add3A_2162 = arith.addi %get3A_2159, %add3A_2161 : vector<16xi32>
    %swap3A_2163 = arith.constant 19 : i32
    %swap3A_2164 = arith.index_cast %swap3A_2163 : i32 to index
    %swap3A_2165 = arith.constant 32 : index
    %swap3A_2166 = tpu.vector_load %arg6[%swap3A_2164, %swap3A_2165] {strides = array<i32>} : memref<24x128xi32, #tpu.memory_space<vmem>>, vector<1x16xi32>,
    %swap3A_2167 = vector.shape_cast %swap3A_2166 : vector<1x16xi32> to vector<16xi32>
    %swap3A_2168 = vector.shape_cast %add3A_2162 : vector<16xi32> to vector<1x16xi32>
    tpu.vector_store %arg6[%swap3A_2164, %swap3A_2165], %swap3A_2168 {strides = array<i32>} : memref<24x128xi32, #tpu.memory_space<vmem>>, vector<1x16xi32>,
    %get3A_2169 = arith.constant 0 : i32
    %get3A_2170 = arith.index_cast %get3A_2169 : i32 to index
    %get3A_2171 = arith.constant 432 : index
    %get3A_2172 = tpu.vector_load %arg5[%get3A_2170, %get3A_2171] {strides = array<i32>} : memref<1x512xi32, #tpu.memory_space<vmem>>, vector<1x16xi32>,
    %get3A_2173 = vector.shape_cast %get3A_2172 : vector<1x16xi32> to vector<16xi32>
    %add3A_2174 = arith.constant 2157568 : i32
    %add3A_2175 = vector.broadcast %add3A_2174 : i32 to vector<16xi32>
    %add3A_2176 = arith.addi %get3A_2173, %add3A_2175 : vector<16xi32>
    %swap3A_2177 = arith.constant 19 : i32
    %swap3A_2178 = arith.index_cast %swap3A_2177 : i32 to index
    %swap3A_2179 = arith.constant 48 : index
    %swap3A_2180 = tpu.vector_load %arg6[%swap3A_2178, %swap3A_2179] {strides = array<i32>} : memref<24x128xi32, #tpu.memory_space<vmem>>, vector<1x16xi32>,
    %swap3A_2181 = vector.shape_cast %swap3A_2180 : vector<1x16xi32> to vector<16xi32>
    %swap3A_2182 = vector.shape_cast %add3A_2176 : vector<16xi32> to vector<1x16xi32>
    tpu.vector_store %arg6[%swap3A_2178, %swap3A_2179], %swap3A_2182 {strides = array<i32>} : memref<24x128xi32, #tpu.memory_space<vmem>>, vector<1x16xi32>,
    %get3A_2183 = arith.constant 0 : i32
    %get3A_2184 = arith.index_cast %get3A_2183 : i32 to index
    %get3A_2185 = arith.constant 448 : index
    %get3A_2186 = tpu.vector_load %arg5[%get3A_2184, %get3A_2185] {strides = array<i32>} : memref<1x512xi32, #tpu.memory_space<vmem>>, vector<1x16xi32>,
    %get3A_2187 = vector.shape_cast %get3A_2186 : vector<1x16xi32> to vector<16xi32>
    %add3A_2188 = arith.constant 2308096 : i32
    %add3A_2189 = vector.broadcast %add3A_2188 : i32 to vector<16xi32>
    %add3A_2190 = arith.addi %get3A_2187, %add3A_2189 : vector<16xi32>
    %swap3A_2191 = arith.constant 19 : i32
    %swap3A_2192 = arith.index_cast %swap3A_2191 : i32 to index
    %swap3A_2193 = arith.constant 64 : index
    %swap3A_2194 = tpu.vector_load %arg6[%swap3A_2192, %swap3A_2193] {strides = array<i32>} : memref<24x128xi32, #tpu.memory_space<vmem>>, vector<1x16xi32>,
    %swap3A_2195 = vector.shape_cast %swap3A_2194 : vector<1x16xi32> to vector<16xi32>
    %swap3A_2196 = vector.shape_cast %add3A_2190 : vector<16xi32> to vector<1x16xi32>
    tpu.vector_store %arg6[%swap3A_2192, %swap3A_2193], %swap3A_2196 {strides = array<i32>} : memref<24x128xi32, #tpu.memory_space<vmem>>, vector<1x16xi32>,
    %get3A_2197 = arith.constant 0 : i32
    %get3A_2198 = arith.index_cast %get3A_2197 : i32 to index
    %get3A_2199 = arith.constant 464 : index
    %get3A_2200 = tpu.vector_load %arg5[%get3A_2198, %get3A_2199] {strides = array<i32>} : memref<1x512xi32, #tpu.memory_space<vmem>>, vector<1x16xi32>,
    %get3A_2201 = vector.shape_cast %get3A_2200 : vector<1x16xi32> to vector<16xi32>
    %add3A_2202 = arith.constant 2308096 : i32
    %add3A_2203 = vector.broadcast %add3A_2202 : i32 to vector<16xi32>
    %add3A_2204 = arith.addi %get3A_2201, %add3A_2203 : vector<16xi32>
    %swap3A_2205 = arith.constant 19 : i32
    %swap3A_2206 = arith.index_cast %swap3A_2205 : i32 to index
    %swap3A_2207 = arith.constant 80 : index
    %swap3A_2208 = tpu.vector_load %arg6[%swap3A_2206, %swap3A_2207] {strides = array<i32>} : memref<24x128xi32, #tpu.memory_space<vmem>>, vector<1x16xi32>,
    %swap3A_2209 = vector.shape_cast %swap3A_2208 : vector<1x16xi32> to vector<16xi32>
    %swap3A_2210 = vector.shape_cast %add3A_2204 : vector<16xi32> to vector<1x16xi32>
    tpu.vector_store %arg6[%swap3A_2206, %swap3A_2207], %swap3A_2210 {strides = array<i32>} : memref<24x128xi32, #tpu.memory_space<vmem>>, vector<1x16xi32>,
    %get3A_2211 = arith.constant 0 : i32
    %get3A_2212 = arith.index_cast %get3A_2211 : i32 to index
    %get3A_2213 = arith.constant 480 : index
    %get3A_2214 = tpu.vector_load %arg5[%get3A_2212, %get3A_2213] {strides = array<i32>} : memref<1x512xi32, #tpu.memory_space<vmem>>, vector<1x16xi32>,
    %get3A_2215 = vector.shape_cast %get3A_2214 : vector<1x16xi32> to vector<16xi32>
    %add3A_2216 = arith.constant 2308096 : i32
    %add3A_2217 = vector.broadcast %add3A_2216 : i32 to vector<16xi32>
    %add3A_2218 = arith.addi %get3A_2215, %add3A_2217 : vector<16xi32>
    %swap3A_2219 = arith.constant 19 : i32
    %swap3A_2220 = arith.index_cast %swap3A_2219 : i32 to index
    %swap3A_2221 = arith.constant 96 : index
    %swap3A_2222 = tpu.vector_load %arg6[%swap3A_2220, %swap3A_2221] {strides = array<i32>} : memref<24x128xi32, #tpu.memory_space<vmem>>, vector<1x16xi32>,
    %swap3A_2223 = vector.shape_cast %swap3A_2222 : vector<1x16xi32> to vector<16xi32>
    %swap3A_2224 = vector.shape_cast %add3A_2218 : vector<16xi32> to vector<1x16xi32>
    tpu.vector_store %arg6[%swap3A_2220, %swap3A_2221], %swap3A_2224 {strides = array<i32>} : memref<24x128xi32, #tpu.memory_space<vmem>>, vector<1x16xi32>,
    %get3A_2225 = arith.constant 0 : i32
    %get3A_2226 = arith.index_cast %get3A_2225 : i32 to index
    %get3A_2227 = arith.constant 496 : index
    %get3A_2228 = tpu.vector_load %arg5[%get3A_2226, %get3A_2227] {strides = array<i32>} : memref<1x512xi32, #tpu.memory_space<vmem>>, vector<1x16xi32>,
    %get3A_2229 = vector.shape_cast %get3A_2228 : vector<1x16xi32> to vector<16xi32>
    %add3A_2230 = arith.constant 2308096 : i32
    %add3A_2231 = vector.broadcast %add3A_2230 : i32 to vector<16xi32>
    %add3A_2232 = arith.addi %get3A_2229, %add3A_2231 : vector<16xi32>
    %swap3A_2233 = arith.constant 19 : i32
    %swap3A_2234 = arith.index_cast %swap3A_2233 : i32 to index
    %swap3A_2235 = arith.constant 112 : index
    %swap3A_2236 = tpu.vector_load %arg6[%swap3A_2234, %swap3A_2235] {strides = array<i32>} : memref<24x128xi32, #tpu.memory_space<vmem>>, vector<1x16xi32>,
    %swap3A_2237 = vector.shape_cast %swap3A_2236 : vector<1x16xi32> to vector<16xi32>
    %swap3A_2238 = vector.shape_cast %add3A_2232 : vector<16xi32> to vector<1x16xi32>
    tpu.vector_store %arg6[%swap3A_2234, %swap3A_2235], %swap3A_2238 {strides = array<i32>} : memref<24x128xi32, #tpu.memory_space<vmem>>, vector<1x16xi32>,
    %get3A_2239 = arith.constant 0 : i32
    %get3A_2240 = arith.index_cast %get3A_2239 : i32 to index
    %get3A_2241 = arith.constant 0 : index
    %get3A_2242 = tpu.vector_load %arg5[%get3A_2240, %get3A_2241] {strides = array<i32>} : memref<1x512xi32, #tpu.memory_space<vmem>>, vector<1x16xi32>,
    %get3A_2243 = vector.shape_cast %get3A_2242 : vector<1x16xi32> to vector<16xi32>
    %add3A_2244 = arith.constant 1304576 : i32
    %add3A_2245 = vector.broadcast %add3A_2244 : i32 to vector<16xi32>
    %add3A_2246 = arith.addi %get3A_2243, %add3A_2245 : vector<16xi32>
    %swap3A_2247 = arith.constant 20 : i32
    %swap3A_2248 = arith.index_cast %swap3A_2247 : i32 to index
    %swap3A_2249 = arith.constant 0 : index
    %swap3A_2250 = tpu.vector_load %arg6[%swap3A_2248, %swap3A_2249] {strides = array<i32>} : memref<24x128xi32, #tpu.memory_space<vmem>>, vector<1x16xi32>,
    %swap3A_2251 = vector.shape_cast %swap3A_2250 : vector<1x16xi32> to vector<16xi32>
    %swap3A_2252 = vector.shape_cast %add3A_2246 : vector<16xi32> to vector<1x16xi32>
    tpu.vector_store %arg6[%swap3A_2248, %swap3A_2249], %swap3A_2252 {strides = array<i32>} : memref<24x128xi32, #tpu.memory_space<vmem>>, vector<1x16xi32>,
    %get3A_2253 = arith.constant 0 : i32
    %get3A_2254 = arith.index_cast %get3A_2253 : i32 to index
    %get3A_2255 = arith.constant 16 : index
    %get3A_2256 = tpu.vector_load %arg5[%get3A_2254, %get3A_2255] {strides = array<i32>} : memref<1x512xi32, #tpu.memory_space<vmem>>, vector<1x16xi32>,
    %get3A_2257 = vector.shape_cast %get3A_2256 : vector<1x16xi32> to vector<16xi32>
    %add3A_2258 = arith.constant 1304576 : i32
    %add3A_2259 = vector.broadcast %add3A_2258 : i32 to vector<16xi32>
    %add3A_2260 = arith.addi %get3A_2257, %add3A_2259 : vector<16xi32>
    %swap3A_2261 = arith.constant 20 : i32
    %swap3A_2262 = arith.index_cast %swap3A_2261 : i32 to index
    %swap3A_2263 = arith.constant 16 : index
    %swap3A_2264 = tpu.vector_load %arg6[%swap3A_2262, %swap3A_2263] {strides = array<i32>} : memref<24x128xi32, #tpu.memory_space<vmem>>, vector<1x16xi32>,
    %swap3A_2265 = vector.shape_cast %swap3A_2264 : vector<1x16xi32> to vector<16xi32>
    %swap3A_2266 = vector.shape_cast %add3A_2260 : vector<16xi32> to vector<1x16xi32>
    tpu.vector_store %arg6[%swap3A_2262, %swap3A_2263], %swap3A_2266 {strides = array<i32>} : memref<24x128xi32, #tpu.memory_space<vmem>>, vector<1x16xi32>,
    %get3A_2267 = arith.constant 0 : i32
    %get3A_2268 = arith.index_cast %get3A_2267 : i32 to index
    %get3A_2269 = arith.constant 32 : index
    %get3A_2270 = tpu.vector_load %arg5[%get3A_2268, %get3A_2269] {strides = array<i32>} : memref<1x512xi32, #tpu.memory_space<vmem>>, vector<1x16xi32>,
    %get3A_2271 = vector.shape_cast %get3A_2270 : vector<1x16xi32> to vector<16xi32>
    %add3A_2272 = arith.constant 1304576 : i32
    %add3A_2273 = vector.broadcast %add3A_2272 : i32 to vector<16xi32>
    %add3A_2274 = arith.addi %get3A_2271, %add3A_2273 : vector<16xi32>
    %swap3A_2275 = arith.constant 20 : i32
    %swap3A_2276 = arith.index_cast %swap3A_2275 : i32 to index
    %swap3A_2277 = arith.constant 32 : index
    %swap3A_2278 = tpu.vector_load %arg6[%swap3A_2276, %swap3A_2277] {strides = array<i32>} : memref<24x128xi32, #tpu.memory_space<vmem>>, vector<1x16xi32>,
    %swap3A_2279 = vector.shape_cast %swap3A_2278 : vector<1x16xi32> to vector<16xi32>
    %swap3A_2280 = vector.shape_cast %add3A_2274 : vector<16xi32> to vector<1x16xi32>
    tpu.vector_store %arg6[%swap3A_2276, %swap3A_2277], %swap3A_2280 {strides = array<i32>} : memref<24x128xi32, #tpu.memory_space<vmem>>, vector<1x16xi32>,
    %get3A_2281 = arith.constant 0 : i32
    %get3A_2282 = arith.index_cast %get3A_2281 : i32 to index
    %get3A_2283 = arith.constant 48 : index
    %get3A_2284 = tpu.vector_load %arg5[%get3A_2282, %get3A_2283] {strides = array<i32>} : memref<1x512xi32, #tpu.memory_space<vmem>>, vector<1x16xi32>,
    %get3A_2285 = vector.shape_cast %get3A_2284 : vector<1x16xi32> to vector<16xi32>
    %add3A_2286 = arith.constant 1304576 : i32
    %add3A_2287 = vector.broadcast %add3A_2286 : i32 to vector<16xi32>
    %add3A_2288 = arith.addi %get3A_2285, %add3A_2287 : vector<16xi32>
    %swap3A_2289 = arith.constant 20 : i32
    %swap3A_2290 = arith.index_cast %swap3A_2289 : i32 to index
    %swap3A_2291 = arith.constant 48 : index
    %swap3A_2292 = tpu.vector_load %arg6[%swap3A_2290, %swap3A_2291] {strides = array<i32>} : memref<24x128xi32, #tpu.memory_space<vmem>>, vector<1x16xi32>,
    %swap3A_2293 = vector.shape_cast %swap3A_2292 : vector<1x16xi32> to vector<16xi32>
    %swap3A_2294 = vector.shape_cast %add3A_2288 : vector<16xi32> to vector<1x16xi32>
    tpu.vector_store %arg6[%swap3A_2290, %swap3A_2291], %swap3A_2294 {strides = array<i32>} : memref<24x128xi32, #tpu.memory_space<vmem>>, vector<1x16xi32>,
    %get3A_2295 = arith.constant 0 : i32
    %get3A_2296 = arith.index_cast %get3A_2295 : i32 to index
    %get3A_2297 = arith.constant 64 : index
    %get3A_2298 = tpu.vector_load %arg5[%get3A_2296, %get3A_2297] {strides = array<i32>} : memref<1x512xi32, #tpu.memory_space<vmem>>, vector<1x16xi32>,
    %get3A_2299 = vector.shape_cast %get3A_2298 : vector<1x16xi32> to vector<16xi32>
    %add3A_2300 = arith.constant 1455104 : i32
    %add3A_2301 = vector.broadcast %add3A_2300 : i32 to vector<16xi32>
    %add3A_2302 = arith.addi %get3A_2299, %add3A_2301 : vector<16xi32>
    %swap3A_2303 = arith.constant 20 : i32
    %swap3A_2304 = arith.index_cast %swap3A_2303 : i32 to index
    %swap3A_2305 = arith.constant 64 : index
    %swap3A_2306 = tpu.vector_load %arg6[%swap3A_2304, %swap3A_2305] {strides = array<i32>} : memref<24x128xi32, #tpu.memory_space<vmem>>, vector<1x16xi32>,
    %swap3A_2307 = vector.shape_cast %swap3A_2306 : vector<1x16xi32> to vector<16xi32>
    %swap3A_2308 = vector.shape_cast %add3A_2302 : vector<16xi32> to vector<1x16xi32>
    tpu.vector_store %arg6[%swap3A_2304, %swap3A_2305], %swap3A_2308 {strides = array<i32>} : memref<24x128xi32, #tpu.memory_space<vmem>>, vector<1x16xi32>,
    %get3A_2309 = arith.constant 0 : i32
    %get3A_2310 = arith.index_cast %get3A_2309 : i32 to index
    %get3A_2311 = arith.constant 80 : index
    %get3A_2312 = tpu.vector_load %arg5[%get3A_2310, %get3A_2311] {strides = array<i32>} : memref<1x512xi32, #tpu.memory_space<vmem>>, vector<1x16xi32>,
    %get3A_2313 = vector.shape_cast %get3A_2312 : vector<1x16xi32> to vector<16xi32>
    %add3A_2314 = arith.constant 1455104 : i32
    %add3A_2315 = vector.broadcast %add3A_2314 : i32 to vector<16xi32>
    %add3A_2316 = arith.addi %get3A_2313, %add3A_2315 : vector<16xi32>
    %swap3A_2317 = arith.constant 20 : i32
    %swap3A_2318 = arith.index_cast %swap3A_2317 : i32 to index
    %swap3A_2319 = arith.constant 80 : index
    %swap3A_2320 = tpu.vector_load %arg6[%swap3A_2318, %swap3A_2319] {strides = array<i32>} : memref<24x128xi32, #tpu.memory_space<vmem>>, vector<1x16xi32>,
    %swap3A_2321 = vector.shape_cast %swap3A_2320 : vector<1x16xi32> to vector<16xi32>
    %swap3A_2322 = vector.shape_cast %add3A_2316 : vector<16xi32> to vector<1x16xi32>
    tpu.vector_store %arg6[%swap3A_2318, %swap3A_2319], %swap3A_2322 {strides = array<i32>} : memref<24x128xi32, #tpu.memory_space<vmem>>, vector<1x16xi32>,
    %get3A_2323 = arith.constant 0 : i32
    %get3A_2324 = arith.index_cast %get3A_2323 : i32 to index
    %get3A_2325 = arith.constant 96 : index
    %get3A_2326 = tpu.vector_load %arg5[%get3A_2324, %get3A_2325] {strides = array<i32>} : memref<1x512xi32, #tpu.memory_space<vmem>>, vector<1x16xi32>,
    %get3A_2327 = vector.shape_cast %get3A_2326 : vector<1x16xi32> to vector<16xi32>
    %add3A_2328 = arith.constant 1455104 : i32
    %add3A_2329 = vector.broadcast %add3A_2328 : i32 to vector<16xi32>
    %add3A_2330 = arith.addi %get3A_2327, %add3A_2329 : vector<16xi32>
    %swap3A_2331 = arith.constant 20 : i32
    %swap3A_2332 = arith.index_cast %swap3A_2331 : i32 to index
    %swap3A_2333 = arith.constant 96 : index
    %swap3A_2334 = tpu.vector_load %arg6[%swap3A_2332, %swap3A_2333] {strides = array<i32>} : memref<24x128xi32, #tpu.memory_space<vmem>>, vector<1x16xi32>,
    %swap3A_2335 = vector.shape_cast %swap3A_2334 : vector<1x16xi32> to vector<16xi32>
    %swap3A_2336 = vector.shape_cast %add3A_2330 : vector<16xi32> to vector<1x16xi32>
    tpu.vector_store %arg6[%swap3A_2332, %swap3A_2333], %swap3A_2336 {strides = array<i32>} : memref<24x128xi32, #tpu.memory_space<vmem>>, vector<1x16xi32>,
    %get3A_2337 = arith.constant 0 : i32
    %get3A_2338 = arith.index_cast %get3A_2337 : i32 to index
    %get3A_2339 = arith.constant 112 : index
    %get3A_2340 = tpu.vector_load %arg5[%get3A_2338, %get3A_2339] {strides = array<i32>} : memref<1x512xi32, #tpu.memory_space<vmem>>, vector<1x16xi32>,
    %get3A_2341 = vector.shape_cast %get3A_2340 : vector<1x16xi32> to vector<16xi32>
    %add3A_2342 = arith.constant 1455104 : i32
    %add3A_2343 = vector.broadcast %add3A_2342 : i32 to vector<16xi32>
    %add3A_2344 = arith.addi %get3A_2341, %add3A_2343 : vector<16xi32>
    %swap3A_2345 = arith.constant 20 : i32
    %swap3A_2346 = arith.index_cast %swap3A_2345 : i32 to index
    %swap3A_2347 = arith.constant 112 : index
    %swap3A_2348 = tpu.vector_load %arg6[%swap3A_2346, %swap3A_2347] {strides = array<i32>} : memref<24x128xi32, #tpu.memory_space<vmem>>, vector<1x16xi32>,
    %swap3A_2349 = vector.shape_cast %swap3A_2348 : vector<1x16xi32> to vector<16xi32>
    %swap3A_2350 = vector.shape_cast %add3A_2344 : vector<16xi32> to vector<1x16xi32>
    tpu.vector_store %arg6[%swap3A_2346, %swap3A_2347], %swap3A_2350 {strides = array<i32>} : memref<24x128xi32, #tpu.memory_space<vmem>>, vector<1x16xi32>,
    %get3A_2351 = arith.constant 0 : i32
    %get3A_2352 = arith.index_cast %get3A_2351 : i32 to index
    %get3A_2353 = arith.constant 128 : index
    %get3A_2354 = tpu.vector_load %arg5[%get3A_2352, %get3A_2353] {strides = array<i32>} : memref<1x512xi32, #tpu.memory_space<vmem>>, vector<1x16xi32>,
    %get3A_2355 = vector.shape_cast %get3A_2354 : vector<1x16xi32> to vector<16xi32>
    %add3A_2356 = arith.constant 1605632 : i32
    %add3A_2357 = vector.broadcast %add3A_2356 : i32 to vector<16xi32>
    %add3A_2358 = arith.addi %get3A_2355, %add3A_2357 : vector<16xi32>
    %swap3A_2359 = arith.constant 21 : i32
    %swap3A_2360 = arith.index_cast %swap3A_2359 : i32 to index
    %swap3A_2361 = arith.constant 0 : index
    %swap3A_2362 = tpu.vector_load %arg6[%swap3A_2360, %swap3A_2361] {strides = array<i32>} : memref<24x128xi32, #tpu.memory_space<vmem>>, vector<1x16xi32>,
    %swap3A_2363 = vector.shape_cast %swap3A_2362 : vector<1x16xi32> to vector<16xi32>
    %swap3A_2364 = vector.shape_cast %add3A_2358 : vector<16xi32> to vector<1x16xi32>
    tpu.vector_store %arg6[%swap3A_2360, %swap3A_2361], %swap3A_2364 {strides = array<i32>} : memref<24x128xi32, #tpu.memory_space<vmem>>, vector<1x16xi32>,
    %get3A_2365 = arith.constant 0 : i32
    %get3A_2366 = arith.index_cast %get3A_2365 : i32 to index
    %get3A_2367 = arith.constant 144 : index
    %get3A_2368 = tpu.vector_load %arg5[%get3A_2366, %get3A_2367] {strides = array<i32>} : memref<1x512xi32, #tpu.memory_space<vmem>>, vector<1x16xi32>,
    %get3A_2369 = vector.shape_cast %get3A_2368 : vector<1x16xi32> to vector<16xi32>
    %add3A_2370 = arith.constant 1605632 : i32
    %add3A_2371 = vector.broadcast %add3A_2370 : i32 to vector<16xi32>
    %add3A_2372 = arith.addi %get3A_2369, %add3A_2371 : vector<16xi32>
    %swap3A_2373 = arith.constant 21 : i32
    %swap3A_2374 = arith.index_cast %swap3A_2373 : i32 to index
    %swap3A_2375 = arith.constant 16 : index
    %swap3A_2376 = tpu.vector_load %arg6[%swap3A_2374, %swap3A_2375] {strides = array<i32>} : memref<24x128xi32, #tpu.memory_space<vmem>>, vector<1x16xi32>,
    %swap3A_2377 = vector.shape_cast %swap3A_2376 : vector<1x16xi32> to vector<16xi32>
    %swap3A_2378 = vector.shape_cast %add3A_2372 : vector<16xi32> to vector<1x16xi32>
    tpu.vector_store %arg6[%swap3A_2374, %swap3A_2375], %swap3A_2378 {strides = array<i32>} : memref<24x128xi32, #tpu.memory_space<vmem>>, vector<1x16xi32>,
    %get3A_2379 = arith.constant 0 : i32
    %get3A_2380 = arith.index_cast %get3A_2379 : i32 to index
    %get3A_2381 = arith.constant 160 : index
    %get3A_2382 = tpu.vector_load %arg5[%get3A_2380, %get3A_2381] {strides = array<i32>} : memref<1x512xi32, #tpu.memory_space<vmem>>, vector<1x16xi32>,
    %get3A_2383 = vector.shape_cast %get3A_2382 : vector<1x16xi32> to vector<16xi32>
    %add3A_2384 = arith.constant 1605632 : i32
    %add3A_2385 = vector.broadcast %add3A_2384 : i32 to vector<16xi32>
    %add3A_2386 = arith.addi %get3A_2383, %add3A_2385 : vector<16xi32>
    %swap3A_2387 = arith.constant 21 : i32
    %swap3A_2388 = arith.index_cast %swap3A_2387 : i32 to index
    %swap3A_2389 = arith.constant 32 : index
    %swap3A_2390 = tpu.vector_load %arg6[%swap3A_2388, %swap3A_2389] {strides = array<i32>} : memref<24x128xi32, #tpu.memory_space<vmem>>, vector<1x16xi32>,
    %swap3A_2391 = vector.shape_cast %swap3A_2390 : vector<1x16xi32> to vector<16xi32>
    %swap3A_2392 = vector.shape_cast %add3A_2386 : vector<16xi32> to vector<1x16xi32>
    tpu.vector_store %arg6[%swap3A_2388, %swap3A_2389], %swap3A_2392 {strides = array<i32>} : memref<24x128xi32, #tpu.memory_space<vmem>>, vector<1x16xi32>,
    %get3A_2393 = arith.constant 0 : i32
    %get3A_2394 = arith.index_cast %get3A_2393 : i32 to index
    %get3A_2395 = arith.constant 176 : index
    %get3A_2396 = tpu.vector_load %arg5[%get3A_2394, %get3A_2395] {strides = array<i32>} : memref<1x512xi32, #tpu.memory_space<vmem>>, vector<1x16xi32>,
    %get3A_2397 = vector.shape_cast %get3A_2396 : vector<1x16xi32> to vector<16xi32>
    %add3A_2398 = arith.constant 1605632 : i32
    %add3A_2399 = vector.broadcast %add3A_2398 : i32 to vector<16xi32>
    %add3A_2400 = arith.addi %get3A_2397, %add3A_2399 : vector<16xi32>
    %swap3A_2401 = arith.constant 21 : i32
    %swap3A_2402 = arith.index_cast %swap3A_2401 : i32 to index
    %swap3A_2403 = arith.constant 48 : index
    %swap3A_2404 = tpu.vector_load %arg6[%swap3A_2402, %swap3A_2403] {strides = array<i32>} : memref<24x128xi32, #tpu.memory_space<vmem>>, vector<1x16xi32>,
    %swap3A_2405 = vector.shape_cast %swap3A_2404 : vector<1x16xi32> to vector<16xi32>
    %swap3A_2406 = vector.shape_cast %add3A_2400 : vector<16xi32> to vector<1x16xi32>
    tpu.vector_store %arg6[%swap3A_2402, %swap3A_2403], %swap3A_2406 {strides = array<i32>} : memref<24x128xi32, #tpu.memory_space<vmem>>, vector<1x16xi32>,
    %get3A_2407 = arith.constant 0 : i32
    %get3A_2408 = arith.index_cast %get3A_2407 : i32 to index
    %get3A_2409 = arith.constant 192 : index
    %get3A_2410 = tpu.vector_load %arg5[%get3A_2408, %get3A_2409] {strides = array<i32>} : memref<1x512xi32, #tpu.memory_space<vmem>>, vector<1x16xi32>,
    %get3A_2411 = vector.shape_cast %get3A_2410 : vector<1x16xi32> to vector<16xi32>
    %add3A_2412 = arith.constant 1756160 : i32
    %add3A_2413 = vector.broadcast %add3A_2412 : i32 to vector<16xi32>
    %add3A_2414 = arith.addi %get3A_2411, %add3A_2413 : vector<16xi32>
    %swap3A_2415 = arith.constant 21 : i32
    %swap3A_2416 = arith.index_cast %swap3A_2415 : i32 to index
    %swap3A_2417 = arith.constant 64 : index
    %swap3A_2418 = tpu.vector_load %arg6[%swap3A_2416, %swap3A_2417] {strides = array<i32>} : memref<24x128xi32, #tpu.memory_space<vmem>>, vector<1x16xi32>,
    %swap3A_2419 = vector.shape_cast %swap3A_2418 : vector<1x16xi32> to vector<16xi32>
    %swap3A_2420 = vector.shape_cast %add3A_2414 : vector<16xi32> to vector<1x16xi32>
    tpu.vector_store %arg6[%swap3A_2416, %swap3A_2417], %swap3A_2420 {strides = array<i32>} : memref<24x128xi32, #tpu.memory_space<vmem>>, vector<1x16xi32>,
    %get3A_2421 = arith.constant 0 : i32
    %get3A_2422 = arith.index_cast %get3A_2421 : i32 to index
    %get3A_2423 = arith.constant 208 : index
    %get3A_2424 = tpu.vector_load %arg5[%get3A_2422, %get3A_2423] {strides = array<i32>} : memref<1x512xi32, #tpu.memory_space<vmem>>, vector<1x16xi32>,
    %get3A_2425 = vector.shape_cast %get3A_2424 : vector<1x16xi32> to vector<16xi32>
    %add3A_2426 = arith.constant 1756160 : i32
    %add3A_2427 = vector.broadcast %add3A_2426 : i32 to vector<16xi32>
    %add3A_2428 = arith.addi %get3A_2425, %add3A_2427 : vector<16xi32>
    %swap3A_2429 = arith.constant 21 : i32
    %swap3A_2430 = arith.index_cast %swap3A_2429 : i32 to index
    %swap3A_2431 = arith.constant 80 : index
    %swap3A_2432 = tpu.vector_load %arg6[%swap3A_2430, %swap3A_2431] {strides = array<i32>} : memref<24x128xi32, #tpu.memory_space<vmem>>, vector<1x16xi32>,
    %swap3A_2433 = vector.shape_cast %swap3A_2432 : vector<1x16xi32> to vector<16xi32>
    %swap3A_2434 = vector.shape_cast %add3A_2428 : vector<16xi32> to vector<1x16xi32>
    tpu.vector_store %arg6[%swap3A_2430, %swap3A_2431], %swap3A_2434 {strides = array<i32>} : memref<24x128xi32, #tpu.memory_space<vmem>>, vector<1x16xi32>,
    %get3A_2435 = arith.constant 0 : i32
    %get3A_2436 = arith.index_cast %get3A_2435 : i32 to index
    %get3A_2437 = arith.constant 224 : index
    %get3A_2438 = tpu.vector_load %arg5[%get3A_2436, %get3A_2437] {strides = array<i32>} : memref<1x512xi32, #tpu.memory_space<vmem>>, vector<1x16xi32>,
    %get3A_2439 = vector.shape_cast %get3A_2438 : vector<1x16xi32> to vector<16xi32>
    %add3A_2440 = arith.constant 1756160 : i32
    %add3A_2441 = vector.broadcast %add3A_2440 : i32 to vector<16xi32>
    %add3A_2442 = arith.addi %get3A_2439, %add3A_2441 : vector<16xi32>
    %swap3A_2443 = arith.constant 21 : i32
    %swap3A_2444 = arith.index_cast %swap3A_2443 : i32 to index
    %swap3A_2445 = arith.constant 96 : index
    %swap3A_2446 = tpu.vector_load %arg6[%swap3A_2444, %swap3A_2445] {strides = array<i32>} : memref<24x128xi32, #tpu.memory_space<vmem>>, vector<1x16xi32>,
    %swap3A_2447 = vector.shape_cast %swap3A_2446 : vector<1x16xi32> to vector<16xi32>
    %swap3A_2448 = vector.shape_cast %add3A_2442 : vector<16xi32> to vector<1x16xi32>
    tpu.vector_store %arg6[%swap3A_2444, %swap3A_2445], %swap3A_2448 {strides = array<i32>} : memref<24x128xi32, #tpu.memory_space<vmem>>, vector<1x16xi32>,
    %get3A_2449 = arith.constant 0 : i32
    %get3A_2450 = arith.index_cast %get3A_2449 : i32 to index
    %get3A_2451 = arith.constant 240 : index
    %get3A_2452 = tpu.vector_load %arg5[%get3A_2450, %get3A_2451] {strides = array<i32>} : memref<1x512xi32, #tpu.memory_space<vmem>>, vector<1x16xi32>,
    %get3A_2453 = vector.shape_cast %get3A_2452 : vector<1x16xi32> to vector<16xi32>
    %add3A_2454 = arith.constant 1756160 : i32
    %add3A_2455 = vector.broadcast %add3A_2454 : i32 to vector<16xi32>
    %add3A_2456 = arith.addi %get3A_2453, %add3A_2455 : vector<16xi32>
    %swap3A_2457 = arith.constant 21 : i32
    %swap3A_2458 = arith.index_cast %swap3A_2457 : i32 to index
    %swap3A_2459 = arith.constant 112 : index
    %swap3A_2460 = tpu.vector_load %arg6[%swap3A_2458, %swap3A_2459] {strides = array<i32>} : memref<24x128xi32, #tpu.memory_space<vmem>>, vector<1x16xi32>,
    %swap3A_2461 = vector.shape_cast %swap3A_2460 : vector<1x16xi32> to vector<16xi32>
    %swap3A_2462 = vector.shape_cast %add3A_2456 : vector<16xi32> to vector<1x16xi32>
    tpu.vector_store %arg6[%swap3A_2458, %swap3A_2459], %swap3A_2462 {strides = array<i32>} : memref<24x128xi32, #tpu.memory_space<vmem>>, vector<1x16xi32>,
    %get3A_2463 = arith.constant 0 : i32
    %get3A_2464 = arith.index_cast %get3A_2463 : i32 to index
    %get3A_2465 = arith.constant 256 : index
    %get3A_2466 = tpu.vector_load %arg5[%get3A_2464, %get3A_2465] {strides = array<i32>} : memref<1x512xi32, #tpu.memory_space<vmem>>, vector<1x16xi32>,
    %get3A_2467 = vector.shape_cast %get3A_2466 : vector<1x16xi32> to vector<16xi32>
    %add3A_2468 = arith.constant 1906688 : i32
    %add3A_2469 = vector.broadcast %add3A_2468 : i32 to vector<16xi32>
    %add3A_2470 = arith.addi %get3A_2467, %add3A_2469 : vector<16xi32>
    %swap3A_2471 = arith.constant 22 : i32
    %swap3A_2472 = arith.index_cast %swap3A_2471 : i32 to index
    %swap3A_2473 = arith.constant 0 : index
    %swap3A_2474 = tpu.vector_load %arg6[%swap3A_2472, %swap3A_2473] {strides = array<i32>} : memref<24x128xi32, #tpu.memory_space<vmem>>, vector<1x16xi32>,
    %swap3A_2475 = vector.shape_cast %swap3A_2474 : vector<1x16xi32> to vector<16xi32>
    %swap3A_2476 = vector.shape_cast %add3A_2470 : vector<16xi32> to vector<1x16xi32>
    tpu.vector_store %arg6[%swap3A_2472, %swap3A_2473], %swap3A_2476 {strides = array<i32>} : memref<24x128xi32, #tpu.memory_space<vmem>>, vector<1x16xi32>,
    %get3A_2477 = arith.constant 0 : i32
    %get3A_2478 = arith.index_cast %get3A_2477 : i32 to index
    %get3A_2479 = arith.constant 272 : index
    %get3A_2480 = tpu.vector_load %arg5[%get3A_2478, %get3A_2479] {strides = array<i32>} : memref<1x512xi32, #tpu.memory_space<vmem>>, vector<1x16xi32>,
    %get3A_2481 = vector.shape_cast %get3A_2480 : vector<1x16xi32> to vector<16xi32>
    %add3A_2482 = arith.constant 1906688 : i32
    %add3A_2483 = vector.broadcast %add3A_2482 : i32 to vector<16xi32>
    %add3A_2484 = arith.addi %get3A_2481, %add3A_2483 : vector<16xi32>
    %swap3A_2485 = arith.constant 22 : i32
    %swap3A_2486 = arith.index_cast %swap3A_2485 : i32 to index
    %swap3A_2487 = arith.constant 16 : index
    %swap3A_2488 = tpu.vector_load %arg6[%swap3A_2486, %swap3A_2487] {strides = array<i32>} : memref<24x128xi32, #tpu.memory_space<vmem>>, vector<1x16xi32>,
    %swap3A_2489 = vector.shape_cast %swap3A_2488 : vector<1x16xi32> to vector<16xi32>
    %swap3A_2490 = vector.shape_cast %add3A_2484 : vector<16xi32> to vector<1x16xi32>
    tpu.vector_store %arg6[%swap3A_2486, %swap3A_2487], %swap3A_2490 {strides = array<i32>} : memref<24x128xi32, #tpu.memory_space<vmem>>, vector<1x16xi32>,
    %get3A_2491 = arith.constant 0 : i32
    %get3A_2492 = arith.index_cast %get3A_2491 : i32 to index
    %get3A_2493 = arith.constant 288 : index
    %get3A_2494 = tpu.vector_load %arg5[%get3A_2492, %get3A_2493] {strides = array<i32>} : memref<1x512xi32, #tpu.memory_space<vmem>>, vector<1x16xi32>,
    %get3A_2495 = vector.shape_cast %get3A_2494 : vector<1x16xi32> to vector<16xi32>
    %add3A_2496 = arith.constant 1906688 : i32
    %add3A_2497 = vector.broadcast %add3A_2496 : i32 to vector<16xi32>
    %add3A_2498 = arith.addi %get3A_2495, %add3A_2497 : vector<16xi32>
    %swap3A_2499 = arith.constant 22 : i32
    %swap3A_2500 = arith.index_cast %swap3A_2499 : i32 to index
    %swap3A_2501 = arith.constant 32 : index
    %swap3A_2502 = tpu.vector_load %arg6[%swap3A_2500, %swap3A_2501] {strides = array<i32>} : memref<24x128xi32, #tpu.memory_space<vmem>>, vector<1x16xi32>,
    %swap3A_2503 = vector.shape_cast %swap3A_2502 : vector<1x16xi32> to vector<16xi32>
    %swap3A_2504 = vector.shape_cast %add3A_2498 : vector<16xi32> to vector<1x16xi32>
    tpu.vector_store %arg6[%swap3A_2500, %swap3A_2501], %swap3A_2504 {strides = array<i32>} : memref<24x128xi32, #tpu.memory_space<vmem>>, vector<1x16xi32>,
    %get3A_2505 = arith.constant 0 : i32
    %get3A_2506 = arith.index_cast %get3A_2505 : i32 to index
    %get3A_2507 = arith.constant 304 : index
    %get3A_2508 = tpu.vector_load %arg5[%get3A_2506, %get3A_2507] {strides = array<i32>} : memref<1x512xi32, #tpu.memory_space<vmem>>, vector<1x16xi32>,
    %get3A_2509 = vector.shape_cast %get3A_2508 : vector<1x16xi32> to vector<16xi32>
    %add3A_2510 = arith.constant 1906688 : i32
    %add3A_2511 = vector.broadcast %add3A_2510 : i32 to vector<16xi32>
    %add3A_2512 = arith.addi %get3A_2509, %add3A_2511 : vector<16xi32>
    %swap3A_2513 = arith.constant 22 : i32
    %swap3A_2514 = arith.index_cast %swap3A_2513 : i32 to index
    %swap3A_2515 = arith.constant 48 : index
    %swap3A_2516 = tpu.vector_load %arg6[%swap3A_2514, %swap3A_2515] {strides = array<i32>} : memref<24x128xi32, #tpu.memory_space<vmem>>, vector<1x16xi32>,
    %swap3A_2517 = vector.shape_cast %swap3A_2516 : vector<1x16xi32> to vector<16xi32>
    %swap3A_2518 = vector.shape_cast %add3A_2512 : vector<16xi32> to vector<1x16xi32>
    tpu.vector_store %arg6[%swap3A_2514, %swap3A_2515], %swap3A_2518 {strides = array<i32>} : memref<24x128xi32, #tpu.memory_space<vmem>>, vector<1x16xi32>,
    %get3A_2519 = arith.constant 0 : i32
    %get3A_2520 = arith.index_cast %get3A_2519 : i32 to index
    %get3A_2521 = arith.constant 320 : index
    %get3A_2522 = tpu.vector_load %arg5[%get3A_2520, %get3A_2521] {strides = array<i32>} : memref<1x512xi32, #tpu.memory_space<vmem>>, vector<1x16xi32>,
    %get3A_2523 = vector.shape_cast %get3A_2522 : vector<1x16xi32> to vector<16xi32>
    %add3A_2524 = arith.constant 2057216 : i32
    %add3A_2525 = vector.broadcast %add3A_2524 : i32 to vector<16xi32>
    %add3A_2526 = arith.addi %get3A_2523, %add3A_2525 : vector<16xi32>
    %swap3A_2527 = arith.constant 22 : i32
    %swap3A_2528 = arith.index_cast %swap3A_2527 : i32 to index
    %swap3A_2529 = arith.constant 64 : index
    %swap3A_2530 = tpu.vector_load %arg6[%swap3A_2528, %swap3A_2529] {strides = array<i32>} : memref<24x128xi32, #tpu.memory_space<vmem>>, vector<1x16xi32>,
    %swap3A_2531 = vector.shape_cast %swap3A_2530 : vector<1x16xi32> to vector<16xi32>
    %swap3A_2532 = vector.shape_cast %add3A_2526 : vector<16xi32> to vector<1x16xi32>
    tpu.vector_store %arg6[%swap3A_2528, %swap3A_2529], %swap3A_2532 {strides = array<i32>} : memref<24x128xi32, #tpu.memory_space<vmem>>, vector<1x16xi32>,
    %get3A_2533 = arith.constant 0 : i32
    %get3A_2534 = arith.index_cast %get3A_2533 : i32 to index
    %get3A_2535 = arith.constant 336 : index
    %get3A_2536 = tpu.vector_load %arg5[%get3A_2534, %get3A_2535] {strides = array<i32>} : memref<1x512xi32, #tpu.memory_space<vmem>>, vector<1x16xi32>,
    %get3A_2537 = vector.shape_cast %get3A_2536 : vector<1x16xi32> to vector<16xi32>
    %add3A_2538 = arith.constant 2057216 : i32
    %add3A_2539 = vector.broadcast %add3A_2538 : i32 to vector<16xi32>
    %add3A_2540 = arith.addi %get3A_2537, %add3A_2539 : vector<16xi32>
    %swap3A_2541 = arith.constant 22 : i32
    %swap3A_2542 = arith.index_cast %swap3A_2541 : i32 to index
    %swap3A_2543 = arith.constant 80 : index
    %swap3A_2544 = tpu.vector_load %arg6[%swap3A_2542, %swap3A_2543] {strides = array<i32>} : memref<24x128xi32, #tpu.memory_space<vmem>>, vector<1x16xi32>,
    %swap3A_2545 = vector.shape_cast %swap3A_2544 : vector<1x16xi32> to vector<16xi32>
    %swap3A_2546 = vector.shape_cast %add3A_2540 : vector<16xi32> to vector<1x16xi32>
    tpu.vector_store %arg6[%swap3A_2542, %swap3A_2543], %swap3A_2546 {strides = array<i32>} : memref<24x128xi32, #tpu.memory_space<vmem>>, vector<1x16xi32>,
    %get3A_2547 = arith.constant 0 : i32
    %get3A_2548 = arith.index_cast %get3A_2547 : i32 to index
    %get3A_2549 = arith.constant 352 : index
    %get3A_2550 = tpu.vector_load %arg5[%get3A_2548, %get3A_2549] {strides = array<i32>} : memref<1x512xi32, #tpu.memory_space<vmem>>, vector<1x16xi32>,
    %get3A_2551 = vector.shape_cast %get3A_2550 : vector<1x16xi32> to vector<16xi32>
    %add3A_2552 = arith.constant 2057216 : i32
    %add3A_2553 = vector.broadcast %add3A_2552 : i32 to vector<16xi32>
    %add3A_2554 = arith.addi %get3A_2551, %add3A_2553 : vector<16xi32>
    %swap3A_2555 = arith.constant 22 : i32
    %swap3A_2556 = arith.index_cast %swap3A_2555 : i32 to index
    %swap3A_2557 = arith.constant 96 : index
    %swap3A_2558 = tpu.vector_load %arg6[%swap3A_2556, %swap3A_2557] {strides = array<i32>} : memref<24x128xi32, #tpu.memory_space<vmem>>, vector<1x16xi32>,
    %swap3A_2559 = vector.shape_cast %swap3A_2558 : vector<1x16xi32> to vector<16xi32>
    %swap3A_2560 = vector.shape_cast %add3A_2554 : vector<16xi32> to vector<1x16xi32>
    tpu.vector_store %arg6[%swap3A_2556, %swap3A_2557], %swap3A_2560 {strides = array<i32>} : memref<24x128xi32, #tpu.memory_space<vmem>>, vector<1x16xi32>,
    %get3A_2561 = arith.constant 0 : i32
    %get3A_2562 = arith.index_cast %get3A_2561 : i32 to index
    %get3A_2563 = arith.constant 368 : index
    %get3A_2564 = tpu.vector_load %arg5[%get3A_2562, %get3A_2563] {strides = array<i32>} : memref<1x512xi32, #tpu.memory_space<vmem>>, vector<1x16xi32>,
    %get3A_2565 = vector.shape_cast %get3A_2564 : vector<1x16xi32> to vector<16xi32>
    %add3A_2566 = arith.constant 2057216 : i32
    %add3A_2567 = vector.broadcast %add3A_2566 : i32 to vector<16xi32>
    %add3A_2568 = arith.addi %get3A_2565, %add3A_2567 : vector<16xi32>
    %swap3A_2569 = arith.constant 22 : i32
    %swap3A_2570 = arith.index_cast %swap3A_2569 : i32 to index
    %swap3A_2571 = arith.constant 112 : index
    %swap3A_2572 = tpu.vector_load %arg6[%swap3A_2570, %swap3A_2571] {strides = array<i32>} : memref<24x128xi32, #tpu.memory_space<vmem>>, vector<1x16xi32>,
    %swap3A_2573 = vector.shape_cast %swap3A_2572 : vector<1x16xi32> to vector<16xi32>
    %swap3A_2574 = vector.shape_cast %add3A_2568 : vector<16xi32> to vector<1x16xi32>
    tpu.vector_store %arg6[%swap3A_2570, %swap3A_2571], %swap3A_2574 {strides = array<i32>} : memref<24x128xi32, #tpu.memory_space<vmem>>, vector<1x16xi32>,
    %get3A_2575 = arith.constant 0 : i32
    %get3A_2576 = arith.index_cast %get3A_2575 : i32 to index
    %get3A_2577 = arith.constant 384 : index
    %get3A_2578 = tpu.vector_load %arg5[%get3A_2576, %get3A_2577] {strides = array<i32>} : memref<1x512xi32, #tpu.memory_space<vmem>>, vector<1x16xi32>,
    %get3A_2579 = vector.shape_cast %get3A_2578 : vector<1x16xi32> to vector<16xi32>
    %add3A_2580 = arith.constant 2207744 : i32
    %add3A_2581 = vector.broadcast %add3A_2580 : i32 to vector<16xi32>
    %add3A_2582 = arith.addi %get3A_2579, %add3A_2581 : vector<16xi32>
    %swap3A_2583 = arith.constant 23 : i32
    %swap3A_2584 = arith.index_cast %swap3A_2583 : i32 to index
    %swap3A_2585 = arith.constant 0 : index
    %swap3A_2586 = tpu.vector_load %arg6[%swap3A_2584, %swap3A_2585] {strides = array<i32>} : memref<24x128xi32, #tpu.memory_space<vmem>>, vector<1x16xi32>,
    %swap3A_2587 = vector.shape_cast %swap3A_2586 : vector<1x16xi32> to vector<16xi32>
    %swap3A_2588 = vector.shape_cast %add3A_2582 : vector<16xi32> to vector<1x16xi32>
    tpu.vector_store %arg6[%swap3A_2584, %swap3A_2585], %swap3A_2588 {strides = array<i32>} : memref<24x128xi32, #tpu.memory_space<vmem>>, vector<1x16xi32>,
    %get3A_2589 = arith.constant 0 : i32
    %get3A_2590 = arith.index_cast %get3A_2589 : i32 to index
    %get3A_2591 = arith.constant 400 : index
    %get3A_2592 = tpu.vector_load %arg5[%get3A_2590, %get3A_2591] {strides = array<i32>} : memref<1x512xi32, #tpu.memory_space<vmem>>, vector<1x16xi32>,
    %get3A_2593 = vector.shape_cast %get3A_2592 : vector<1x16xi32> to vector<16xi32>
    %add3A_2594 = arith.constant 2207744 : i32
    %add3A_2595 = vector.broadcast %add3A_2594 : i32 to vector<16xi32>
    %add3A_2596 = arith.addi %get3A_2593, %add3A_2595 : vector<16xi32>
    %swap3A_2597 = arith.constant 23 : i32
    %swap3A_2598 = arith.index_cast %swap3A_2597 : i32 to index
    %swap3A_2599 = arith.constant 16 : index
    %swap3A_2600 = tpu.vector_load %arg6[%swap3A_2598, %swap3A_2599] {strides = array<i32>} : memref<24x128xi32, #tpu.memory_space<vmem>>, vector<1x16xi32>,
    %swap3A_2601 = vector.shape_cast %swap3A_2600 : vector<1x16xi32> to vector<16xi32>
    %swap3A_2602 = vector.shape_cast %add3A_2596 : vector<16xi32> to vector<1x16xi32>
    tpu.vector_store %arg6[%swap3A_2598, %swap3A_2599], %swap3A_2602 {strides = array<i32>} : memref<24x128xi32, #tpu.memory_space<vmem>>, vector<1x16xi32>,
    %get3A_2603 = arith.constant 0 : i32
    %get3A_2604 = arith.index_cast %get3A_2603 : i32 to index
    %get3A_2605 = arith.constant 416 : index
    %get3A_2606 = tpu.vector_load %arg5[%get3A_2604, %get3A_2605] {strides = array<i32>} : memref<1x512xi32, #tpu.memory_space<vmem>>, vector<1x16xi32>,
    %get3A_2607 = vector.shape_cast %get3A_2606 : vector<1x16xi32> to vector<16xi32>
    %add3A_2608 = arith.constant 2207744 : i32
    %add3A_2609 = vector.broadcast %add3A_2608 : i32 to vector<16xi32>
    %add3A_2610 = arith.addi %get3A_2607, %add3A_2609 : vector<16xi32>
    %swap3A_2611 = arith.constant 23 : i32
    %swap3A_2612 = arith.index_cast %swap3A_2611 : i32 to index
    %swap3A_2613 = arith.constant 32 : index
    %swap3A_2614 = tpu.vector_load %arg6[%swap3A_2612, %swap3A_2613] {strides = array<i32>} : memref<24x128xi32, #tpu.memory_space<vmem>>, vector<1x16xi32>,
    %swap3A_2615 = vector.shape_cast %swap3A_2614 : vector<1x16xi32> to vector<16xi32>
    %swap3A_2616 = vector.shape_cast %add3A_2610 : vector<16xi32> to vector<1x16xi32>
    tpu.vector_store %arg6[%swap3A_2612, %swap3A_2613], %swap3A_2616 {strides = array<i32>} : memref<24x128xi32, #tpu.memory_space<vmem>>, vector<1x16xi32>,
    %get3A_2617 = arith.constant 0 : i32
    %get3A_2618 = arith.index_cast %get3A_2617 : i32 to index
    %get3A_2619 = arith.constant 432 : index
    %get3A_2620 = tpu.vector_load %arg5[%get3A_2618, %get3A_2619] {strides = array<i32>} : memref<1x512xi32, #tpu.memory_space<vmem>>, vector<1x16xi32>,
    %get3A_2621 = vector.shape_cast %get3A_2620 : vector<1x16xi32> to vector<16xi32>
    %add3A_2622 = arith.constant 2207744 : i32
    %add3A_2623 = vector.broadcast %add3A_2622 : i32 to vector<16xi32>
    %add3A_2624 = arith.addi %get3A_2621, %add3A_2623 : vector<16xi32>
    %swap3A_2625 = arith.constant 23 : i32
    %swap3A_2626 = arith.index_cast %swap3A_2625 : i32 to index
    %swap3A_2627 = arith.constant 48 : index
    %swap3A_2628 = tpu.vector_load %arg6[%swap3A_2626, %swap3A_2627] {strides = array<i32>} : memref<24x128xi32, #tpu.memory_space<vmem>>, vector<1x16xi32>,
    %swap3A_2629 = vector.shape_cast %swap3A_2628 : vector<1x16xi32> to vector<16xi32>
    %swap3A_2630 = vector.shape_cast %add3A_2624 : vector<16xi32> to vector<1x16xi32>
    tpu.vector_store %arg6[%swap3A_2626, %swap3A_2627], %swap3A_2630 {strides = array<i32>} : memref<24x128xi32, #tpu.memory_space<vmem>>, vector<1x16xi32>,
    %get3A_2631 = arith.constant 0 : i32
    %get3A_2632 = arith.index_cast %get3A_2631 : i32 to index
    %get3A_2633 = arith.constant 448 : index
    %get3A_2634 = tpu.vector_load %arg5[%get3A_2632, %get3A_2633] {strides = array<i32>} : memref<1x512xi32, #tpu.memory_space<vmem>>, vector<1x16xi32>,
    %get3A_2635 = vector.shape_cast %get3A_2634 : vector<1x16xi32> to vector<16xi32>
    %add3A_2636 = arith.constant 2358272 : i32
    %add3A_2637 = vector.broadcast %add3A_2636 : i32 to vector<16xi32>
    %add3A_2638 = arith.addi %get3A_2635, %add3A_2637 : vector<16xi32>
    %swap3A_2639 = arith.constant 23 : i32
    %swap3A_2640 = arith.index_cast %swap3A_2639 : i32 to index
    %swap3A_2641 = arith.constant 64 : index
    %swap3A_2642 = tpu.vector_load %arg6[%swap3A_2640, %swap3A_2641] {strides = array<i32>} : memref<24x128xi32, #tpu.memory_space<vmem>>, vector<1x16xi32>,
    %swap3A_2643 = vector.shape_cast %swap3A_2642 : vector<1x16xi32> to vector<16xi32>
    %swap3A_2644 = vector.shape_cast %add3A_2638 : vector<16xi32> to vector<1x16xi32>
    tpu.vector_store %arg6[%swap3A_2640, %swap3A_2641], %swap3A_2644 {strides = array<i32>} : memref<24x128xi32, #tpu.memory_space<vmem>>, vector<1x16xi32>,
    %get3A_2645 = arith.constant 0 : i32
    %get3A_2646 = arith.index_cast %get3A_2645 : i32 to index
    %get3A_2647 = arith.constant 464 : index
    %get3A_2648 = tpu.vector_load %arg5[%get3A_2646, %get3A_2647] {strides = array<i32>} : memref<1x512xi32, #tpu.memory_space<vmem>>, vector<1x16xi32>,
    %get3A_2649 = vector.shape_cast %get3A_2648 : vector<1x16xi32> to vector<16xi32>
    %add3A_2650 = arith.constant 2358272 : i32
    %add3A_2651 = vector.broadcast %add3A_2650 : i32 to vector<16xi32>
    %add3A_2652 = arith.addi %get3A_2649, %add3A_2651 : vector<16xi32>
    %swap3A_2653 = arith.constant 23 : i32
    %swap3A_2654 = arith.index_cast %swap3A_2653 : i32 to index
    %swap3A_2655 = arith.constant 80 : index
    %swap3A_2656 = tpu.vector_load %arg6[%swap3A_2654, %swap3A_2655] {strides = array<i32>} : memref<24x128xi32, #tpu.memory_space<vmem>>, vector<1x16xi32>,
    %swap3A_2657 = vector.shape_cast %swap3A_2656 : vector<1x16xi32> to vector<16xi32>
    %swap3A_2658 = vector.shape_cast %add3A_2652 : vector<16xi32> to vector<1x16xi32>
    tpu.vector_store %arg6[%swap3A_2654, %swap3A_2655], %swap3A_2658 {strides = array<i32>} : memref<24x128xi32, #tpu.memory_space<vmem>>, vector<1x16xi32>,
    %get3A_2659 = arith.constant 0 : i32
    %get3A_2660 = arith.index_cast %get3A_2659 : i32 to index
    %get3A_2661 = arith.constant 480 : index
    %get3A_2662 = tpu.vector_load %arg5[%get3A_2660, %get3A_2661] {strides = array<i32>} : memref<1x512xi32, #tpu.memory_space<vmem>>, vector<1x16xi32>,
    %get3A_2663 = vector.shape_cast %get3A_2662 : vector<1x16xi32> to vector<16xi32>
    %add3A_2664 = arith.constant 2358272 : i32
    %add3A_2665 = vector.broadcast %add3A_2664 : i32 to vector<16xi32>
    %add3A_2666 = arith.addi %get3A_2663, %add3A_2665 : vector<16xi32>
    %swap3A_2667 = arith.constant 23 : i32
    %swap3A_2668 = arith.index_cast %swap3A_2667 : i32 to index
    %swap3A_2669 = arith.constant 96 : index
    %swap3A_2670 = tpu.vector_load %arg6[%swap3A_2668, %swap3A_2669] {strides = array<i32>} : memref<24x128xi32, #tpu.memory_space<vmem>>, vector<1x16xi32>,
    %swap3A_2671 = vector.shape_cast %swap3A_2670 : vector<1x16xi32> to vector<16xi32>
    %swap3A_2672 = vector.shape_cast %add3A_2666 : vector<16xi32> to vector<1x16xi32>
    tpu.vector_store %arg6[%swap3A_2668, %swap3A_2669], %swap3A_2672 {strides = array<i32>} : memref<24x128xi32, #tpu.memory_space<vmem>>, vector<1x16xi32>,
    %get3A_2673 = arith.constant 0 : i32
    %get3A_2674 = arith.index_cast %get3A_2673 : i32 to index
    %get3A_2675 = arith.constant 496 : index
    %get3A_2676 = tpu.vector_load %arg5[%get3A_2674, %get3A_2675] {strides = array<i32>} : memref<1x512xi32, #tpu.memory_space<vmem>>, vector<1x16xi32>,
    %get3A_2677 = vector.shape_cast %get3A_2676 : vector<1x16xi32> to vector<16xi32>
    %add3A_2678 = arith.constant 2358272 : i32
    %add3A_2679 = vector.broadcast %add3A_2678 : i32 to vector<16xi32>
    %add3A_2680 = arith.addi %get3A_2677, %add3A_2679 : vector<16xi32>
    %swap3A_2681 = arith.constant 23 : i32
    %swap3A_2682 = arith.index_cast %swap3A_2681 : i32 to index
    %swap3A_2683 = arith.constant 112 : index
    %swap3A_2684 = tpu.vector_load %arg6[%swap3A_2682, %swap3A_2683] {strides = array<i32>} : memref<24x128xi32, #tpu.memory_space<vmem>>, vector<1x16xi32>,
    %swap3A_2685 = vector.shape_cast %swap3A_2684 : vector<1x16xi32> to vector<16xi32>
    %swap3A_2686 = vector.shape_cast %add3A_2680 : vector<16xi32> to vector<1x16xi32>
    tpu.vector_store %arg6[%swap3A_2682, %swap3A_2683], %swap3A_2686 {strides = array<i32>} : memref<24x128xi32, #tpu.memory_space<vmem>>, vector<1x16xi32>,
    %dma_start3A = arith.constant 0 : i32
    %dma_start3A_2687 = arith.constant 0 : i32
    %dma_start3A_2688 = arith.constant 0 : i32
    %dma_start3A_2689 = tpu.memref_slice %arg7[%dma_start3A_2687, %dma_start3A_2688] : memref<24x128xf32, #tpu.memory_space<vmem>> -> memref<1x128xf32, #tpu.memory_space<vmem>>
    %dma_start3A_2690 = tpu.memref_squeeze %dma_start3A_2689 : memref<1x128xf32, #tpu.memory_space<vmem>> -> memref<128xf32, #tpu.memory_space<vmem>>
    %dma_start3A_2691 = arith.constant 0 : i32
    %dma_start3A_2692 = tpu.memref_slice %arg6[%dma_start3A, %dma_start3A_2691] : memref<24x128xi32, #tpu.memory_space<vmem>> -> memref<1x128xi32, #tpu.memory_space<vmem>>
    %dma_start3A_2693 = tpu.memref_squeeze %dma_start3A_2692 : memref<1x128xi32, #tpu.memory_space<vmem>> -> memref<128xi32, #tpu.memory_space<vmem>>
    %dma_start3A_2694 = arith.constant 0 : i32
    %dma_start3A_2695 = tpu.memref_slice %arg2[%dma_start3A_2694] : memref<2408448xf32, #tpu.memory_space<hbm>> -> memref<2408448xf32, #tpu.memory_space<hbm>>
    tpu.enqueue_indirect_dma source(%dma_start3A_2695 : memref<2408448xf32, #tpu.memory_space<hbm>>) target(%dma_start3A_2690 : memref<128xf32, #tpu.memory_space<vmem>>) offsets(%dma_start3A_2693 : memref<128xi32, #tpu.memory_space<vmem>>) semaphore(%arg8 : memref<!tpu.dma_semaphore, #tpu.memory_space<semaphore_mem>>)
    %dma_start3A_2696 = arith.constant 1 : i32
    %dma_start3A_2697 = arith.constant 1 : i32
    %dma_start3A_2698 = arith.constant 0 : i32
    %dma_start3A_2699 = tpu.memref_slice %arg7[%dma_start3A_2697, %dma_start3A_2698] : memref<24x128xf32, #tpu.memory_space<vmem>> -> memref<1x128xf32, #tpu.memory_space<vmem>>
    %dma_start3A_2700 = tpu.memref_squeeze %dma_start3A_2699 : memref<1x128xf32, #tpu.memory_space<vmem>> -> memref<128xf32, #tpu.memory_space<vmem>>
    %dma_start3A_2701 = arith.constant 0 : i32
    %dma_start3A_2702 = tpu.memref_slice %arg6[%dma_start3A_2696, %dma_start3A_2701] : memref<24x128xi32, #tpu.memory_space<vmem>> -> memref<1x128xi32, #tpu.memory_space<vmem>>
    %dma_start3A_2703 = tpu.memref_squeeze %dma_start3A_2702 : memref<1x128xi32, #tpu.memory_space<vmem>> -> memref<128xi32, #tpu.memory_space<vmem>>
    %dma_start3A_2704 = arith.constant 0 : i32
    %dma_start3A_2705 = tpu.memref_slice %arg2[%dma_start3A_2704] : memref<2408448xf32, #tpu.memory_space<hbm>> -> memref<2408448xf32, #tpu.memory_space<hbm>>
    tpu.enqueue_indirect_dma source(%dma_start3A_2705 : memref<2408448xf32, #tpu.memory_space<hbm>>) target(%dma_start3A_2700 : memref<128xf32, #tpu.memory_space<vmem>>) offsets(%dma_start3A_2703 : memref<128xi32, #tpu.memory_space<vmem>>) semaphore(%arg8 : memref<!tpu.dma_semaphore, #tpu.memory_space<semaphore_mem>>)
    %dma_start3A_2706 = arith.constant 2 : i32
    %dma_start3A_2707 = arith.constant 2 : i32
    %dma_start3A_2708 = arith.constant 0 : i32
    %dma_start3A_2709 = tpu.memref_slice %arg7[%dma_start3A_2707, %dma_start3A_2708] : memref<24x128xf32, #tpu.memory_space<vmem>> -> memref<1x128xf32, #tpu.memory_space<vmem>>
    %dma_start3A_2710 = tpu.memref_squeeze %dma_start3A_2709 : memref<1x128xf32, #tpu.memory_space<vmem>> -> memref<128xf32, #tpu.memory_space<vmem>>
    %dma_start3A_2711 = arith.constant 0 : i32
    %dma_start3A_2712 = tpu.memref_slice %arg6[%dma_start3A_2706, %dma_start3A_2711] : memref<24x128xi32, #tpu.memory_space<vmem>> -> memref<1x128xi32, #tpu.memory_space<vmem>>
    %dma_start3A_2713 = tpu.memref_squeeze %dma_start3A_2712 : memref<1x128xi32, #tpu.memory_space<vmem>> -> memref<128xi32, #tpu.memory_space<vmem>>
    %dma_start3A_2714 = arith.constant 0 : i32
    %dma_start3A_2715 = tpu.memref_slice %arg2[%dma_start3A_2714] : memref<2408448xf32, #tpu.memory_space<hbm>> -> memref<2408448xf32, #tpu.memory_space<hbm>>
    tpu.enqueue_indirect_dma source(%dma_start3A_2715 : memref<2408448xf32, #tpu.memory_space<hbm>>) target(%dma_start3A_2710 : memref<128xf32, #tpu.memory_space<vmem>>) offsets(%dma_start3A_2713 : memref<128xi32, #tpu.memory_space<vmem>>) semaphore(%arg8 : memref<!tpu.dma_semaphore, #tpu.memory_space<semaphore_mem>>)
    %dma_start3A_2716 = arith.constant 3 : i32
    %dma_start3A_2717 = arith.constant 3 : i32
    %dma_start3A_2718 = arith.constant 0 : i32
    %dma_start3A_2719 = tpu.memref_slice %arg7[%dma_start3A_2717, %dma_start3A_2718] : memref<24x128xf32, #tpu.memory_space<vmem>> -> memref<1x128xf32, #tpu.memory_space<vmem>>
    %dma_start3A_2720 = tpu.memref_squeeze %dma_start3A_2719 : memref<1x128xf32, #tpu.memory_space<vmem>> -> memref<128xf32, #tpu.memory_space<vmem>>
    %dma_start3A_2721 = arith.constant 0 : i32
    %dma_start3A_2722 = tpu.memref_slice %arg6[%dma_start3A_2716, %dma_start3A_2721] : memref<24x128xi32, #tpu.memory_space<vmem>> -> memref<1x128xi32, #tpu.memory_space<vmem>>
    %dma_start3A_2723 = tpu.memref_squeeze %dma_start3A_2722 : memref<1x128xi32, #tpu.memory_space<vmem>> -> memref<128xi32, #tpu.memory_space<vmem>>
    %dma_start3A_2724 = arith.constant 0 : i32
    %dma_start3A_2725 = tpu.memref_slice %arg2[%dma_start3A_2724] : memref<2408448xf32, #tpu.memory_space<hbm>> -> memref<2408448xf32, #tpu.memory_space<hbm>>
    tpu.enqueue_indirect_dma source(%dma_start3A_2725 : memref<2408448xf32, #tpu.memory_space<hbm>>) target(%dma_start3A_2720 : memref<128xf32, #tpu.memory_space<vmem>>) offsets(%dma_start3A_2723 : memref<128xi32, #tpu.memory_space<vmem>>) semaphore(%arg8 : memref<!tpu.dma_semaphore, #tpu.memory_space<semaphore_mem>>)
    %dma_start3A_2726 = arith.constant 4 : i32
    %dma_start3A_2727 = arith.constant 4 : i32
    %dma_start3A_2728 = arith.constant 0 : i32
    %dma_start3A_2729 = tpu.memref_slice %arg7[%dma_start3A_2727, %dma_start3A_2728] : memref<24x128xf32, #tpu.memory_space<vmem>> -> memref<1x128xf32, #tpu.memory_space<vmem>>
    %dma_start3A_2730 = tpu.memref_squeeze %dma_start3A_2729 : memref<1x128xf32, #tpu.memory_space<vmem>> -> memref<128xf32, #tpu.memory_space<vmem>>
    %dma_start3A_2731 = arith.constant 0 : i32
    %dma_start3A_2732 = tpu.memref_slice %arg6[%dma_start3A_2726, %dma_start3A_2731] : memref<24x128xi32, #tpu.memory_space<vmem>> -> memref<1x128xi32, #tpu.memory_space<vmem>>
    %dma_start3A_2733 = tpu.memref_squeeze %dma_start3A_2732 : memref<1x128xi32, #tpu.memory_space<vmem>> -> memref<128xi32, #tpu.memory_space<vmem>>
    %dma_start3A_2734 = arith.constant 0 : i32
    %dma_start3A_2735 = tpu.memref_slice %arg2[%dma_start3A_2734] : memref<2408448xf32, #tpu.memory_space<hbm>> -> memref<2408448xf32, #tpu.memory_space<hbm>>
    tpu.enqueue_indirect_dma source(%dma_start3A_2735 : memref<2408448xf32, #tpu.memory_space<hbm>>) target(%dma_start3A_2730 : memref<128xf32, #tpu.memory_space<vmem>>) offsets(%dma_start3A_2733 : memref<128xi32, #tpu.memory_space<vmem>>) semaphore(%arg8 : memref<!tpu.dma_semaphore, #tpu.memory_space<semaphore_mem>>)
    %dma_start3A_2736 = arith.constant 5 : i32
    %dma_start3A_2737 = arith.constant 5 : i32
    %dma_start3A_2738 = arith.constant 0 : i32
    %dma_start3A_2739 = tpu.memref_slice %arg7[%dma_start3A_2737, %dma_start3A_2738] : memref<24x128xf32, #tpu.memory_space<vmem>> -> memref<1x128xf32, #tpu.memory_space<vmem>>
    %dma_start3A_2740 = tpu.memref_squeeze %dma_start3A_2739 : memref<1x128xf32, #tpu.memory_space<vmem>> -> memref<128xf32, #tpu.memory_space<vmem>>
    %dma_start3A_2741 = arith.constant 0 : i32
    %dma_start3A_2742 = tpu.memref_slice %arg6[%dma_start3A_2736, %dma_start3A_2741] : memref<24x128xi32, #tpu.memory_space<vmem>> -> memref<1x128xi32, #tpu.memory_space<vmem>>
    %dma_start3A_2743 = tpu.memref_squeeze %dma_start3A_2742 : memref<1x128xi32, #tpu.memory_space<vmem>> -> memref<128xi32, #tpu.memory_space<vmem>>
    %dma_start3A_2744 = arith.constant 0 : i32
    %dma_start3A_2745 = tpu.memref_slice %arg2[%dma_start3A_2744] : memref<2408448xf32, #tpu.memory_space<hbm>> -> memref<2408448xf32, #tpu.memory_space<hbm>>
    tpu.enqueue_indirect_dma source(%dma_start3A_2745 : memref<2408448xf32, #tpu.memory_space<hbm>>) target(%dma_start3A_2740 : memref<128xf32, #tpu.memory_space<vmem>>) offsets(%dma_start3A_2743 : memref<128xi32, #tpu.memory_space<vmem>>) semaphore(%arg8 : memref<!tpu.dma_semaphore, #tpu.memory_space<semaphore_mem>>)
    %dma_start3A_2746 = arith.constant 6 : i32
    %dma_start3A_2747 = arith.constant 6 : i32
    %dma_start3A_2748 = arith.constant 0 : i32
    %dma_start3A_2749 = tpu.memref_slice %arg7[%dma_start3A_2747, %dma_start3A_2748] : memref<24x128xf32, #tpu.memory_space<vmem>> -> memref<1x128xf32, #tpu.memory_space<vmem>>
    %dma_start3A_2750 = tpu.memref_squeeze %dma_start3A_2749 : memref<1x128xf32, #tpu.memory_space<vmem>> -> memref<128xf32, #tpu.memory_space<vmem>>
    %dma_start3A_2751 = arith.constant 0 : i32
    %dma_start3A_2752 = tpu.memref_slice %arg6[%dma_start3A_2746, %dma_start3A_2751] : memref<24x128xi32, #tpu.memory_space<vmem>> -> memref<1x128xi32, #tpu.memory_space<vmem>>
    %dma_start3A_2753 = tpu.memref_squeeze %dma_start3A_2752 : memref<1x128xi32, #tpu.memory_space<vmem>> -> memref<128xi32, #tpu.memory_space<vmem>>
    %dma_start3A_2754 = arith.constant 0 : i32
    %dma_start3A_2755 = tpu.memref_slice %arg2[%dma_start3A_2754] : memref<2408448xf32, #tpu.memory_space<hbm>> -> memref<2408448xf32, #tpu.memory_space<hbm>>
    tpu.enqueue_indirect_dma source(%dma_start3A_2755 : memref<2408448xf32, #tpu.memory_space<hbm>>) target(%dma_start3A_2750 : memref<128xf32, #tpu.memory_space<vmem>>) offsets(%dma_start3A_2753 : memref<128xi32, #tpu.memory_space<vmem>>) semaphore(%arg8 : memref<!tpu.dma_semaphore, #tpu.memory_space<semaphore_mem>>)
    %dma_start3A_2756 = arith.constant 7 : i32
    %dma_start3A_2757 = arith.constant 7 : i32
    %dma_start3A_2758 = arith.constant 0 : i32
    %dma_start3A_2759 = tpu.memref_slice %arg7[%dma_start3A_2757, %dma_start3A_2758] : memref<24x128xf32, #tpu.memory_space<vmem>> -> memref<1x128xf32, #tpu.memory_space<vmem>>
    %dma_start3A_2760 = tpu.memref_squeeze %dma_start3A_2759 : memref<1x128xf32, #tpu.memory_space<vmem>> -> memref<128xf32, #tpu.memory_space<vmem>>
    %dma_start3A_2761 = arith.constant 0 : i32
    %dma_start3A_2762 = tpu.memref_slice %arg6[%dma_start3A_2756, %dma_start3A_2761] : memref<24x128xi32, #tpu.memory_space<vmem>> -> memref<1x128xi32, #tpu.memory_space<vmem>>
    %dma_start3A_2763 = tpu.memref_squeeze %dma_start3A_2762 : memref<1x128xi32, #tpu.memory_space<vmem>> -> memref<128xi32, #tpu.memory_space<vmem>>
    %dma_start3A_2764 = arith.constant 0 : i32
    %dma_start3A_2765 = tpu.memref_slice %arg2[%dma_start3A_2764] : memref<2408448xf32, #tpu.memory_space<hbm>> -> memref<2408448xf32, #tpu.memory_space<hbm>>
    tpu.enqueue_indirect_dma source(%dma_start3A_2765 : memref<2408448xf32, #tpu.memory_space<hbm>>) target(%dma_start3A_2760 : memref<128xf32, #tpu.memory_space<vmem>>) offsets(%dma_start3A_2763 : memref<128xi32, #tpu.memory_space<vmem>>) semaphore(%arg8 : memref<!tpu.dma_semaphore, #tpu.memory_space<semaphore_mem>>)
    %dma_start3A_2766 = arith.constant 8 : i32
    %dma_start3A_2767 = arith.constant 8 : i32
    %dma_start3A_2768 = arith.constant 0 : i32
    %dma_start3A_2769 = tpu.memref_slice %arg7[%dma_start3A_2767, %dma_start3A_2768] : memref<24x128xf32, #tpu.memory_space<vmem>> -> memref<1x128xf32, #tpu.memory_space<vmem>>
    %dma_start3A_2770 = tpu.memref_squeeze %dma_start3A_2769 : memref<1x128xf32, #tpu.memory_space<vmem>> -> memref<128xf32, #tpu.memory_space<vmem>>
    %dma_start3A_2771 = arith.constant 0 : i32
    %dma_start3A_2772 = tpu.memref_slice %arg6[%dma_start3A_2766, %dma_start3A_2771] : memref<24x128xi32, #tpu.memory_space<vmem>> -> memref<1x128xi32, #tpu.memory_space<vmem>>
    %dma_start3A_2773 = tpu.memref_squeeze %dma_start3A_2772 : memref<1x128xi32, #tpu.memory_space<vmem>> -> memref<128xi32, #tpu.memory_space<vmem>>
    %dma_start3A_2774 = arith.constant 0 : i32
    %dma_start3A_2775 = tpu.memref_slice %arg2[%dma_start3A_2774] : memref<2408448xf32, #tpu.memory_space<hbm>> -> memref<2408448xf32, #tpu.memory_space<hbm>>
    tpu.enqueue_indirect_dma source(%dma_start3A_2775 : memref<2408448xf32, #tpu.memory_space<hbm>>) target(%dma_start3A_2770 : memref<128xf32, #tpu.memory_space<vmem>>) offsets(%dma_start3A_2773 : memref<128xi32, #tpu.memory_space<vmem>>) semaphore(%arg8 : memref<!tpu.dma_semaphore, #tpu.memory_space<semaphore_mem>>)
    %dma_start3A_2776 = arith.constant 9 : i32
    %dma_start3A_2777 = arith.constant 9 : i32
    %dma_start3A_2778 = arith.constant 0 : i32
    %dma_start3A_2779 = tpu.memref_slice %arg7[%dma_start3A_2777, %dma_start3A_2778] : memref<24x128xf32, #tpu.memory_space<vmem>> -> memref<1x128xf32, #tpu.memory_space<vmem>>
    %dma_start3A_2780 = tpu.memref_squeeze %dma_start3A_2779 : memref<1x128xf32, #tpu.memory_space<vmem>> -> memref<128xf32, #tpu.memory_space<vmem>>
    %dma_start3A_2781 = arith.constant 0 : i32
    %dma_start3A_2782 = tpu.memref_slice %arg6[%dma_start3A_2776, %dma_start3A_2781] : memref<24x128xi32, #tpu.memory_space<vmem>> -> memref<1x128xi32, #tpu.memory_space<vmem>>
    %dma_start3A_2783 = tpu.memref_squeeze %dma_start3A_2782 : memref<1x128xi32, #tpu.memory_space<vmem>> -> memref<128xi32, #tpu.memory_space<vmem>>
    %dma_start3A_2784 = arith.constant 0 : i32
    %dma_start3A_2785 = tpu.memref_slice %arg2[%dma_start3A_2784] : memref<2408448xf32, #tpu.memory_space<hbm>> -> memref<2408448xf32, #tpu.memory_space<hbm>>
    tpu.enqueue_indirect_dma source(%dma_start3A_2785 : memref<2408448xf32, #tpu.memory_space<hbm>>) target(%dma_start3A_2780 : memref<128xf32, #tpu.memory_space<vmem>>) offsets(%dma_start3A_2783 : memref<128xi32, #tpu.memory_space<vmem>>) semaphore(%arg8 : memref<!tpu.dma_semaphore, #tpu.memory_space<semaphore_mem>>)
    %dma_start3A_2786 = arith.constant 10 : i32
    %dma_start3A_2787 = arith.constant 10 : i32
    %dma_start3A_2788 = arith.constant 0 : i32
    %dma_start3A_2789 = tpu.memref_slice %arg7[%dma_start3A_2787, %dma_start3A_2788] : memref<24x128xf32, #tpu.memory_space<vmem>> -> memref<1x128xf32, #tpu.memory_space<vmem>>
    %dma_start3A_2790 = tpu.memref_squeeze %dma_start3A_2789 : memref<1x128xf32, #tpu.memory_space<vmem>> -> memref<128xf32, #tpu.memory_space<vmem>>
    %dma_start3A_2791 = arith.constant 0 : i32
    %dma_start3A_2792 = tpu.memref_slice %arg6[%dma_start3A_2786, %dma_start3A_2791] : memref<24x128xi32, #tpu.memory_space<vmem>> -> memref<1x128xi32, #tpu.memory_space<vmem>>
    %dma_start3A_2793 = tpu.memref_squeeze %dma_start3A_2792 : memref<1x128xi32, #tpu.memory_space<vmem>> -> memref<128xi32, #tpu.memory_space<vmem>>
    %dma_start3A_2794 = arith.constant 0 : i32
    %dma_start3A_2795 = tpu.memref_slice %arg2[%dma_start3A_2794] : memref<2408448xf32, #tpu.memory_space<hbm>> -> memref<2408448xf32, #tpu.memory_space<hbm>>
    tpu.enqueue_indirect_dma source(%dma_start3A_2795 : memref<2408448xf32, #tpu.memory_space<hbm>>) target(%dma_start3A_2790 : memref<128xf32, #tpu.memory_space<vmem>>) offsets(%dma_start3A_2793 : memref<128xi32, #tpu.memory_space<vmem>>) semaphore(%arg8 : memref<!tpu.dma_semaphore, #tpu.memory_space<semaphore_mem>>)
    %dma_start3A_2796 = arith.constant 11 : i32
    %dma_start3A_2797 = arith.constant 11 : i32
    %dma_start3A_2798 = arith.constant 0 : i32
    %dma_start3A_2799 = tpu.memref_slice %arg7[%dma_start3A_2797, %dma_start3A_2798] : memref<24x128xf32, #tpu.memory_space<vmem>> -> memref<1x128xf32, #tpu.memory_space<vmem>>
    %dma_start3A_2800 = tpu.memref_squeeze %dma_start3A_2799 : memref<1x128xf32, #tpu.memory_space<vmem>> -> memref<128xf32, #tpu.memory_space<vmem>>
    %dma_start3A_2801 = arith.constant 0 : i32
    %dma_start3A_2802 = tpu.memref_slice %arg6[%dma_start3A_2796, %dma_start3A_2801] : memref<24x128xi32, #tpu.memory_space<vmem>> -> memref<1x128xi32, #tpu.memory_space<vmem>>
    %dma_start3A_2803 = tpu.memref_squeeze %dma_start3A_2802 : memref<1x128xi32, #tpu.memory_space<vmem>> -> memref<128xi32, #tpu.memory_space<vmem>>
    %dma_start3A_2804 = arith.constant 0 : i32
    %dma_start3A_2805 = tpu.memref_slice %arg2[%dma_start3A_2804] : memref<2408448xf32, #tpu.memory_space<hbm>> -> memref<2408448xf32, #tpu.memory_space<hbm>>
    tpu.enqueue_indirect_dma source(%dma_start3A_2805 : memref<2408448xf32, #tpu.memory_space<hbm>>) target(%dma_start3A_2800 : memref<128xf32, #tpu.memory_space<vmem>>) offsets(%dma_start3A_2803 : memref<128xi32, #tpu.memory_space<vmem>>) semaphore(%arg8 : memref<!tpu.dma_semaphore, #tpu.memory_space<semaphore_mem>>)
    %dma_start3A_2806 = arith.constant 12 : i32
    %dma_start3A_2807 = arith.constant 12 : i32
    %dma_start3A_2808 = arith.constant 0 : i32
    %dma_start3A_2809 = tpu.memref_slice %arg7[%dma_start3A_2807, %dma_start3A_2808] : memref<24x128xf32, #tpu.memory_space<vmem>> -> memref<1x128xf32, #tpu.memory_space<vmem>>
    %dma_start3A_2810 = tpu.memref_squeeze %dma_start3A_2809 : memref<1x128xf32, #tpu.memory_space<vmem>> -> memref<128xf32, #tpu.memory_space<vmem>>
    %dma_start3A_2811 = arith.constant 0 : i32
    %dma_start3A_2812 = tpu.memref_slice %arg6[%dma_start3A_2806, %dma_start3A_2811] : memref<24x128xi32, #tpu.memory_space<vmem>> -> memref<1x128xi32, #tpu.memory_space<vmem>>
    %dma_start3A_2813 = tpu.memref_squeeze %dma_start3A_2812 : memref<1x128xi32, #tpu.memory_space<vmem>> -> memref<128xi32, #tpu.memory_space<vmem>>
    %dma_start3A_2814 = arith.constant 0 : i32
    %dma_start3A_2815 = tpu.memref_slice %arg2[%dma_start3A_2814] : memref<2408448xf32, #tpu.memory_space<hbm>> -> memref<2408448xf32, #tpu.memory_space<hbm>>
    tpu.enqueue_indirect_dma source(%dma_start3A_2815 : memref<2408448xf32, #tpu.memory_space<hbm>>) target(%dma_start3A_2810 : memref<128xf32, #tpu.memory_space<vmem>>) offsets(%dma_start3A_2813 : memref<128xi32, #tpu.memory_space<vmem>>) semaphore(%arg8 : memref<!tpu.dma_semaphore, #tpu.memory_space<semaphore_mem>>)
    %dma_start3A_2816 = arith.constant 13 : i32
    %dma_start3A_2817 = arith.constant 13 : i32
    %dma_start3A_2818 = arith.constant 0 : i32
    %dma_start3A_2819 = tpu.memref_slice %arg7[%dma_start3A_2817, %dma_start3A_2818] : memref<24x128xf32, #tpu.memory_space<vmem>> -> memref<1x128xf32, #tpu.memory_space<vmem>>
    %dma_start3A_2820 = tpu.memref_squeeze %dma_start3A_2819 : memref<1x128xf32, #tpu.memory_space<vmem>> -> memref<128xf32, #tpu.memory_space<vmem>>
    %dma_start3A_2821 = arith.constant 0 : i32
    %dma_start3A_2822 = tpu.memref_slice %arg6[%dma_start3A_2816, %dma_start3A_2821] : memref<24x128xi32, #tpu.memory_space<vmem>> -> memref<1x128xi32, #tpu.memory_space<vmem>>
    %dma_start3A_2823 = tpu.memref_squeeze %dma_start3A_2822 : memref<1x128xi32, #tpu.memory_space<vmem>> -> memref<128xi32, #tpu.memory_space<vmem>>
    %dma_start3A_2824 = arith.constant 0 : i32
    %dma_start3A_2825 = tpu.memref_slice %arg2[%dma_start3A_2824] : memref<2408448xf32, #tpu.memory_space<hbm>> -> memref<2408448xf32, #tpu.memory_space<hbm>>
    tpu.enqueue_indirect_dma source(%dma_start3A_2825 : memref<2408448xf32, #tpu.memory_space<hbm>>) target(%dma_start3A_2820 : memref<128xf32, #tpu.memory_space<vmem>>) offsets(%dma_start3A_2823 : memref<128xi32, #tpu.memory_space<vmem>>) semaphore(%arg8 : memref<!tpu.dma_semaphore, #tpu.memory_space<semaphore_mem>>)
    %dma_start3A_2826 = arith.constant 14 : i32
    %dma_start3A_2827 = arith.constant 14 : i32
    %dma_start3A_2828 = arith.constant 0 : i32
    %dma_start3A_2829 = tpu.memref_slice %arg7[%dma_start3A_2827, %dma_start3A_2828] : memref<24x128xf32, #tpu.memory_space<vmem>> -> memref<1x128xf32, #tpu.memory_space<vmem>>
    %dma_start3A_2830 = tpu.memref_squeeze %dma_start3A_2829 : memref<1x128xf32, #tpu.memory_space<vmem>> -> memref<128xf32, #tpu.memory_space<vmem>>
    %dma_start3A_2831 = arith.constant 0 : i32
    %dma_start3A_2832 = tpu.memref_slice %arg6[%dma_start3A_2826, %dma_start3A_2831] : memref<24x128xi32, #tpu.memory_space<vmem>> -> memref<1x128xi32, #tpu.memory_space<vmem>>
    %dma_start3A_2833 = tpu.memref_squeeze %dma_start3A_2832 : memref<1x128xi32, #tpu.memory_space<vmem>> -> memref<128xi32, #tpu.memory_space<vmem>>
    %dma_start3A_2834 = arith.constant 0 : i32
    %dma_start3A_2835 = tpu.memref_slice %arg2[%dma_start3A_2834] : memref<2408448xf32, #tpu.memory_space<hbm>> -> memref<2408448xf32, #tpu.memory_space<hbm>>
    tpu.enqueue_indirect_dma source(%dma_start3A_2835 : memref<2408448xf32, #tpu.memory_space<hbm>>) target(%dma_start3A_2830 : memref<128xf32, #tpu.memory_space<vmem>>) offsets(%dma_start3A_2833 : memref<128xi32, #tpu.memory_space<vmem>>) semaphore(%arg8 : memref<!tpu.dma_semaphore, #tpu.memory_space<semaphore_mem>>)
    %dma_start3A_2836 = arith.constant 15 : i32
    %dma_start3A_2837 = arith.constant 15 : i32
    %dma_start3A_2838 = arith.constant 0 : i32
    %dma_start3A_2839 = tpu.memref_slice %arg7[%dma_start3A_2837, %dma_start3A_2838] : memref<24x128xf32, #tpu.memory_space<vmem>> -> memref<1x128xf32, #tpu.memory_space<vmem>>
    %dma_start3A_2840 = tpu.memref_squeeze %dma_start3A_2839 : memref<1x128xf32, #tpu.memory_space<vmem>> -> memref<128xf32, #tpu.memory_space<vmem>>
    %dma_start3A_2841 = arith.constant 0 : i32
    %dma_start3A_2842 = tpu.memref_slice %arg6[%dma_start3A_2836, %dma_start3A_2841] : memref<24x128xi32, #tpu.memory_space<vmem>> -> memref<1x128xi32, #tpu.memory_space<vmem>>
    %dma_start3A_2843 = tpu.memref_squeeze %dma_start3A_2842 : memref<1x128xi32, #tpu.memory_space<vmem>> -> memref<128xi32, #tpu.memory_space<vmem>>
    %dma_start3A_2844 = arith.constant 0 : i32
    %dma_start3A_2845 = tpu.memref_slice %arg2[%dma_start3A_2844] : memref<2408448xf32, #tpu.memory_space<hbm>> -> memref<2408448xf32, #tpu.memory_space<hbm>>
    tpu.enqueue_indirect_dma source(%dma_start3A_2845 : memref<2408448xf32, #tpu.memory_space<hbm>>) target(%dma_start3A_2840 : memref<128xf32, #tpu.memory_space<vmem>>) offsets(%dma_start3A_2843 : memref<128xi32, #tpu.memory_space<vmem>>) semaphore(%arg8 : memref<!tpu.dma_semaphore, #tpu.memory_space<semaphore_mem>>)
    %dma_start3A_2846 = arith.constant 16 : i32
    %dma_start3A_2847 = arith.constant 16 : i32
    %dma_start3A_2848 = arith.constant 0 : i32
    %dma_start3A_2849 = tpu.memref_slice %arg7[%dma_start3A_2847, %dma_start3A_2848] : memref<24x128xf32, #tpu.memory_space<vmem>> -> memref<1x128xf32, #tpu.memory_space<vmem>>
    %dma_start3A_2850 = tpu.memref_squeeze %dma_start3A_2849 : memref<1x128xf32, #tpu.memory_space<vmem>> -> memref<128xf32, #tpu.memory_space<vmem>>
    %dma_start3A_2851 = arith.constant 0 : i32
    %dma_start3A_2852 = tpu.memref_slice %arg6[%dma_start3A_2846, %dma_start3A_2851] : memref<24x128xi32, #tpu.memory_space<vmem>> -> memref<1x128xi32, #tpu.memory_space<vmem>>
    %dma_start3A_2853 = tpu.memref_squeeze %dma_start3A_2852 : memref<1x128xi32, #tpu.memory_space<vmem>> -> memref<128xi32, #tpu.memory_space<vmem>>
    %dma_start3A_2854 = arith.constant 0 : i32
    %dma_start3A_2855 = tpu.memref_slice %arg2[%dma_start3A_2854] : memref<2408448xf32, #tpu.memory_space<hbm>> -> memref<2408448xf32, #tpu.memory_space<hbm>>
    tpu.enqueue_indirect_dma source(%dma_start3A_2855 : memref<2408448xf32, #tpu.memory_space<hbm>>) target(%dma_start3A_2850 : memref<128xf32, #tpu.memory_space<vmem>>) offsets(%dma_start3A_2853 : memref<128xi32, #tpu.memory_space<vmem>>) semaphore(%arg8 : memref<!tpu.dma_semaphore, #tpu.memory_space<semaphore_mem>>)
    %dma_start3A_2856 = arith.constant 17 : i32
    %dma_start3A_2857 = arith.constant 17 : i32
    %dma_start3A_2858 = arith.constant 0 : i32
    %dma_start3A_2859 = tpu.memref_slice %arg7[%dma_start3A_2857, %dma_start3A_2858] : memref<24x128xf32, #tpu.memory_space<vmem>> -> memref<1x128xf32, #tpu.memory_space<vmem>>
    %dma_start3A_2860 = tpu.memref_squeeze %dma_start3A_2859 : memref<1x128xf32, #tpu.memory_space<vmem>> -> memref<128xf32, #tpu.memory_space<vmem>>
    %dma_start3A_2861 = arith.constant 0 : i32
    %dma_start3A_2862 = tpu.memref_slice %arg6[%dma_start3A_2856, %dma_start3A_2861] : memref<24x128xi32, #tpu.memory_space<vmem>> -> memref<1x128xi32, #tpu.memory_space<vmem>>
    %dma_start3A_2863 = tpu.memref_squeeze %dma_start3A_2862 : memref<1x128xi32, #tpu.memory_space<vmem>> -> memref<128xi32, #tpu.memory_space<vmem>>
    %dma_start3A_2864 = arith.constant 0 : i32
    %dma_start3A_2865 = tpu.memref_slice %arg2[%dma_start3A_2864] : memref<2408448xf32, #tpu.memory_space<hbm>> -> memref<2408448xf32, #tpu.memory_space<hbm>>
    tpu.enqueue_indirect_dma source(%dma_start3A_2865 : memref<2408448xf32, #tpu.memory_space<hbm>>) target(%dma_start3A_2860 : memref<128xf32, #tpu.memory_space<vmem>>) offsets(%dma_start3A_2863 : memref<128xi32, #tpu.memory_space<vmem>>) semaphore(%arg8 : memref<!tpu.dma_semaphore, #tpu.memory_space<semaphore_mem>>)
    %dma_start3A_2866 = arith.constant 18 : i32
    %dma_start3A_2867 = arith.constant 18 : i32
    %dma_start3A_2868 = arith.constant 0 : i32
    %dma_start3A_2869 = tpu.memref_slice %arg7[%dma_start3A_2867, %dma_start3A_2868] : memref<24x128xf32, #tpu.memory_space<vmem>> -> memref<1x128xf32, #tpu.memory_space<vmem>>
    %dma_start3A_2870 = tpu.memref_squeeze %dma_start3A_2869 : memref<1x128xf32, #tpu.memory_space<vmem>> -> memref<128xf32, #tpu.memory_space<vmem>>
    %dma_start3A_2871 = arith.constant 0 : i32
    %dma_start3A_2872 = tpu.memref_slice %arg6[%dma_start3A_2866, %dma_start3A_2871] : memref<24x128xi32, #tpu.memory_space<vmem>> -> memref<1x128xi32, #tpu.memory_space<vmem>>
    %dma_start3A_2873 = tpu.memref_squeeze %dma_start3A_2872 : memref<1x128xi32, #tpu.memory_space<vmem>> -> memref<128xi32, #tpu.memory_space<vmem>>
    %dma_start3A_2874 = arith.constant 0 : i32
    %dma_start3A_2875 = tpu.memref_slice %arg2[%dma_start3A_2874] : memref<2408448xf32, #tpu.memory_space<hbm>> -> memref<2408448xf32, #tpu.memory_space<hbm>>
    tpu.enqueue_indirect_dma source(%dma_start3A_2875 : memref<2408448xf32, #tpu.memory_space<hbm>>) target(%dma_start3A_2870 : memref<128xf32, #tpu.memory_space<vmem>>) offsets(%dma_start3A_2873 : memref<128xi32, #tpu.memory_space<vmem>>) semaphore(%arg8 : memref<!tpu.dma_semaphore, #tpu.memory_space<semaphore_mem>>)
    %dma_start3A_2876 = arith.constant 19 : i32
    %dma_start3A_2877 = arith.constant 19 : i32
    %dma_start3A_2878 = arith.constant 0 : i32
    %dma_start3A_2879 = tpu.memref_slice %arg7[%dma_start3A_2877, %dma_start3A_2878] : memref<24x128xf32, #tpu.memory_space<vmem>> -> memref<1x128xf32, #tpu.memory_space<vmem>>
    %dma_start3A_2880 = tpu.memref_squeeze %dma_start3A_2879 : memref<1x128xf32, #tpu.memory_space<vmem>> -> memref<128xf32, #tpu.memory_space<vmem>>
    %dma_start3A_2881 = arith.constant 0 : i32
    %dma_start3A_2882 = tpu.memref_slice %arg6[%dma_start3A_2876, %dma_start3A_2881] : memref<24x128xi32, #tpu.memory_space<vmem>> -> memref<1x128xi32, #tpu.memory_space<vmem>>
    %dma_start3A_2883 = tpu.memref_squeeze %dma_start3A_2882 : memref<1x128xi32, #tpu.memory_space<vmem>> -> memref<128xi32, #tpu.memory_space<vmem>>
    %dma_start3A_2884 = arith.constant 0 : i32
    %dma_start3A_2885 = tpu.memref_slice %arg2[%dma_start3A_2884] : memref<2408448xf32, #tpu.memory_space<hbm>> -> memref<2408448xf32, #tpu.memory_space<hbm>>
    tpu.enqueue_indirect_dma source(%dma_start3A_2885 : memref<2408448xf32, #tpu.memory_space<hbm>>) target(%dma_start3A_2880 : memref<128xf32, #tpu.memory_space<vmem>>) offsets(%dma_start3A_2883 : memref<128xi32, #tpu.memory_space<vmem>>) semaphore(%arg8 : memref<!tpu.dma_semaphore, #tpu.memory_space<semaphore_mem>>)
    %dma_start3A_2886 = arith.constant 20 : i32
    %dma_start3A_2887 = arith.constant 20 : i32
    %dma_start3A_2888 = arith.constant 0 : i32
    %dma_start3A_2889 = tpu.memref_slice %arg7[%dma_start3A_2887, %dma_start3A_2888] : memref<24x128xf32, #tpu.memory_space<vmem>> -> memref<1x128xf32, #tpu.memory_space<vmem>>
    %dma_start3A_2890 = tpu.memref_squeeze %dma_start3A_2889 : memref<1x128xf32, #tpu.memory_space<vmem>> -> memref<128xf32, #tpu.memory_space<vmem>>
    %dma_start3A_2891 = arith.constant 0 : i32
    %dma_start3A_2892 = tpu.memref_slice %arg6[%dma_start3A_2886, %dma_start3A_2891] : memref<24x128xi32, #tpu.memory_space<vmem>> -> memref<1x128xi32, #tpu.memory_space<vmem>>
    %dma_start3A_2893 = tpu.memref_squeeze %dma_start3A_2892 : memref<1x128xi32, #tpu.memory_space<vmem>> -> memref<128xi32, #tpu.memory_space<vmem>>
    %dma_start3A_2894 = arith.constant 0 : i32
    %dma_start3A_2895 = tpu.memref_slice %arg2[%dma_start3A_2894] : memref<2408448xf32, #tpu.memory_space<hbm>> -> memref<2408448xf32, #tpu.memory_space<hbm>>
    tpu.enqueue_indirect_dma source(%dma_start3A_2895 : memref<2408448xf32, #tpu.memory_space<hbm>>) target(%dma_start3A_2890 : memref<128xf32, #tpu.memory_space<vmem>>) offsets(%dma_start3A_2893 : memref<128xi32, #tpu.memory_space<vmem>>) semaphore(%arg8 : memref<!tpu.dma_semaphore, #tpu.memory_space<semaphore_mem>>)
    %dma_start3A_2896 = arith.constant 21 : i32
    %dma_start3A_2897 = arith.constant 21 : i32
    %dma_start3A_2898 = arith.constant 0 : i32
    %dma_start3A_2899 = tpu.memref_slice %arg7[%dma_start3A_2897, %dma_start3A_2898] : memref<24x128xf32, #tpu.memory_space<vmem>> -> memref<1x128xf32, #tpu.memory_space<vmem>>
    %dma_start3A_2900 = tpu.memref_squeeze %dma_start3A_2899 : memref<1x128xf32, #tpu.memory_space<vmem>> -> memref<128xf32, #tpu.memory_space<vmem>>
    %dma_start3A_2901 = arith.constant 0 : i32
    %dma_start3A_2902 = tpu.memref_slice %arg6[%dma_start3A_2896, %dma_start3A_2901] : memref<24x128xi32, #tpu.memory_space<vmem>> -> memref<1x128xi32, #tpu.memory_space<vmem>>
    %dma_start3A_2903 = tpu.memref_squeeze %dma_start3A_2902 : memref<1x128xi32, #tpu.memory_space<vmem>> -> memref<128xi32, #tpu.memory_space<vmem>>
    %dma_start3A_2904 = arith.constant 0 : i32
    %dma_start3A_2905 = tpu.memref_slice %arg2[%dma_start3A_2904] : memref<2408448xf32, #tpu.memory_space<hbm>> -> memref<2408448xf32, #tpu.memory_space<hbm>>
    tpu.enqueue_indirect_dma source(%dma_start3A_2905 : memref<2408448xf32, #tpu.memory_space<hbm>>) target(%dma_start3A_2900 : memref<128xf32, #tpu.memory_space<vmem>>) offsets(%dma_start3A_2903 : memref<128xi32, #tpu.memory_space<vmem>>) semaphore(%arg8 : memref<!tpu.dma_semaphore, #tpu.memory_space<semaphore_mem>>)
    %dma_start3A_2906 = arith.constant 22 : i32
    %dma_start3A_2907 = arith.constant 22 : i32
    %dma_start3A_2908 = arith.constant 0 : i32
    %dma_start3A_2909 = tpu.memref_slice %arg7[%dma_start3A_2907, %dma_start3A_2908] : memref<24x128xf32, #tpu.memory_space<vmem>> -> memref<1x128xf32, #tpu.memory_space<vmem>>
    %dma_start3A_2910 = tpu.memref_squeeze %dma_start3A_2909 : memref<1x128xf32, #tpu.memory_space<vmem>> -> memref<128xf32, #tpu.memory_space<vmem>>
    %dma_start3A_2911 = arith.constant 0 : i32
    %dma_start3A_2912 = tpu.memref_slice %arg6[%dma_start3A_2906, %dma_start3A_2911] : memref<24x128xi32, #tpu.memory_space<vmem>> -> memref<1x128xi32, #tpu.memory_space<vmem>>
    %dma_start3A_2913 = tpu.memref_squeeze %dma_start3A_2912 : memref<1x128xi32, #tpu.memory_space<vmem>> -> memref<128xi32, #tpu.memory_space<vmem>>
    %dma_start3A_2914 = arith.constant 0 : i32
    %dma_start3A_2915 = tpu.memref_slice %arg2[%dma_start3A_2914] : memref<2408448xf32, #tpu.memory_space<hbm>> -> memref<2408448xf32, #tpu.memory_space<hbm>>
    tpu.enqueue_indirect_dma source(%dma_start3A_2915 : memref<2408448xf32, #tpu.memory_space<hbm>>) target(%dma_start3A_2910 : memref<128xf32, #tpu.memory_space<vmem>>) offsets(%dma_start3A_2913 : memref<128xi32, #tpu.memory_space<vmem>>) semaphore(%arg8 : memref<!tpu.dma_semaphore, #tpu.memory_space<semaphore_mem>>)
    %dma_start3A_2916 = arith.constant 23 : i32
    %dma_start3A_2917 = arith.constant 23 : i32
    %dma_start3A_2918 = arith.constant 0 : i32
    %dma_start3A_2919 = tpu.memref_slice %arg7[%dma_start3A_2917, %dma_start3A_2918] : memref<24x128xf32, #tpu.memory_space<vmem>> -> memref<1x128xf32, #tpu.memory_space<vmem>>
    %dma_start3A_2920 = tpu.memref_squeeze %dma_start3A_2919 : memref<1x128xf32, #tpu.memory_space<vmem>> -> memref<128xf32, #tpu.memory_space<vmem>>
    %dma_start3A_2921 = arith.constant 0 : i32
    %dma_start3A_2922 = tpu.memref_slice %arg6[%dma_start3A_2916, %dma_start3A_2921] : memref<24x128xi32, #tpu.memory_space<vmem>> -> memref<1x128xi32, #tpu.memory_space<vmem>>
    %dma_start3A_2923 = tpu.memref_squeeze %dma_start3A_2922 : memref<1x128xi32, #tpu.memory_space<vmem>> -> memref<128xi32, #tpu.memory_space<vmem>>
    %dma_start3A_2924 = arith.constant 0 : i32
    %dma_start3A_2925 = tpu.memref_slice %arg2[%dma_start3A_2924] : memref<2408448xf32, #tpu.memory_space<hbm>> -> memref<2408448xf32, #tpu.memory_space<hbm>>
    tpu.enqueue_indirect_dma source(%dma_start3A_2925 : memref<2408448xf32, #tpu.memory_space<hbm>>) target(%dma_start3A_2920 : memref<128xf32, #tpu.memory_space<vmem>>) offsets(%dma_start3A_2923 : memref<128xi32, #tpu.memory_space<vmem>>) semaphore(%arg8 : memref<!tpu.dma_semaphore, #tpu.memory_space<semaphore_mem>>)
    %dma_wait3A = arith.constant 0 : i32
    %dma_wait3A_2926 = arith.constant 0 : i32
    %dma_wait3A_2927 = arith.constant 0 : i32
    %dma_wait3A_2928 = tpu.memref_slice %arg7[%dma_wait3A_2926, %dma_wait3A_2927] : memref<24x128xf32, #tpu.memory_space<vmem>> -> memref<1x128xf32, #tpu.memory_space<vmem>>
    %dma_wait3A_2929 = tpu.memref_squeeze %dma_wait3A_2928 : memref<1x128xf32, #tpu.memory_space<vmem>> -> memref<128xf32, #tpu.memory_space<vmem>>
    %dma_wait3A_2930 = arith.constant 0 : i32
    %dma_wait3A_2931 = tpu.memref_slice %arg6[%dma_wait3A, %dma_wait3A_2930] : memref<24x128xi32, #tpu.memory_space<vmem>> -> memref<1x128xi32, #tpu.memory_space<vmem>>
    %dma_wait3A_2932 = tpu.memref_squeeze %dma_wait3A_2931 : memref<1x128xi32, #tpu.memory_space<vmem>> -> memref<128xi32, #tpu.memory_space<vmem>>
    %dma_wait3A_2933 = arith.constant 0 : i32
    %dma_wait3A_2934 = tpu.memref_slice %arg2[%dma_wait3A_2933] : memref<2408448xf32, #tpu.memory_space<hbm>> -> memref<2408448xf32, #tpu.memory_space<hbm>>
    tpu.wait_indirect_dma semaphore(%arg8 : memref<!tpu.dma_semaphore, #tpu.memory_space<semaphore_mem>>) src(%dma_wait3A_2934 : memref<2408448xf32, #tpu.memory_space<hbm>>) dst(%dma_wait3A_2929 : memref<128xf32, #tpu.memory_space<vmem>>)
    %dma_wait3A_2935 = arith.constant 1 : i32
    %dma_wait3A_2936 = arith.constant 1 : i32
    %dma_wait3A_2937 = arith.constant 0 : i32
    %dma_wait3A_2938 = tpu.memref_slice %arg7[%dma_wait3A_2936, %dma_wait3A_2937] : memref<24x128xf32, #tpu.memory_space<vmem>> -> memref<1x128xf32, #tpu.memory_space<vmem>>
    %dma_wait3A_2939 = tpu.memref_squeeze %dma_wait3A_2938 : memref<1x128xf32, #tpu.memory_space<vmem>> -> memref<128xf32, #tpu.memory_space<vmem>>
    %dma_wait3A_2940 = arith.constant 0 : i32
    %dma_wait3A_2941 = tpu.memref_slice %arg6[%dma_wait3A_2935, %dma_wait3A_2940] : memref<24x128xi32, #tpu.memory_space<vmem>> -> memref<1x128xi32, #tpu.memory_space<vmem>>
    %dma_wait3A_2942 = tpu.memref_squeeze %dma_wait3A_2941 : memref<1x128xi32, #tpu.memory_space<vmem>> -> memref<128xi32, #tpu.memory_space<vmem>>
    %dma_wait3A_2943 = arith.constant 0 : i32
    %dma_wait3A_2944 = tpu.memref_slice %arg2[%dma_wait3A_2943] : memref<2408448xf32, #tpu.memory_space<hbm>> -> memref<2408448xf32, #tpu.memory_space<hbm>>
    tpu.wait_indirect_dma semaphore(%arg8 : memref<!tpu.dma_semaphore, #tpu.memory_space<semaphore_mem>>) src(%dma_wait3A_2944 : memref<2408448xf32, #tpu.memory_space<hbm>>) dst(%dma_wait3A_2939 : memref<128xf32, #tpu.memory_space<vmem>>)
    %dma_wait3A_2945 = arith.constant 2 : i32
    %dma_wait3A_2946 = arith.constant 2 : i32
    %dma_wait3A_2947 = arith.constant 0 : i32
    %dma_wait3A_2948 = tpu.memref_slice %arg7[%dma_wait3A_2946, %dma_wait3A_2947] : memref<24x128xf32, #tpu.memory_space<vmem>> -> memref<1x128xf32, #tpu.memory_space<vmem>>
    %dma_wait3A_2949 = tpu.memref_squeeze %dma_wait3A_2948 : memref<1x128xf32, #tpu.memory_space<vmem>> -> memref<128xf32, #tpu.memory_space<vmem>>
    %dma_wait3A_2950 = arith.constant 0 : i32
    %dma_wait3A_2951 = tpu.memref_slice %arg6[%dma_wait3A_2945, %dma_wait3A_2950] : memref<24x128xi32, #tpu.memory_space<vmem>> -> memref<1x128xi32, #tpu.memory_space<vmem>>
    %dma_wait3A_2952 = tpu.memref_squeeze %dma_wait3A_2951 : memref<1x128xi32, #tpu.memory_space<vmem>> -> memref<128xi32, #tpu.memory_space<vmem>>
    %dma_wait3A_2953 = arith.constant 0 : i32
    %dma_wait3A_2954 = tpu.memref_slice %arg2[%dma_wait3A_2953] : memref<2408448xf32, #tpu.memory_space<hbm>> -> memref<2408448xf32, #tpu.memory_space<hbm>>
    tpu.wait_indirect_dma semaphore(%arg8 : memref<!tpu.dma_semaphore, #tpu.memory_space<semaphore_mem>>) src(%dma_wait3A_2954 : memref<2408448xf32, #tpu.memory_space<hbm>>) dst(%dma_wait3A_2949 : memref<128xf32, #tpu.memory_space<vmem>>)
    %dma_wait3A_2955 = arith.constant 3 : i32
    %dma_wait3A_2956 = arith.constant 3 : i32
    %dma_wait3A_2957 = arith.constant 0 : i32
    %dma_wait3A_2958 = tpu.memref_slice %arg7[%dma_wait3A_2956, %dma_wait3A_2957] : memref<24x128xf32, #tpu.memory_space<vmem>> -> memref<1x128xf32, #tpu.memory_space<vmem>>
    %dma_wait3A_2959 = tpu.memref_squeeze %dma_wait3A_2958 : memref<1x128xf32, #tpu.memory_space<vmem>> -> memref<128xf32, #tpu.memory_space<vmem>>
    %dma_wait3A_2960 = arith.constant 0 : i32
    %dma_wait3A_2961 = tpu.memref_slice %arg6[%dma_wait3A_2955, %dma_wait3A_2960] : memref<24x128xi32, #tpu.memory_space<vmem>> -> memref<1x128xi32, #tpu.memory_space<vmem>>
    %dma_wait3A_2962 = tpu.memref_squeeze %dma_wait3A_2961 : memref<1x128xi32, #tpu.memory_space<vmem>> -> memref<128xi32, #tpu.memory_space<vmem>>
    %dma_wait3A_2963 = arith.constant 0 : i32
    %dma_wait3A_2964 = tpu.memref_slice %arg2[%dma_wait3A_2963] : memref<2408448xf32, #tpu.memory_space<hbm>> -> memref<2408448xf32, #tpu.memory_space<hbm>>
    tpu.wait_indirect_dma semaphore(%arg8 : memref<!tpu.dma_semaphore, #tpu.memory_space<semaphore_mem>>) src(%dma_wait3A_2964 : memref<2408448xf32, #tpu.memory_space<hbm>>) dst(%dma_wait3A_2959 : memref<128xf32, #tpu.memory_space<vmem>>)
    %dma_wait3A_2965 = arith.constant 4 : i32
    %dma_wait3A_2966 = arith.constant 4 : i32
    %dma_wait3A_2967 = arith.constant 0 : i32
    %dma_wait3A_2968 = tpu.memref_slice %arg7[%dma_wait3A_2966, %dma_wait3A_2967] : memref<24x128xf32, #tpu.memory_space<vmem>> -> memref<1x128xf32, #tpu.memory_space<vmem>>
    %dma_wait3A_2969 = tpu.memref_squeeze %dma_wait3A_2968 : memref<1x128xf32, #tpu.memory_space<vmem>> -> memref<128xf32, #tpu.memory_space<vmem>>
    %dma_wait3A_2970 = arith.constant 0 : i32
    %dma_wait3A_2971 = tpu.memref_slice %arg6[%dma_wait3A_2965, %dma_wait3A_2970] : memref<24x128xi32, #tpu.memory_space<vmem>> -> memref<1x128xi32, #tpu.memory_space<vmem>>
    %dma_wait3A_2972 = tpu.memref_squeeze %dma_wait3A_2971 : memref<1x128xi32, #tpu.memory_space<vmem>> -> memref<128xi32, #tpu.memory_space<vmem>>
    %dma_wait3A_2973 = arith.constant 0 : i32
    %dma_wait3A_2974 = tpu.memref_slice %arg2[%dma_wait3A_2973] : memref<2408448xf32, #tpu.memory_space<hbm>> -> memref<2408448xf32, #tpu.memory_space<hbm>>
    tpu.wait_indirect_dma semaphore(%arg8 : memref<!tpu.dma_semaphore, #tpu.memory_space<semaphore_mem>>) src(%dma_wait3A_2974 : memref<2408448xf32, #tpu.memory_space<hbm>>) dst(%dma_wait3A_2969 : memref<128xf32, #tpu.memory_space<vmem>>)
    %dma_wait3A_2975 = arith.constant 5 : i32
    %dma_wait3A_2976 = arith.constant 5 : i32
    %dma_wait3A_2977 = arith.constant 0 : i32
    %dma_wait3A_2978 = tpu.memref_slice %arg7[%dma_wait3A_2976, %dma_wait3A_2977] : memref<24x128xf32, #tpu.memory_space<vmem>> -> memref<1x128xf32, #tpu.memory_space<vmem>>
    %dma_wait3A_2979 = tpu.memref_squeeze %dma_wait3A_2978 : memref<1x128xf32, #tpu.memory_space<vmem>> -> memref<128xf32, #tpu.memory_space<vmem>>
    %dma_wait3A_2980 = arith.constant 0 : i32
    %dma_wait3A_2981 = tpu.memref_slice %arg6[%dma_wait3A_2975, %dma_wait3A_2980] : memref<24x128xi32, #tpu.memory_space<vmem>> -> memref<1x128xi32, #tpu.memory_space<vmem>>
    %dma_wait3A_2982 = tpu.memref_squeeze %dma_wait3A_2981 : memref<1x128xi32, #tpu.memory_space<vmem>> -> memref<128xi32, #tpu.memory_space<vmem>>
    %dma_wait3A_2983 = arith.constant 0 : i32
    %dma_wait3A_2984 = tpu.memref_slice %arg2[%dma_wait3A_2983] : memref<2408448xf32, #tpu.memory_space<hbm>> -> memref<2408448xf32, #tpu.memory_space<hbm>>
    tpu.wait_indirect_dma semaphore(%arg8 : memref<!tpu.dma_semaphore, #tpu.memory_space<semaphore_mem>>) src(%dma_wait3A_2984 : memref<2408448xf32, #tpu.memory_space<hbm>>) dst(%dma_wait3A_2979 : memref<128xf32, #tpu.memory_space<vmem>>)
    %dma_wait3A_2985 = arith.constant 6 : i32
    %dma_wait3A_2986 = arith.constant 6 : i32
    %dma_wait3A_2987 = arith.constant 0 : i32
    %dma_wait3A_2988 = tpu.memref_slice %arg7[%dma_wait3A_2986, %dma_wait3A_2987] : memref<24x128xf32, #tpu.memory_space<vmem>> -> memref<1x128xf32, #tpu.memory_space<vmem>>
    %dma_wait3A_2989 = tpu.memref_squeeze %dma_wait3A_2988 : memref<1x128xf32, #tpu.memory_space<vmem>> -> memref<128xf32, #tpu.memory_space<vmem>>
    %dma_wait3A_2990 = arith.constant 0 : i32
    %dma_wait3A_2991 = tpu.memref_slice %arg6[%dma_wait3A_2985, %dma_wait3A_2990] : memref<24x128xi32, #tpu.memory_space<vmem>> -> memref<1x128xi32, #tpu.memory_space<vmem>>
    %dma_wait3A_2992 = tpu.memref_squeeze %dma_wait3A_2991 : memref<1x128xi32, #tpu.memory_space<vmem>> -> memref<128xi32, #tpu.memory_space<vmem>>
    %dma_wait3A_2993 = arith.constant 0 : i32
    %dma_wait3A_2994 = tpu.memref_slice %arg2[%dma_wait3A_2993] : memref<2408448xf32, #tpu.memory_space<hbm>> -> memref<2408448xf32, #tpu.memory_space<hbm>>
    tpu.wait_indirect_dma semaphore(%arg8 : memref<!tpu.dma_semaphore, #tpu.memory_space<semaphore_mem>>) src(%dma_wait3A_2994 : memref<2408448xf32, #tpu.memory_space<hbm>>) dst(%dma_wait3A_2989 : memref<128xf32, #tpu.memory_space<vmem>>)
    %dma_wait3A_2995 = arith.constant 7 : i32
    %dma_wait3A_2996 = arith.constant 7 : i32
    %dma_wait3A_2997 = arith.constant 0 : i32
    %dma_wait3A_2998 = tpu.memref_slice %arg7[%dma_wait3A_2996, %dma_wait3A_2997] : memref<24x128xf32, #tpu.memory_space<vmem>> -> memref<1x128xf32, #tpu.memory_space<vmem>>
    %dma_wait3A_2999 = tpu.memref_squeeze %dma_wait3A_2998 : memref<1x128xf32, #tpu.memory_space<vmem>> -> memref<128xf32, #tpu.memory_space<vmem>>
    %dma_wait3A_3000 = arith.constant 0 : i32
    %dma_wait3A_3001 = tpu.memref_slice %arg6[%dma_wait3A_2995, %dma_wait3A_3000] : memref<24x128xi32, #tpu.memory_space<vmem>> -> memref<1x128xi32, #tpu.memory_space<vmem>>
    %dma_wait3A_3002 = tpu.memref_squeeze %dma_wait3A_3001 : memref<1x128xi32, #tpu.memory_space<vmem>> -> memref<128xi32, #tpu.memory_space<vmem>>
    %dma_wait3A_3003 = arith.constant 0 : i32
    %dma_wait3A_3004 = tpu.memref_slice %arg2[%dma_wait3A_3003] : memref<2408448xf32, #tpu.memory_space<hbm>> -> memref<2408448xf32, #tpu.memory_space<hbm>>
    tpu.wait_indirect_dma semaphore(%arg8 : memref<!tpu.dma_semaphore, #tpu.memory_space<semaphore_mem>>) src(%dma_wait3A_3004 : memref<2408448xf32, #tpu.memory_space<hbm>>) dst(%dma_wait3A_2999 : memref<128xf32, #tpu.memory_space<vmem>>)
    %dma_wait3A_3005 = arith.constant 8 : i32
    %dma_wait3A_3006 = arith.constant 8 : i32
    %dma_wait3A_3007 = arith.constant 0 : i32
    %dma_wait3A_3008 = tpu.memref_slice %arg7[%dma_wait3A_3006, %dma_wait3A_3007] : memref<24x128xf32, #tpu.memory_space<vmem>> -> memref<1x128xf32, #tpu.memory_space<vmem>>
    %dma_wait3A_3009 = tpu.memref_squeeze %dma_wait3A_3008 : memref<1x128xf32, #tpu.memory_space<vmem>> -> memref<128xf32, #tpu.memory_space<vmem>>
    %dma_wait3A_3010 = arith.constant 0 : i32
    %dma_wait3A_3011 = tpu.memref_slice %arg6[%dma_wait3A_3005, %dma_wait3A_3010] : memref<24x128xi32, #tpu.memory_space<vmem>> -> memref<1x128xi32, #tpu.memory_space<vmem>>
    %dma_wait3A_3012 = tpu.memref_squeeze %dma_wait3A_3011 : memref<1x128xi32, #tpu.memory_space<vmem>> -> memref<128xi32, #tpu.memory_space<vmem>>
    %dma_wait3A_3013 = arith.constant 0 : i32
    %dma_wait3A_3014 = tpu.memref_slice %arg2[%dma_wait3A_3013] : memref<2408448xf32, #tpu.memory_space<hbm>> -> memref<2408448xf32, #tpu.memory_space<hbm>>
    tpu.wait_indirect_dma semaphore(%arg8 : memref<!tpu.dma_semaphore, #tpu.memory_space<semaphore_mem>>) src(%dma_wait3A_3014 : memref<2408448xf32, #tpu.memory_space<hbm>>) dst(%dma_wait3A_3009 : memref<128xf32, #tpu.memory_space<vmem>>)
    %dma_wait3A_3015 = arith.constant 9 : i32
    %dma_wait3A_3016 = arith.constant 9 : i32
    %dma_wait3A_3017 = arith.constant 0 : i32
    %dma_wait3A_3018 = tpu.memref_slice %arg7[%dma_wait3A_3016, %dma_wait3A_3017] : memref<24x128xf32, #tpu.memory_space<vmem>> -> memref<1x128xf32, #tpu.memory_space<vmem>>
    %dma_wait3A_3019 = tpu.memref_squeeze %dma_wait3A_3018 : memref<1x128xf32, #tpu.memory_space<vmem>> -> memref<128xf32, #tpu.memory_space<vmem>>
    %dma_wait3A_3020 = arith.constant 0 : i32
    %dma_wait3A_3021 = tpu.memref_slice %arg6[%dma_wait3A_3015, %dma_wait3A_3020] : memref<24x128xi32, #tpu.memory_space<vmem>> -> memref<1x128xi32, #tpu.memory_space<vmem>>
    %dma_wait3A_3022 = tpu.memref_squeeze %dma_wait3A_3021 : memref<1x128xi32, #tpu.memory_space<vmem>> -> memref<128xi32, #tpu.memory_space<vmem>>
    %dma_wait3A_3023 = arith.constant 0 : i32
    %dma_wait3A_3024 = tpu.memref_slice %arg2[%dma_wait3A_3023] : memref<2408448xf32, #tpu.memory_space<hbm>> -> memref<2408448xf32, #tpu.memory_space<hbm>>
    tpu.wait_indirect_dma semaphore(%arg8 : memref<!tpu.dma_semaphore, #tpu.memory_space<semaphore_mem>>) src(%dma_wait3A_3024 : memref<2408448xf32, #tpu.memory_space<hbm>>) dst(%dma_wait3A_3019 : memref<128xf32, #tpu.memory_space<vmem>>)
    %dma_wait3A_3025 = arith.constant 10 : i32
    %dma_wait3A_3026 = arith.constant 10 : i32
    %dma_wait3A_3027 = arith.constant 0 : i32
    %dma_wait3A_3028 = tpu.memref_slice %arg7[%dma_wait3A_3026, %dma_wait3A_3027] : memref<24x128xf32, #tpu.memory_space<vmem>> -> memref<1x128xf32, #tpu.memory_space<vmem>>
    %dma_wait3A_3029 = tpu.memref_squeeze %dma_wait3A_3028 : memref<1x128xf32, #tpu.memory_space<vmem>> -> memref<128xf32, #tpu.memory_space<vmem>>
    %dma_wait3A_3030 = arith.constant 0 : i32
    %dma_wait3A_3031 = tpu.memref_slice %arg6[%dma_wait3A_3025, %dma_wait3A_3030] : memref<24x128xi32, #tpu.memory_space<vmem>> -> memref<1x128xi32, #tpu.memory_space<vmem>>
    %dma_wait3A_3032 = tpu.memref_squeeze %dma_wait3A_3031 : memref<1x128xi32, #tpu.memory_space<vmem>> -> memref<128xi32, #tpu.memory_space<vmem>>
    %dma_wait3A_3033 = arith.constant 0 : i32
    %dma_wait3A_3034 = tpu.memref_slice %arg2[%dma_wait3A_3033] : memref<2408448xf32, #tpu.memory_space<hbm>> -> memref<2408448xf32, #tpu.memory_space<hbm>>
    tpu.wait_indirect_dma semaphore(%arg8 : memref<!tpu.dma_semaphore, #tpu.memory_space<semaphore_mem>>) src(%dma_wait3A_3034 : memref<2408448xf32, #tpu.memory_space<hbm>>) dst(%dma_wait3A_3029 : memref<128xf32, #tpu.memory_space<vmem>>)
    %dma_wait3A_3035 = arith.constant 11 : i32
    %dma_wait3A_3036 = arith.constant 11 : i32
    %dma_wait3A_3037 = arith.constant 0 : i32
    %dma_wait3A_3038 = tpu.memref_slice %arg7[%dma_wait3A_3036, %dma_wait3A_3037] : memref<24x128xf32, #tpu.memory_space<vmem>> -> memref<1x128xf32, #tpu.memory_space<vmem>>
    %dma_wait3A_3039 = tpu.memref_squeeze %dma_wait3A_3038 : memref<1x128xf32, #tpu.memory_space<vmem>> -> memref<128xf32, #tpu.memory_space<vmem>>
    %dma_wait3A_3040 = arith.constant 0 : i32
    %dma_wait3A_3041 = tpu.memref_slice %arg6[%dma_wait3A_3035, %dma_wait3A_3040] : memref<24x128xi32, #tpu.memory_space<vmem>> -> memref<1x128xi32, #tpu.memory_space<vmem>>
    %dma_wait3A_3042 = tpu.memref_squeeze %dma_wait3A_3041 : memref<1x128xi32, #tpu.memory_space<vmem>> -> memref<128xi32, #tpu.memory_space<vmem>>
    %dma_wait3A_3043 = arith.constant 0 : i32
    %dma_wait3A_3044 = tpu.memref_slice %arg2[%dma_wait3A_3043] : memref<2408448xf32, #tpu.memory_space<hbm>> -> memref<2408448xf32, #tpu.memory_space<hbm>>
    tpu.wait_indirect_dma semaphore(%arg8 : memref<!tpu.dma_semaphore, #tpu.memory_space<semaphore_mem>>) src(%dma_wait3A_3044 : memref<2408448xf32, #tpu.memory_space<hbm>>) dst(%dma_wait3A_3039 : memref<128xf32, #tpu.memory_space<vmem>>)
    %dma_wait3A_3045 = arith.constant 12 : i32
    %dma_wait3A_3046 = arith.constant 12 : i32
    %dma_wait3A_3047 = arith.constant 0 : i32
    %dma_wait3A_3048 = tpu.memref_slice %arg7[%dma_wait3A_3046, %dma_wait3A_3047] : memref<24x128xf32, #tpu.memory_space<vmem>> -> memref<1x128xf32, #tpu.memory_space<vmem>>
    %dma_wait3A_3049 = tpu.memref_squeeze %dma_wait3A_3048 : memref<1x128xf32, #tpu.memory_space<vmem>> -> memref<128xf32, #tpu.memory_space<vmem>>
    %dma_wait3A_3050 = arith.constant 0 : i32
    %dma_wait3A_3051 = tpu.memref_slice %arg6[%dma_wait3A_3045, %dma_wait3A_3050] : memref<24x128xi32, #tpu.memory_space<vmem>> -> memref<1x128xi32, #tpu.memory_space<vmem>>
    %dma_wait3A_3052 = tpu.memref_squeeze %dma_wait3A_3051 : memref<1x128xi32, #tpu.memory_space<vmem>> -> memref<128xi32, #tpu.memory_space<vmem>>
    %dma_wait3A_3053 = arith.constant 0 : i32
    %dma_wait3A_3054 = tpu.memref_slice %arg2[%dma_wait3A_3053] : memref<2408448xf32, #tpu.memory_space<hbm>> -> memref<2408448xf32, #tpu.memory_space<hbm>>
    tpu.wait_indirect_dma semaphore(%arg8 : memref<!tpu.dma_semaphore, #tpu.memory_space<semaphore_mem>>) src(%dma_wait3A_3054 : memref<2408448xf32, #tpu.memory_space<hbm>>) dst(%dma_wait3A_3049 : memref<128xf32, #tpu.memory_space<vmem>>)
    %dma_wait3A_3055 = arith.constant 13 : i32
    %dma_wait3A_3056 = arith.constant 13 : i32
    %dma_wait3A_3057 = arith.constant 0 : i32
    %dma_wait3A_3058 = tpu.memref_slice %arg7[%dma_wait3A_3056, %dma_wait3A_3057] : memref<24x128xf32, #tpu.memory_space<vmem>> -> memref<1x128xf32, #tpu.memory_space<vmem>>
    %dma_wait3A_3059 = tpu.memref_squeeze %dma_wait3A_3058 : memref<1x128xf32, #tpu.memory_space<vmem>> -> memref<128xf32, #tpu.memory_space<vmem>>
    %dma_wait3A_3060 = arith.constant 0 : i32
    %dma_wait3A_3061 = tpu.memref_slice %arg6[%dma_wait3A_3055, %dma_wait3A_3060] : memref<24x128xi32, #tpu.memory_space<vmem>> -> memref<1x128xi32, #tpu.memory_space<vmem>>
    %dma_wait3A_3062 = tpu.memref_squeeze %dma_wait3A_3061 : memref<1x128xi32, #tpu.memory_space<vmem>> -> memref<128xi32, #tpu.memory_space<vmem>>
    %dma_wait3A_3063 = arith.constant 0 : i32
    %dma_wait3A_3064 = tpu.memref_slice %arg2[%dma_wait3A_3063] : memref<2408448xf32, #tpu.memory_space<hbm>> -> memref<2408448xf32, #tpu.memory_space<hbm>>
    tpu.wait_indirect_dma semaphore(%arg8 : memref<!tpu.dma_semaphore, #tpu.memory_space<semaphore_mem>>) src(%dma_wait3A_3064 : memref<2408448xf32, #tpu.memory_space<hbm>>) dst(%dma_wait3A_3059 : memref<128xf32, #tpu.memory_space<vmem>>)
    %dma_wait3A_3065 = arith.constant 14 : i32
    %dma_wait3A_3066 = arith.constant 14 : i32
    %dma_wait3A_3067 = arith.constant 0 : i32
    %dma_wait3A_3068 = tpu.memref_slice %arg7[%dma_wait3A_3066, %dma_wait3A_3067] : memref<24x128xf32, #tpu.memory_space<vmem>> -> memref<1x128xf32, #tpu.memory_space<vmem>>
    %dma_wait3A_3069 = tpu.memref_squeeze %dma_wait3A_3068 : memref<1x128xf32, #tpu.memory_space<vmem>> -> memref<128xf32, #tpu.memory_space<vmem>>
    %dma_wait3A_3070 = arith.constant 0 : i32
    %dma_wait3A_3071 = tpu.memref_slice %arg6[%dma_wait3A_3065, %dma_wait3A_3070] : memref<24x128xi32, #tpu.memory_space<vmem>> -> memref<1x128xi32, #tpu.memory_space<vmem>>
    %dma_wait3A_3072 = tpu.memref_squeeze %dma_wait3A_3071 : memref<1x128xi32, #tpu.memory_space<vmem>> -> memref<128xi32, #tpu.memory_space<vmem>>
    %dma_wait3A_3073 = arith.constant 0 : i32
    %dma_wait3A_3074 = tpu.memref_slice %arg2[%dma_wait3A_3073] : memref<2408448xf32, #tpu.memory_space<hbm>> -> memref<2408448xf32, #tpu.memory_space<hbm>>
    tpu.wait_indirect_dma semaphore(%arg8 : memref<!tpu.dma_semaphore, #tpu.memory_space<semaphore_mem>>) src(%dma_wait3A_3074 : memref<2408448xf32, #tpu.memory_space<hbm>>) dst(%dma_wait3A_3069 : memref<128xf32, #tpu.memory_space<vmem>>)
    %dma_wait3A_3075 = arith.constant 15 : i32
    %dma_wait3A_3076 = arith.constant 15 : i32
    %dma_wait3A_3077 = arith.constant 0 : i32
    %dma_wait3A_3078 = tpu.memref_slice %arg7[%dma_wait3A_3076, %dma_wait3A_3077] : memref<24x128xf32, #tpu.memory_space<vmem>> -> memref<1x128xf32, #tpu.memory_space<vmem>>
    %dma_wait3A_3079 = tpu.memref_squeeze %dma_wait3A_3078 : memref<1x128xf32, #tpu.memory_space<vmem>> -> memref<128xf32, #tpu.memory_space<vmem>>
    %dma_wait3A_3080 = arith.constant 0 : i32
    %dma_wait3A_3081 = tpu.memref_slice %arg6[%dma_wait3A_3075, %dma_wait3A_3080] : memref<24x128xi32, #tpu.memory_space<vmem>> -> memref<1x128xi32, #tpu.memory_space<vmem>>
    %dma_wait3A_3082 = tpu.memref_squeeze %dma_wait3A_3081 : memref<1x128xi32, #tpu.memory_space<vmem>> -> memref<128xi32, #tpu.memory_space<vmem>>
    %dma_wait3A_3083 = arith.constant 0 : i32
    %dma_wait3A_3084 = tpu.memref_slice %arg2[%dma_wait3A_3083] : memref<2408448xf32, #tpu.memory_space<hbm>> -> memref<2408448xf32, #tpu.memory_space<hbm>>
    tpu.wait_indirect_dma semaphore(%arg8 : memref<!tpu.dma_semaphore, #tpu.memory_space<semaphore_mem>>) src(%dma_wait3A_3084 : memref<2408448xf32, #tpu.memory_space<hbm>>) dst(%dma_wait3A_3079 : memref<128xf32, #tpu.memory_space<vmem>>)
    %dma_wait3A_3085 = arith.constant 16 : i32
    %dma_wait3A_3086 = arith.constant 16 : i32
    %dma_wait3A_3087 = arith.constant 0 : i32
    %dma_wait3A_3088 = tpu.memref_slice %arg7[%dma_wait3A_3086, %dma_wait3A_3087] : memref<24x128xf32, #tpu.memory_space<vmem>> -> memref<1x128xf32, #tpu.memory_space<vmem>>
    %dma_wait3A_3089 = tpu.memref_squeeze %dma_wait3A_3088 : memref<1x128xf32, #tpu.memory_space<vmem>> -> memref<128xf32, #tpu.memory_space<vmem>>
    %dma_wait3A_3090 = arith.constant 0 : i32
    %dma_wait3A_3091 = tpu.memref_slice %arg6[%dma_wait3A_3085, %dma_wait3A_3090] : memref<24x128xi32, #tpu.memory_space<vmem>> -> memref<1x128xi32, #tpu.memory_space<vmem>>
    %dma_wait3A_3092 = tpu.memref_squeeze %dma_wait3A_3091 : memref<1x128xi32, #tpu.memory_space<vmem>> -> memref<128xi32, #tpu.memory_space<vmem>>
    %dma_wait3A_3093 = arith.constant 0 : i32
    %dma_wait3A_3094 = tpu.memref_slice %arg2[%dma_wait3A_3093] : memref<2408448xf32, #tpu.memory_space<hbm>> -> memref<2408448xf32, #tpu.memory_space<hbm>>
    tpu.wait_indirect_dma semaphore(%arg8 : memref<!tpu.dma_semaphore, #tpu.memory_space<semaphore_mem>>) src(%dma_wait3A_3094 : memref<2408448xf32, #tpu.memory_space<hbm>>) dst(%dma_wait3A_3089 : memref<128xf32, #tpu.memory_space<vmem>>)
    %dma_wait3A_3095 = arith.constant 17 : i32
    %dma_wait3A_3096 = arith.constant 17 : i32
    %dma_wait3A_3097 = arith.constant 0 : i32
    %dma_wait3A_3098 = tpu.memref_slice %arg7[%dma_wait3A_3096, %dma_wait3A_3097] : memref<24x128xf32, #tpu.memory_space<vmem>> -> memref<1x128xf32, #tpu.memory_space<vmem>>
    %dma_wait3A_3099 = tpu.memref_squeeze %dma_wait3A_3098 : memref<1x128xf32, #tpu.memory_space<vmem>> -> memref<128xf32, #tpu.memory_space<vmem>>
    %dma_wait3A_3100 = arith.constant 0 : i32
    %dma_wait3A_3101 = tpu.memref_slice %arg6[%dma_wait3A_3095, %dma_wait3A_3100] : memref<24x128xi32, #tpu.memory_space<vmem>> -> memref<1x128xi32, #tpu.memory_space<vmem>>
    %dma_wait3A_3102 = tpu.memref_squeeze %dma_wait3A_3101 : memref<1x128xi32, #tpu.memory_space<vmem>> -> memref<128xi32, #tpu.memory_space<vmem>>
    %dma_wait3A_3103 = arith.constant 0 : i32
    %dma_wait3A_3104 = tpu.memref_slice %arg2[%dma_wait3A_3103] : memref<2408448xf32, #tpu.memory_space<hbm>> -> memref<2408448xf32, #tpu.memory_space<hbm>>
    tpu.wait_indirect_dma semaphore(%arg8 : memref<!tpu.dma_semaphore, #tpu.memory_space<semaphore_mem>>) src(%dma_wait3A_3104 : memref<2408448xf32, #tpu.memory_space<hbm>>) dst(%dma_wait3A_3099 : memref<128xf32, #tpu.memory_space<vmem>>)
    %dma_wait3A_3105 = arith.constant 18 : i32
    %dma_wait3A_3106 = arith.constant 18 : i32
    %dma_wait3A_3107 = arith.constant 0 : i32
    %dma_wait3A_3108 = tpu.memref_slice %arg7[%dma_wait3A_3106, %dma_wait3A_3107] : memref<24x128xf32, #tpu.memory_space<vmem>> -> memref<1x128xf32, #tpu.memory_space<vmem>>
    %dma_wait3A_3109 = tpu.memref_squeeze %dma_wait3A_3108 : memref<1x128xf32, #tpu.memory_space<vmem>> -> memref<128xf32, #tpu.memory_space<vmem>>
    %dma_wait3A_3110 = arith.constant 0 : i32
    %dma_wait3A_3111 = tpu.memref_slice %arg6[%dma_wait3A_3105, %dma_wait3A_3110] : memref<24x128xi32, #tpu.memory_space<vmem>> -> memref<1x128xi32, #tpu.memory_space<vmem>>
    %dma_wait3A_3112 = tpu.memref_squeeze %dma_wait3A_3111 : memref<1x128xi32, #tpu.memory_space<vmem>> -> memref<128xi32, #tpu.memory_space<vmem>>
    %dma_wait3A_3113 = arith.constant 0 : i32
    %dma_wait3A_3114 = tpu.memref_slice %arg2[%dma_wait3A_3113] : memref<2408448xf32, #tpu.memory_space<hbm>> -> memref<2408448xf32, #tpu.memory_space<hbm>>
    tpu.wait_indirect_dma semaphore(%arg8 : memref<!tpu.dma_semaphore, #tpu.memory_space<semaphore_mem>>) src(%dma_wait3A_3114 : memref<2408448xf32, #tpu.memory_space<hbm>>) dst(%dma_wait3A_3109 : memref<128xf32, #tpu.memory_space<vmem>>)
    %dma_wait3A_3115 = arith.constant 19 : i32
    %dma_wait3A_3116 = arith.constant 19 : i32
    %dma_wait3A_3117 = arith.constant 0 : i32
    %dma_wait3A_3118 = tpu.memref_slice %arg7[%dma_wait3A_3116, %dma_wait3A_3117] : memref<24x128xf32, #tpu.memory_space<vmem>> -> memref<1x128xf32, #tpu.memory_space<vmem>>
    %dma_wait3A_3119 = tpu.memref_squeeze %dma_wait3A_3118 : memref<1x128xf32, #tpu.memory_space<vmem>> -> memref<128xf32, #tpu.memory_space<vmem>>
    %dma_wait3A_3120 = arith.constant 0 : i32
    %dma_wait3A_3121 = tpu.memref_slice %arg6[%dma_wait3A_3115, %dma_wait3A_3120] : memref<24x128xi32, #tpu.memory_space<vmem>> -> memref<1x128xi32, #tpu.memory_space<vmem>>
    %dma_wait3A_3122 = tpu.memref_squeeze %dma_wait3A_3121 : memref<1x128xi32, #tpu.memory_space<vmem>> -> memref<128xi32, #tpu.memory_space<vmem>>
    %dma_wait3A_3123 = arith.constant 0 : i32
    %dma_wait3A_3124 = tpu.memref_slice %arg2[%dma_wait3A_3123] : memref<2408448xf32, #tpu.memory_space<hbm>> -> memref<2408448xf32, #tpu.memory_space<hbm>>
    tpu.wait_indirect_dma semaphore(%arg8 : memref<!tpu.dma_semaphore, #tpu.memory_space<semaphore_mem>>) src(%dma_wait3A_3124 : memref<2408448xf32, #tpu.memory_space<hbm>>) dst(%dma_wait3A_3119 : memref<128xf32, #tpu.memory_space<vmem>>)
    %dma_wait3A_3125 = arith.constant 20 : i32
    %dma_wait3A_3126 = arith.constant 20 : i32
    %dma_wait3A_3127 = arith.constant 0 : i32
    %dma_wait3A_3128 = tpu.memref_slice %arg7[%dma_wait3A_3126, %dma_wait3A_3127] : memref<24x128xf32, #tpu.memory_space<vmem>> -> memref<1x128xf32, #tpu.memory_space<vmem>>
    %dma_wait3A_3129 = tpu.memref_squeeze %dma_wait3A_3128 : memref<1x128xf32, #tpu.memory_space<vmem>> -> memref<128xf32, #tpu.memory_space<vmem>>
    %dma_wait3A_3130 = arith.constant 0 : i32
    %dma_wait3A_3131 = tpu.memref_slice %arg6[%dma_wait3A_3125, %dma_wait3A_3130] : memref<24x128xi32, #tpu.memory_space<vmem>> -> memref<1x128xi32, #tpu.memory_space<vmem>>
    %dma_wait3A_3132 = tpu.memref_squeeze %dma_wait3A_3131 : memref<1x128xi32, #tpu.memory_space<vmem>> -> memref<128xi32, #tpu.memory_space<vmem>>
    %dma_wait3A_3133 = arith.constant 0 : i32
    %dma_wait3A_3134 = tpu.memref_slice %arg2[%dma_wait3A_3133] : memref<2408448xf32, #tpu.memory_space<hbm>> -> memref<2408448xf32, #tpu.memory_space<hbm>>
    tpu.wait_indirect_dma semaphore(%arg8 : memref<!tpu.dma_semaphore, #tpu.memory_space<semaphore_mem>>) src(%dma_wait3A_3134 : memref<2408448xf32, #tpu.memory_space<hbm>>) dst(%dma_wait3A_3129 : memref<128xf32, #tpu.memory_space<vmem>>)
    %dma_wait3A_3135 = arith.constant 21 : i32
    %dma_wait3A_3136 = arith.constant 21 : i32
    %dma_wait3A_3137 = arith.constant 0 : i32
    %dma_wait3A_3138 = tpu.memref_slice %arg7[%dma_wait3A_3136, %dma_wait3A_3137] : memref<24x128xf32, #tpu.memory_space<vmem>> -> memref<1x128xf32, #tpu.memory_space<vmem>>
    %dma_wait3A_3139 = tpu.memref_squeeze %dma_wait3A_3138 : memref<1x128xf32, #tpu.memory_space<vmem>> -> memref<128xf32, #tpu.memory_space<vmem>>
    %dma_wait3A_3140 = arith.constant 0 : i32
    %dma_wait3A_3141 = tpu.memref_slice %arg6[%dma_wait3A_3135, %dma_wait3A_3140] : memref<24x128xi32, #tpu.memory_space<vmem>> -> memref<1x128xi32, #tpu.memory_space<vmem>>
    %dma_wait3A_3142 = tpu.memref_squeeze %dma_wait3A_3141 : memref<1x128xi32, #tpu.memory_space<vmem>> -> memref<128xi32, #tpu.memory_space<vmem>>
    %dma_wait3A_3143 = arith.constant 0 : i32
    %dma_wait3A_3144 = tpu.memref_slice %arg2[%dma_wait3A_3143] : memref<2408448xf32, #tpu.memory_space<hbm>> -> memref<2408448xf32, #tpu.memory_space<hbm>>
    tpu.wait_indirect_dma semaphore(%arg8 : memref<!tpu.dma_semaphore, #tpu.memory_space<semaphore_mem>>) src(%dma_wait3A_3144 : memref<2408448xf32, #tpu.memory_space<hbm>>) dst(%dma_wait3A_3139 : memref<128xf32, #tpu.memory_space<vmem>>)
    %dma_wait3A_3145 = arith.constant 22 : i32
    %dma_wait3A_3146 = arith.constant 22 : i32
    %dma_wait3A_3147 = arith.constant 0 : i32
    %dma_wait3A_3148 = tpu.memref_slice %arg7[%dma_wait3A_3146, %dma_wait3A_3147] : memref<24x128xf32, #tpu.memory_space<vmem>> -> memref<1x128xf32, #tpu.memory_space<vmem>>
    %dma_wait3A_3149 = tpu.memref_squeeze %dma_wait3A_3148 : memref<1x128xf32, #tpu.memory_space<vmem>> -> memref<128xf32, #tpu.memory_space<vmem>>
    %dma_wait3A_3150 = arith.constant 0 : i32
    %dma_wait3A_3151 = tpu.memref_slice %arg6[%dma_wait3A_3145, %dma_wait3A_3150] : memref<24x128xi32, #tpu.memory_space<vmem>> -> memref<1x128xi32, #tpu.memory_space<vmem>>
    %dma_wait3A_3152 = tpu.memref_squeeze %dma_wait3A_3151 : memref<1x128xi32, #tpu.memory_space<vmem>> -> memref<128xi32, #tpu.memory_space<vmem>>
    %dma_wait3A_3153 = arith.constant 0 : i32
    %dma_wait3A_3154 = tpu.memref_slice %arg2[%dma_wait3A_3153] : memref<2408448xf32, #tpu.memory_space<hbm>> -> memref<2408448xf32, #tpu.memory_space<hbm>>
    tpu.wait_indirect_dma semaphore(%arg8 : memref<!tpu.dma_semaphore, #tpu.memory_space<semaphore_mem>>) src(%dma_wait3A_3154 : memref<2408448xf32, #tpu.memory_space<hbm>>) dst(%dma_wait3A_3149 : memref<128xf32, #tpu.memory_space<vmem>>)
    %dma_wait3A_3155 = arith.constant 23 : i32
    %dma_wait3A_3156 = arith.constant 23 : i32
    %dma_wait3A_3157 = arith.constant 0 : i32
    %dma_wait3A_3158 = tpu.memref_slice %arg7[%dma_wait3A_3156, %dma_wait3A_3157] : memref<24x128xf32, #tpu.memory_space<vmem>> -> memref<1x128xf32, #tpu.memory_space<vmem>>
    %dma_wait3A_3159 = tpu.memref_squeeze %dma_wait3A_3158 : memref<1x128xf32, #tpu.memory_space<vmem>> -> memref<128xf32, #tpu.memory_space<vmem>>
    %dma_wait3A_3160 = arith.constant 0 : i32
    %dma_wait3A_3161 = tpu.memref_slice %arg6[%dma_wait3A_3155, %dma_wait3A_3160] : memref<24x128xi32, #tpu.memory_space<vmem>> -> memref<1x128xi32, #tpu.memory_space<vmem>>
    %dma_wait3A_3162 = tpu.memref_squeeze %dma_wait3A_3161 : memref<1x128xi32, #tpu.memory_space<vmem>> -> memref<128xi32, #tpu.memory_space<vmem>>
    %dma_wait3A_3163 = arith.constant 0 : i32
    %dma_wait3A_3164 = tpu.memref_slice %arg2[%dma_wait3A_3163] : memref<2408448xf32, #tpu.memory_space<hbm>> -> memref<2408448xf32, #tpu.memory_space<hbm>>
    tpu.wait_indirect_dma semaphore(%arg8 : memref<!tpu.dma_semaphore, #tpu.memory_space<semaphore_mem>>) src(%dma_wait3A_3164 : memref<2408448xf32, #tpu.memory_space<hbm>>) dst(%dma_wait3A_3159 : memref<128xf32, #tpu.memory_space<vmem>>)
    "tpu.region"() ({
      %run_scoped3A = tpu.sem_alloc : memref<!tpu.dma_semaphore, #tpu.memory_space<semaphore_mem>>
      %dma_start3A_3165 = arith.constant 0 : i32
      %dma_start3A_3166 = arith.constant 0 : i32
      %dma_start3A_3167 = tpu.memref_slice %arg4[%add3A, %dma_start3A_3165, %dma_start3A_3166] : memref<32x24x128xf32, #tpu.memory_space<hbm>> -> memref<1x24x128xf32, #tpu.memory_space<hbm>>
      %dma_start3A_3168 = tpu.memref_squeeze %dma_start3A_3167 : memref<1x24x128xf32, #tpu.memory_space<hbm>> -> memref<24x128xf32, #tpu.memory_space<hbm>>
      %dma_start3A_3169 = arith.constant 0 : i32
      %dma_start3A_3170 = arith.constant 0 : i32
      %dma_start3A_3171 = tpu.memref_slice %arg4[%add3A, %dma_start3A_3169, %dma_start3A_3170] : memref<32x24x128xf32, #tpu.memory_space<hbm>> -> memref<1x24x128xf32, #tpu.memory_space<hbm>>
      %dma_start3A_3172 = tpu.memref_squeeze %dma_start3A_3171 : memref<1x24x128xf32, #tpu.memory_space<hbm>> -> memref<24x128xf32, #tpu.memory_space<hbm>>
      tpu.enqueue_dma source(%arg7 : memref<24x128xf32, #tpu.memory_space<vmem>>) target(%dma_start3A_3172 : memref<24x128xf32, #tpu.memory_space<hbm>>) target_semaphore(%run_scoped3A : memref<!tpu.dma_semaphore, #tpu.memory_space<semaphore_mem>>)
      %dma_wait3A_3173 = arith.constant 0 : i32
      %dma_wait3A_3174 = arith.constant 0 : i32
      %dma_wait3A_3175 = tpu.memref_slice %arg4[%add3A, %dma_wait3A_3173, %dma_wait3A_3174] : memref<32x24x128xf32, #tpu.memory_space<hbm>> -> memref<1x24x128xf32, #tpu.memory_space<hbm>>
      %dma_wait3A_3176 = tpu.memref_squeeze %dma_wait3A_3175 : memref<1x24x128xf32, #tpu.memory_space<hbm>> -> memref<24x128xf32, #tpu.memory_space<hbm>>
      %dma_wait3A_3177 = arith.constant 0 : i32
      %dma_wait3A_3178 = arith.constant 0 : i32
      %dma_wait3A_3179 = tpu.memref_slice %arg4[%add3A, %dma_wait3A_3177, %dma_wait3A_3178] : memref<32x24x128xf32, #tpu.memory_space<hbm>> -> memref<1x24x128xf32, #tpu.memory_space<hbm>>
      %dma_wait3A_3180 = tpu.memref_squeeze %dma_wait3A_3179 : memref<1x24x128xf32, #tpu.memory_space<hbm>> -> memref<24x128xf32, #tpu.memory_space<hbm>>
      tpu.wait_dma2 semaphore(%run_scoped3A : memref<!tpu.dma_semaphore, #tpu.memory_space<semaphore_mem>>) src(%arg7 : memref<24x128xf32, #tpu.memory_space<vmem>>) dst(%dma_wait3A_3180 : memref<24x128xf32, #tpu.memory_space<hbm>>)
      tpu.yield
    }) : () -> ()
    return
  }
}

module attributes {stable_mosaic.version = 14 : i64} {
  func.func @_fps_body(%arg0: i32, %arg1: memref<4x3x392x128xf32, #tpu.memory_space<vmem>>, %arg2: memref<4x1x64xi32, #tpu.memory_space<vmem>>, %arg3: memref<4x392x128xf32, #tpu.memory_space<vmem>>) attributes {dimension_semantics = [#tpu.dimension_semantics<arbitrary>], iteration_bounds = array<i64: 2>, scalar_prefetch = 0 : i64, scratch_operands = 1 : i64, tpu.core_type = #tpu.core_type<tc>, window_params = [{transform_indices = @transform_0, window_bounds = array<i64: 4, 3, 392, 128>}, {transform_indices = @transform_1, window_bounds = array<i64: 4, 1, 64>}]} {
    %iota3A = tpu.iota {dimensions = array<i32: 0>} : vector<392x128xi32>
    %iota3A_0 = tpu.iota {dimensions = array<i32: 1>} : vector<392x128xi32>
    %mul3A = arith.constant 128 : i32
    %mul3A_1 = vector.broadcast %mul3A : i32 to vector<392x128xi32>
    %mul3A_2 = arith.muli %iota3A, %mul3A_1 : vector<392x128xi32>
    %add3A = arith.addi %mul3A_2, %iota3A_0 : vector<392x128xi32>
    %broadcast_in_dim3A = vector.shape_cast %add3A : vector<392x128xi32> to vector<1x392x128xi32>
    %iota3A_3 = tpu.iota {dimensions = array<i32: 1>} : vector<1x128xi32>
    %iota3A_4 = tpu.iota {dimensions = array<i32: 0>} : vector<4x1x1xi32>
    %iota3A_5 = tpu.iota {dimensions = array<i32: 2>} : vector<1x1x64xi32>
    %broadcast_in_dim3A_6 = arith.constant 1.000000e+10 : f32
    %broadcast_in_dim3A_7 = vector.broadcast %broadcast_in_dim3A_6 : f32 to vector<4x392x128xf32>
    %swap3A = arith.constant 0 : index
    %swap3A_8 = arith.constant 0 : index
    %swap3A_9 = arith.constant 0 : index
    %swap3A_10 = vector.load %arg3[%swap3A, %swap3A_8, %swap3A_9] : memref<4x392x128xf32, #tpu.memory_space<vmem>>, vector<4x392x128xf32>
    tpu.vector_store %arg3[%swap3A, %swap3A_8, %swap3A_9], %broadcast_in_dim3A_7 {strides = array<i32>} : memref<4x392x128xf32, #tpu.memory_space<vmem>>, vector<4x392x128xf32>,
    %broadcast_in_dim3A_11 = arith.constant 0 : i32
    %broadcast_in_dim3A_12 = vector.broadcast %broadcast_in_dim3A_11 : i32 to vector<4x1x1xi32>
    %broadcast_in_dim3A_13 = arith.constant 0 : i32
    %broadcast_in_dim3A_14 = vector.broadcast %broadcast_in_dim3A_13 : i32 to vector<4x1x64xi32>
    %scan3A = arith.constant 0 : i32
    %scan3A_15 = arith.constant 64 : i32
    %scan3A_16 = arith.addi %scan3A, %scan3A_15 : i32
    %scan3A_17 = arith.constant 1 : i32
    %scan3A_18:2 = scf.for %scan3A_24 = %scan3A to %scan3A_16 step %scan3A_17 iter_args(%scan3A_25 = %broadcast_in_dim3A_12, %scan3A_26 = %broadcast_in_dim3A_14) -> (vector<4x1x1xi32>, vector<4x1x64xi32>)  : i32 {
      %eq3A = arith.constant 0 : i32
      %eq3A_27 = vector.broadcast %eq3A : i32 to vector<4x1x1xi32>
      %eq3A_28 = arith.cmpi eq, %iota3A_4, %eq3A_27 : vector<4x1x1xi32>
      %jit3A = arith.constant 0 : i32
      %broadcast_in_dim3A_29 = vector.broadcast %jit3A : i32 to vector<4x1x1xi32>
      %select_n3A = arith.select %eq3A_28, %scan3A_25, %broadcast_in_dim3A_29 : vector<4x1x1xi1>, vector<4x1x1xi32>
      %reduce_sum3A = vector.shape_cast %select_n3A : vector<4x1x1xi32> to vector<1x4x1x1xi32>
      %reduce_sum3A_30 = arith.constant dense<0> : vector<1xi32>
      %reduce_sum3A_31 = vector.multi_reduction <add>, %reduce_sum3A, %reduce_sum3A_30 [1, 2, 3] : vector<1x4x1x1xi32> to vector<1xi32>
      %reduce_sum3A_32 = vector.shape_cast %reduce_sum3A_31 : vector<1xi32> to vector<1x1x1x1xi32>
      %reduce_sum3A_33 = vector.extract %reduce_sum3A_32[0, 0, 0, 0] : i32 from vector<1x1x1x1xi32>
      %jit3A_34 = arith.constant 128 : i32
      %div3A = arith.divsi %reduce_sum3A_33, %jit3A_34 : i32
      %sign3A = arith.constant 0 : i32
      %sign3A_35 = arith.cmpi sgt, %reduce_sum3A_33, %sign3A : i32
      %sign3A_36 = arith.extui %sign3A_35 : i1 to i32
      %sign3A_37 = arith.constant 0 : i32
      %sign3A_38 = arith.cmpi slt, %reduce_sum3A_33, %sign3A_37 : i32
      %sign3A_39 = arith.extui %sign3A_38 : i1 to i32
      %sign3A_40 = arith.subi %sign3A_36, %sign3A_39 : i32
      %sign3A_41 = arith.constant 0 : i32
      %sign3A_42 = arith.cmpi sgt, %jit3A_34, %sign3A_41 : i32
      %sign3A_43 = arith.extui %sign3A_42 : i1 to i32
      %sign3A_44 = arith.constant 0 : i32
      %sign3A_45 = arith.cmpi slt, %jit3A_34, %sign3A_44 : i32
      %sign3A_46 = arith.extui %sign3A_45 : i1 to i32
      %sign3A_47 = arith.subi %sign3A_43, %sign3A_46 : i32
      %ne3A = arith.cmpi ne, %sign3A_40, %sign3A_47 : i32
      %rem3A = arith.remsi %reduce_sum3A_33, %jit3A_34 : i32
      %ne3A_48 = arith.constant 0 : i32
      %ne3A_49 = arith.cmpi ne, %rem3A, %ne3A_48 : i32
      %and3A = arith.andi %ne3A, %ne3A_49 : i1
      %sub3A = arith.constant 1 : i32
      %sub3A_50 = arith.subi %div3A, %sub3A : i32
      %select_n3A_51 = arith.select %and3A, %sub3A_50, %div3A : i32
      %jit3A_52 = arith.constant 128 : i32
      %eq3A_53 = arith.constant 0 : i32
      %eq3A_54 = arith.cmpi eq, %jit3A_52, %eq3A_53 : i32
      %jit3A_55 = arith.constant 1 : i32
      %select_n3A_56 = arith.select %eq3A_54, %jit3A_55, %jit3A_52 : i32
      %rem3A_57 = arith.remsi %reduce_sum3A_33, %select_n3A_56 : i32
      %ne3A_58 = arith.constant 0 : i32
      %ne3A_59 = arith.cmpi ne, %rem3A_57, %ne3A_58 : i32
      %lt3A = arith.constant 0 : i32
      %lt3A_60 = arith.cmpi slt, %rem3A_57, %lt3A : i32
      %lt3A_61 = arith.constant 0 : i32
      %lt3A_62 = arith.cmpi slt, %select_n3A_56, %lt3A_61 : i32
      %ne3A_63 = arith.xori %lt3A_60, %lt3A_62 : i1
      %and3A_64 = arith.andi %ne3A_63, %ne3A_59 : i1
      %add3A_65 = arith.addi %rem3A_57, %select_n3A_56 : i32
      %select_n3A_66 = arith.select %and3A_64, %add3A_65, %rem3A_57 : i32
      %eq3A_67 = vector.broadcast %select_n3A_66 : i32 to vector<1x128xi32>
      %eq3A_68 = arith.cmpi eq, %iota3A_3, %eq3A_67 : vector<1x128xi32>
      %broadcast_in_dim3A_69 = arith.constant 0.000000e+00 : f32
      %broadcast_in_dim3A_70 = vector.broadcast %broadcast_in_dim3A_69 : f32 to vector<392x128xf32>
      %get3A = arith.constant 0 : index
      %get3A_71 = arith.constant 0 : index
      %get3A_72 = arith.index_cast %select_n3A_51 : i32 to index
      %get3A_73 = arith.constant 0 : index
      %get3A_74 = vector.load %arg1[%get3A, %get3A_71, %get3A_72, %get3A_73] : memref<4x3x392x128xf32, #tpu.memory_space<vmem>>, vector<1x1x1x128xf32>
      %get3A_75 = vector.shape_cast %get3A_74 : vector<1x1x1x128xf32> to vector<1x128xf32>
      %jit3A_76 = arith.constant 0.000000e+00 : f32
      %broadcast_in_dim3A_77 = vector.broadcast %jit3A_76 : f32 to vector<1x128xf32>
      %select_n3A_78 = arith.select %eq3A_68, %get3A_75, %broadcast_in_dim3A_77 : vector<1x128xi1>, vector<1x128xf32>
      %reduce_sum3A_79 = vector.shape_cast %select_n3A_78 : vector<1x128xf32> to vector<1x1x128xf32>
      %reduce_sum3A_80 = arith.constant dense<0.000000e+00> : vector<1xf32>
      %reduce_sum3A_81 = vector.multi_reduction <add>, %reduce_sum3A_79, %reduce_sum3A_80 [1, 2] : vector<1x1x128xf32> to vector<1xf32>
      %reduce_sum3A_82 = vector.shape_cast %reduce_sum3A_81 : vector<1xf32> to vector<1x1x1xf32>
      %reduce_sum3A_83 = vector.extract %reduce_sum3A_82[0, 0, 0] : f32 from vector<1x1x1xf32>
      %get3A_84 = arith.constant 0 : index
      %get3A_85 = arith.constant 0 : index
      %get3A_86 = arith.constant 0 : index
      %get3A_87 = arith.constant 0 : index
      %get3A_88 = vector.load %arg1[%get3A_84, %get3A_85, %get3A_86, %get3A_87] : memref<4x3x392x128xf32, #tpu.memory_space<vmem>>, vector<1x1x392x128xf32>
      %get3A_89 = vector.shape_cast %get3A_88 : vector<1x1x392x128xf32> to vector<392x128xf32>
      %sub3A_90 = vector.broadcast %reduce_sum3A_83 : f32 to vector<392x128xf32>
      %sub3A_91 = arith.subf %get3A_89, %sub3A_90 : vector<392x128xf32>
      %mul3A_92 = arith.mulf %sub3A_91, %sub3A_91 : vector<392x128xf32>
      %add3A_93 = arith.addf %broadcast_in_dim3A_70, %mul3A_92 : vector<392x128xf32>
      %get3A_94 = arith.constant 0 : index
      %get3A_95 = arith.constant 1 : index
      %get3A_96 = arith.index_cast %select_n3A_51 : i32 to index
      %get3A_97 = arith.constant 0 : index
      %get3A_98 = vector.load %arg1[%get3A_94, %get3A_95, %get3A_96, %get3A_97] : memref<4x3x392x128xf32, #tpu.memory_space<vmem>>, vector<1x1x1x128xf32>
      %get3A_99 = vector.shape_cast %get3A_98 : vector<1x1x1x128xf32> to vector<1x128xf32>
      %jit3A_100 = arith.constant 0.000000e+00 : f32
      %broadcast_in_dim3A_101 = vector.broadcast %jit3A_100 : f32 to vector<1x128xf32>
      %select_n3A_102 = arith.select %eq3A_68, %get3A_99, %broadcast_in_dim3A_101 : vector<1x128xi1>, vector<1x128xf32>
      %reduce_sum3A_103 = vector.shape_cast %select_n3A_102 : vector<1x128xf32> to vector<1x1x128xf32>
      %reduce_sum3A_104 = arith.constant dense<0.000000e+00> : vector<1xf32>
      %reduce_sum3A_105 = vector.multi_reduction <add>, %reduce_sum3A_103, %reduce_sum3A_104 [1, 2] : vector<1x1x128xf32> to vector<1xf32>
      %reduce_sum3A_106 = vector.shape_cast %reduce_sum3A_105 : vector<1xf32> to vector<1x1x1xf32>
      %reduce_sum3A_107 = vector.extract %reduce_sum3A_106[0, 0, 0] : f32 from vector<1x1x1xf32>
      %get3A_108 = arith.constant 0 : index
      %get3A_109 = arith.constant 1 : index
      %get3A_110 = arith.constant 0 : index
      %get3A_111 = arith.constant 0 : index
      %get3A_112 = vector.load %arg1[%get3A_108, %get3A_109, %get3A_110, %get3A_111] : memref<4x3x392x128xf32, #tpu.memory_space<vmem>>, vector<1x1x392x128xf32>
      %get3A_113 = vector.shape_cast %get3A_112 : vector<1x1x392x128xf32> to vector<392x128xf32>
      %sub3A_114 = vector.broadcast %reduce_sum3A_107 : f32 to vector<392x128xf32>
      %sub3A_115 = arith.subf %get3A_113, %sub3A_114 : vector<392x128xf32>
      %mul3A_116 = arith.mulf %sub3A_115, %sub3A_115 : vector<392x128xf32>
      %add3A_117 = arith.addf %add3A_93, %mul3A_116 : vector<392x128xf32>
      %get3A_118 = arith.constant 0 : index
      %get3A_119 = arith.constant 2 : index
      %get3A_120 = arith.index_cast %select_n3A_51 : i32 to index
      %get3A_121 = arith.constant 0 : index
      %get3A_122 = vector.load %arg1[%get3A_118, %get3A_119, %get3A_120, %get3A_121] : memref<4x3x392x128xf32, #tpu.memory_space<vmem>>, vector<1x1x1x128xf32>
      %get3A_123 = vector.shape_cast %get3A_122 : vector<1x1x1x128xf32> to vector<1x128xf32>
      %jit3A_124 = arith.constant 0.000000e+00 : f32
      %broadcast_in_dim3A_125 = vector.broadcast %jit3A_124 : f32 to vector<1x128xf32>
      %select_n3A_126 = arith.select %eq3A_68, %get3A_123, %broadcast_in_dim3A_125 : vector<1x128xi1>, vector<1x128xf32>
      %reduce_sum3A_127 = vector.shape_cast %select_n3A_126 : vector<1x128xf32> to vector<1x1x128xf32>
      %reduce_sum3A_128 = arith.constant dense<0.000000e+00> : vector<1xf32>
      %reduce_sum3A_129 = vector.multi_reduction <add>, %reduce_sum3A_127, %reduce_sum3A_128 [1, 2] : vector<1x1x128xf32> to vector<1xf32>
      %reduce_sum3A_130 = vector.shape_cast %reduce_sum3A_129 : vector<1xf32> to vector<1x1x1xf32>
      %reduce_sum3A_131 = vector.extract %reduce_sum3A_130[0, 0, 0] : f32 from vector<1x1x1xf32>
      %get3A_132 = arith.constant 0 : index
      %get3A_133 = arith.constant 2 : index
      %get3A_134 = arith.constant 0 : index
      %get3A_135 = arith.constant 0 : index
      %get3A_136 = vector.load %arg1[%get3A_132, %get3A_133, %get3A_134, %get3A_135] : memref<4x3x392x128xf32, #tpu.memory_space<vmem>>, vector<1x1x392x128xf32>
      %get3A_137 = vector.shape_cast %get3A_136 : vector<1x1x392x128xf32> to vector<392x128xf32>
      %sub3A_138 = vector.broadcast %reduce_sum3A_131 : f32 to vector<392x128xf32>
      %sub3A_139 = arith.subf %get3A_137, %sub3A_138 : vector<392x128xf32>
      %mul3A_140 = arith.mulf %sub3A_139, %sub3A_139 : vector<392x128xf32>
      %add3A_141 = arith.addf %add3A_117, %mul3A_140 : vector<392x128xf32>
      %broadcast_in_dim3A_142 = vector.shape_cast %add3A_141 : vector<392x128xf32> to vector<1x392x128xf32>
      %eq3A_143 = arith.constant 1 : i32
      %eq3A_144 = vector.broadcast %eq3A_143 : i32 to vector<4x1x1xi32>
      %eq3A_145 = arith.cmpi eq, %iota3A_4, %eq3A_144 : vector<4x1x1xi32>
      %jit3A_146 = arith.constant 0 : i32
      %broadcast_in_dim3A_147 = vector.broadcast %jit3A_146 : i32 to vector<4x1x1xi32>
      %select_n3A_148 = arith.select %eq3A_145, %scan3A_25, %broadcast_in_dim3A_147 : vector<4x1x1xi1>, vector<4x1x1xi32>
      %reduce_sum3A_149 = vector.shape_cast %select_n3A_148 : vector<4x1x1xi32> to vector<1x4x1x1xi32>
      %reduce_sum3A_150 = arith.constant dense<0> : vector<1xi32>
      %reduce_sum3A_151 = vector.multi_reduction <add>, %reduce_sum3A_149, %reduce_sum3A_150 [1, 2, 3] : vector<1x4x1x1xi32> to vector<1xi32>
      %reduce_sum3A_152 = vector.shape_cast %reduce_sum3A_151 : vector<1xi32> to vector<1x1x1x1xi32>
      %reduce_sum3A_153 = vector.extract %reduce_sum3A_152[0, 0, 0, 0] : i32 from vector<1x1x1x1xi32>
      %jit3A_154 = arith.constant 128 : i32
      %div3A_155 = arith.divsi %reduce_sum3A_153, %jit3A_154 : i32
      %sign3A_156 = arith.constant 0 : i32
      %sign3A_157 = arith.cmpi sgt, %reduce_sum3A_153, %sign3A_156 : i32
      %sign3A_158 = arith.extui %sign3A_157 : i1 to i32
      %sign3A_159 = arith.constant 0 : i32
      %sign3A_160 = arith.cmpi slt, %reduce_sum3A_153, %sign3A_159 : i32
      %sign3A_161 = arith.extui %sign3A_160 : i1 to i32
      %sign3A_162 = arith.subi %sign3A_158, %sign3A_161 : i32
      %sign3A_163 = arith.constant 0 : i32
      %sign3A_164 = arith.cmpi sgt, %jit3A_154, %sign3A_163 : i32
      %sign3A_165 = arith.extui %sign3A_164 : i1 to i32
      %sign3A_166 = arith.constant 0 : i32
      %sign3A_167 = arith.cmpi slt, %jit3A_154, %sign3A_166 : i32
      %sign3A_168 = arith.extui %sign3A_167 : i1 to i32
      %sign3A_169 = arith.subi %sign3A_165, %sign3A_168 : i32
      %ne3A_170 = arith.cmpi ne, %sign3A_162, %sign3A_169 : i32
      %rem3A_171 = arith.remsi %reduce_sum3A_153, %jit3A_154 : i32
      %ne3A_172 = arith.constant 0 : i32
      %ne3A_173 = arith.cmpi ne, %rem3A_171, %ne3A_172 : i32
      %and3A_174 = arith.andi %ne3A_170, %ne3A_173 : i1
      %sub3A_175 = arith.constant 1 : i32
      %sub3A_176 = arith.subi %div3A_155, %sub3A_175 : i32
      %select_n3A_177 = arith.select %and3A_174, %sub3A_176, %div3A_155 : i32
      %jit3A_178 = arith.constant 128 : i32
      %eq3A_179 = arith.constant 0 : i32
      %eq3A_180 = arith.cmpi eq, %jit3A_178, %eq3A_179 : i32
      %jit3A_181 = arith.constant 1 : i32
      %select_n3A_182 = arith.select %eq3A_180, %jit3A_181, %jit3A_178 : i32
      %rem3A_183 = arith.remsi %reduce_sum3A_153, %select_n3A_182 : i32
      %ne3A_184 = arith.constant 0 : i32
      %ne3A_185 = arith.cmpi ne, %rem3A_183, %ne3A_184 : i32
      %lt3A_186 = arith.constant 0 : i32
      %lt3A_187 = arith.cmpi slt, %rem3A_183, %lt3A_186 : i32
      %lt3A_188 = arith.constant 0 : i32
      %lt3A_189 = arith.cmpi slt, %select_n3A_182, %lt3A_188 : i32
      %ne3A_190 = arith.xori %lt3A_187, %lt3A_189 : i1
      %and3A_191 = arith.andi %ne3A_190, %ne3A_185 : i1
      %add3A_192 = arith.addi %rem3A_183, %select_n3A_182 : i32
      %select_n3A_193 = arith.select %and3A_191, %add3A_192, %rem3A_183 : i32
      %eq3A_194 = vector.broadcast %select_n3A_193 : i32 to vector<1x128xi32>
      %eq3A_195 = arith.cmpi eq, %iota3A_3, %eq3A_194 : vector<1x128xi32>
      %broadcast_in_dim3A_196 = arith.constant 0.000000e+00 : f32
      %broadcast_in_dim3A_197 = vector.broadcast %broadcast_in_dim3A_196 : f32 to vector<392x128xf32>
      %get3A_198 = arith.constant 1 : index
      %get3A_199 = arith.constant 0 : index
      %get3A_200 = arith.index_cast %select_n3A_177 : i32 to index
      %get3A_201 = arith.constant 0 : index
      %get3A_202 = vector.load %arg1[%get3A_198, %get3A_199, %get3A_200, %get3A_201] : memref<4x3x392x128xf32, #tpu.memory_space<vmem>>, vector<1x1x1x128xf32>
      %get3A_203 = vector.shape_cast %get3A_202 : vector<1x1x1x128xf32> to vector<1x128xf32>
      %jit3A_204 = arith.constant 0.000000e+00 : f32
      %broadcast_in_dim3A_205 = vector.broadcast %jit3A_204 : f32 to vector<1x128xf32>
      %select_n3A_206 = arith.select %eq3A_195, %get3A_203, %broadcast_in_dim3A_205 : vector<1x128xi1>, vector<1x128xf32>
      %reduce_sum3A_207 = vector.shape_cast %select_n3A_206 : vector<1x128xf32> to vector<1x1x128xf32>
      %reduce_sum3A_208 = arith.constant dense<0.000000e+00> : vector<1xf32>
      %reduce_sum3A_209 = vector.multi_reduction <add>, %reduce_sum3A_207, %reduce_sum3A_208 [1, 2] : vector<1x1x128xf32> to vector<1xf32>
      %reduce_sum3A_210 = vector.shape_cast %reduce_sum3A_209 : vector<1xf32> to vector<1x1x1xf32>
      %reduce_sum3A_211 = vector.extract %reduce_sum3A_210[0, 0, 0] : f32 from vector<1x1x1xf32>
      %get3A_212 = arith.constant 1 : index
      %get3A_213 = arith.constant 0 : index
      %get3A_214 = arith.constant 0 : index
      %get3A_215 = arith.constant 0 : index
      %get3A_216 = vector.load %arg1[%get3A_212, %get3A_213, %get3A_214, %get3A_215] : memref<4x3x392x128xf32, #tpu.memory_space<vmem>>, vector<1x1x392x128xf32>
      %get3A_217 = vector.shape_cast %get3A_216 : vector<1x1x392x128xf32> to vector<392x128xf32>
      %sub3A_218 = vector.broadcast %reduce_sum3A_211 : f32 to vector<392x128xf32>
      %sub3A_219 = arith.subf %get3A_217, %sub3A_218 : vector<392x128xf32>
      %mul3A_220 = arith.mulf %sub3A_219, %sub3A_219 : vector<392x128xf32>
      %add3A_221 = arith.addf %broadcast_in_dim3A_197, %mul3A_220 : vector<392x128xf32>
      %get3A_222 = arith.constant 1 : index
      %get3A_223 = arith.constant 1 : index
      %get3A_224 = arith.index_cast %select_n3A_177 : i32 to index
      %get3A_225 = arith.constant 0 : index
      %get3A_226 = vector.load %arg1[%get3A_222, %get3A_223, %get3A_224, %get3A_225] : memref<4x3x392x128xf32, #tpu.memory_space<vmem>>, vector<1x1x1x128xf32>
      %get3A_227 = vector.shape_cast %get3A_226 : vector<1x1x1x128xf32> to vector<1x128xf32>
      %jit3A_228 = arith.constant 0.000000e+00 : f32
      %broadcast_in_dim3A_229 = vector.broadcast %jit3A_228 : f32 to vector<1x128xf32>
      %select_n3A_230 = arith.select %eq3A_195, %get3A_227, %broadcast_in_dim3A_229 : vector<1x128xi1>, vector<1x128xf32>
      %reduce_sum3A_231 = vector.shape_cast %select_n3A_230 : vector<1x128xf32> to vector<1x1x128xf32>
      %reduce_sum3A_232 = arith.constant dense<0.000000e+00> : vector<1xf32>
      %reduce_sum3A_233 = vector.multi_reduction <add>, %reduce_sum3A_231, %reduce_sum3A_232 [1, 2] : vector<1x1x128xf32> to vector<1xf32>
      %reduce_sum3A_234 = vector.shape_cast %reduce_sum3A_233 : vector<1xf32> to vector<1x1x1xf32>
      %reduce_sum3A_235 = vector.extract %reduce_sum3A_234[0, 0, 0] : f32 from vector<1x1x1xf32>
      %get3A_236 = arith.constant 1 : index
      %get3A_237 = arith.constant 1 : index
      %get3A_238 = arith.constant 0 : index
      %get3A_239 = arith.constant 0 : index
      %get3A_240 = vector.load %arg1[%get3A_236, %get3A_237, %get3A_238, %get3A_239] : memref<4x3x392x128xf32, #tpu.memory_space<vmem>>, vector<1x1x392x128xf32>
      %get3A_241 = vector.shape_cast %get3A_240 : vector<1x1x392x128xf32> to vector<392x128xf32>
      %sub3A_242 = vector.broadcast %reduce_sum3A_235 : f32 to vector<392x128xf32>
      %sub3A_243 = arith.subf %get3A_241, %sub3A_242 : vector<392x128xf32>
      %mul3A_244 = arith.mulf %sub3A_243, %sub3A_243 : vector<392x128xf32>
      %add3A_245 = arith.addf %add3A_221, %mul3A_244 : vector<392x128xf32>
      %get3A_246 = arith.constant 1 : index
      %get3A_247 = arith.constant 2 : index
      %get3A_248 = arith.index_cast %select_n3A_177 : i32 to index
      %get3A_249 = arith.constant 0 : index
      %get3A_250 = vector.load %arg1[%get3A_246, %get3A_247, %get3A_248, %get3A_249] : memref<4x3x392x128xf32, #tpu.memory_space<vmem>>, vector<1x1x1x128xf32>
      %get3A_251 = vector.shape_cast %get3A_250 : vector<1x1x1x128xf32> to vector<1x128xf32>
      %jit3A_252 = arith.constant 0.000000e+00 : f32
      %broadcast_in_dim3A_253 = vector.broadcast %jit3A_252 : f32 to vector<1x128xf32>
      %select_n3A_254 = arith.select %eq3A_195, %get3A_251, %broadcast_in_dim3A_253 : vector<1x128xi1>, vector<1x128xf32>
      %reduce_sum3A_255 = vector.shape_cast %select_n3A_254 : vector<1x128xf32> to vector<1x1x128xf32>
      %reduce_sum3A_256 = arith.constant dense<0.000000e+00> : vector<1xf32>
      %reduce_sum3A_257 = vector.multi_reduction <add>, %reduce_sum3A_255, %reduce_sum3A_256 [1, 2] : vector<1x1x128xf32> to vector<1xf32>
      %reduce_sum3A_258 = vector.shape_cast %reduce_sum3A_257 : vector<1xf32> to vector<1x1x1xf32>
      %reduce_sum3A_259 = vector.extract %reduce_sum3A_258[0, 0, 0] : f32 from vector<1x1x1xf32>
      %get3A_260 = arith.constant 1 : index
      %get3A_261 = arith.constant 2 : index
      %get3A_262 = arith.constant 0 : index
      %get3A_263 = arith.constant 0 : index
      %get3A_264 = vector.load %arg1[%get3A_260, %get3A_261, %get3A_262, %get3A_263] : memref<4x3x392x128xf32, #tpu.memory_space<vmem>>, vector<1x1x392x128xf32>
      %get3A_265 = vector.shape_cast %get3A_264 : vector<1x1x392x128xf32> to vector<392x128xf32>
      %sub3A_266 = vector.broadcast %reduce_sum3A_259 : f32 to vector<392x128xf32>
      %sub3A_267 = arith.subf %get3A_265, %sub3A_266 : vector<392x128xf32>
      %mul3A_268 = arith.mulf %sub3A_267, %sub3A_267 : vector<392x128xf32>
      %add3A_269 = arith.addf %add3A_245, %mul3A_268 : vector<392x128xf32>
      %broadcast_in_dim3A_270 = vector.shape_cast %add3A_269 : vector<392x128xf32> to vector<1x392x128xf32>
      %eq3A_271 = arith.constant 2 : i32
      %eq3A_272 = vector.broadcast %eq3A_271 : i32 to vector<4x1x1xi32>
      %eq3A_273 = arith.cmpi eq, %iota3A_4, %eq3A_272 : vector<4x1x1xi32>
      %jit3A_274 = arith.constant 0 : i32
      %broadcast_in_dim3A_275 = vector.broadcast %jit3A_274 : i32 to vector<4x1x1xi32>
      %select_n3A_276 = arith.select %eq3A_273, %scan3A_25, %broadcast_in_dim3A_275 : vector<4x1x1xi1>, vector<4x1x1xi32>
      %reduce_sum3A_277 = vector.shape_cast %select_n3A_276 : vector<4x1x1xi32> to vector<1x4x1x1xi32>
      %reduce_sum3A_278 = arith.constant dense<0> : vector<1xi32>
      %reduce_sum3A_279 = vector.multi_reduction <add>, %reduce_sum3A_277, %reduce_sum3A_278 [1, 2, 3] : vector<1x4x1x1xi32> to vector<1xi32>
      %reduce_sum3A_280 = vector.shape_cast %reduce_sum3A_279 : vector<1xi32> to vector<1x1x1x1xi32>
      %reduce_sum3A_281 = vector.extract %reduce_sum3A_280[0, 0, 0, 0] : i32 from vector<1x1x1x1xi32>
      %jit3A_282 = arith.constant 128 : i32
      %div3A_283 = arith.divsi %reduce_sum3A_281, %jit3A_282 : i32
      %sign3A_284 = arith.constant 0 : i32
      %sign3A_285 = arith.cmpi sgt, %reduce_sum3A_281, %sign3A_284 : i32
      %sign3A_286 = arith.extui %sign3A_285 : i1 to i32
      %sign3A_287 = arith.constant 0 : i32
      %sign3A_288 = arith.cmpi slt, %reduce_sum3A_281, %sign3A_287 : i32
      %sign3A_289 = arith.extui %sign3A_288 : i1 to i32
      %sign3A_290 = arith.subi %sign3A_286, %sign3A_289 : i32
      %sign3A_291 = arith.constant 0 : i32
      %sign3A_292 = arith.cmpi sgt, %jit3A_282, %sign3A_291 : i32
      %sign3A_293 = arith.extui %sign3A_292 : i1 to i32
      %sign3A_294 = arith.constant 0 : i32
      %sign3A_295 = arith.cmpi slt, %jit3A_282, %sign3A_294 : i32
      %sign3A_296 = arith.extui %sign3A_295 : i1 to i32
      %sign3A_297 = arith.subi %sign3A_293, %sign3A_296 : i32
      %ne3A_298 = arith.cmpi ne, %sign3A_290, %sign3A_297 : i32
      %rem3A_299 = arith.remsi %reduce_sum3A_281, %jit3A_282 : i32
      %ne3A_300 = arith.constant 0 : i32
      %ne3A_301 = arith.cmpi ne, %rem3A_299, %ne3A_300 : i32
      %and3A_302 = arith.andi %ne3A_298, %ne3A_301 : i1
      %sub3A_303 = arith.constant 1 : i32
      %sub3A_304 = arith.subi %div3A_283, %sub3A_303 : i32
      %select_n3A_305 = arith.select %and3A_302, %sub3A_304, %div3A_283 : i32
      %jit3A_306 = arith.constant 128 : i32
      %eq3A_307 = arith.constant 0 : i32
      %eq3A_308 = arith.cmpi eq, %jit3A_306, %eq3A_307 : i32
      %jit3A_309 = arith.constant 1 : i32
      %select_n3A_310 = arith.select %eq3A_308, %jit3A_309, %jit3A_306 : i32
      %rem3A_311 = arith.remsi %reduce_sum3A_281, %select_n3A_310 : i32
      %ne3A_312 = arith.constant 0 : i32
      %ne3A_313 = arith.cmpi ne, %rem3A_311, %ne3A_312 : i32
      %lt3A_314 = arith.constant 0 : i32
      %lt3A_315 = arith.cmpi slt, %rem3A_311, %lt3A_314 : i32
      %lt3A_316 = arith.constant 0 : i32
      %lt3A_317 = arith.cmpi slt, %select_n3A_310, %lt3A_316 : i32
      %ne3A_318 = arith.xori %lt3A_315, %lt3A_317 : i1
      %and3A_319 = arith.andi %ne3A_318, %ne3A_313 : i1
      %add3A_320 = arith.addi %rem3A_311, %select_n3A_310 : i32
      %select_n3A_321 = arith.select %and3A_319, %add3A_320, %rem3A_311 : i32
      %eq3A_322 = vector.broadcast %select_n3A_321 : i32 to vector<1x128xi32>
      %eq3A_323 = arith.cmpi eq, %iota3A_3, %eq3A_322 : vector<1x128xi32>
      %broadcast_in_dim3A_324 = arith.constant 0.000000e+00 : f32
      %broadcast_in_dim3A_325 = vector.broadcast %broadcast_in_dim3A_324 : f32 to vector<392x128xf32>
      %get3A_326 = arith.constant 2 : index
      %get3A_327 = arith.constant 0 : index
      %get3A_328 = arith.index_cast %select_n3A_305 : i32 to index
      %get3A_329 = arith.constant 0 : index
      %get3A_330 = vector.load %arg1[%get3A_326, %get3A_327, %get3A_328, %get3A_329] : memref<4x3x392x128xf32, #tpu.memory_space<vmem>>, vector<1x1x1x128xf32>
      %get3A_331 = vector.shape_cast %get3A_330 : vector<1x1x1x128xf32> to vector<1x128xf32>
      %jit3A_332 = arith.constant 0.000000e+00 : f32
      %broadcast_in_dim3A_333 = vector.broadcast %jit3A_332 : f32 to vector<1x128xf32>
      %select_n3A_334 = arith.select %eq3A_323, %get3A_331, %broadcast_in_dim3A_333 : vector<1x128xi1>, vector<1x128xf32>
      %reduce_sum3A_335 = vector.shape_cast %select_n3A_334 : vector<1x128xf32> to vector<1x1x128xf32>
      %reduce_sum3A_336 = arith.constant dense<0.000000e+00> : vector<1xf32>
      %reduce_sum3A_337 = vector.multi_reduction <add>, %reduce_sum3A_335, %reduce_sum3A_336 [1, 2] : vector<1x1x128xf32> to vector<1xf32>
      %reduce_sum3A_338 = vector.shape_cast %reduce_sum3A_337 : vector<1xf32> to vector<1x1x1xf32>
      %reduce_sum3A_339 = vector.extract %reduce_sum3A_338[0, 0, 0] : f32 from vector<1x1x1xf32>
      %get3A_340 = arith.constant 2 : index
      %get3A_341 = arith.constant 0 : index
      %get3A_342 = arith.constant 0 : index
      %get3A_343 = arith.constant 0 : index
      %get3A_344 = vector.load %arg1[%get3A_340, %get3A_341, %get3A_342, %get3A_343] : memref<4x3x392x128xf32, #tpu.memory_space<vmem>>, vector<1x1x392x128xf32>
      %get3A_345 = vector.shape_cast %get3A_344 : vector<1x1x392x128xf32> to vector<392x128xf32>
      %sub3A_346 = vector.broadcast %reduce_sum3A_339 : f32 to vector<392x128xf32>
      %sub3A_347 = arith.subf %get3A_345, %sub3A_346 : vector<392x128xf32>
      %mul3A_348 = arith.mulf %sub3A_347, %sub3A_347 : vector<392x128xf32>
      %add3A_349 = arith.addf %broadcast_in_dim3A_325, %mul3A_348 : vector<392x128xf32>
      %get3A_350 = arith.constant 2 : index
      %get3A_351 = arith.constant 1 : index
      %get3A_352 = arith.index_cast %select_n3A_305 : i32 to index
      %get3A_353 = arith.constant 0 : index
      %get3A_354 = vector.load %arg1[%get3A_350, %get3A_351, %get3A_352, %get3A_353] : memref<4x3x392x128xf32, #tpu.memory_space<vmem>>, vector<1x1x1x128xf32>
      %get3A_355 = vector.shape_cast %get3A_354 : vector<1x1x1x128xf32> to vector<1x128xf32>
      %jit3A_356 = arith.constant 0.000000e+00 : f32
      %broadcast_in_dim3A_357 = vector.broadcast %jit3A_356 : f32 to vector<1x128xf32>
      %select_n3A_358 = arith.select %eq3A_323, %get3A_355, %broadcast_in_dim3A_357 : vector<1x128xi1>, vector<1x128xf32>
      %reduce_sum3A_359 = vector.shape_cast %select_n3A_358 : vector<1x128xf32> to vector<1x1x128xf32>
      %reduce_sum3A_360 = arith.constant dense<0.000000e+00> : vector<1xf32>
      %reduce_sum3A_361 = vector.multi_reduction <add>, %reduce_sum3A_359, %reduce_sum3A_360 [1, 2] : vector<1x1x128xf32> to vector<1xf32>
      %reduce_sum3A_362 = vector.shape_cast %reduce_sum3A_361 : vector<1xf32> to vector<1x1x1xf32>
      %reduce_sum3A_363 = vector.extract %reduce_sum3A_362[0, 0, 0] : f32 from vector<1x1x1xf32>
      %get3A_364 = arith.constant 2 : index
      %get3A_365 = arith.constant 1 : index
      %get3A_366 = arith.constant 0 : index
      %get3A_367 = arith.constant 0 : index
      %get3A_368 = vector.load %arg1[%get3A_364, %get3A_365, %get3A_366, %get3A_367] : memref<4x3x392x128xf32, #tpu.memory_space<vmem>>, vector<1x1x392x128xf32>
      %get3A_369 = vector.shape_cast %get3A_368 : vector<1x1x392x128xf32> to vector<392x128xf32>
      %sub3A_370 = vector.broadcast %reduce_sum3A_363 : f32 to vector<392x128xf32>
      %sub3A_371 = arith.subf %get3A_369, %sub3A_370 : vector<392x128xf32>
      %mul3A_372 = arith.mulf %sub3A_371, %sub3A_371 : vector<392x128xf32>
      %add3A_373 = arith.addf %add3A_349, %mul3A_372 : vector<392x128xf32>
      %get3A_374 = arith.constant 2 : index
      %get3A_375 = arith.constant 2 : index
      %get3A_376 = arith.index_cast %select_n3A_305 : i32 to index
      %get3A_377 = arith.constant 0 : index
      %get3A_378 = vector.load %arg1[%get3A_374, %get3A_375, %get3A_376, %get3A_377] : memref<4x3x392x128xf32, #tpu.memory_space<vmem>>, vector<1x1x1x128xf32>
      %get3A_379 = vector.shape_cast %get3A_378 : vector<1x1x1x128xf32> to vector<1x128xf32>
      %jit3A_380 = arith.constant 0.000000e+00 : f32
      %broadcast_in_dim3A_381 = vector.broadcast %jit3A_380 : f32 to vector<1x128xf32>
      %select_n3A_382 = arith.select %eq3A_323, %get3A_379, %broadcast_in_dim3A_381 : vector<1x128xi1>, vector<1x128xf32>
      %reduce_sum3A_383 = vector.shape_cast %select_n3A_382 : vector<1x128xf32> to vector<1x1x128xf32>
      %reduce_sum3A_384 = arith.constant dense<0.000000e+00> : vector<1xf32>
      %reduce_sum3A_385 = vector.multi_reduction <add>, %reduce_sum3A_383, %reduce_sum3A_384 [1, 2] : vector<1x1x128xf32> to vector<1xf32>
      %reduce_sum3A_386 = vector.shape_cast %reduce_sum3A_385 : vector<1xf32> to vector<1x1x1xf32>
      %reduce_sum3A_387 = vector.extract %reduce_sum3A_386[0, 0, 0] : f32 from vector<1x1x1xf32>
      %get3A_388 = arith.constant 2 : index
      %get3A_389 = arith.constant 2 : index
      %get3A_390 = arith.constant 0 : index
      %get3A_391 = arith.constant 0 : index
      %get3A_392 = vector.load %arg1[%get3A_388, %get3A_389, %get3A_390, %get3A_391] : memref<4x3x392x128xf32, #tpu.memory_space<vmem>>, vector<1x1x392x128xf32>
      %get3A_393 = vector.shape_cast %get3A_392 : vector<1x1x392x128xf32> to vector<392x128xf32>
      %sub3A_394 = vector.broadcast %reduce_sum3A_387 : f32 to vector<392x128xf32>
      %sub3A_395 = arith.subf %get3A_393, %sub3A_394 : vector<392x128xf32>
      %mul3A_396 = arith.mulf %sub3A_395, %sub3A_395 : vector<392x128xf32>
      %add3A_397 = arith.addf %add3A_373, %mul3A_396 : vector<392x128xf32>
      %broadcast_in_dim3A_398 = vector.shape_cast %add3A_397 : vector<392x128xf32> to vector<1x392x128xf32>
      %eq3A_399 = arith.constant 3 : i32
      %eq3A_400 = vector.broadcast %eq3A_399 : i32 to vector<4x1x1xi32>
      %eq3A_401 = arith.cmpi eq, %iota3A_4, %eq3A_400 : vector<4x1x1xi32>
      %jit3A_402 = arith.constant 0 : i32
      %broadcast_in_dim3A_403 = vector.broadcast %jit3A_402 : i32 to vector<4x1x1xi32>
      %select_n3A_404 = arith.select %eq3A_401, %scan3A_25, %broadcast_in_dim3A_403 : vector<4x1x1xi1>, vector<4x1x1xi32>
      %reduce_sum3A_405 = vector.shape_cast %select_n3A_404 : vector<4x1x1xi32> to vector<1x4x1x1xi32>
      %reduce_sum3A_406 = arith.constant dense<0> : vector<1xi32>
      %reduce_sum3A_407 = vector.multi_reduction <add>, %reduce_sum3A_405, %reduce_sum3A_406 [1, 2, 3] : vector<1x4x1x1xi32> to vector<1xi32>
      %reduce_sum3A_408 = vector.shape_cast %reduce_sum3A_407 : vector<1xi32> to vector<1x1x1x1xi32>
      %reduce_sum3A_409 = vector.extract %reduce_sum3A_408[0, 0, 0, 0] : i32 from vector<1x1x1x1xi32>
      %jit3A_410 = arith.constant 128 : i32
      %div3A_411 = arith.divsi %reduce_sum3A_409, %jit3A_410 : i32
      %sign3A_412 = arith.constant 0 : i32
      %sign3A_413 = arith.cmpi sgt, %reduce_sum3A_409, %sign3A_412 : i32
      %sign3A_414 = arith.extui %sign3A_413 : i1 to i32
      %sign3A_415 = arith.constant 0 : i32
      %sign3A_416 = arith.cmpi slt, %reduce_sum3A_409, %sign3A_415 : i32
      %sign3A_417 = arith.extui %sign3A_416 : i1 to i32
      %sign3A_418 = arith.subi %sign3A_414, %sign3A_417 : i32
      %sign3A_419 = arith.constant 0 : i32
      %sign3A_420 = arith.cmpi sgt, %jit3A_410, %sign3A_419 : i32
      %sign3A_421 = arith.extui %sign3A_420 : i1 to i32
      %sign3A_422 = arith.constant 0 : i32
      %sign3A_423 = arith.cmpi slt, %jit3A_410, %sign3A_422 : i32
      %sign3A_424 = arith.extui %sign3A_423 : i1 to i32
      %sign3A_425 = arith.subi %sign3A_421, %sign3A_424 : i32
      %ne3A_426 = arith.cmpi ne, %sign3A_418, %sign3A_425 : i32
      %rem3A_427 = arith.remsi %reduce_sum3A_409, %jit3A_410 : i32
      %ne3A_428 = arith.constant 0 : i32
      %ne3A_429 = arith.cmpi ne, %rem3A_427, %ne3A_428 : i32
      %and3A_430 = arith.andi %ne3A_426, %ne3A_429 : i1
      %sub3A_431 = arith.constant 1 : i32
      %sub3A_432 = arith.subi %div3A_411, %sub3A_431 : i32
      %select_n3A_433 = arith.select %and3A_430, %sub3A_432, %div3A_411 : i32
      %jit3A_434 = arith.constant 128 : i32
      %eq3A_435 = arith.constant 0 : i32
      %eq3A_436 = arith.cmpi eq, %jit3A_434, %eq3A_435 : i32
      %jit3A_437 = arith.constant 1 : i32
      %select_n3A_438 = arith.select %eq3A_436, %jit3A_437, %jit3A_434 : i32
      %rem3A_439 = arith.remsi %reduce_sum3A_409, %select_n3A_438 : i32
      %ne3A_440 = arith.constant 0 : i32
      %ne3A_441 = arith.cmpi ne, %rem3A_439, %ne3A_440 : i32
      %lt3A_442 = arith.constant 0 : i32
      %lt3A_443 = arith.cmpi slt, %rem3A_439, %lt3A_442 : i32
      %lt3A_444 = arith.constant 0 : i32
      %lt3A_445 = arith.cmpi slt, %select_n3A_438, %lt3A_444 : i32
      %ne3A_446 = arith.xori %lt3A_443, %lt3A_445 : i1
      %and3A_447 = arith.andi %ne3A_446, %ne3A_441 : i1
      %add3A_448 = arith.addi %rem3A_439, %select_n3A_438 : i32
      %select_n3A_449 = arith.select %and3A_447, %add3A_448, %rem3A_439 : i32
      %eq3A_450 = vector.broadcast %select_n3A_449 : i32 to vector<1x128xi32>
      %eq3A_451 = arith.cmpi eq, %iota3A_3, %eq3A_450 : vector<1x128xi32>
      %broadcast_in_dim3A_452 = arith.constant 0.000000e+00 : f32
      %broadcast_in_dim3A_453 = vector.broadcast %broadcast_in_dim3A_452 : f32 to vector<392x128xf32>
      %get3A_454 = arith.constant 3 : index
      %get3A_455 = arith.constant 0 : index
      %get3A_456 = arith.index_cast %select_n3A_433 : i32 to index
      %get3A_457 = arith.constant 0 : index
      %get3A_458 = vector.load %arg1[%get3A_454, %get3A_455, %get3A_456, %get3A_457] : memref<4x3x392x128xf32, #tpu.memory_space<vmem>>, vector<1x1x1x128xf32>
      %get3A_459 = vector.shape_cast %get3A_458 : vector<1x1x1x128xf32> to vector<1x128xf32>
      %jit3A_460 = arith.constant 0.000000e+00 : f32
      %broadcast_in_dim3A_461 = vector.broadcast %jit3A_460 : f32 to vector<1x128xf32>
      %select_n3A_462 = arith.select %eq3A_451, %get3A_459, %broadcast_in_dim3A_461 : vector<1x128xi1>, vector<1x128xf32>
      %reduce_sum3A_463 = vector.shape_cast %select_n3A_462 : vector<1x128xf32> to vector<1x1x128xf32>
      %reduce_sum3A_464 = arith.constant dense<0.000000e+00> : vector<1xf32>
      %reduce_sum3A_465 = vector.multi_reduction <add>, %reduce_sum3A_463, %reduce_sum3A_464 [1, 2] : vector<1x1x128xf32> to vector<1xf32>
      %reduce_sum3A_466 = vector.shape_cast %reduce_sum3A_465 : vector<1xf32> to vector<1x1x1xf32>
      %reduce_sum3A_467 = vector.extract %reduce_sum3A_466[0, 0, 0] : f32 from vector<1x1x1xf32>
      %get3A_468 = arith.constant 3 : index
      %get3A_469 = arith.constant 0 : index
      %get3A_470 = arith.constant 0 : index
      %get3A_471 = arith.constant 0 : index
      %get3A_472 = vector.load %arg1[%get3A_468, %get3A_469, %get3A_470, %get3A_471] : memref<4x3x392x128xf32, #tpu.memory_space<vmem>>, vector<1x1x392x128xf32>
      %get3A_473 = vector.shape_cast %get3A_472 : vector<1x1x392x128xf32> to vector<392x128xf32>
      %sub3A_474 = vector.broadcast %reduce_sum3A_467 : f32 to vector<392x128xf32>
      %sub3A_475 = arith.subf %get3A_473, %sub3A_474 : vector<392x128xf32>
      %mul3A_476 = arith.mulf %sub3A_475, %sub3A_475 : vector<392x128xf32>
      %add3A_477 = arith.addf %broadcast_in_dim3A_453, %mul3A_476 : vector<392x128xf32>
      %get3A_478 = arith.constant 3 : index
      %get3A_479 = arith.constant 1 : index
      %get3A_480 = arith.index_cast %select_n3A_433 : i32 to index
      %get3A_481 = arith.constant 0 : index
      %get3A_482 = vector.load %arg1[%get3A_478, %get3A_479, %get3A_480, %get3A_481] : memref<4x3x392x128xf32, #tpu.memory_space<vmem>>, vector<1x1x1x128xf32>
      %get3A_483 = vector.shape_cast %get3A_482 : vector<1x1x1x128xf32> to vector<1x128xf32>
      %jit3A_484 = arith.constant 0.000000e+00 : f32
      %broadcast_in_dim3A_485 = vector.broadcast %jit3A_484 : f32 to vector<1x128xf32>
      %select_n3A_486 = arith.select %eq3A_451, %get3A_483, %broadcast_in_dim3A_485 : vector<1x128xi1>, vector<1x128xf32>
      %reduce_sum3A_487 = vector.shape_cast %select_n3A_486 : vector<1x128xf32> to vector<1x1x128xf32>
      %reduce_sum3A_488 = arith.constant dense<0.000000e+00> : vector<1xf32>
      %reduce_sum3A_489 = vector.multi_reduction <add>, %reduce_sum3A_487, %reduce_sum3A_488 [1, 2] : vector<1x1x128xf32> to vector<1xf32>
      %reduce_sum3A_490 = vector.shape_cast %reduce_sum3A_489 : vector<1xf32> to vector<1x1x1xf32>
      %reduce_sum3A_491 = vector.extract %reduce_sum3A_490[0, 0, 0] : f32 from vector<1x1x1xf32>
      %get3A_492 = arith.constant 3 : index
      %get3A_493 = arith.constant 1 : index
      %get3A_494 = arith.constant 0 : index
      %get3A_495 = arith.constant 0 : index
      %get3A_496 = vector.load %arg1[%get3A_492, %get3A_493, %get3A_494, %get3A_495] : memref<4x3x392x128xf32, #tpu.memory_space<vmem>>, vector<1x1x392x128xf32>
      %get3A_497 = vector.shape_cast %get3A_496 : vector<1x1x392x128xf32> to vector<392x128xf32>
      %sub3A_498 = vector.broadcast %reduce_sum3A_491 : f32 to vector<392x128xf32>
      %sub3A_499 = arith.subf %get3A_497, %sub3A_498 : vector<392x128xf32>
      %mul3A_500 = arith.mulf %sub3A_499, %sub3A_499 : vector<392x128xf32>
      %add3A_501 = arith.addf %add3A_477, %mul3A_500 : vector<392x128xf32>
      %get3A_502 = arith.constant 3 : index
      %get3A_503 = arith.constant 2 : index
      %get3A_504 = arith.index_cast %select_n3A_433 : i32 to index
      %get3A_505 = arith.constant 0 : index
      %get3A_506 = vector.load %arg1[%get3A_502, %get3A_503, %get3A_504, %get3A_505] : memref<4x3x392x128xf32, #tpu.memory_space<vmem>>, vector<1x1x1x128xf32>
      %get3A_507 = vector.shape_cast %get3A_506 : vector<1x1x1x128xf32> to vector<1x128xf32>
      %jit3A_508 = arith.constant 0.000000e+00 : f32
      %broadcast_in_dim3A_509 = vector.broadcast %jit3A_508 : f32 to vector<1x128xf32>
      %select_n3A_510 = arith.select %eq3A_451, %get3A_507, %broadcast_in_dim3A_509 : vector<1x128xi1>, vector<1x128xf32>
      %reduce_sum3A_511 = vector.shape_cast %select_n3A_510 : vector<1x128xf32> to vector<1x1x128xf32>
      %reduce_sum3A_512 = arith.constant dense<0.000000e+00> : vector<1xf32>
      %reduce_sum3A_513 = vector.multi_reduction <add>, %reduce_sum3A_511, %reduce_sum3A_512 [1, 2] : vector<1x1x128xf32> to vector<1xf32>
      %reduce_sum3A_514 = vector.shape_cast %reduce_sum3A_513 : vector<1xf32> to vector<1x1x1xf32>
      %reduce_sum3A_515 = vector.extract %reduce_sum3A_514[0, 0, 0] : f32 from vector<1x1x1xf32>
      %get3A_516 = arith.constant 3 : index
      %get3A_517 = arith.constant 2 : index
      %get3A_518 = arith.constant 0 : index
      %get3A_519 = arith.constant 0 : index
      %get3A_520 = vector.load %arg1[%get3A_516, %get3A_517, %get3A_518, %get3A_519] : memref<4x3x392x128xf32, #tpu.memory_space<vmem>>, vector<1x1x392x128xf32>
      %get3A_521 = vector.shape_cast %get3A_520 : vector<1x1x392x128xf32> to vector<392x128xf32>
      %sub3A_522 = vector.broadcast %reduce_sum3A_515 : f32 to vector<392x128xf32>
      %sub3A_523 = arith.subf %get3A_521, %sub3A_522 : vector<392x128xf32>
      %mul3A_524 = arith.mulf %sub3A_523, %sub3A_523 : vector<392x128xf32>
      %add3A_525 = arith.addf %add3A_501, %mul3A_524 : vector<392x128xf32>
      %broadcast_in_dim3A_526 = vector.shape_cast %add3A_525 : vector<392x128xf32> to vector<1x392x128xf32>
      %concatenate3A = tpu.concatenate %broadcast_in_dim3A_142, %broadcast_in_dim3A_270, %broadcast_in_dim3A_398, %broadcast_in_dim3A_526 in 0 : vector<1x392x128xf32>, vector<1x392x128xf32>, vector<1x392x128xf32>, vector<1x392x128xf32> -> vector<4x392x128xf32>
      %get3A_527 = arith.constant 0 : index
      %get3A_528 = arith.constant 0 : index
      %get3A_529 = arith.constant 0 : index
      %get3A_530 = vector.load %arg3[%get3A_527, %get3A_528, %get3A_529] : memref<4x392x128xf32, #tpu.memory_space<vmem>>, vector<4x392x128xf32>
      %min3A = arith.minimumf %get3A_530, %concatenate3A : vector<4x392x128xf32>
      %swap3A_531 = arith.constant 0 : index
      %swap3A_532 = arith.constant 0 : index
      %swap3A_533 = arith.constant 0 : index
      %swap3A_534 = vector.load %arg3[%swap3A_531, %swap3A_532, %swap3A_533] : memref<4x392x128xf32, #tpu.memory_space<vmem>>, vector<4x392x128xf32>
      tpu.vector_store %arg3[%swap3A_531, %swap3A_532, %swap3A_533], %min3A {strides = array<i32>} : memref<4x392x128xf32, #tpu.memory_space<vmem>>, vector<4x392x128xf32>,
      %eq3A_535 = vector.broadcast %scan3A_24 : i32 to vector<1x1x64xi32>
      %eq3A_536 = arith.cmpi eq, %iota3A_5, %eq3A_535 : vector<1x1x64xi32>
      %broadcast_in_dim3A_537 = vector.shape_cast %eq3A_536 : vector<1x1x64xi1> to vector<1x1x64xi1>
      %broadcast_in_dim3A_538 = vector.broadcast %broadcast_in_dim3A_537 : vector<1x1x64xi1> to vector<4x1x64xi1>
      %broadcast_in_dim3A_539 = vector.shape_cast %scan3A_25 : vector<4x1x1xi32> to vector<4x1x1xi32>
      %broadcast_in_dim3A_540 = vector.broadcast %broadcast_in_dim3A_539 : vector<4x1x1xi32> to vector<4x1x64xi32>
      %select_n3A_541 = arith.select %broadcast_in_dim3A_538, %broadcast_in_dim3A_540, %scan3A_26 : vector<4x1x64xi1>, vector<4x1x64xi32>
      %reduce_max3A = arith.constant dense<0xFF800000> : vector<4xf32>
      %reduce_max3A_542 = vector.multi_reduction <maximumf>, %min3A, %reduce_max3A [1, 2] : vector<4x392x128xf32> to vector<4xf32>
      %broadcast_in_dim3A_543 = vector.shape_cast %reduce_max3A_542 : vector<4xf32> to vector<4x1x1xf32>
      %eq3A_544 = vector.broadcast %broadcast_in_dim3A_543 : vector<4x1x1xf32> to vector<4x392x128xf32>
      %eq3A_545 = arith.cmpf oeq, %min3A, %eq3A_544 : vector<4x392x128xf32>
      %jit3A_546 = arith.constant 50176 : i32
      %broadcast_in_dim3A_547 = vector.shape_cast %broadcast_in_dim3A : vector<1x392x128xi32> to vector<1x392x128xi32>
      %broadcast_in_dim3A_548 = vector.broadcast %broadcast_in_dim3A_547 : vector<1x392x128xi32> to vector<4x392x128xi32>
      %broadcast_in_dim3A_549 = vector.broadcast %jit3A_546 : i32 to vector<4x392x128xi32>
      %select_n3A_550 = arith.select %eq3A_545, %broadcast_in_dim3A_548, %broadcast_in_dim3A_549 : vector<4x392x128xi1>, vector<4x392x128xi32>
      %reduce_min3A = arith.constant dense<2147483647> : vector<4xi32>
      %reduce_min3A_551 = vector.multi_reduction <minsi>, %select_n3A_550, %reduce_min3A [1, 2] : vector<4x392x128xi32> to vector<4xi32>
      %broadcast_in_dim3A_552 = vector.shape_cast %reduce_min3A_551 : vector<4xi32> to vector<4x1x1xi32>
      scf.yield %broadcast_in_dim3A_552, %select_n3A_541 : vector<4x1x1xi32>, vector<4x1x64xi32>
    }
    %scan3A_19 = arith.constant 64 : i32
    %swap3A_20 = arith.constant 0 : index
    %swap3A_21 = arith.constant 0 : index
    %swap3A_22 = arith.constant 0 : index
    %swap3A_23 = vector.load %arg2[%swap3A_20, %swap3A_21, %swap3A_22] : memref<4x1x64xi32, #tpu.memory_space<vmem>>, vector<4x1x64xi32>
    tpu.vector_store %arg2[%swap3A_20, %swap3A_21, %swap3A_22], %scan3A_18#1 {strides = array<i32>} : memref<4x1x64xi32, #tpu.memory_space<vmem>>, vector<4x1x64xi32>,
    return
  }
  func.func @transform_0(%arg0: i32) -> (i32, i32, i32, i32) {
    %c0_i32 = arith.constant 0 : i32
    %c0_i32_0 = arith.constant 0 : i32
    %c0_i32_1 = arith.constant 0 : i32
    %c0_i32_2 = arith.constant 0 : i32
    return %arg0, %c0_i32, %c0_i32_0, %c0_i32_1 : i32, i32, i32, i32
  }
  func.func @transform_1(%arg0: i32) -> (i32, i32, i32) {
    %c0_i32 = arith.constant 0 : i32
    %c0_i32_0 = arith.constant 0 : i32
    %c0_i32_1 = arith.constant 0 : i32
    return %arg0, %c0_i32, %c0_i32_0 : i32, i32, i32
  }
}

module attributes {stable_mosaic.version = 14 : i64} {
  func.func @_knn_body(%arg0: i32, %arg1: memref<1x3x392x128xf32, #tpu.memory_space<vmem>>, %arg2: memref<1x1x64xi32, #tpu.memory_space<vmem>>, %arg3: memref<1x64x32xi32, #tpu.memory_space<vmem>>, %arg4: memref<1x64x3xf32, #tpu.memory_space<vmem>>) attributes {dimension_semantics = [#tpu.dimension_semantics<arbitrary>], iteration_bounds = array<i64: 8>, scalar_prefetch = 0 : i64, scratch_operands = 0 : i64, tpu.core_type = #tpu.core_type<tc>, window_params = [{transform_indices = @transform_0, window_bounds = array<i64: 1, 3, 392, 128>}, {transform_indices = @transform_1, window_bounds = array<i64: 1, 1, 64>}, {transform_indices = @transform_2, window_bounds = array<i64: 1, 64, 32>}, {transform_indices = @transform_3, window_bounds = array<i64: 1, 64, 3>}]} {
    %iota3A = tpu.iota {dimensions = array<i32: 0>} : vector<392x128xi32>
    %iota3A_0 = tpu.iota {dimensions = array<i32: 1>} : vector<392x128xi32>
    %mul3A = arith.constant 128 : i32
    %mul3A_1 = vector.broadcast %mul3A : i32 to vector<392x128xi32>
    %mul3A_2 = arith.muli %iota3A, %mul3A_1 : vector<392x128xi32>
    %add3A = arith.addi %mul3A_2, %iota3A_0 : vector<392x128xi32>
    %iota3A_3 = tpu.iota {dimensions = array<i32: 1>} : vector<1x128xi32>
    %iota3A_4 = tpu.iota {dimensions = array<i32: 1>} : vector<1x64xi32>
    %get3A = arith.constant 0 : index
    %get3A_5 = arith.constant 0 : index
    %get3A_6 = arith.constant 0 : index
    %get3A_7 = arith.constant 0 : index
    %get3A_8 = vector.load %arg1[%get3A, %get3A_5, %get3A_6, %get3A_7] : memref<1x3x392x128xf32, #tpu.memory_space<vmem>>, vector<1x1x392x128xf32>
    %get3A_9 = vector.shape_cast %get3A_8 : vector<1x1x392x128xf32> to vector<392x128xf32>
    %get3A_10 = arith.constant 0 : index
    %get3A_11 = arith.constant 1 : index
    %get3A_12 = arith.constant 0 : index
    %get3A_13 = arith.constant 0 : index
    %get3A_14 = vector.load %arg1[%get3A_10, %get3A_11, %get3A_12, %get3A_13] : memref<1x3x392x128xf32, #tpu.memory_space<vmem>>, vector<1x1x392x128xf32>
    %get3A_15 = vector.shape_cast %get3A_14 : vector<1x1x392x128xf32> to vector<392x128xf32>
    %get3A_16 = arith.constant 0 : index
    %get3A_17 = arith.constant 2 : index
    %get3A_18 = arith.constant 0 : index
    %get3A_19 = arith.constant 0 : index
    %get3A_20 = vector.load %arg1[%get3A_16, %get3A_17, %get3A_18, %get3A_19] : memref<1x3x392x128xf32, #tpu.memory_space<vmem>>, vector<1x1x392x128xf32>
    %get3A_21 = vector.shape_cast %get3A_20 : vector<1x1x392x128xf32> to vector<392x128xf32>
    %mul3A_22 = arith.mulf %get3A_9, %get3A_9 : vector<392x128xf32>
    %mul3A_23 = arith.mulf %get3A_15, %get3A_15 : vector<392x128xf32>
    %add3A_24 = arith.addf %mul3A_22, %mul3A_23 : vector<392x128xf32>
    %mul3A_25 = arith.mulf %get3A_21, %get3A_21 : vector<392x128xf32>
    %add3A_26 = arith.addf %add3A_24, %mul3A_25 : vector<392x128xf32>
    %convert_element_type3A = arith.truncf %get3A_9 : vector<392x128xf32> to vector<392x128xbf16>
    %convert_element_type3A_27 = arith.extf %convert_element_type3A : vector<392x128xbf16> to vector<392x128xf32>
    %convert_element_type3A_28 = arith.truncf %get3A_15 : vector<392x128xf32> to vector<392x128xbf16>
    %convert_element_type3A_29 = arith.extf %convert_element_type3A_28 : vector<392x128xbf16> to vector<392x128xf32>
    %convert_element_type3A_30 = arith.truncf %get3A_21 : vector<392x128xf32> to vector<392x128xbf16>
    %convert_element_type3A_31 = arith.extf %convert_element_type3A_30 : vector<392x128xbf16> to vector<392x128xf32>
    %broadcast_in_dim3A = vector.shape_cast %add3A : vector<392x128xi32> to vector<1x392x128xi32>
    %iota3A_32 = tpu.iota {dimensions = array<i32: 2>} : vector<1x1x32xi32>
    %scan3A = arith.constant 0 : i32
    %scan3A_33 = arith.constant 8 : i32
    %scan3A_34 = arith.addi %scan3A, %scan3A_33 : i32
    %scan3A_35 = arith.constant 1 : i32
    scf.for %scan3A_37 = %scan3A to %scan3A_34 step %scan3A_35  : i32 {
      %mul3A_38 = arith.constant 8 : i32
      %mul3A_39 = arith.muli %scan3A_37, %mul3A_38 : i32
      %add3A_40 = arith.constant 0 : i32
      %add3A_41 = arith.addi %mul3A_39, %add3A_40 : i32
      %eq3A = vector.broadcast %add3A_41 : i32 to vector<1x64xi32>
      %eq3A_42 = arith.cmpi eq, %iota3A_4, %eq3A : vector<1x64xi32>
      %get3A_43 = arith.constant 0 : index
      %get3A_44 = arith.constant 0 : index
      %get3A_45 = arith.constant 0 : index
      %get3A_46 = vector.load %arg2[%get3A_43, %get3A_44, %get3A_45] : memref<1x1x64xi32, #tpu.memory_space<vmem>>, vector<1x1x64xi32>
      %get3A_47 = vector.shape_cast %get3A_46 : vector<1x1x64xi32> to vector<1x64xi32>
      %jit3A = arith.constant 0 : i32
      %broadcast_in_dim3A_48 = vector.broadcast %jit3A : i32 to vector<1x64xi32>
      %select_n3A = arith.select %eq3A_42, %get3A_47, %broadcast_in_dim3A_48 : vector<1x64xi1>, vector<1x64xi32>
      %reduce_sum3A = vector.shape_cast %select_n3A : vector<1x64xi32> to vector<1x1x64xi32>
      %reduce_sum3A_49 = arith.constant dense<0> : vector<1xi32>
      %reduce_sum3A_50 = vector.multi_reduction <add>, %reduce_sum3A, %reduce_sum3A_49 [1, 2] : vector<1x1x64xi32> to vector<1xi32>
      %reduce_sum3A_51 = vector.shape_cast %reduce_sum3A_50 : vector<1xi32> to vector<1x1x1xi32>
      %reduce_sum3A_52 = vector.extract %reduce_sum3A_51[0, 0, 0] : i32 from vector<1x1x1xi32>
      %jit3A_53 = arith.constant 128 : i32
      %div3A = arith.divsi %reduce_sum3A_52, %jit3A_53 : i32
      %sign3A = arith.constant 0 : i32
      %sign3A_54 = arith.cmpi sgt, %reduce_sum3A_52, %sign3A : i32
      %sign3A_55 = arith.extui %sign3A_54 : i1 to i32
      %sign3A_56 = arith.constant 0 : i32
      %sign3A_57 = arith.cmpi slt, %reduce_sum3A_52, %sign3A_56 : i32
      %sign3A_58 = arith.extui %sign3A_57 : i1 to i32
      %sign3A_59 = arith.subi %sign3A_55, %sign3A_58 : i32
      %sign3A_60 = arith.constant 0 : i32
      %sign3A_61 = arith.cmpi sgt, %jit3A_53, %sign3A_60 : i32
      %sign3A_62 = arith.extui %sign3A_61 : i1 to i32
      %sign3A_63 = arith.constant 0 : i32
      %sign3A_64 = arith.cmpi slt, %jit3A_53, %sign3A_63 : i32
      %sign3A_65 = arith.extui %sign3A_64 : i1 to i32
      %sign3A_66 = arith.subi %sign3A_62, %sign3A_65 : i32
      %ne3A = arith.cmpi ne, %sign3A_59, %sign3A_66 : i32
      %rem3A = arith.remsi %reduce_sum3A_52, %jit3A_53 : i32
      %ne3A_67 = arith.constant 0 : i32
      %ne3A_68 = arith.cmpi ne, %rem3A, %ne3A_67 : i32
      %and3A = arith.andi %ne3A, %ne3A_68 : i1
      %sub3A = arith.constant 1 : i32
      %sub3A_69 = arith.subi %div3A, %sub3A : i32
      %select_n3A_70 = arith.select %and3A, %sub3A_69, %div3A : i32
      %jit3A_71 = arith.constant 128 : i32
      %eq3A_72 = arith.constant 0 : i32
      %eq3A_73 = arith.cmpi eq, %jit3A_71, %eq3A_72 : i32
      %jit3A_74 = arith.constant 1 : i32
      %select_n3A_75 = arith.select %eq3A_73, %jit3A_74, %jit3A_71 : i32
      %rem3A_76 = arith.remsi %reduce_sum3A_52, %select_n3A_75 : i32
      %ne3A_77 = arith.constant 0 : i32
      %ne3A_78 = arith.cmpi ne, %rem3A_76, %ne3A_77 : i32
      %lt3A = arith.constant 0 : i32
      %lt3A_79 = arith.cmpi slt, %rem3A_76, %lt3A : i32
      %lt3A_80 = arith.constant 0 : i32
      %lt3A_81 = arith.cmpi slt, %select_n3A_75, %lt3A_80 : i32
      %ne3A_82 = arith.xori %lt3A_79, %lt3A_81 : i1
      %and3A_83 = arith.andi %ne3A_82, %ne3A_78 : i1
      %add3A_84 = arith.addi %rem3A_76, %select_n3A_75 : i32
      %select_n3A_85 = arith.select %and3A_83, %add3A_84, %rem3A_76 : i32
      %eq3A_86 = vector.broadcast %select_n3A_85 : i32 to vector<1x128xi32>
      %eq3A_87 = arith.cmpi eq, %iota3A_3, %eq3A_86 : vector<1x128xi32>
      %get3A_88 = arith.constant 0 : index
      %get3A_89 = arith.constant 0 : index
      %get3A_90 = arith.index_cast %select_n3A_70 : i32 to index
      %get3A_91 = arith.constant 0 : index
      %get3A_92 = vector.load %arg1[%get3A_88, %get3A_89, %get3A_90, %get3A_91] : memref<1x3x392x128xf32, #tpu.memory_space<vmem>>, vector<1x1x1x128xf32>
      %get3A_93 = vector.shape_cast %get3A_92 : vector<1x1x1x128xf32> to vector<1x128xf32>
      %jit3A_94 = arith.constant 0.000000e+00 : f32
      %broadcast_in_dim3A_95 = vector.broadcast %jit3A_94 : f32 to vector<1x128xf32>
      %select_n3A_96 = arith.select %eq3A_87, %get3A_93, %broadcast_in_dim3A_95 : vector<1x128xi1>, vector<1x128xf32>
      %reduce_sum3A_97 = vector.shape_cast %select_n3A_96 : vector<1x128xf32> to vector<1x1x128xf32>
      %reduce_sum3A_98 = arith.constant dense<0.000000e+00> : vector<1xf32>
      %reduce_sum3A_99 = vector.multi_reduction <add>, %reduce_sum3A_97, %reduce_sum3A_98 [1, 2] : vector<1x1x128xf32> to vector<1xf32>
      %reduce_sum3A_100 = vector.shape_cast %reduce_sum3A_99 : vector<1xf32> to vector<1x1x1xf32>
      %reduce_sum3A_101 = vector.extract %reduce_sum3A_100[0, 0, 0] : f32 from vector<1x1x1xf32>
      %get3A_102 = arith.constant 0 : index
      %get3A_103 = arith.constant 1 : index
      %get3A_104 = arith.index_cast %select_n3A_70 : i32 to index
      %get3A_105 = arith.constant 0 : index
      %get3A_106 = vector.load %arg1[%get3A_102, %get3A_103, %get3A_104, %get3A_105] : memref<1x3x392x128xf32, #tpu.memory_space<vmem>>, vector<1x1x1x128xf32>
      %get3A_107 = vector.shape_cast %get3A_106 : vector<1x1x1x128xf32> to vector<1x128xf32>
      %jit3A_108 = arith.constant 0.000000e+00 : f32
      %broadcast_in_dim3A_109 = vector.broadcast %jit3A_108 : f32 to vector<1x128xf32>
      %select_n3A_110 = arith.select %eq3A_87, %get3A_107, %broadcast_in_dim3A_109 : vector<1x128xi1>, vector<1x128xf32>
      %reduce_sum3A_111 = vector.shape_cast %select_n3A_110 : vector<1x128xf32> to vector<1x1x128xf32>
      %reduce_sum3A_112 = arith.constant dense<0.000000e+00> : vector<1xf32>
      %reduce_sum3A_113 = vector.multi_reduction <add>, %reduce_sum3A_111, %reduce_sum3A_112 [1, 2] : vector<1x1x128xf32> to vector<1xf32>
      %reduce_sum3A_114 = vector.shape_cast %reduce_sum3A_113 : vector<1xf32> to vector<1x1x1xf32>
      %reduce_sum3A_115 = vector.extract %reduce_sum3A_114[0, 0, 0] : f32 from vector<1x1x1xf32>
      %get3A_116 = arith.constant 0 : index
      %get3A_117 = arith.constant 2 : index
      %get3A_118 = arith.index_cast %select_n3A_70 : i32 to index
      %get3A_119 = arith.constant 0 : index
      %get3A_120 = vector.load %arg1[%get3A_116, %get3A_117, %get3A_118, %get3A_119] : memref<1x3x392x128xf32, #tpu.memory_space<vmem>>, vector<1x1x1x128xf32>
      %get3A_121 = vector.shape_cast %get3A_120 : vector<1x1x1x128xf32> to vector<1x128xf32>
      %jit3A_122 = arith.constant 0.000000e+00 : f32
      %broadcast_in_dim3A_123 = vector.broadcast %jit3A_122 : f32 to vector<1x128xf32>
      %select_n3A_124 = arith.select %eq3A_87, %get3A_121, %broadcast_in_dim3A_123 : vector<1x128xi1>, vector<1x128xf32>
      %reduce_sum3A_125 = vector.shape_cast %select_n3A_124 : vector<1x128xf32> to vector<1x1x128xf32>
      %reduce_sum3A_126 = arith.constant dense<0.000000e+00> : vector<1xf32>
      %reduce_sum3A_127 = vector.multi_reduction <add>, %reduce_sum3A_125, %reduce_sum3A_126 [1, 2] : vector<1x1x128xf32> to vector<1xf32>
      %reduce_sum3A_128 = vector.shape_cast %reduce_sum3A_127 : vector<1xf32> to vector<1x1x1xf32>
      %reduce_sum3A_129 = vector.extract %reduce_sum3A_128[0, 0, 0] : f32 from vector<1x1x1xf32>
      %convert_element_type3A_130 = arith.truncf %reduce_sum3A_101 : f32 to bf16
      %convert_element_type3A_131 = arith.extf %convert_element_type3A_130 : bf16 to f32
      %convert_element_type3A_132 = arith.truncf %reduce_sum3A_115 : f32 to bf16
      %convert_element_type3A_133 = arith.extf %convert_element_type3A_132 : bf16 to f32
      %convert_element_type3A_134 = arith.truncf %reduce_sum3A_129 : f32 to bf16
      %convert_element_type3A_135 = arith.extf %convert_element_type3A_134 : bf16 to f32
      %mul3A_136 = vector.broadcast %convert_element_type3A_131 : f32 to vector<392x128xf32>
      %mul3A_137 = arith.mulf %mul3A_136, %convert_element_type3A_27 : vector<392x128xf32>
      %mul3A_138 = vector.broadcast %convert_element_type3A_133 : f32 to vector<392x128xf32>
      %mul3A_139 = arith.mulf %mul3A_138, %convert_element_type3A_29 : vector<392x128xf32>
      %add3A_140 = arith.addf %mul3A_137, %mul3A_139 : vector<392x128xf32>
      %mul3A_141 = vector.broadcast %convert_element_type3A_135 : f32 to vector<392x128xf32>
      %mul3A_142 = arith.mulf %mul3A_141, %convert_element_type3A_31 : vector<392x128xf32>
      %add3A_143 = arith.addf %add3A_140, %mul3A_142 : vector<392x128xf32>
      %mul3A_144 = arith.mulf %reduce_sum3A_101, %reduce_sum3A_101 : f32
      %mul3A_145 = arith.mulf %reduce_sum3A_115, %reduce_sum3A_115 : f32
      %add3A_146 = arith.addf %mul3A_144, %mul3A_145 : f32
      %mul3A_147 = arith.mulf %reduce_sum3A_129, %reduce_sum3A_129 : f32
      %add3A_148 = arith.addf %add3A_146, %mul3A_147 : f32
      %add3A_149 = vector.broadcast %add3A_148 : f32 to vector<392x128xf32>
      %add3A_150 = arith.addf %add3A_149, %add3A_26 : vector<392x128xf32>
      %mul3A_151 = arith.constant 2.000000e+00 : f32
      %mul3A_152 = vector.broadcast %mul3A_151 : f32 to vector<392x128xf32>
      %mul3A_153 = arith.mulf %mul3A_152, %add3A_143 : vector<392x128xf32>
      %sub3A_154 = arith.subf %add3A_150, %mul3A_153 : vector<392x128xf32>
      %broadcast_in_dim3A_155 = vector.shape_cast %sub3A_154 : vector<392x128xf32> to vector<1x392x128xf32>
      %reshape3A = vector.broadcast %reduce_sum3A_101 : f32 to vector<1x1xf32>
      %reshape3A_156 = vector.broadcast %reduce_sum3A_115 : f32 to vector<1x1xf32>
      %reshape3A_157 = vector.broadcast %reduce_sum3A_129 : f32 to vector<1x1xf32>
      %concatenate3A = tpu.concatenate %reshape3A, %reshape3A_156, %reshape3A_157 in 1 : vector<1x1xf32>, vector<1x1xf32>, vector<1x1xf32> -> vector<1x3xf32>
      %swap3A = arith.constant 0 : index
      %swap3A_158 = arith.index_cast %add3A_41 : i32 to index
      %swap3A_159 = arith.constant 0 : index
      %swap3A_160 = vector.load %arg4[%swap3A, %swap3A_158, %swap3A_159] : memref<1x64x3xf32, #tpu.memory_space<vmem>>, vector<1x1x3xf32>
      %swap3A_161 = vector.shape_cast %swap3A_160 : vector<1x1x3xf32> to vector<1x3xf32>
      %swap3A_162 = vector.shape_cast %concatenate3A : vector<1x3xf32> to vector<1x1x3xf32>
      tpu.vector_store %arg4[%swap3A, %swap3A_158, %swap3A_159], %swap3A_162 {strides = array<i32>} : memref<1x64x3xf32, #tpu.memory_space<vmem>>, vector<1x1x3xf32>,
      %mul3A_163 = arith.constant 8 : i32
      %mul3A_164 = arith.muli %scan3A_37, %mul3A_163 : i32
      %add3A_165 = arith.constant 1 : i32
      %add3A_166 = arith.addi %mul3A_164, %add3A_165 : i32
      %eq3A_167 = vector.broadcast %add3A_166 : i32 to vector<1x64xi32>
      %eq3A_168 = arith.cmpi eq, %iota3A_4, %eq3A_167 : vector<1x64xi32>
      %get3A_169 = arith.constant 0 : index
      %get3A_170 = arith.constant 0 : index
      %get3A_171 = arith.constant 0 : index
      %get3A_172 = vector.load %arg2[%get3A_169, %get3A_170, %get3A_171] : memref<1x1x64xi32, #tpu.memory_space<vmem>>, vector<1x1x64xi32>
      %get3A_173 = vector.shape_cast %get3A_172 : vector<1x1x64xi32> to vector<1x64xi32>
      %jit3A_174 = arith.constant 0 : i32
      %broadcast_in_dim3A_175 = vector.broadcast %jit3A_174 : i32 to vector<1x64xi32>
      %select_n3A_176 = arith.select %eq3A_168, %get3A_173, %broadcast_in_dim3A_175 : vector<1x64xi1>, vector<1x64xi32>
      %reduce_sum3A_177 = vector.shape_cast %select_n3A_176 : vector<1x64xi32> to vector<1x1x64xi32>
      %reduce_sum3A_178 = arith.constant dense<0> : vector<1xi32>
      %reduce_sum3A_179 = vector.multi_reduction <add>, %reduce_sum3A_177, %reduce_sum3A_178 [1, 2] : vector<1x1x64xi32> to vector<1xi32>
      %reduce_sum3A_180 = vector.shape_cast %reduce_sum3A_179 : vector<1xi32> to vector<1x1x1xi32>
      %reduce_sum3A_181 = vector.extract %reduce_sum3A_180[0, 0, 0] : i32 from vector<1x1x1xi32>
      %jit3A_182 = arith.constant 128 : i32
      %div3A_183 = arith.divsi %reduce_sum3A_181, %jit3A_182 : i32
      %sign3A_184 = arith.constant 0 : i32
      %sign3A_185 = arith.cmpi sgt, %reduce_sum3A_181, %sign3A_184 : i32
      %sign3A_186 = arith.extui %sign3A_185 : i1 to i32
      %sign3A_187 = arith.constant 0 : i32
      %sign3A_188 = arith.cmpi slt, %reduce_sum3A_181, %sign3A_187 : i32
      %sign3A_189 = arith.extui %sign3A_188 : i1 to i32
      %sign3A_190 = arith.subi %sign3A_186, %sign3A_189 : i32
      %sign3A_191 = arith.constant 0 : i32
      %sign3A_192 = arith.cmpi sgt, %jit3A_182, %sign3A_191 : i32
      %sign3A_193 = arith.extui %sign3A_192 : i1 to i32
      %sign3A_194 = arith.constant 0 : i32
      %sign3A_195 = arith.cmpi slt, %jit3A_182, %sign3A_194 : i32
      %sign3A_196 = arith.extui %sign3A_195 : i1 to i32
      %sign3A_197 = arith.subi %sign3A_193, %sign3A_196 : i32
      %ne3A_198 = arith.cmpi ne, %sign3A_190, %sign3A_197 : i32
      %rem3A_199 = arith.remsi %reduce_sum3A_181, %jit3A_182 : i32
      %ne3A_200 = arith.constant 0 : i32
      %ne3A_201 = arith.cmpi ne, %rem3A_199, %ne3A_200 : i32
      %and3A_202 = arith.andi %ne3A_198, %ne3A_201 : i1
      %sub3A_203 = arith.constant 1 : i32
      %sub3A_204 = arith.subi %div3A_183, %sub3A_203 : i32
      %select_n3A_205 = arith.select %and3A_202, %sub3A_204, %div3A_183 : i32
      %jit3A_206 = arith.constant 128 : i32
      %eq3A_207 = arith.constant 0 : i32
      %eq3A_208 = arith.cmpi eq, %jit3A_206, %eq3A_207 : i32
      %jit3A_209 = arith.constant 1 : i32
      %select_n3A_210 = arith.select %eq3A_208, %jit3A_209, %jit3A_206 : i32
      %rem3A_211 = arith.remsi %reduce_sum3A_181, %select_n3A_210 : i32
      %ne3A_212 = arith.constant 0 : i32
      %ne3A_213 = arith.cmpi ne, %rem3A_211, %ne3A_212 : i32
      %lt3A_214 = arith.constant 0 : i32
      %lt3A_215 = arith.cmpi slt, %rem3A_211, %lt3A_214 : i32
      %lt3A_216 = arith.constant 0 : i32
      %lt3A_217 = arith.cmpi slt, %select_n3A_210, %lt3A_216 : i32
      %ne3A_218 = arith.xori %lt3A_215, %lt3A_217 : i1
      %and3A_219 = arith.andi %ne3A_218, %ne3A_213 : i1
      %add3A_220 = arith.addi %rem3A_211, %select_n3A_210 : i32
      %select_n3A_221 = arith.select %and3A_219, %add3A_220, %rem3A_211 : i32
      %eq3A_222 = vector.broadcast %select_n3A_221 : i32 to vector<1x128xi32>
      %eq3A_223 = arith.cmpi eq, %iota3A_3, %eq3A_222 : vector<1x128xi32>
      %get3A_224 = arith.constant 0 : index
      %get3A_225 = arith.constant 0 : index
      %get3A_226 = arith.index_cast %select_n3A_205 : i32 to index
      %get3A_227 = arith.constant 0 : index
      %get3A_228 = vector.load %arg1[%get3A_224, %get3A_225, %get3A_226, %get3A_227] : memref<1x3x392x128xf32, #tpu.memory_space<vmem>>, vector<1x1x1x128xf32>
      %get3A_229 = vector.shape_cast %get3A_228 : vector<1x1x1x128xf32> to vector<1x128xf32>
      %jit3A_230 = arith.constant 0.000000e+00 : f32
      %broadcast_in_dim3A_231 = vector.broadcast %jit3A_230 : f32 to vector<1x128xf32>
      %select_n3A_232 = arith.select %eq3A_223, %get3A_229, %broadcast_in_dim3A_231 : vector<1x128xi1>, vector<1x128xf32>
      %reduce_sum3A_233 = vector.shape_cast %select_n3A_232 : vector<1x128xf32> to vector<1x1x128xf32>
      %reduce_sum3A_234 = arith.constant dense<0.000000e+00> : vector<1xf32>
      %reduce_sum3A_235 = vector.multi_reduction <add>, %reduce_sum3A_233, %reduce_sum3A_234 [1, 2] : vector<1x1x128xf32> to vector<1xf32>
      %reduce_sum3A_236 = vector.shape_cast %reduce_sum3A_235 : vector<1xf32> to vector<1x1x1xf32>
      %reduce_sum3A_237 = vector.extract %reduce_sum3A_236[0, 0, 0] : f32 from vector<1x1x1xf32>
      %get3A_238 = arith.constant 0 : index
      %get3A_239 = arith.constant 1 : index
      %get3A_240 = arith.index_cast %select_n3A_205 : i32 to index
      %get3A_241 = arith.constant 0 : index
      %get3A_242 = vector.load %arg1[%get3A_238, %get3A_239, %get3A_240, %get3A_241] : memref<1x3x392x128xf32, #tpu.memory_space<vmem>>, vector<1x1x1x128xf32>
      %get3A_243 = vector.shape_cast %get3A_242 : vector<1x1x1x128xf32> to vector<1x128xf32>
      %jit3A_244 = arith.constant 0.000000e+00 : f32
      %broadcast_in_dim3A_245 = vector.broadcast %jit3A_244 : f32 to vector<1x128xf32>
      %select_n3A_246 = arith.select %eq3A_223, %get3A_243, %broadcast_in_dim3A_245 : vector<1x128xi1>, vector<1x128xf32>
      %reduce_sum3A_247 = vector.shape_cast %select_n3A_246 : vector<1x128xf32> to vector<1x1x128xf32>
      %reduce_sum3A_248 = arith.constant dense<0.000000e+00> : vector<1xf32>
      %reduce_sum3A_249 = vector.multi_reduction <add>, %reduce_sum3A_247, %reduce_sum3A_248 [1, 2] : vector<1x1x128xf32> to vector<1xf32>
      %reduce_sum3A_250 = vector.shape_cast %reduce_sum3A_249 : vector<1xf32> to vector<1x1x1xf32>
      %reduce_sum3A_251 = vector.extract %reduce_sum3A_250[0, 0, 0] : f32 from vector<1x1x1xf32>
      %get3A_252 = arith.constant 0 : index
      %get3A_253 = arith.constant 2 : index
      %get3A_254 = arith.index_cast %select_n3A_205 : i32 to index
      %get3A_255 = arith.constant 0 : index
      %get3A_256 = vector.load %arg1[%get3A_252, %get3A_253, %get3A_254, %get3A_255] : memref<1x3x392x128xf32, #tpu.memory_space<vmem>>, vector<1x1x1x128xf32>
      %get3A_257 = vector.shape_cast %get3A_256 : vector<1x1x1x128xf32> to vector<1x128xf32>
      %jit3A_258 = arith.constant 0.000000e+00 : f32
      %broadcast_in_dim3A_259 = vector.broadcast %jit3A_258 : f32 to vector<1x128xf32>
      %select_n3A_260 = arith.select %eq3A_223, %get3A_257, %broadcast_in_dim3A_259 : vector<1x128xi1>, vector<1x128xf32>
      %reduce_sum3A_261 = vector.shape_cast %select_n3A_260 : vector<1x128xf32> to vector<1x1x128xf32>
      %reduce_sum3A_262 = arith.constant dense<0.000000e+00> : vector<1xf32>
      %reduce_sum3A_263 = vector.multi_reduction <add>, %reduce_sum3A_261, %reduce_sum3A_262 [1, 2] : vector<1x1x128xf32> to vector<1xf32>
      %reduce_sum3A_264 = vector.shape_cast %reduce_sum3A_263 : vector<1xf32> to vector<1x1x1xf32>
      %reduce_sum3A_265 = vector.extract %reduce_sum3A_264[0, 0, 0] : f32 from vector<1x1x1xf32>
      %convert_element_type3A_266 = arith.truncf %reduce_sum3A_237 : f32 to bf16
      %convert_element_type3A_267 = arith.extf %convert_element_type3A_266 : bf16 to f32
      %convert_element_type3A_268 = arith.truncf %reduce_sum3A_251 : f32 to bf16
      %convert_element_type3A_269 = arith.extf %convert_element_type3A_268 : bf16 to f32
      %convert_element_type3A_270 = arith.truncf %reduce_sum3A_265 : f32 to bf16
      %convert_element_type3A_271 = arith.extf %convert_element_type3A_270 : bf16 to f32
      %mul3A_272 = vector.broadcast %convert_element_type3A_267 : f32 to vector<392x128xf32>
      %mul3A_273 = arith.mulf %mul3A_272, %convert_element_type3A_27 : vector<392x128xf32>
      %mul3A_274 = vector.broadcast %convert_element_type3A_269 : f32 to vector<392x128xf32>
      %mul3A_275 = arith.mulf %mul3A_274, %convert_element_type3A_29 : vector<392x128xf32>
      %add3A_276 = arith.addf %mul3A_273, %mul3A_275 : vector<392x128xf32>
      %mul3A_277 = vector.broadcast %convert_element_type3A_271 : f32 to vector<392x128xf32>
      %mul3A_278 = arith.mulf %mul3A_277, %convert_element_type3A_31 : vector<392x128xf32>
      %add3A_279 = arith.addf %add3A_276, %mul3A_278 : vector<392x128xf32>
      %mul3A_280 = arith.mulf %reduce_sum3A_237, %reduce_sum3A_237 : f32
      %mul3A_281 = arith.mulf %reduce_sum3A_251, %reduce_sum3A_251 : f32
      %add3A_282 = arith.addf %mul3A_280, %mul3A_281 : f32
      %mul3A_283 = arith.mulf %reduce_sum3A_265, %reduce_sum3A_265 : f32
      %add3A_284 = arith.addf %add3A_282, %mul3A_283 : f32
      %add3A_285 = vector.broadcast %add3A_284 : f32 to vector<392x128xf32>
      %add3A_286 = arith.addf %add3A_285, %add3A_26 : vector<392x128xf32>
      %mul3A_287 = arith.constant 2.000000e+00 : f32
      %mul3A_288 = vector.broadcast %mul3A_287 : f32 to vector<392x128xf32>
      %mul3A_289 = arith.mulf %mul3A_288, %add3A_279 : vector<392x128xf32>
      %sub3A_290 = arith.subf %add3A_286, %mul3A_289 : vector<392x128xf32>
      %broadcast_in_dim3A_291 = vector.shape_cast %sub3A_290 : vector<392x128xf32> to vector<1x392x128xf32>
      %reshape3A_292 = vector.broadcast %reduce_sum3A_237 : f32 to vector<1x1xf32>
      %reshape3A_293 = vector.broadcast %reduce_sum3A_251 : f32 to vector<1x1xf32>
      %reshape3A_294 = vector.broadcast %reduce_sum3A_265 : f32 to vector<1x1xf32>
      %concatenate3A_295 = tpu.concatenate %reshape3A_292, %reshape3A_293, %reshape3A_294 in 1 : vector<1x1xf32>, vector<1x1xf32>, vector<1x1xf32> -> vector<1x3xf32>
      %swap3A_296 = arith.constant 0 : index
      %swap3A_297 = arith.index_cast %add3A_166 : i32 to index
      %swap3A_298 = arith.constant 0 : index
      %swap3A_299 = vector.load %arg4[%swap3A_296, %swap3A_297, %swap3A_298] : memref<1x64x3xf32, #tpu.memory_space<vmem>>, vector<1x1x3xf32>
      %swap3A_300 = vector.shape_cast %swap3A_299 : vector<1x1x3xf32> to vector<1x3xf32>
      %swap3A_301 = vector.shape_cast %concatenate3A_295 : vector<1x3xf32> to vector<1x1x3xf32>
      tpu.vector_store %arg4[%swap3A_296, %swap3A_297, %swap3A_298], %swap3A_301 {strides = array<i32>} : memref<1x64x3xf32, #tpu.memory_space<vmem>>, vector<1x1x3xf32>,
      %mul3A_302 = arith.constant 8 : i32
      %mul3A_303 = arith.muli %scan3A_37, %mul3A_302 : i32
      %add3A_304 = arith.constant 2 : i32
      %add3A_305 = arith.addi %mul3A_303, %add3A_304 : i32
      %eq3A_306 = vector.broadcast %add3A_305 : i32 to vector<1x64xi32>
      %eq3A_307 = arith.cmpi eq, %iota3A_4, %eq3A_306 : vector<1x64xi32>
      %get3A_308 = arith.constant 0 : index
      %get3A_309 = arith.constant 0 : index
      %get3A_310 = arith.constant 0 : index
      %get3A_311 = vector.load %arg2[%get3A_308, %get3A_309, %get3A_310] : memref<1x1x64xi32, #tpu.memory_space<vmem>>, vector<1x1x64xi32>
      %get3A_312 = vector.shape_cast %get3A_311 : vector<1x1x64xi32> to vector<1x64xi32>
      %jit3A_313 = arith.constant 0 : i32
      %broadcast_in_dim3A_314 = vector.broadcast %jit3A_313 : i32 to vector<1x64xi32>
      %select_n3A_315 = arith.select %eq3A_307, %get3A_312, %broadcast_in_dim3A_314 : vector<1x64xi1>, vector<1x64xi32>
      %reduce_sum3A_316 = vector.shape_cast %select_n3A_315 : vector<1x64xi32> to vector<1x1x64xi32>
      %reduce_sum3A_317 = arith.constant dense<0> : vector<1xi32>
      %reduce_sum3A_318 = vector.multi_reduction <add>, %reduce_sum3A_316, %reduce_sum3A_317 [1, 2] : vector<1x1x64xi32> to vector<1xi32>
      %reduce_sum3A_319 = vector.shape_cast %reduce_sum3A_318 : vector<1xi32> to vector<1x1x1xi32>
      %reduce_sum3A_320 = vector.extract %reduce_sum3A_319[0, 0, 0] : i32 from vector<1x1x1xi32>
      %jit3A_321 = arith.constant 128 : i32
      %div3A_322 = arith.divsi %reduce_sum3A_320, %jit3A_321 : i32
      %sign3A_323 = arith.constant 0 : i32
      %sign3A_324 = arith.cmpi sgt, %reduce_sum3A_320, %sign3A_323 : i32
      %sign3A_325 = arith.extui %sign3A_324 : i1 to i32
      %sign3A_326 = arith.constant 0 : i32
      %sign3A_327 = arith.cmpi slt, %reduce_sum3A_320, %sign3A_326 : i32
      %sign3A_328 = arith.extui %sign3A_327 : i1 to i32
      %sign3A_329 = arith.subi %sign3A_325, %sign3A_328 : i32
      %sign3A_330 = arith.constant 0 : i32
      %sign3A_331 = arith.cmpi sgt, %jit3A_321, %sign3A_330 : i32
      %sign3A_332 = arith.extui %sign3A_331 : i1 to i32
      %sign3A_333 = arith.constant 0 : i32
      %sign3A_334 = arith.cmpi slt, %jit3A_321, %sign3A_333 : i32
      %sign3A_335 = arith.extui %sign3A_334 : i1 to i32
      %sign3A_336 = arith.subi %sign3A_332, %sign3A_335 : i32
      %ne3A_337 = arith.cmpi ne, %sign3A_329, %sign3A_336 : i32
      %rem3A_338 = arith.remsi %reduce_sum3A_320, %jit3A_321 : i32
      %ne3A_339 = arith.constant 0 : i32
      %ne3A_340 = arith.cmpi ne, %rem3A_338, %ne3A_339 : i32
      %and3A_341 = arith.andi %ne3A_337, %ne3A_340 : i1
      %sub3A_342 = arith.constant 1 : i32
      %sub3A_343 = arith.subi %div3A_322, %sub3A_342 : i32
      %select_n3A_344 = arith.select %and3A_341, %sub3A_343, %div3A_322 : i32
      %jit3A_345 = arith.constant 128 : i32
      %eq3A_346 = arith.constant 0 : i32
      %eq3A_347 = arith.cmpi eq, %jit3A_345, %eq3A_346 : i32
      %jit3A_348 = arith.constant 1 : i32
      %select_n3A_349 = arith.select %eq3A_347, %jit3A_348, %jit3A_345 : i32
      %rem3A_350 = arith.remsi %reduce_sum3A_320, %select_n3A_349 : i32
      %ne3A_351 = arith.constant 0 : i32
      %ne3A_352 = arith.cmpi ne, %rem3A_350, %ne3A_351 : i32
      %lt3A_353 = arith.constant 0 : i32
      %lt3A_354 = arith.cmpi slt, %rem3A_350, %lt3A_353 : i32
      %lt3A_355 = arith.constant 0 : i32
      %lt3A_356 = arith.cmpi slt, %select_n3A_349, %lt3A_355 : i32
      %ne3A_357 = arith.xori %lt3A_354, %lt3A_356 : i1
      %and3A_358 = arith.andi %ne3A_357, %ne3A_352 : i1
      %add3A_359 = arith.addi %rem3A_350, %select_n3A_349 : i32
      %select_n3A_360 = arith.select %and3A_358, %add3A_359, %rem3A_350 : i32
      %eq3A_361 = vector.broadcast %select_n3A_360 : i32 to vector<1x128xi32>
      %eq3A_362 = arith.cmpi eq, %iota3A_3, %eq3A_361 : vector<1x128xi32>
      %get3A_363 = arith.constant 0 : index
      %get3A_364 = arith.constant 0 : index
      %get3A_365 = arith.index_cast %select_n3A_344 : i32 to index
      %get3A_366 = arith.constant 0 : index
      %get3A_367 = vector.load %arg1[%get3A_363, %get3A_364, %get3A_365, %get3A_366] : memref<1x3x392x128xf32, #tpu.memory_space<vmem>>, vector<1x1x1x128xf32>
      %get3A_368 = vector.shape_cast %get3A_367 : vector<1x1x1x128xf32> to vector<1x128xf32>
      %jit3A_369 = arith.constant 0.000000e+00 : f32
      %broadcast_in_dim3A_370 = vector.broadcast %jit3A_369 : f32 to vector<1x128xf32>
      %select_n3A_371 = arith.select %eq3A_362, %get3A_368, %broadcast_in_dim3A_370 : vector<1x128xi1>, vector<1x128xf32>
      %reduce_sum3A_372 = vector.shape_cast %select_n3A_371 : vector<1x128xf32> to vector<1x1x128xf32>
      %reduce_sum3A_373 = arith.constant dense<0.000000e+00> : vector<1xf32>
      %reduce_sum3A_374 = vector.multi_reduction <add>, %reduce_sum3A_372, %reduce_sum3A_373 [1, 2] : vector<1x1x128xf32> to vector<1xf32>
      %reduce_sum3A_375 = vector.shape_cast %reduce_sum3A_374 : vector<1xf32> to vector<1x1x1xf32>
      %reduce_sum3A_376 = vector.extract %reduce_sum3A_375[0, 0, 0] : f32 from vector<1x1x1xf32>
      %get3A_377 = arith.constant 0 : index
      %get3A_378 = arith.constant 1 : index
      %get3A_379 = arith.index_cast %select_n3A_344 : i32 to index
      %get3A_380 = arith.constant 0 : index
      %get3A_381 = vector.load %arg1[%get3A_377, %get3A_378, %get3A_379, %get3A_380] : memref<1x3x392x128xf32, #tpu.memory_space<vmem>>, vector<1x1x1x128xf32>
      %get3A_382 = vector.shape_cast %get3A_381 : vector<1x1x1x128xf32> to vector<1x128xf32>
      %jit3A_383 = arith.constant 0.000000e+00 : f32
      %broadcast_in_dim3A_384 = vector.broadcast %jit3A_383 : f32 to vector<1x128xf32>
      %select_n3A_385 = arith.select %eq3A_362, %get3A_382, %broadcast_in_dim3A_384 : vector<1x128xi1>, vector<1x128xf32>
      %reduce_sum3A_386 = vector.shape_cast %select_n3A_385 : vector<1x128xf32> to vector<1x1x128xf32>
      %reduce_sum3A_387 = arith.constant dense<0.000000e+00> : vector<1xf32>
      %reduce_sum3A_388 = vector.multi_reduction <add>, %reduce_sum3A_386, %reduce_sum3A_387 [1, 2] : vector<1x1x128xf32> to vector<1xf32>
      %reduce_sum3A_389 = vector.shape_cast %reduce_sum3A_388 : vector<1xf32> to vector<1x1x1xf32>
      %reduce_sum3A_390 = vector.extract %reduce_sum3A_389[0, 0, 0] : f32 from vector<1x1x1xf32>
      %get3A_391 = arith.constant 0 : index
      %get3A_392 = arith.constant 2 : index
      %get3A_393 = arith.index_cast %select_n3A_344 : i32 to index
      %get3A_394 = arith.constant 0 : index
      %get3A_395 = vector.load %arg1[%get3A_391, %get3A_392, %get3A_393, %get3A_394] : memref<1x3x392x128xf32, #tpu.memory_space<vmem>>, vector<1x1x1x128xf32>
      %get3A_396 = vector.shape_cast %get3A_395 : vector<1x1x1x128xf32> to vector<1x128xf32>
      %jit3A_397 = arith.constant 0.000000e+00 : f32
      %broadcast_in_dim3A_398 = vector.broadcast %jit3A_397 : f32 to vector<1x128xf32>
      %select_n3A_399 = arith.select %eq3A_362, %get3A_396, %broadcast_in_dim3A_398 : vector<1x128xi1>, vector<1x128xf32>
      %reduce_sum3A_400 = vector.shape_cast %select_n3A_399 : vector<1x128xf32> to vector<1x1x128xf32>
      %reduce_sum3A_401 = arith.constant dense<0.000000e+00> : vector<1xf32>
      %reduce_sum3A_402 = vector.multi_reduction <add>, %reduce_sum3A_400, %reduce_sum3A_401 [1, 2] : vector<1x1x128xf32> to vector<1xf32>
      %reduce_sum3A_403 = vector.shape_cast %reduce_sum3A_402 : vector<1xf32> to vector<1x1x1xf32>
      %reduce_sum3A_404 = vector.extract %reduce_sum3A_403[0, 0, 0] : f32 from vector<1x1x1xf32>
      %convert_element_type3A_405 = arith.truncf %reduce_sum3A_376 : f32 to bf16
      %convert_element_type3A_406 = arith.extf %convert_element_type3A_405 : bf16 to f32
      %convert_element_type3A_407 = arith.truncf %reduce_sum3A_390 : f32 to bf16
      %convert_element_type3A_408 = arith.extf %convert_element_type3A_407 : bf16 to f32
      %convert_element_type3A_409 = arith.truncf %reduce_sum3A_404 : f32 to bf16
      %convert_element_type3A_410 = arith.extf %convert_element_type3A_409 : bf16 to f32
      %mul3A_411 = vector.broadcast %convert_element_type3A_406 : f32 to vector<392x128xf32>
      %mul3A_412 = arith.mulf %mul3A_411, %convert_element_type3A_27 : vector<392x128xf32>
      %mul3A_413 = vector.broadcast %convert_element_type3A_408 : f32 to vector<392x128xf32>
      %mul3A_414 = arith.mulf %mul3A_413, %convert_element_type3A_29 : vector<392x128xf32>
      %add3A_415 = arith.addf %mul3A_412, %mul3A_414 : vector<392x128xf32>
      %mul3A_416 = vector.broadcast %convert_element_type3A_410 : f32 to vector<392x128xf32>
      %mul3A_417 = arith.mulf %mul3A_416, %convert_element_type3A_31 : vector<392x128xf32>
      %add3A_418 = arith.addf %add3A_415, %mul3A_417 : vector<392x128xf32>
      %mul3A_419 = arith.mulf %reduce_sum3A_376, %reduce_sum3A_376 : f32
      %mul3A_420 = arith.mulf %reduce_sum3A_390, %reduce_sum3A_390 : f32
      %add3A_421 = arith.addf %mul3A_419, %mul3A_420 : f32
      %mul3A_422 = arith.mulf %reduce_sum3A_404, %reduce_sum3A_404 : f32
      %add3A_423 = arith.addf %add3A_421, %mul3A_422 : f32
      %add3A_424 = vector.broadcast %add3A_423 : f32 to vector<392x128xf32>
      %add3A_425 = arith.addf %add3A_424, %add3A_26 : vector<392x128xf32>
      %mul3A_426 = arith.constant 2.000000e+00 : f32
      %mul3A_427 = vector.broadcast %mul3A_426 : f32 to vector<392x128xf32>
      %mul3A_428 = arith.mulf %mul3A_427, %add3A_418 : vector<392x128xf32>
      %sub3A_429 = arith.subf %add3A_425, %mul3A_428 : vector<392x128xf32>
      %broadcast_in_dim3A_430 = vector.shape_cast %sub3A_429 : vector<392x128xf32> to vector<1x392x128xf32>
      %reshape3A_431 = vector.broadcast %reduce_sum3A_376 : f32 to vector<1x1xf32>
      %reshape3A_432 = vector.broadcast %reduce_sum3A_390 : f32 to vector<1x1xf32>
      %reshape3A_433 = vector.broadcast %reduce_sum3A_404 : f32 to vector<1x1xf32>
      %concatenate3A_434 = tpu.concatenate %reshape3A_431, %reshape3A_432, %reshape3A_433 in 1 : vector<1x1xf32>, vector<1x1xf32>, vector<1x1xf32> -> vector<1x3xf32>
      %swap3A_435 = arith.constant 0 : index
      %swap3A_436 = arith.index_cast %add3A_305 : i32 to index
      %swap3A_437 = arith.constant 0 : index
      %swap3A_438 = vector.load %arg4[%swap3A_435, %swap3A_436, %swap3A_437] : memref<1x64x3xf32, #tpu.memory_space<vmem>>, vector<1x1x3xf32>
      %swap3A_439 = vector.shape_cast %swap3A_438 : vector<1x1x3xf32> to vector<1x3xf32>
      %swap3A_440 = vector.shape_cast %concatenate3A_434 : vector<1x3xf32> to vector<1x1x3xf32>
      tpu.vector_store %arg4[%swap3A_435, %swap3A_436, %swap3A_437], %swap3A_440 {strides = array<i32>} : memref<1x64x3xf32, #tpu.memory_space<vmem>>, vector<1x1x3xf32>,
      %mul3A_441 = arith.constant 8 : i32
      %mul3A_442 = arith.muli %scan3A_37, %mul3A_441 : i32
      %add3A_443 = arith.constant 3 : i32
      %add3A_444 = arith.addi %mul3A_442, %add3A_443 : i32
      %eq3A_445 = vector.broadcast %add3A_444 : i32 to vector<1x64xi32>
      %eq3A_446 = arith.cmpi eq, %iota3A_4, %eq3A_445 : vector<1x64xi32>
      %get3A_447 = arith.constant 0 : index
      %get3A_448 = arith.constant 0 : index
      %get3A_449 = arith.constant 0 : index
      %get3A_450 = vector.load %arg2[%get3A_447, %get3A_448, %get3A_449] : memref<1x1x64xi32, #tpu.memory_space<vmem>>, vector<1x1x64xi32>
      %get3A_451 = vector.shape_cast %get3A_450 : vector<1x1x64xi32> to vector<1x64xi32>
      %jit3A_452 = arith.constant 0 : i32
      %broadcast_in_dim3A_453 = vector.broadcast %jit3A_452 : i32 to vector<1x64xi32>
      %select_n3A_454 = arith.select %eq3A_446, %get3A_451, %broadcast_in_dim3A_453 : vector<1x64xi1>, vector<1x64xi32>
      %reduce_sum3A_455 = vector.shape_cast %select_n3A_454 : vector<1x64xi32> to vector<1x1x64xi32>
      %reduce_sum3A_456 = arith.constant dense<0> : vector<1xi32>
      %reduce_sum3A_457 = vector.multi_reduction <add>, %reduce_sum3A_455, %reduce_sum3A_456 [1, 2] : vector<1x1x64xi32> to vector<1xi32>
      %reduce_sum3A_458 = vector.shape_cast %reduce_sum3A_457 : vector<1xi32> to vector<1x1x1xi32>
      %reduce_sum3A_459 = vector.extract %reduce_sum3A_458[0, 0, 0] : i32 from vector<1x1x1xi32>
      %jit3A_460 = arith.constant 128 : i32
      %div3A_461 = arith.divsi %reduce_sum3A_459, %jit3A_460 : i32
      %sign3A_462 = arith.constant 0 : i32
      %sign3A_463 = arith.cmpi sgt, %reduce_sum3A_459, %sign3A_462 : i32
      %sign3A_464 = arith.extui %sign3A_463 : i1 to i32
      %sign3A_465 = arith.constant 0 : i32
      %sign3A_466 = arith.cmpi slt, %reduce_sum3A_459, %sign3A_465 : i32
      %sign3A_467 = arith.extui %sign3A_466 : i1 to i32
      %sign3A_468 = arith.subi %sign3A_464, %sign3A_467 : i32
      %sign3A_469 = arith.constant 0 : i32
      %sign3A_470 = arith.cmpi sgt, %jit3A_460, %sign3A_469 : i32
      %sign3A_471 = arith.extui %sign3A_470 : i1 to i32
      %sign3A_472 = arith.constant 0 : i32
      %sign3A_473 = arith.cmpi slt, %jit3A_460, %sign3A_472 : i32
      %sign3A_474 = arith.extui %sign3A_473 : i1 to i32
      %sign3A_475 = arith.subi %sign3A_471, %sign3A_474 : i32
      %ne3A_476 = arith.cmpi ne, %sign3A_468, %sign3A_475 : i32
      %rem3A_477 = arith.remsi %reduce_sum3A_459, %jit3A_460 : i32
      %ne3A_478 = arith.constant 0 : i32
      %ne3A_479 = arith.cmpi ne, %rem3A_477, %ne3A_478 : i32
      %and3A_480 = arith.andi %ne3A_476, %ne3A_479 : i1
      %sub3A_481 = arith.constant 1 : i32
      %sub3A_482 = arith.subi %div3A_461, %sub3A_481 : i32
      %select_n3A_483 = arith.select %and3A_480, %sub3A_482, %div3A_461 : i32
      %jit3A_484 = arith.constant 128 : i32
      %eq3A_485 = arith.constant 0 : i32
      %eq3A_486 = arith.cmpi eq, %jit3A_484, %eq3A_485 : i32
      %jit3A_487 = arith.constant 1 : i32
      %select_n3A_488 = arith.select %eq3A_486, %jit3A_487, %jit3A_484 : i32
      %rem3A_489 = arith.remsi %reduce_sum3A_459, %select_n3A_488 : i32
      %ne3A_490 = arith.constant 0 : i32
      %ne3A_491 = arith.cmpi ne, %rem3A_489, %ne3A_490 : i32
      %lt3A_492 = arith.constant 0 : i32
      %lt3A_493 = arith.cmpi slt, %rem3A_489, %lt3A_492 : i32
      %lt3A_494 = arith.constant 0 : i32
      %lt3A_495 = arith.cmpi slt, %select_n3A_488, %lt3A_494 : i32
      %ne3A_496 = arith.xori %lt3A_493, %lt3A_495 : i1
      %and3A_497 = arith.andi %ne3A_496, %ne3A_491 : i1
      %add3A_498 = arith.addi %rem3A_489, %select_n3A_488 : i32
      %select_n3A_499 = arith.select %and3A_497, %add3A_498, %rem3A_489 : i32
      %eq3A_500 = vector.broadcast %select_n3A_499 : i32 to vector<1x128xi32>
      %eq3A_501 = arith.cmpi eq, %iota3A_3, %eq3A_500 : vector<1x128xi32>
      %get3A_502 = arith.constant 0 : index
      %get3A_503 = arith.constant 0 : index
      %get3A_504 = arith.index_cast %select_n3A_483 : i32 to index
      %get3A_505 = arith.constant 0 : index
      %get3A_506 = vector.load %arg1[%get3A_502, %get3A_503, %get3A_504, %get3A_505] : memref<1x3x392x128xf32, #tpu.memory_space<vmem>>, vector<1x1x1x128xf32>
      %get3A_507 = vector.shape_cast %get3A_506 : vector<1x1x1x128xf32> to vector<1x128xf32>
      %jit3A_508 = arith.constant 0.000000e+00 : f32
      %broadcast_in_dim3A_509 = vector.broadcast %jit3A_508 : f32 to vector<1x128xf32>
      %select_n3A_510 = arith.select %eq3A_501, %get3A_507, %broadcast_in_dim3A_509 : vector<1x128xi1>, vector<1x128xf32>
      %reduce_sum3A_511 = vector.shape_cast %select_n3A_510 : vector<1x128xf32> to vector<1x1x128xf32>
      %reduce_sum3A_512 = arith.constant dense<0.000000e+00> : vector<1xf32>
      %reduce_sum3A_513 = vector.multi_reduction <add>, %reduce_sum3A_511, %reduce_sum3A_512 [1, 2] : vector<1x1x128xf32> to vector<1xf32>
      %reduce_sum3A_514 = vector.shape_cast %reduce_sum3A_513 : vector<1xf32> to vector<1x1x1xf32>
      %reduce_sum3A_515 = vector.extract %reduce_sum3A_514[0, 0, 0] : f32 from vector<1x1x1xf32>
      %get3A_516 = arith.constant 0 : index
      %get3A_517 = arith.constant 1 : index
      %get3A_518 = arith.index_cast %select_n3A_483 : i32 to index
      %get3A_519 = arith.constant 0 : index
      %get3A_520 = vector.load %arg1[%get3A_516, %get3A_517, %get3A_518, %get3A_519] : memref<1x3x392x128xf32, #tpu.memory_space<vmem>>, vector<1x1x1x128xf32>
      %get3A_521 = vector.shape_cast %get3A_520 : vector<1x1x1x128xf32> to vector<1x128xf32>
      %jit3A_522 = arith.constant 0.000000e+00 : f32
      %broadcast_in_dim3A_523 = vector.broadcast %jit3A_522 : f32 to vector<1x128xf32>
      %select_n3A_524 = arith.select %eq3A_501, %get3A_521, %broadcast_in_dim3A_523 : vector<1x128xi1>, vector<1x128xf32>
      %reduce_sum3A_525 = vector.shape_cast %select_n3A_524 : vector<1x128xf32> to vector<1x1x128xf32>
      %reduce_sum3A_526 = arith.constant dense<0.000000e+00> : vector<1xf32>
      %reduce_sum3A_527 = vector.multi_reduction <add>, %reduce_sum3A_525, %reduce_sum3A_526 [1, 2] : vector<1x1x128xf32> to vector<1xf32>
      %reduce_sum3A_528 = vector.shape_cast %reduce_sum3A_527 : vector<1xf32> to vector<1x1x1xf32>
      %reduce_sum3A_529 = vector.extract %reduce_sum3A_528[0, 0, 0] : f32 from vector<1x1x1xf32>
      %get3A_530 = arith.constant 0 : index
      %get3A_531 = arith.constant 2 : index
      %get3A_532 = arith.index_cast %select_n3A_483 : i32 to index
      %get3A_533 = arith.constant 0 : index
      %get3A_534 = vector.load %arg1[%get3A_530, %get3A_531, %get3A_532, %get3A_533] : memref<1x3x392x128xf32, #tpu.memory_space<vmem>>, vector<1x1x1x128xf32>
      %get3A_535 = vector.shape_cast %get3A_534 : vector<1x1x1x128xf32> to vector<1x128xf32>
      %jit3A_536 = arith.constant 0.000000e+00 : f32
      %broadcast_in_dim3A_537 = vector.broadcast %jit3A_536 : f32 to vector<1x128xf32>
      %select_n3A_538 = arith.select %eq3A_501, %get3A_535, %broadcast_in_dim3A_537 : vector<1x128xi1>, vector<1x128xf32>
      %reduce_sum3A_539 = vector.shape_cast %select_n3A_538 : vector<1x128xf32> to vector<1x1x128xf32>
      %reduce_sum3A_540 = arith.constant dense<0.000000e+00> : vector<1xf32>
      %reduce_sum3A_541 = vector.multi_reduction <add>, %reduce_sum3A_539, %reduce_sum3A_540 [1, 2] : vector<1x1x128xf32> to vector<1xf32>
      %reduce_sum3A_542 = vector.shape_cast %reduce_sum3A_541 : vector<1xf32> to vector<1x1x1xf32>
      %reduce_sum3A_543 = vector.extract %reduce_sum3A_542[0, 0, 0] : f32 from vector<1x1x1xf32>
      %convert_element_type3A_544 = arith.truncf %reduce_sum3A_515 : f32 to bf16
      %convert_element_type3A_545 = arith.extf %convert_element_type3A_544 : bf16 to f32
      %convert_element_type3A_546 = arith.truncf %reduce_sum3A_529 : f32 to bf16
      %convert_element_type3A_547 = arith.extf %convert_element_type3A_546 : bf16 to f32
      %convert_element_type3A_548 = arith.truncf %reduce_sum3A_543 : f32 to bf16
      %convert_element_type3A_549 = arith.extf %convert_element_type3A_548 : bf16 to f32
      %mul3A_550 = vector.broadcast %convert_element_type3A_545 : f32 to vector<392x128xf32>
      %mul3A_551 = arith.mulf %mul3A_550, %convert_element_type3A_27 : vector<392x128xf32>
      %mul3A_552 = vector.broadcast %convert_element_type3A_547 : f32 to vector<392x128xf32>
      %mul3A_553 = arith.mulf %mul3A_552, %convert_element_type3A_29 : vector<392x128xf32>
      %add3A_554 = arith.addf %mul3A_551, %mul3A_553 : vector<392x128xf32>
      %mul3A_555 = vector.broadcast %convert_element_type3A_549 : f32 to vector<392x128xf32>
      %mul3A_556 = arith.mulf %mul3A_555, %convert_element_type3A_31 : vector<392x128xf32>
      %add3A_557 = arith.addf %add3A_554, %mul3A_556 : vector<392x128xf32>
      %mul3A_558 = arith.mulf %reduce_sum3A_515, %reduce_sum3A_515 : f32
      %mul3A_559 = arith.mulf %reduce_sum3A_529, %reduce_sum3A_529 : f32
      %add3A_560 = arith.addf %mul3A_558, %mul3A_559 : f32
      %mul3A_561 = arith.mulf %reduce_sum3A_543, %reduce_sum3A_543 : f32
      %add3A_562 = arith.addf %add3A_560, %mul3A_561 : f32
      %add3A_563 = vector.broadcast %add3A_562 : f32 to vector<392x128xf32>
      %add3A_564 = arith.addf %add3A_563, %add3A_26 : vector<392x128xf32>
      %mul3A_565 = arith.constant 2.000000e+00 : f32
      %mul3A_566 = vector.broadcast %mul3A_565 : f32 to vector<392x128xf32>
      %mul3A_567 = arith.mulf %mul3A_566, %add3A_557 : vector<392x128xf32>
      %sub3A_568 = arith.subf %add3A_564, %mul3A_567 : vector<392x128xf32>
      %broadcast_in_dim3A_569 = vector.shape_cast %sub3A_568 : vector<392x128xf32> to vector<1x392x128xf32>
      %reshape3A_570 = vector.broadcast %reduce_sum3A_515 : f32 to vector<1x1xf32>
      %reshape3A_571 = vector.broadcast %reduce_sum3A_529 : f32 to vector<1x1xf32>
      %reshape3A_572 = vector.broadcast %reduce_sum3A_543 : f32 to vector<1x1xf32>
      %concatenate3A_573 = tpu.concatenate %reshape3A_570, %reshape3A_571, %reshape3A_572 in 1 : vector<1x1xf32>, vector<1x1xf32>, vector<1x1xf32> -> vector<1x3xf32>
      %swap3A_574 = arith.constant 0 : index
      %swap3A_575 = arith.index_cast %add3A_444 : i32 to index
      %swap3A_576 = arith.constant 0 : index
      %swap3A_577 = vector.load %arg4[%swap3A_574, %swap3A_575, %swap3A_576] : memref<1x64x3xf32, #tpu.memory_space<vmem>>, vector<1x1x3xf32>
      %swap3A_578 = vector.shape_cast %swap3A_577 : vector<1x1x3xf32> to vector<1x3xf32>
      %swap3A_579 = vector.shape_cast %concatenate3A_573 : vector<1x3xf32> to vector<1x1x3xf32>
      tpu.vector_store %arg4[%swap3A_574, %swap3A_575, %swap3A_576], %swap3A_579 {strides = array<i32>} : memref<1x64x3xf32, #tpu.memory_space<vmem>>, vector<1x1x3xf32>,
      %mul3A_580 = arith.constant 8 : i32
      %mul3A_581 = arith.muli %scan3A_37, %mul3A_580 : i32
      %add3A_582 = arith.constant 4 : i32
      %add3A_583 = arith.addi %mul3A_581, %add3A_582 : i32
      %eq3A_584 = vector.broadcast %add3A_583 : i32 to vector<1x64xi32>
      %eq3A_585 = arith.cmpi eq, %iota3A_4, %eq3A_584 : vector<1x64xi32>
      %get3A_586 = arith.constant 0 : index
      %get3A_587 = arith.constant 0 : index
      %get3A_588 = arith.constant 0 : index
      %get3A_589 = vector.load %arg2[%get3A_586, %get3A_587, %get3A_588] : memref<1x1x64xi32, #tpu.memory_space<vmem>>, vector<1x1x64xi32>
      %get3A_590 = vector.shape_cast %get3A_589 : vector<1x1x64xi32> to vector<1x64xi32>
      %jit3A_591 = arith.constant 0 : i32
      %broadcast_in_dim3A_592 = vector.broadcast %jit3A_591 : i32 to vector<1x64xi32>
      %select_n3A_593 = arith.select %eq3A_585, %get3A_590, %broadcast_in_dim3A_592 : vector<1x64xi1>, vector<1x64xi32>
      %reduce_sum3A_594 = vector.shape_cast %select_n3A_593 : vector<1x64xi32> to vector<1x1x64xi32>
      %reduce_sum3A_595 = arith.constant dense<0> : vector<1xi32>
      %reduce_sum3A_596 = vector.multi_reduction <add>, %reduce_sum3A_594, %reduce_sum3A_595 [1, 2] : vector<1x1x64xi32> to vector<1xi32>
      %reduce_sum3A_597 = vector.shape_cast %reduce_sum3A_596 : vector<1xi32> to vector<1x1x1xi32>
      %reduce_sum3A_598 = vector.extract %reduce_sum3A_597[0, 0, 0] : i32 from vector<1x1x1xi32>
      %jit3A_599 = arith.constant 128 : i32
      %div3A_600 = arith.divsi %reduce_sum3A_598, %jit3A_599 : i32
      %sign3A_601 = arith.constant 0 : i32
      %sign3A_602 = arith.cmpi sgt, %reduce_sum3A_598, %sign3A_601 : i32
      %sign3A_603 = arith.extui %sign3A_602 : i1 to i32
      %sign3A_604 = arith.constant 0 : i32
      %sign3A_605 = arith.cmpi slt, %reduce_sum3A_598, %sign3A_604 : i32
      %sign3A_606 = arith.extui %sign3A_605 : i1 to i32
      %sign3A_607 = arith.subi %sign3A_603, %sign3A_606 : i32
      %sign3A_608 = arith.constant 0 : i32
      %sign3A_609 = arith.cmpi sgt, %jit3A_599, %sign3A_608 : i32
      %sign3A_610 = arith.extui %sign3A_609 : i1 to i32
      %sign3A_611 = arith.constant 0 : i32
      %sign3A_612 = arith.cmpi slt, %jit3A_599, %sign3A_611 : i32
      %sign3A_613 = arith.extui %sign3A_612 : i1 to i32
      %sign3A_614 = arith.subi %sign3A_610, %sign3A_613 : i32
      %ne3A_615 = arith.cmpi ne, %sign3A_607, %sign3A_614 : i32
      %rem3A_616 = arith.remsi %reduce_sum3A_598, %jit3A_599 : i32
      %ne3A_617 = arith.constant 0 : i32
      %ne3A_618 = arith.cmpi ne, %rem3A_616, %ne3A_617 : i32
      %and3A_619 = arith.andi %ne3A_615, %ne3A_618 : i1
      %sub3A_620 = arith.constant 1 : i32
      %sub3A_621 = arith.subi %div3A_600, %sub3A_620 : i32
      %select_n3A_622 = arith.select %and3A_619, %sub3A_621, %div3A_600 : i32
      %jit3A_623 = arith.constant 128 : i32
      %eq3A_624 = arith.constant 0 : i32
      %eq3A_625 = arith.cmpi eq, %jit3A_623, %eq3A_624 : i32
      %jit3A_626 = arith.constant 1 : i32
      %select_n3A_627 = arith.select %eq3A_625, %jit3A_626, %jit3A_623 : i32
      %rem3A_628 = arith.remsi %reduce_sum3A_598, %select_n3A_627 : i32
      %ne3A_629 = arith.constant 0 : i32
      %ne3A_630 = arith.cmpi ne, %rem3A_628, %ne3A_629 : i32
      %lt3A_631 = arith.constant 0 : i32
      %lt3A_632 = arith.cmpi slt, %rem3A_628, %lt3A_631 : i32
      %lt3A_633 = arith.constant 0 : i32
      %lt3A_634 = arith.cmpi slt, %select_n3A_627, %lt3A_633 : i32
      %ne3A_635 = arith.xori %lt3A_632, %lt3A_634 : i1
      %and3A_636 = arith.andi %ne3A_635, %ne3A_630 : i1
      %add3A_637 = arith.addi %rem3A_628, %select_n3A_627 : i32
      %select_n3A_638 = arith.select %and3A_636, %add3A_637, %rem3A_628 : i32
      %eq3A_639 = vector.broadcast %select_n3A_638 : i32 to vector<1x128xi32>
      %eq3A_640 = arith.cmpi eq, %iota3A_3, %eq3A_639 : vector<1x128xi32>
      %get3A_641 = arith.constant 0 : index
      %get3A_642 = arith.constant 0 : index
      %get3A_643 = arith.index_cast %select_n3A_622 : i32 to index
      %get3A_644 = arith.constant 0 : index
      %get3A_645 = vector.load %arg1[%get3A_641, %get3A_642, %get3A_643, %get3A_644] : memref<1x3x392x128xf32, #tpu.memory_space<vmem>>, vector<1x1x1x128xf32>
      %get3A_646 = vector.shape_cast %get3A_645 : vector<1x1x1x128xf32> to vector<1x128xf32>
      %jit3A_647 = arith.constant 0.000000e+00 : f32
      %broadcast_in_dim3A_648 = vector.broadcast %jit3A_647 : f32 to vector<1x128xf32>
      %select_n3A_649 = arith.select %eq3A_640, %get3A_646, %broadcast_in_dim3A_648 : vector<1x128xi1>, vector<1x128xf32>
      %reduce_sum3A_650 = vector.shape_cast %select_n3A_649 : vector<1x128xf32> to vector<1x1x128xf32>
      %reduce_sum3A_651 = arith.constant dense<0.000000e+00> : vector<1xf32>
      %reduce_sum3A_652 = vector.multi_reduction <add>, %reduce_sum3A_650, %reduce_sum3A_651 [1, 2] : vector<1x1x128xf32> to vector<1xf32>
      %reduce_sum3A_653 = vector.shape_cast %reduce_sum3A_652 : vector<1xf32> to vector<1x1x1xf32>
      %reduce_sum3A_654 = vector.extract %reduce_sum3A_653[0, 0, 0] : f32 from vector<1x1x1xf32>
      %get3A_655 = arith.constant 0 : index
      %get3A_656 = arith.constant 1 : index
      %get3A_657 = arith.index_cast %select_n3A_622 : i32 to index
      %get3A_658 = arith.constant 0 : index
      %get3A_659 = vector.load %arg1[%get3A_655, %get3A_656, %get3A_657, %get3A_658] : memref<1x3x392x128xf32, #tpu.memory_space<vmem>>, vector<1x1x1x128xf32>
      %get3A_660 = vector.shape_cast %get3A_659 : vector<1x1x1x128xf32> to vector<1x128xf32>
      %jit3A_661 = arith.constant 0.000000e+00 : f32
      %broadcast_in_dim3A_662 = vector.broadcast %jit3A_661 : f32 to vector<1x128xf32>
      %select_n3A_663 = arith.select %eq3A_640, %get3A_660, %broadcast_in_dim3A_662 : vector<1x128xi1>, vector<1x128xf32>
      %reduce_sum3A_664 = vector.shape_cast %select_n3A_663 : vector<1x128xf32> to vector<1x1x128xf32>
      %reduce_sum3A_665 = arith.constant dense<0.000000e+00> : vector<1xf32>
      %reduce_sum3A_666 = vector.multi_reduction <add>, %reduce_sum3A_664, %reduce_sum3A_665 [1, 2] : vector<1x1x128xf32> to vector<1xf32>
      %reduce_sum3A_667 = vector.shape_cast %reduce_sum3A_666 : vector<1xf32> to vector<1x1x1xf32>
      %reduce_sum3A_668 = vector.extract %reduce_sum3A_667[0, 0, 0] : f32 from vector<1x1x1xf32>
      %get3A_669 = arith.constant 0 : index
      %get3A_670 = arith.constant 2 : index
      %get3A_671 = arith.index_cast %select_n3A_622 : i32 to index
      %get3A_672 = arith.constant 0 : index
      %get3A_673 = vector.load %arg1[%get3A_669, %get3A_670, %get3A_671, %get3A_672] : memref<1x3x392x128xf32, #tpu.memory_space<vmem>>, vector<1x1x1x128xf32>
      %get3A_674 = vector.shape_cast %get3A_673 : vector<1x1x1x128xf32> to vector<1x128xf32>
      %jit3A_675 = arith.constant 0.000000e+00 : f32
      %broadcast_in_dim3A_676 = vector.broadcast %jit3A_675 : f32 to vector<1x128xf32>
      %select_n3A_677 = arith.select %eq3A_640, %get3A_674, %broadcast_in_dim3A_676 : vector<1x128xi1>, vector<1x128xf32>
      %reduce_sum3A_678 = vector.shape_cast %select_n3A_677 : vector<1x128xf32> to vector<1x1x128xf32>
      %reduce_sum3A_679 = arith.constant dense<0.000000e+00> : vector<1xf32>
      %reduce_sum3A_680 = vector.multi_reduction <add>, %reduce_sum3A_678, %reduce_sum3A_679 [1, 2] : vector<1x1x128xf32> to vector<1xf32>
      %reduce_sum3A_681 = vector.shape_cast %reduce_sum3A_680 : vector<1xf32> to vector<1x1x1xf32>
      %reduce_sum3A_682 = vector.extract %reduce_sum3A_681[0, 0, 0] : f32 from vector<1x1x1xf32>
      %convert_element_type3A_683 = arith.truncf %reduce_sum3A_654 : f32 to bf16
      %convert_element_type3A_684 = arith.extf %convert_element_type3A_683 : bf16 to f32
      %convert_element_type3A_685 = arith.truncf %reduce_sum3A_668 : f32 to bf16
      %convert_element_type3A_686 = arith.extf %convert_element_type3A_685 : bf16 to f32
      %convert_element_type3A_687 = arith.truncf %reduce_sum3A_682 : f32 to bf16
      %convert_element_type3A_688 = arith.extf %convert_element_type3A_687 : bf16 to f32
      %mul3A_689 = vector.broadcast %convert_element_type3A_684 : f32 to vector<392x128xf32>
      %mul3A_690 = arith.mulf %mul3A_689, %convert_element_type3A_27 : vector<392x128xf32>
      %mul3A_691 = vector.broadcast %convert_element_type3A_686 : f32 to vector<392x128xf32>
      %mul3A_692 = arith.mulf %mul3A_691, %convert_element_type3A_29 : vector<392x128xf32>
      %add3A_693 = arith.addf %mul3A_690, %mul3A_692 : vector<392x128xf32>
      %mul3A_694 = vector.broadcast %convert_element_type3A_688 : f32 to vector<392x128xf32>
      %mul3A_695 = arith.mulf %mul3A_694, %convert_element_type3A_31 : vector<392x128xf32>
      %add3A_696 = arith.addf %add3A_693, %mul3A_695 : vector<392x128xf32>
      %mul3A_697 = arith.mulf %reduce_sum3A_654, %reduce_sum3A_654 : f32
      %mul3A_698 = arith.mulf %reduce_sum3A_668, %reduce_sum3A_668 : f32
      %add3A_699 = arith.addf %mul3A_697, %mul3A_698 : f32
      %mul3A_700 = arith.mulf %reduce_sum3A_682, %reduce_sum3A_682 : f32
      %add3A_701 = arith.addf %add3A_699, %mul3A_700 : f32
      %add3A_702 = vector.broadcast %add3A_701 : f32 to vector<392x128xf32>
      %add3A_703 = arith.addf %add3A_702, %add3A_26 : vector<392x128xf32>
      %mul3A_704 = arith.constant 2.000000e+00 : f32
      %mul3A_705 = vector.broadcast %mul3A_704 : f32 to vector<392x128xf32>
      %mul3A_706 = arith.mulf %mul3A_705, %add3A_696 : vector<392x128xf32>
      %sub3A_707 = arith.subf %add3A_703, %mul3A_706 : vector<392x128xf32>
      %broadcast_in_dim3A_708 = vector.shape_cast %sub3A_707 : vector<392x128xf32> to vector<1x392x128xf32>
      %reshape3A_709 = vector.broadcast %reduce_sum3A_654 : f32 to vector<1x1xf32>
      %reshape3A_710 = vector.broadcast %reduce_sum3A_668 : f32 to vector<1x1xf32>
      %reshape3A_711 = vector.broadcast %reduce_sum3A_682 : f32 to vector<1x1xf32>
      %concatenate3A_712 = tpu.concatenate %reshape3A_709, %reshape3A_710, %reshape3A_711 in 1 : vector<1x1xf32>, vector<1x1xf32>, vector<1x1xf32> -> vector<1x3xf32>
      %swap3A_713 = arith.constant 0 : index
      %swap3A_714 = arith.index_cast %add3A_583 : i32 to index
      %swap3A_715 = arith.constant 0 : index
      %swap3A_716 = vector.load %arg4[%swap3A_713, %swap3A_714, %swap3A_715] : memref<1x64x3xf32, #tpu.memory_space<vmem>>, vector<1x1x3xf32>
      %swap3A_717 = vector.shape_cast %swap3A_716 : vector<1x1x3xf32> to vector<1x3xf32>
      %swap3A_718 = vector.shape_cast %concatenate3A_712 : vector<1x3xf32> to vector<1x1x3xf32>
      tpu.vector_store %arg4[%swap3A_713, %swap3A_714, %swap3A_715], %swap3A_718 {strides = array<i32>} : memref<1x64x3xf32, #tpu.memory_space<vmem>>, vector<1x1x3xf32>,
      %mul3A_719 = arith.constant 8 : i32
      %mul3A_720 = arith.muli %scan3A_37, %mul3A_719 : i32
      %add3A_721 = arith.constant 5 : i32
      %add3A_722 = arith.addi %mul3A_720, %add3A_721 : i32
      %eq3A_723 = vector.broadcast %add3A_722 : i32 to vector<1x64xi32>
      %eq3A_724 = arith.cmpi eq, %iota3A_4, %eq3A_723 : vector<1x64xi32>
      %get3A_725 = arith.constant 0 : index
      %get3A_726 = arith.constant 0 : index
      %get3A_727 = arith.constant 0 : index
      %get3A_728 = vector.load %arg2[%get3A_725, %get3A_726, %get3A_727] : memref<1x1x64xi32, #tpu.memory_space<vmem>>, vector<1x1x64xi32>
      %get3A_729 = vector.shape_cast %get3A_728 : vector<1x1x64xi32> to vector<1x64xi32>
      %jit3A_730 = arith.constant 0 : i32
      %broadcast_in_dim3A_731 = vector.broadcast %jit3A_730 : i32 to vector<1x64xi32>
      %select_n3A_732 = arith.select %eq3A_724, %get3A_729, %broadcast_in_dim3A_731 : vector<1x64xi1>, vector<1x64xi32>
      %reduce_sum3A_733 = vector.shape_cast %select_n3A_732 : vector<1x64xi32> to vector<1x1x64xi32>
      %reduce_sum3A_734 = arith.constant dense<0> : vector<1xi32>
      %reduce_sum3A_735 = vector.multi_reduction <add>, %reduce_sum3A_733, %reduce_sum3A_734 [1, 2] : vector<1x1x64xi32> to vector<1xi32>
      %reduce_sum3A_736 = vector.shape_cast %reduce_sum3A_735 : vector<1xi32> to vector<1x1x1xi32>
      %reduce_sum3A_737 = vector.extract %reduce_sum3A_736[0, 0, 0] : i32 from vector<1x1x1xi32>
      %jit3A_738 = arith.constant 128 : i32
      %div3A_739 = arith.divsi %reduce_sum3A_737, %jit3A_738 : i32
      %sign3A_740 = arith.constant 0 : i32
      %sign3A_741 = arith.cmpi sgt, %reduce_sum3A_737, %sign3A_740 : i32
      %sign3A_742 = arith.extui %sign3A_741 : i1 to i32
      %sign3A_743 = arith.constant 0 : i32
      %sign3A_744 = arith.cmpi slt, %reduce_sum3A_737, %sign3A_743 : i32
      %sign3A_745 = arith.extui %sign3A_744 : i1 to i32
      %sign3A_746 = arith.subi %sign3A_742, %sign3A_745 : i32
      %sign3A_747 = arith.constant 0 : i32
      %sign3A_748 = arith.cmpi sgt, %jit3A_738, %sign3A_747 : i32
      %sign3A_749 = arith.extui %sign3A_748 : i1 to i32
      %sign3A_750 = arith.constant 0 : i32
      %sign3A_751 = arith.cmpi slt, %jit3A_738, %sign3A_750 : i32
      %sign3A_752 = arith.extui %sign3A_751 : i1 to i32
      %sign3A_753 = arith.subi %sign3A_749, %sign3A_752 : i32
      %ne3A_754 = arith.cmpi ne, %sign3A_746, %sign3A_753 : i32
      %rem3A_755 = arith.remsi %reduce_sum3A_737, %jit3A_738 : i32
      %ne3A_756 = arith.constant 0 : i32
      %ne3A_757 = arith.cmpi ne, %rem3A_755, %ne3A_756 : i32
      %and3A_758 = arith.andi %ne3A_754, %ne3A_757 : i1
      %sub3A_759 = arith.constant 1 : i32
      %sub3A_760 = arith.subi %div3A_739, %sub3A_759 : i32
      %select_n3A_761 = arith.select %and3A_758, %sub3A_760, %div3A_739 : i32
      %jit3A_762 = arith.constant 128 : i32
      %eq3A_763 = arith.constant 0 : i32
      %eq3A_764 = arith.cmpi eq, %jit3A_762, %eq3A_763 : i32
      %jit3A_765 = arith.constant 1 : i32
      %select_n3A_766 = arith.select %eq3A_764, %jit3A_765, %jit3A_762 : i32
      %rem3A_767 = arith.remsi %reduce_sum3A_737, %select_n3A_766 : i32
      %ne3A_768 = arith.constant 0 : i32
      %ne3A_769 = arith.cmpi ne, %rem3A_767, %ne3A_768 : i32
      %lt3A_770 = arith.constant 0 : i32
      %lt3A_771 = arith.cmpi slt, %rem3A_767, %lt3A_770 : i32
      %lt3A_772 = arith.constant 0 : i32
      %lt3A_773 = arith.cmpi slt, %select_n3A_766, %lt3A_772 : i32
      %ne3A_774 = arith.xori %lt3A_771, %lt3A_773 : i1
      %and3A_775 = arith.andi %ne3A_774, %ne3A_769 : i1
      %add3A_776 = arith.addi %rem3A_767, %select_n3A_766 : i32
      %select_n3A_777 = arith.select %and3A_775, %add3A_776, %rem3A_767 : i32
      %eq3A_778 = vector.broadcast %select_n3A_777 : i32 to vector<1x128xi32>
      %eq3A_779 = arith.cmpi eq, %iota3A_3, %eq3A_778 : vector<1x128xi32>
      %get3A_780 = arith.constant 0 : index
      %get3A_781 = arith.constant 0 : index
      %get3A_782 = arith.index_cast %select_n3A_761 : i32 to index
      %get3A_783 = arith.constant 0 : index
      %get3A_784 = vector.load %arg1[%get3A_780, %get3A_781, %get3A_782, %get3A_783] : memref<1x3x392x128xf32, #tpu.memory_space<vmem>>, vector<1x1x1x128xf32>
      %get3A_785 = vector.shape_cast %get3A_784 : vector<1x1x1x128xf32> to vector<1x128xf32>
      %jit3A_786 = arith.constant 0.000000e+00 : f32
      %broadcast_in_dim3A_787 = vector.broadcast %jit3A_786 : f32 to vector<1x128xf32>
      %select_n3A_788 = arith.select %eq3A_779, %get3A_785, %broadcast_in_dim3A_787 : vector<1x128xi1>, vector<1x128xf32>
      %reduce_sum3A_789 = vector.shape_cast %select_n3A_788 : vector<1x128xf32> to vector<1x1x128xf32>
      %reduce_sum3A_790 = arith.constant dense<0.000000e+00> : vector<1xf32>
      %reduce_sum3A_791 = vector.multi_reduction <add>, %reduce_sum3A_789, %reduce_sum3A_790 [1, 2] : vector<1x1x128xf32> to vector<1xf32>
      %reduce_sum3A_792 = vector.shape_cast %reduce_sum3A_791 : vector<1xf32> to vector<1x1x1xf32>
      %reduce_sum3A_793 = vector.extract %reduce_sum3A_792[0, 0, 0] : f32 from vector<1x1x1xf32>
      %get3A_794 = arith.constant 0 : index
      %get3A_795 = arith.constant 1 : index
      %get3A_796 = arith.index_cast %select_n3A_761 : i32 to index
      %get3A_797 = arith.constant 0 : index
      %get3A_798 = vector.load %arg1[%get3A_794, %get3A_795, %get3A_796, %get3A_797] : memref<1x3x392x128xf32, #tpu.memory_space<vmem>>, vector<1x1x1x128xf32>
      %get3A_799 = vector.shape_cast %get3A_798 : vector<1x1x1x128xf32> to vector<1x128xf32>
      %jit3A_800 = arith.constant 0.000000e+00 : f32
      %broadcast_in_dim3A_801 = vector.broadcast %jit3A_800 : f32 to vector<1x128xf32>
      %select_n3A_802 = arith.select %eq3A_779, %get3A_799, %broadcast_in_dim3A_801 : vector<1x128xi1>, vector<1x128xf32>
      %reduce_sum3A_803 = vector.shape_cast %select_n3A_802 : vector<1x128xf32> to vector<1x1x128xf32>
      %reduce_sum3A_804 = arith.constant dense<0.000000e+00> : vector<1xf32>
      %reduce_sum3A_805 = vector.multi_reduction <add>, %reduce_sum3A_803, %reduce_sum3A_804 [1, 2] : vector<1x1x128xf32> to vector<1xf32>
      %reduce_sum3A_806 = vector.shape_cast %reduce_sum3A_805 : vector<1xf32> to vector<1x1x1xf32>
      %reduce_sum3A_807 = vector.extract %reduce_sum3A_806[0, 0, 0] : f32 from vector<1x1x1xf32>
      %get3A_808 = arith.constant 0 : index
      %get3A_809 = arith.constant 2 : index
      %get3A_810 = arith.index_cast %select_n3A_761 : i32 to index
      %get3A_811 = arith.constant 0 : index
      %get3A_812 = vector.load %arg1[%get3A_808, %get3A_809, %get3A_810, %get3A_811] : memref<1x3x392x128xf32, #tpu.memory_space<vmem>>, vector<1x1x1x128xf32>
      %get3A_813 = vector.shape_cast %get3A_812 : vector<1x1x1x128xf32> to vector<1x128xf32>
      %jit3A_814 = arith.constant 0.000000e+00 : f32
      %broadcast_in_dim3A_815 = vector.broadcast %jit3A_814 : f32 to vector<1x128xf32>
      %select_n3A_816 = arith.select %eq3A_779, %get3A_813, %broadcast_in_dim3A_815 : vector<1x128xi1>, vector<1x128xf32>
      %reduce_sum3A_817 = vector.shape_cast %select_n3A_816 : vector<1x128xf32> to vector<1x1x128xf32>
      %reduce_sum3A_818 = arith.constant dense<0.000000e+00> : vector<1xf32>
      %reduce_sum3A_819 = vector.multi_reduction <add>, %reduce_sum3A_817, %reduce_sum3A_818 [1, 2] : vector<1x1x128xf32> to vector<1xf32>
      %reduce_sum3A_820 = vector.shape_cast %reduce_sum3A_819 : vector<1xf32> to vector<1x1x1xf32>
      %reduce_sum3A_821 = vector.extract %reduce_sum3A_820[0, 0, 0] : f32 from vector<1x1x1xf32>
      %convert_element_type3A_822 = arith.truncf %reduce_sum3A_793 : f32 to bf16
      %convert_element_type3A_823 = arith.extf %convert_element_type3A_822 : bf16 to f32
      %convert_element_type3A_824 = arith.truncf %reduce_sum3A_807 : f32 to bf16
      %convert_element_type3A_825 = arith.extf %convert_element_type3A_824 : bf16 to f32
      %convert_element_type3A_826 = arith.truncf %reduce_sum3A_821 : f32 to bf16
      %convert_element_type3A_827 = arith.extf %convert_element_type3A_826 : bf16 to f32
      %mul3A_828 = vector.broadcast %convert_element_type3A_823 : f32 to vector<392x128xf32>
      %mul3A_829 = arith.mulf %mul3A_828, %convert_element_type3A_27 : vector<392x128xf32>
      %mul3A_830 = vector.broadcast %convert_element_type3A_825 : f32 to vector<392x128xf32>
      %mul3A_831 = arith.mulf %mul3A_830, %convert_element_type3A_29 : vector<392x128xf32>
      %add3A_832 = arith.addf %mul3A_829, %mul3A_831 : vector<392x128xf32>
      %mul3A_833 = vector.broadcast %convert_element_type3A_827 : f32 to vector<392x128xf32>
      %mul3A_834 = arith.mulf %mul3A_833, %convert_element_type3A_31 : vector<392x128xf32>
      %add3A_835 = arith.addf %add3A_832, %mul3A_834 : vector<392x128xf32>
      %mul3A_836 = arith.mulf %reduce_sum3A_793, %reduce_sum3A_793 : f32
      %mul3A_837 = arith.mulf %reduce_sum3A_807, %reduce_sum3A_807 : f32
      %add3A_838 = arith.addf %mul3A_836, %mul3A_837 : f32
      %mul3A_839 = arith.mulf %reduce_sum3A_821, %reduce_sum3A_821 : f32
      %add3A_840 = arith.addf %add3A_838, %mul3A_839 : f32
      %add3A_841 = vector.broadcast %add3A_840 : f32 to vector<392x128xf32>
      %add3A_842 = arith.addf %add3A_841, %add3A_26 : vector<392x128xf32>
      %mul3A_843 = arith.constant 2.000000e+00 : f32
      %mul3A_844 = vector.broadcast %mul3A_843 : f32 to vector<392x128xf32>
      %mul3A_845 = arith.mulf %mul3A_844, %add3A_835 : vector<392x128xf32>
      %sub3A_846 = arith.subf %add3A_842, %mul3A_845 : vector<392x128xf32>
      %broadcast_in_dim3A_847 = vector.shape_cast %sub3A_846 : vector<392x128xf32> to vector<1x392x128xf32>
      %reshape3A_848 = vector.broadcast %reduce_sum3A_793 : f32 to vector<1x1xf32>
      %reshape3A_849 = vector.broadcast %reduce_sum3A_807 : f32 to vector<1x1xf32>
      %reshape3A_850 = vector.broadcast %reduce_sum3A_821 : f32 to vector<1x1xf32>
      %concatenate3A_851 = tpu.concatenate %reshape3A_848, %reshape3A_849, %reshape3A_850 in 1 : vector<1x1xf32>, vector<1x1xf32>, vector<1x1xf32> -> vector<1x3xf32>
      %swap3A_852 = arith.constant 0 : index
      %swap3A_853 = arith.index_cast %add3A_722 : i32 to index
      %swap3A_854 = arith.constant 0 : index
      %swap3A_855 = vector.load %arg4[%swap3A_852, %swap3A_853, %swap3A_854] : memref<1x64x3xf32, #tpu.memory_space<vmem>>, vector<1x1x3xf32>
      %swap3A_856 = vector.shape_cast %swap3A_855 : vector<1x1x3xf32> to vector<1x3xf32>
      %swap3A_857 = vector.shape_cast %concatenate3A_851 : vector<1x3xf32> to vector<1x1x3xf32>
      tpu.vector_store %arg4[%swap3A_852, %swap3A_853, %swap3A_854], %swap3A_857 {strides = array<i32>} : memref<1x64x3xf32, #tpu.memory_space<vmem>>, vector<1x1x3xf32>,
      %mul3A_858 = arith.constant 8 : i32
      %mul3A_859 = arith.muli %scan3A_37, %mul3A_858 : i32
      %add3A_860 = arith.constant 6 : i32
      %add3A_861 = arith.addi %mul3A_859, %add3A_860 : i32
      %eq3A_862 = vector.broadcast %add3A_861 : i32 to vector<1x64xi32>
      %eq3A_863 = arith.cmpi eq, %iota3A_4, %eq3A_862 : vector<1x64xi32>
      %get3A_864 = arith.constant 0 : index
      %get3A_865 = arith.constant 0 : index
      %get3A_866 = arith.constant 0 : index
      %get3A_867 = vector.load %arg2[%get3A_864, %get3A_865, %get3A_866] : memref<1x1x64xi32, #tpu.memory_space<vmem>>, vector<1x1x64xi32>
      %get3A_868 = vector.shape_cast %get3A_867 : vector<1x1x64xi32> to vector<1x64xi32>
      %jit3A_869 = arith.constant 0 : i32
      %broadcast_in_dim3A_870 = vector.broadcast %jit3A_869 : i32 to vector<1x64xi32>
      %select_n3A_871 = arith.select %eq3A_863, %get3A_868, %broadcast_in_dim3A_870 : vector<1x64xi1>, vector<1x64xi32>
      %reduce_sum3A_872 = vector.shape_cast %select_n3A_871 : vector<1x64xi32> to vector<1x1x64xi32>
      %reduce_sum3A_873 = arith.constant dense<0> : vector<1xi32>
      %reduce_sum3A_874 = vector.multi_reduction <add>, %reduce_sum3A_872, %reduce_sum3A_873 [1, 2] : vector<1x1x64xi32> to vector<1xi32>
      %reduce_sum3A_875 = vector.shape_cast %reduce_sum3A_874 : vector<1xi32> to vector<1x1x1xi32>
      %reduce_sum3A_876 = vector.extract %reduce_sum3A_875[0, 0, 0] : i32 from vector<1x1x1xi32>
      %jit3A_877 = arith.constant 128 : i32
      %div3A_878 = arith.divsi %reduce_sum3A_876, %jit3A_877 : i32
      %sign3A_879 = arith.constant 0 : i32
      %sign3A_880 = arith.cmpi sgt, %reduce_sum3A_876, %sign3A_879 : i32
      %sign3A_881 = arith.extui %sign3A_880 : i1 to i32
      %sign3A_882 = arith.constant 0 : i32
      %sign3A_883 = arith.cmpi slt, %reduce_sum3A_876, %sign3A_882 : i32
      %sign3A_884 = arith.extui %sign3A_883 : i1 to i32
      %sign3A_885 = arith.subi %sign3A_881, %sign3A_884 : i32
      %sign3A_886 = arith.constant 0 : i32
      %sign3A_887 = arith.cmpi sgt, %jit3A_877, %sign3A_886 : i32
      %sign3A_888 = arith.extui %sign3A_887 : i1 to i32
      %sign3A_889 = arith.constant 0 : i32
      %sign3A_890 = arith.cmpi slt, %jit3A_877, %sign3A_889 : i32
      %sign3A_891 = arith.extui %sign3A_890 : i1 to i32
      %sign3A_892 = arith.subi %sign3A_888, %sign3A_891 : i32
      %ne3A_893 = arith.cmpi ne, %sign3A_885, %sign3A_892 : i32
      %rem3A_894 = arith.remsi %reduce_sum3A_876, %jit3A_877 : i32
      %ne3A_895 = arith.constant 0 : i32
      %ne3A_896 = arith.cmpi ne, %rem3A_894, %ne3A_895 : i32
      %and3A_897 = arith.andi %ne3A_893, %ne3A_896 : i1
      %sub3A_898 = arith.constant 1 : i32
      %sub3A_899 = arith.subi %div3A_878, %sub3A_898 : i32
      %select_n3A_900 = arith.select %and3A_897, %sub3A_899, %div3A_878 : i32
      %jit3A_901 = arith.constant 128 : i32
      %eq3A_902 = arith.constant 0 : i32
      %eq3A_903 = arith.cmpi eq, %jit3A_901, %eq3A_902 : i32
      %jit3A_904 = arith.constant 1 : i32
      %select_n3A_905 = arith.select %eq3A_903, %jit3A_904, %jit3A_901 : i32
      %rem3A_906 = arith.remsi %reduce_sum3A_876, %select_n3A_905 : i32
      %ne3A_907 = arith.constant 0 : i32
      %ne3A_908 = arith.cmpi ne, %rem3A_906, %ne3A_907 : i32
      %lt3A_909 = arith.constant 0 : i32
      %lt3A_910 = arith.cmpi slt, %rem3A_906, %lt3A_909 : i32
      %lt3A_911 = arith.constant 0 : i32
      %lt3A_912 = arith.cmpi slt, %select_n3A_905, %lt3A_911 : i32
      %ne3A_913 = arith.xori %lt3A_910, %lt3A_912 : i1
      %and3A_914 = arith.andi %ne3A_913, %ne3A_908 : i1
      %add3A_915 = arith.addi %rem3A_906, %select_n3A_905 : i32
      %select_n3A_916 = arith.select %and3A_914, %add3A_915, %rem3A_906 : i32
      %eq3A_917 = vector.broadcast %select_n3A_916 : i32 to vector<1x128xi32>
      %eq3A_918 = arith.cmpi eq, %iota3A_3, %eq3A_917 : vector<1x128xi32>
      %get3A_919 = arith.constant 0 : index
      %get3A_920 = arith.constant 0 : index
      %get3A_921 = arith.index_cast %select_n3A_900 : i32 to index
      %get3A_922 = arith.constant 0 : index
      %get3A_923 = vector.load %arg1[%get3A_919, %get3A_920, %get3A_921, %get3A_922] : memref<1x3x392x128xf32, #tpu.memory_space<vmem>>, vector<1x1x1x128xf32>
      %get3A_924 = vector.shape_cast %get3A_923 : vector<1x1x1x128xf32> to vector<1x128xf32>
      %jit3A_925 = arith.constant 0.000000e+00 : f32
      %broadcast_in_dim3A_926 = vector.broadcast %jit3A_925 : f32 to vector<1x128xf32>
      %select_n3A_927 = arith.select %eq3A_918, %get3A_924, %broadcast_in_dim3A_926 : vector<1x128xi1>, vector<1x128xf32>
      %reduce_sum3A_928 = vector.shape_cast %select_n3A_927 : vector<1x128xf32> to vector<1x1x128xf32>
      %reduce_sum3A_929 = arith.constant dense<0.000000e+00> : vector<1xf32>
      %reduce_sum3A_930 = vector.multi_reduction <add>, %reduce_sum3A_928, %reduce_sum3A_929 [1, 2] : vector<1x1x128xf32> to vector<1xf32>
      %reduce_sum3A_931 = vector.shape_cast %reduce_sum3A_930 : vector<1xf32> to vector<1x1x1xf32>
      %reduce_sum3A_932 = vector.extract %reduce_sum3A_931[0, 0, 0] : f32 from vector<1x1x1xf32>
      %get3A_933 = arith.constant 0 : index
      %get3A_934 = arith.constant 1 : index
      %get3A_935 = arith.index_cast %select_n3A_900 : i32 to index
      %get3A_936 = arith.constant 0 : index
      %get3A_937 = vector.load %arg1[%get3A_933, %get3A_934, %get3A_935, %get3A_936] : memref<1x3x392x128xf32, #tpu.memory_space<vmem>>, vector<1x1x1x128xf32>
      %get3A_938 = vector.shape_cast %get3A_937 : vector<1x1x1x128xf32> to vector<1x128xf32>
      %jit3A_939 = arith.constant 0.000000e+00 : f32
      %broadcast_in_dim3A_940 = vector.broadcast %jit3A_939 : f32 to vector<1x128xf32>
      %select_n3A_941 = arith.select %eq3A_918, %get3A_938, %broadcast_in_dim3A_940 : vector<1x128xi1>, vector<1x128xf32>
      %reduce_sum3A_942 = vector.shape_cast %select_n3A_941 : vector<1x128xf32> to vector<1x1x128xf32>
      %reduce_sum3A_943 = arith.constant dense<0.000000e+00> : vector<1xf32>
      %reduce_sum3A_944 = vector.multi_reduction <add>, %reduce_sum3A_942, %reduce_sum3A_943 [1, 2] : vector<1x1x128xf32> to vector<1xf32>
      %reduce_sum3A_945 = vector.shape_cast %reduce_sum3A_944 : vector<1xf32> to vector<1x1x1xf32>
      %reduce_sum3A_946 = vector.extract %reduce_sum3A_945[0, 0, 0] : f32 from vector<1x1x1xf32>
      %get3A_947 = arith.constant 0 : index
      %get3A_948 = arith.constant 2 : index
      %get3A_949 = arith.index_cast %select_n3A_900 : i32 to index
      %get3A_950 = arith.constant 0 : index
      %get3A_951 = vector.load %arg1[%get3A_947, %get3A_948, %get3A_949, %get3A_950] : memref<1x3x392x128xf32, #tpu.memory_space<vmem>>, vector<1x1x1x128xf32>
      %get3A_952 = vector.shape_cast %get3A_951 : vector<1x1x1x128xf32> to vector<1x128xf32>
      %jit3A_953 = arith.constant 0.000000e+00 : f32
      %broadcast_in_dim3A_954 = vector.broadcast %jit3A_953 : f32 to vector<1x128xf32>
      %select_n3A_955 = arith.select %eq3A_918, %get3A_952, %broadcast_in_dim3A_954 : vector<1x128xi1>, vector<1x128xf32>
      %reduce_sum3A_956 = vector.shape_cast %select_n3A_955 : vector<1x128xf32> to vector<1x1x128xf32>
      %reduce_sum3A_957 = arith.constant dense<0.000000e+00> : vector<1xf32>
      %reduce_sum3A_958 = vector.multi_reduction <add>, %reduce_sum3A_956, %reduce_sum3A_957 [1, 2] : vector<1x1x128xf32> to vector<1xf32>
      %reduce_sum3A_959 = vector.shape_cast %reduce_sum3A_958 : vector<1xf32> to vector<1x1x1xf32>
      %reduce_sum3A_960 = vector.extract %reduce_sum3A_959[0, 0, 0] : f32 from vector<1x1x1xf32>
      %convert_element_type3A_961 = arith.truncf %reduce_sum3A_932 : f32 to bf16
      %convert_element_type3A_962 = arith.extf %convert_element_type3A_961 : bf16 to f32
      %convert_element_type3A_963 = arith.truncf %reduce_sum3A_946 : f32 to bf16
      %convert_element_type3A_964 = arith.extf %convert_element_type3A_963 : bf16 to f32
      %convert_element_type3A_965 = arith.truncf %reduce_sum3A_960 : f32 to bf16
      %convert_element_type3A_966 = arith.extf %convert_element_type3A_965 : bf16 to f32
      %mul3A_967 = vector.broadcast %convert_element_type3A_962 : f32 to vector<392x128xf32>
      %mul3A_968 = arith.mulf %mul3A_967, %convert_element_type3A_27 : vector<392x128xf32>
      %mul3A_969 = vector.broadcast %convert_element_type3A_964 : f32 to vector<392x128xf32>
      %mul3A_970 = arith.mulf %mul3A_969, %convert_element_type3A_29 : vector<392x128xf32>
      %add3A_971 = arith.addf %mul3A_968, %mul3A_970 : vector<392x128xf32>
      %mul3A_972 = vector.broadcast %convert_element_type3A_966 : f32 to vector<392x128xf32>
      %mul3A_973 = arith.mulf %mul3A_972, %convert_element_type3A_31 : vector<392x128xf32>
      %add3A_974 = arith.addf %add3A_971, %mul3A_973 : vector<392x128xf32>
      %mul3A_975 = arith.mulf %reduce_sum3A_932, %reduce_sum3A_932 : f32
      %mul3A_976 = arith.mulf %reduce_sum3A_946, %reduce_sum3A_946 : f32
      %add3A_977 = arith.addf %mul3A_975, %mul3A_976 : f32
      %mul3A_978 = arith.mulf %reduce_sum3A_960, %reduce_sum3A_960 : f32
      %add3A_979 = arith.addf %add3A_977, %mul3A_978 : f32
      %add3A_980 = vector.broadcast %add3A_979 : f32 to vector<392x128xf32>
      %add3A_981 = arith.addf %add3A_980, %add3A_26 : vector<392x128xf32>
      %mul3A_982 = arith.constant 2.000000e+00 : f32
      %mul3A_983 = vector.broadcast %mul3A_982 : f32 to vector<392x128xf32>
      %mul3A_984 = arith.mulf %mul3A_983, %add3A_974 : vector<392x128xf32>
      %sub3A_985 = arith.subf %add3A_981, %mul3A_984 : vector<392x128xf32>
      %broadcast_in_dim3A_986 = vector.shape_cast %sub3A_985 : vector<392x128xf32> to vector<1x392x128xf32>
      %reshape3A_987 = vector.broadcast %reduce_sum3A_932 : f32 to vector<1x1xf32>
      %reshape3A_988 = vector.broadcast %reduce_sum3A_946 : f32 to vector<1x1xf32>
      %reshape3A_989 = vector.broadcast %reduce_sum3A_960 : f32 to vector<1x1xf32>
      %concatenate3A_990 = tpu.concatenate %reshape3A_987, %reshape3A_988, %reshape3A_989 in 1 : vector<1x1xf32>, vector<1x1xf32>, vector<1x1xf32> -> vector<1x3xf32>
      %swap3A_991 = arith.constant 0 : index
      %swap3A_992 = arith.index_cast %add3A_861 : i32 to index
      %swap3A_993 = arith.constant 0 : index
      %swap3A_994 = vector.load %arg4[%swap3A_991, %swap3A_992, %swap3A_993] : memref<1x64x3xf32, #tpu.memory_space<vmem>>, vector<1x1x3xf32>
      %swap3A_995 = vector.shape_cast %swap3A_994 : vector<1x1x3xf32> to vector<1x3xf32>
      %swap3A_996 = vector.shape_cast %concatenate3A_990 : vector<1x3xf32> to vector<1x1x3xf32>
      tpu.vector_store %arg4[%swap3A_991, %swap3A_992, %swap3A_993], %swap3A_996 {strides = array<i32>} : memref<1x64x3xf32, #tpu.memory_space<vmem>>, vector<1x1x3xf32>,
      %mul3A_997 = arith.constant 8 : i32
      %mul3A_998 = arith.muli %scan3A_37, %mul3A_997 : i32
      %add3A_999 = arith.constant 7 : i32
      %add3A_1000 = arith.addi %mul3A_998, %add3A_999 : i32
      %eq3A_1001 = vector.broadcast %add3A_1000 : i32 to vector<1x64xi32>
      %eq3A_1002 = arith.cmpi eq, %iota3A_4, %eq3A_1001 : vector<1x64xi32>
      %get3A_1003 = arith.constant 0 : index
      %get3A_1004 = arith.constant 0 : index
      %get3A_1005 = arith.constant 0 : index
      %get3A_1006 = vector.load %arg2[%get3A_1003, %get3A_1004, %get3A_1005] : memref<1x1x64xi32, #tpu.memory_space<vmem>>, vector<1x1x64xi32>
      %get3A_1007 = vector.shape_cast %get3A_1006 : vector<1x1x64xi32> to vector<1x64xi32>
      %jit3A_1008 = arith.constant 0 : i32
      %broadcast_in_dim3A_1009 = vector.broadcast %jit3A_1008 : i32 to vector<1x64xi32>
      %select_n3A_1010 = arith.select %eq3A_1002, %get3A_1007, %broadcast_in_dim3A_1009 : vector<1x64xi1>, vector<1x64xi32>
      %reduce_sum3A_1011 = vector.shape_cast %select_n3A_1010 : vector<1x64xi32> to vector<1x1x64xi32>
      %reduce_sum3A_1012 = arith.constant dense<0> : vector<1xi32>
      %reduce_sum3A_1013 = vector.multi_reduction <add>, %reduce_sum3A_1011, %reduce_sum3A_1012 [1, 2] : vector<1x1x64xi32> to vector<1xi32>
      %reduce_sum3A_1014 = vector.shape_cast %reduce_sum3A_1013 : vector<1xi32> to vector<1x1x1xi32>
      %reduce_sum3A_1015 = vector.extract %reduce_sum3A_1014[0, 0, 0] : i32 from vector<1x1x1xi32>
      %jit3A_1016 = arith.constant 128 : i32
      %div3A_1017 = arith.divsi %reduce_sum3A_1015, %jit3A_1016 : i32
      %sign3A_1018 = arith.constant 0 : i32
      %sign3A_1019 = arith.cmpi sgt, %reduce_sum3A_1015, %sign3A_1018 : i32
      %sign3A_1020 = arith.extui %sign3A_1019 : i1 to i32
      %sign3A_1021 = arith.constant 0 : i32
      %sign3A_1022 = arith.cmpi slt, %reduce_sum3A_1015, %sign3A_1021 : i32
      %sign3A_1023 = arith.extui %sign3A_1022 : i1 to i32
      %sign3A_1024 = arith.subi %sign3A_1020, %sign3A_1023 : i32
      %sign3A_1025 = arith.constant 0 : i32
      %sign3A_1026 = arith.cmpi sgt, %jit3A_1016, %sign3A_1025 : i32
      %sign3A_1027 = arith.extui %sign3A_1026 : i1 to i32
      %sign3A_1028 = arith.constant 0 : i32
      %sign3A_1029 = arith.cmpi slt, %jit3A_1016, %sign3A_1028 : i32
      %sign3A_1030 = arith.extui %sign3A_1029 : i1 to i32
      %sign3A_1031 = arith.subi %sign3A_1027, %sign3A_1030 : i32
      %ne3A_1032 = arith.cmpi ne, %sign3A_1024, %sign3A_1031 : i32
      %rem3A_1033 = arith.remsi %reduce_sum3A_1015, %jit3A_1016 : i32
      %ne3A_1034 = arith.constant 0 : i32
      %ne3A_1035 = arith.cmpi ne, %rem3A_1033, %ne3A_1034 : i32
      %and3A_1036 = arith.andi %ne3A_1032, %ne3A_1035 : i1
      %sub3A_1037 = arith.constant 1 : i32
      %sub3A_1038 = arith.subi %div3A_1017, %sub3A_1037 : i32
      %select_n3A_1039 = arith.select %and3A_1036, %sub3A_1038, %div3A_1017 : i32
      %jit3A_1040 = arith.constant 128 : i32
      %eq3A_1041 = arith.constant 0 : i32
      %eq3A_1042 = arith.cmpi eq, %jit3A_1040, %eq3A_1041 : i32
      %jit3A_1043 = arith.constant 1 : i32
      %select_n3A_1044 = arith.select %eq3A_1042, %jit3A_1043, %jit3A_1040 : i32
      %rem3A_1045 = arith.remsi %reduce_sum3A_1015, %select_n3A_1044 : i32
      %ne3A_1046 = arith.constant 0 : i32
      %ne3A_1047 = arith.cmpi ne, %rem3A_1045, %ne3A_1046 : i32
      %lt3A_1048 = arith.constant 0 : i32
      %lt3A_1049 = arith.cmpi slt, %rem3A_1045, %lt3A_1048 : i32
      %lt3A_1050 = arith.constant 0 : i32
      %lt3A_1051 = arith.cmpi slt, %select_n3A_1044, %lt3A_1050 : i32
      %ne3A_1052 = arith.xori %lt3A_1049, %lt3A_1051 : i1
      %and3A_1053 = arith.andi %ne3A_1052, %ne3A_1047 : i1
      %add3A_1054 = arith.addi %rem3A_1045, %select_n3A_1044 : i32
      %select_n3A_1055 = arith.select %and3A_1053, %add3A_1054, %rem3A_1045 : i32
      %eq3A_1056 = vector.broadcast %select_n3A_1055 : i32 to vector<1x128xi32>
      %eq3A_1057 = arith.cmpi eq, %iota3A_3, %eq3A_1056 : vector<1x128xi32>
      %get3A_1058 = arith.constant 0 : index
      %get3A_1059 = arith.constant 0 : index
      %get3A_1060 = arith.index_cast %select_n3A_1039 : i32 to index
      %get3A_1061 = arith.constant 0 : index
      %get3A_1062 = vector.load %arg1[%get3A_1058, %get3A_1059, %get3A_1060, %get3A_1061] : memref<1x3x392x128xf32, #tpu.memory_space<vmem>>, vector<1x1x1x128xf32>
      %get3A_1063 = vector.shape_cast %get3A_1062 : vector<1x1x1x128xf32> to vector<1x128xf32>
      %jit3A_1064 = arith.constant 0.000000e+00 : f32
      %broadcast_in_dim3A_1065 = vector.broadcast %jit3A_1064 : f32 to vector<1x128xf32>
      %select_n3A_1066 = arith.select %eq3A_1057, %get3A_1063, %broadcast_in_dim3A_1065 : vector<1x128xi1>, vector<1x128xf32>
      %reduce_sum3A_1067 = vector.shape_cast %select_n3A_1066 : vector<1x128xf32> to vector<1x1x128xf32>
      %reduce_sum3A_1068 = arith.constant dense<0.000000e+00> : vector<1xf32>
      %reduce_sum3A_1069 = vector.multi_reduction <add>, %reduce_sum3A_1067, %reduce_sum3A_1068 [1, 2] : vector<1x1x128xf32> to vector<1xf32>
      %reduce_sum3A_1070 = vector.shape_cast %reduce_sum3A_1069 : vector<1xf32> to vector<1x1x1xf32>
      %reduce_sum3A_1071 = vector.extract %reduce_sum3A_1070[0, 0, 0] : f32 from vector<1x1x1xf32>
      %get3A_1072 = arith.constant 0 : index
      %get3A_1073 = arith.constant 1 : index
      %get3A_1074 = arith.index_cast %select_n3A_1039 : i32 to index
      %get3A_1075 = arith.constant 0 : index
      %get3A_1076 = vector.load %arg1[%get3A_1072, %get3A_1073, %get3A_1074, %get3A_1075] : memref<1x3x392x128xf32, #tpu.memory_space<vmem>>, vector<1x1x1x128xf32>
      %get3A_1077 = vector.shape_cast %get3A_1076 : vector<1x1x1x128xf32> to vector<1x128xf32>
      %jit3A_1078 = arith.constant 0.000000e+00 : f32
      %broadcast_in_dim3A_1079 = vector.broadcast %jit3A_1078 : f32 to vector<1x128xf32>
      %select_n3A_1080 = arith.select %eq3A_1057, %get3A_1077, %broadcast_in_dim3A_1079 : vector<1x128xi1>, vector<1x128xf32>
      %reduce_sum3A_1081 = vector.shape_cast %select_n3A_1080 : vector<1x128xf32> to vector<1x1x128xf32>
      %reduce_sum3A_1082 = arith.constant dense<0.000000e+00> : vector<1xf32>
      %reduce_sum3A_1083 = vector.multi_reduction <add>, %reduce_sum3A_1081, %reduce_sum3A_1082 [1, 2] : vector<1x1x128xf32> to vector<1xf32>
      %reduce_sum3A_1084 = vector.shape_cast %reduce_sum3A_1083 : vector<1xf32> to vector<1x1x1xf32>
      %reduce_sum3A_1085 = vector.extract %reduce_sum3A_1084[0, 0, 0] : f32 from vector<1x1x1xf32>
      %get3A_1086 = arith.constant 0 : index
      %get3A_1087 = arith.constant 2 : index
      %get3A_1088 = arith.index_cast %select_n3A_1039 : i32 to index
      %get3A_1089 = arith.constant 0 : index
      %get3A_1090 = vector.load %arg1[%get3A_1086, %get3A_1087, %get3A_1088, %get3A_1089] : memref<1x3x392x128xf32, #tpu.memory_space<vmem>>, vector<1x1x1x128xf32>
      %get3A_1091 = vector.shape_cast %get3A_1090 : vector<1x1x1x128xf32> to vector<1x128xf32>
      %jit3A_1092 = arith.constant 0.000000e+00 : f32
      %broadcast_in_dim3A_1093 = vector.broadcast %jit3A_1092 : f32 to vector<1x128xf32>
      %select_n3A_1094 = arith.select %eq3A_1057, %get3A_1091, %broadcast_in_dim3A_1093 : vector<1x128xi1>, vector<1x128xf32>
      %reduce_sum3A_1095 = vector.shape_cast %select_n3A_1094 : vector<1x128xf32> to vector<1x1x128xf32>
      %reduce_sum3A_1096 = arith.constant dense<0.000000e+00> : vector<1xf32>
      %reduce_sum3A_1097 = vector.multi_reduction <add>, %reduce_sum3A_1095, %reduce_sum3A_1096 [1, 2] : vector<1x1x128xf32> to vector<1xf32>
      %reduce_sum3A_1098 = vector.shape_cast %reduce_sum3A_1097 : vector<1xf32> to vector<1x1x1xf32>
      %reduce_sum3A_1099 = vector.extract %reduce_sum3A_1098[0, 0, 0] : f32 from vector<1x1x1xf32>
      %convert_element_type3A_1100 = arith.truncf %reduce_sum3A_1071 : f32 to bf16
      %convert_element_type3A_1101 = arith.extf %convert_element_type3A_1100 : bf16 to f32
      %convert_element_type3A_1102 = arith.truncf %reduce_sum3A_1085 : f32 to bf16
      %convert_element_type3A_1103 = arith.extf %convert_element_type3A_1102 : bf16 to f32
      %convert_element_type3A_1104 = arith.truncf %reduce_sum3A_1099 : f32 to bf16
      %convert_element_type3A_1105 = arith.extf %convert_element_type3A_1104 : bf16 to f32
      %mul3A_1106 = vector.broadcast %convert_element_type3A_1101 : f32 to vector<392x128xf32>
      %mul3A_1107 = arith.mulf %mul3A_1106, %convert_element_type3A_27 : vector<392x128xf32>
      %mul3A_1108 = vector.broadcast %convert_element_type3A_1103 : f32 to vector<392x128xf32>
      %mul3A_1109 = arith.mulf %mul3A_1108, %convert_element_type3A_29 : vector<392x128xf32>
      %add3A_1110 = arith.addf %mul3A_1107, %mul3A_1109 : vector<392x128xf32>
      %mul3A_1111 = vector.broadcast %convert_element_type3A_1105 : f32 to vector<392x128xf32>
      %mul3A_1112 = arith.mulf %mul3A_1111, %convert_element_type3A_31 : vector<392x128xf32>
      %add3A_1113 = arith.addf %add3A_1110, %mul3A_1112 : vector<392x128xf32>
      %mul3A_1114 = arith.mulf %reduce_sum3A_1071, %reduce_sum3A_1071 : f32
      %mul3A_1115 = arith.mulf %reduce_sum3A_1085, %reduce_sum3A_1085 : f32
      %add3A_1116 = arith.addf %mul3A_1114, %mul3A_1115 : f32
      %mul3A_1117 = arith.mulf %reduce_sum3A_1099, %reduce_sum3A_1099 : f32
      %add3A_1118 = arith.addf %add3A_1116, %mul3A_1117 : f32
      %add3A_1119 = vector.broadcast %add3A_1118 : f32 to vector<392x128xf32>
      %add3A_1120 = arith.addf %add3A_1119, %add3A_26 : vector<392x128xf32>
      %mul3A_1121 = arith.constant 2.000000e+00 : f32
      %mul3A_1122 = vector.broadcast %mul3A_1121 : f32 to vector<392x128xf32>
      %mul3A_1123 = arith.mulf %mul3A_1122, %add3A_1113 : vector<392x128xf32>
      %sub3A_1124 = arith.subf %add3A_1120, %mul3A_1123 : vector<392x128xf32>
      %broadcast_in_dim3A_1125 = vector.shape_cast %sub3A_1124 : vector<392x128xf32> to vector<1x392x128xf32>
      %reshape3A_1126 = vector.broadcast %reduce_sum3A_1071 : f32 to vector<1x1xf32>
      %reshape3A_1127 = vector.broadcast %reduce_sum3A_1085 : f32 to vector<1x1xf32>
      %reshape3A_1128 = vector.broadcast %reduce_sum3A_1099 : f32 to vector<1x1xf32>
      %concatenate3A_1129 = tpu.concatenate %reshape3A_1126, %reshape3A_1127, %reshape3A_1128 in 1 : vector<1x1xf32>, vector<1x1xf32>, vector<1x1xf32> -> vector<1x3xf32>
      %swap3A_1130 = arith.constant 0 : index
      %swap3A_1131 = arith.index_cast %add3A_1000 : i32 to index
      %swap3A_1132 = arith.constant 0 : index
      %swap3A_1133 = vector.load %arg4[%swap3A_1130, %swap3A_1131, %swap3A_1132] : memref<1x64x3xf32, #tpu.memory_space<vmem>>, vector<1x1x3xf32>
      %swap3A_1134 = vector.shape_cast %swap3A_1133 : vector<1x1x3xf32> to vector<1x3xf32>
      %swap3A_1135 = vector.shape_cast %concatenate3A_1129 : vector<1x3xf32> to vector<1x1x3xf32>
      tpu.vector_store %arg4[%swap3A_1130, %swap3A_1131, %swap3A_1132], %swap3A_1135 {strides = array<i32>} : memref<1x64x3xf32, #tpu.memory_space<vmem>>, vector<1x1x3xf32>,
      %concatenate3A_1136 = tpu.concatenate %broadcast_in_dim3A_155, %broadcast_in_dim3A_291, %broadcast_in_dim3A_430, %broadcast_in_dim3A_569, %broadcast_in_dim3A_708, %broadcast_in_dim3A_847, %broadcast_in_dim3A_986, %broadcast_in_dim3A_1125 in 0 : vector<1x392x128xf32>, vector<1x392x128xf32>, vector<1x392x128xf32>, vector<1x392x128xf32>, vector<1x392x128xf32>, vector<1x392x128xf32>, vector<1x392x128xf32>, vector<1x392x128xf32> -> vector<8x392x128xf32>
      %broadcast_in_dim3A_1137 = arith.constant 0 : i32
      %broadcast_in_dim3A_1138 = vector.broadcast %broadcast_in_dim3A_1137 : i32 to vector<8x1x32xi32>
      %scan3A_1139 = arith.constant 0 : i32
      %scan3A_1140 = arith.constant 32 : i32
      %scan3A_1141 = arith.addi %scan3A_1139, %scan3A_1140 : i32
      %scan3A_1142 = arith.constant 1 : i32
      %scan3A_1143:2 = scf.for %scan3A_1154 = %scan3A_1139 to %scan3A_1141 step %scan3A_1142 iter_args(%scan3A_1155 = %concatenate3A_1136, %scan3A_1156 = %broadcast_in_dim3A_1138) -> (vector<8x392x128xf32>, vector<8x1x32xi32>)  : i32 {
        %reduce_min3A = arith.constant dense<0x7F800000> : vector<8xf32>
        %reduce_min3A_1157 = vector.multi_reduction <minimumf>, %scan3A_1155, %reduce_min3A [1, 2] : vector<8x392x128xf32> to vector<8xf32>
        %broadcast_in_dim3A_1158 = vector.shape_cast %reduce_min3A_1157 : vector<8xf32> to vector<8x1x1xf32>
        %eq3A_1159 = vector.broadcast %broadcast_in_dim3A_1158 : vector<8x1x1xf32> to vector<8x392x128xf32>
        %eq3A_1160 = arith.cmpf oeq, %scan3A_1155, %eq3A_1159 : vector<8x392x128xf32>
        %jit3A_1161 = arith.constant 50176 : i32
        %broadcast_in_dim3A_1162 = vector.shape_cast %broadcast_in_dim3A : vector<1x392x128xi32> to vector<1x392x128xi32>
        %broadcast_in_dim3A_1163 = vector.broadcast %broadcast_in_dim3A_1162 : vector<1x392x128xi32> to vector<8x392x128xi32>
        %broadcast_in_dim3A_1164 = vector.broadcast %jit3A_1161 : i32 to vector<8x392x128xi32>
        %select_n3A_1165 = arith.select %eq3A_1160, %broadcast_in_dim3A_1163, %broadcast_in_dim3A_1164 : vector<8x392x128xi1>, vector<8x392x128xi32>
        %reduce_min3A_1166 = arith.constant dense<2147483647> : vector<8xi32>
        %reduce_min3A_1167 = vector.multi_reduction <minsi>, %select_n3A_1165, %reduce_min3A_1166 [1, 2] : vector<8x392x128xi32> to vector<8xi32>
        %broadcast_in_dim3A_1168 = vector.shape_cast %reduce_min3A_1167 : vector<8xi32> to vector<8x1x1xi32>
        %eq3A_1169 = vector.broadcast %scan3A_1154 : i32 to vector<1x1x32xi32>
        %eq3A_1170 = arith.cmpi eq, %iota3A_32, %eq3A_1169 : vector<1x1x32xi32>
        %broadcast_in_dim3A_1171 = vector.shape_cast %eq3A_1170 : vector<1x1x32xi1> to vector<1x1x32xi1>
        %broadcast_in_dim3A_1172 = vector.broadcast %broadcast_in_dim3A_1171 : vector<1x1x32xi1> to vector<8x1x32xi1>
        %broadcast_in_dim3A_1173 = vector.shape_cast %broadcast_in_dim3A_1168 : vector<8x1x1xi32> to vector<8x1x1xi32>
        %broadcast_in_dim3A_1174 = vector.broadcast %broadcast_in_dim3A_1173 : vector<8x1x1xi32> to vector<8x1x32xi32>
        %select_n3A_1175 = arith.select %broadcast_in_dim3A_1172, %broadcast_in_dim3A_1174, %scan3A_1156 : vector<8x1x32xi1>, vector<8x1x32xi32>
        %eq3A_1176 = vector.broadcast %broadcast_in_dim3A : vector<1x392x128xi32> to vector<8x392x128xi32>
        %eq3A_1177 = vector.broadcast %broadcast_in_dim3A_1168 : vector<8x1x1xi32> to vector<8x392x128xi32>
        %eq3A_1178 = arith.cmpi eq, %eq3A_1176, %eq3A_1177 : vector<8x392x128xi32>
        %jit3A_1179 = arith.constant 3.000000e+38 : f32
        %broadcast_in_dim3A_1180 = vector.broadcast %jit3A_1179 : f32 to vector<8x392x128xf32>
        %select_n3A_1181 = arith.select %eq3A_1178, %broadcast_in_dim3A_1180, %scan3A_1155 : vector<8x392x128xi1>, vector<8x392x128xf32>
        scf.yield %select_n3A_1181, %select_n3A_1175 : vector<8x392x128xf32>, vector<8x1x32xi32>
      }
      %scan3A_1144 = arith.constant 32 : i32
      %reshape3A_1145 = vector.shape_cast %scan3A_1143#1 : vector<8x1x32xi32> to vector<8x32xi32>
      %mul3A_1146 = arith.constant 8 : i32
      %mul3A_1147 = arith.muli %scan3A_37, %mul3A_1146 : i32
      %swap3A_1148 = arith.constant 0 : index
      %swap3A_1149 = arith.index_cast %mul3A_1147 : i32 to index
      %swap3A_1150 = arith.constant 0 : index
      %swap3A_1151 = vector.load %arg3[%swap3A_1148, %swap3A_1149, %swap3A_1150] : memref<1x64x32xi32, #tpu.memory_space<vmem>>, vector<1x8x32xi32>
      %swap3A_1152 = vector.shape_cast %swap3A_1151 : vector<1x8x32xi32> to vector<8x32xi32>
      %swap3A_1153 = vector.shape_cast %reshape3A_1145 : vector<8x32xi32> to vector<1x8x32xi32>
      tpu.vector_store %arg3[%swap3A_1148, %swap3A_1149, %swap3A_1150], %swap3A_1153 {strides = array<i32>} : memref<1x64x32xi32, #tpu.memory_space<vmem>>, vector<1x8x32xi32>,
    }
    %scan3A_36 = arith.constant 8 : i32
    return
  }
  func.func @transform_0(%arg0: i32) -> (i32, i32, i32, i32) {
    %c0_i32 = arith.constant 0 : i32
    %c0_i32_0 = arith.constant 0 : i32
    %c0_i32_1 = arith.constant 0 : i32
    %c0_i32_2 = arith.constant 0 : i32
    return %arg0, %c0_i32, %c0_i32_0, %c0_i32_1 : i32, i32, i32, i32
  }
  func.func @transform_1(%arg0: i32) -> (i32, i32, i32) {
    %c0_i32 = arith.constant 0 : i32
    %c0_i32_0 = arith.constant 0 : i32
    %c0_i32_1 = arith.constant 0 : i32
    return %arg0, %c0_i32, %c0_i32_0 : i32, i32, i32
  }
  func.func @transform_2(%arg0: i32) -> (i32, i32, i32) {
    %c0_i32 = arith.constant 0 : i32
    %c0_i32_0 = arith.constant 0 : i32
    %c0_i32_1 = arith.constant 0 : i32
    return %arg0, %c0_i32, %c0_i32_0 : i32, i32, i32
  }
  func.func @transform_3(%arg0: i32) -> (i32, i32, i32) {
    %c0_i32 = arith.constant 0 : i32
    %c0_i32_0 = arith.constant 0 : i32
    %c0_i32_1 = arith.constant 0 : i32
    return %arg0, %c0_i32, %c0_i32_0 : i32, i32, i32
  }
}

module attributes {stable_mosaic.version = 14 : i64} {
  func.func @_enc_body(%arg0: memref<32x6x512xf32, #tpu.memory_space<vmem>>, %arg1: memref<6x512xf32, #tpu.memory_space<vmem>>, %arg2: memref<6x128xf32, #tpu.memory_space<vmem>>, %arg3: memref<1x128xf32, #tpu.memory_space<vmem>>, %arg4: memref<1x128xf32, #tpu.memory_space<vmem>>, %arg5: memref<1x128xf32, #tpu.memory_space<vmem>>, %arg6: memref<128x256xf32, #tpu.memory_space<vmem>>, %arg7: memref<1x256xf32, #tpu.memory_space<vmem>>, %arg8: memref<256x512xf32, #tpu.memory_space<vmem>>, %arg9: memref<256x512xf32, #tpu.memory_space<vmem>>, %arg10: memref<1x512xf32, #tpu.memory_space<vmem>>, %arg11: memref<1x512xf32, #tpu.memory_space<vmem>>, %arg12: memref<1x512xf32, #tpu.memory_space<vmem>>, %arg13: memref<512x384xf32, #tpu.memory_space<vmem>>, %arg14: memref<1x384xf32, #tpu.memory_space<vmem>>, %arg15: memref<512x384xf32, #tpu.memory_space<vmem>>, %arg16: memref<32x512x256xf32, #tpu.memory_space<vmem>>) attributes {dimension_semantics = [], scalar_prefetch = 0 : i64, scratch_operands = 1 : i64, tpu.core_type = #tpu.core_type<tc>} {
    %get3A = arith.constant 0 : index
    %get3A_0 = arith.constant 0 : index
    %get3A_1 = vector.load %arg2[%get3A, %get3A_0] : memref<6x128xf32, #tpu.memory_space<vmem>>, vector<6x128xf32>
    %broadcast_in_dim3A = arith.constant 0.000000e+00 : f32
    %broadcast_in_dim3A_2 = vector.broadcast %broadcast_in_dim3A : f32 to vector<1x128xf32>
    %scan3A = arith.constant 0 : i32
    %scan3A_3 = arith.constant 32 : i32
    %scan3A_4 = arith.addi %scan3A, %scan3A_3 : i32
    %scan3A_5 = arith.constant 1 : i32
    %scan3A_6 = scf.for %scan3A_93 = %scan3A to %scan3A_4 step %scan3A_5 iter_args(%scan3A_94 = %broadcast_in_dim3A_2) -> (vector<1x128xf32>)  : i32 {
      %get3A_95 = arith.index_cast %scan3A_93 : i32 to index
      %get3A_96 = arith.constant 0 : index
      %get3A_97 = arith.constant 0 : index
      %get3A_98 = vector.load %arg0[%get3A_95, %get3A_96, %get3A_97] : memref<32x6x512xf32, #tpu.memory_space<vmem>>, vector<1x6x512xf32>
      %squeeze3A = vector.shape_cast %get3A_98 : vector<1x6x512xf32> to vector<6x512xf32>
      %get3A_99 = arith.constant 0 : index
      %get3A_100 = arith.constant 0 : index
      %get3A_101 = vector.load %arg1[%get3A_99, %get3A_100] : memref<6x512xf32, #tpu.memory_space<vmem>>, vector<6x512xf32>
      %sub3A = arith.subf %squeeze3A, %get3A_101 : vector<6x512xf32>
      %dot_general3A_102 = arith.constant dense<0.000000e+00> : vector<512x128xf32>
      %dot_general3A_103 = tpu.matmul %sub3A, %get3A_1, %dot_general3A_102 {dimension_numbers = #tpu.dot_dimension_numbers<[0], [0], [1], [1], [0, 1, 1, 1], [], []>, transpose_lhs_hint = false} : vector<6x512xf32>, vector<6x128xf32>, vector<512x128xf32> -> vector<512x128xf32>
      %get3A_104 = arith.constant 0 : index
      %get3A_105 = arith.constant 0 : index
      %get3A_106 = vector.load %arg3[%get3A_104, %get3A_105] : memref<1x128xf32, #tpu.memory_space<vmem>>, vector<1x128xf32>
      %add3A_107 = vector.broadcast %get3A_106 : vector<1x128xf32> to vector<512x128xf32>
      %add3A_108 = arith.addf %dot_general3A_103, %add3A_107 : vector<512x128xf32>
      %reduce_sum3A = arith.constant dense<0.000000e+00> : vector<128xf32>
      %reduce_sum3A_109 = vector.multi_reduction <add>, %add3A_108, %reduce_sum3A [0] : vector<512x128xf32> to vector<128xf32>
      %broadcast_in_dim3A_110 = vector.shape_cast %reduce_sum3A_109 : vector<128xf32> to vector<1x128xf32>
      %add3A_111 = arith.addf %scan3A_94, %broadcast_in_dim3A_110 : vector<1x128xf32>
      scf.yield %add3A_111 : vector<1x128xf32>
    }
    %scan3A_7 = arith.constant 32 : i32
    %div3A = arith.constant 1.638400e+04 : f32
    %div3A_8 = vector.broadcast %div3A : f32 to vector<1x128xf32>
    %div3A_9 = arith.divf %scan3A_6, %div3A_8 : vector<1x128xf32>
    %broadcast_in_dim3A_10 = arith.constant 0.000000e+00 : f32
    %broadcast_in_dim3A_11 = vector.broadcast %broadcast_in_dim3A_10 : f32 to vector<1x128xf32>
    %scan3A_12 = arith.constant 0 : i32
    %scan3A_13 = arith.constant 32 : i32
    %scan3A_14 = arith.addi %scan3A_12, %scan3A_13 : i32
    %scan3A_15 = arith.constant 1 : i32
    %scan3A_16 = scf.for %scan3A_93 = %scan3A_12 to %scan3A_14 step %scan3A_15 iter_args(%scan3A_94 = %broadcast_in_dim3A_11) -> (vector<1x128xf32>)  : i32 {
      %get3A_95 = arith.index_cast %scan3A_93 : i32 to index
      %get3A_96 = arith.constant 0 : index
      %get3A_97 = arith.constant 0 : index
      %get3A_98 = vector.load %arg0[%get3A_95, %get3A_96, %get3A_97] : memref<32x6x512xf32, #tpu.memory_space<vmem>>, vector<1x6x512xf32>
      %squeeze3A = vector.shape_cast %get3A_98 : vector<1x6x512xf32> to vector<6x512xf32>
      %get3A_99 = arith.constant 0 : index
      %get3A_100 = arith.constant 0 : index
      %get3A_101 = vector.load %arg1[%get3A_99, %get3A_100] : memref<6x512xf32, #tpu.memory_space<vmem>>, vector<6x512xf32>
      %sub3A = arith.subf %squeeze3A, %get3A_101 : vector<6x512xf32>
      %dot_general3A_102 = arith.constant dense<0.000000e+00> : vector<512x128xf32>
      %dot_general3A_103 = tpu.matmul %sub3A, %get3A_1, %dot_general3A_102 {dimension_numbers = #tpu.dot_dimension_numbers<[0], [0], [1], [1], [0, 1, 1, 1], [], []>, transpose_lhs_hint = false} : vector<6x512xf32>, vector<6x128xf32>, vector<512x128xf32> -> vector<512x128xf32>
      %get3A_104 = arith.constant 0 : index
      %get3A_105 = arith.constant 0 : index
      %get3A_106 = vector.load %arg3[%get3A_104, %get3A_105] : memref<1x128xf32, #tpu.memory_space<vmem>>, vector<1x128xf32>
      %add3A_107 = vector.broadcast %get3A_106 : vector<1x128xf32> to vector<512x128xf32>
      %add3A_108 = arith.addf %dot_general3A_103, %add3A_107 : vector<512x128xf32>
      %sub3A_109 = vector.broadcast %div3A_9 : vector<1x128xf32> to vector<512x128xf32>
      %sub3A_110 = arith.subf %add3A_108, %sub3A_109 : vector<512x128xf32>
      %mul3A = arith.mulf %sub3A_110, %sub3A_110 : vector<512x128xf32>
      %reduce_sum3A = arith.constant dense<0.000000e+00> : vector<128xf32>
      %reduce_sum3A_111 = vector.multi_reduction <add>, %mul3A, %reduce_sum3A [0] : vector<512x128xf32> to vector<128xf32>
      %broadcast_in_dim3A_112 = vector.shape_cast %reduce_sum3A_111 : vector<128xf32> to vector<1x128xf32>
      %add3A_113 = arith.addf %scan3A_94, %broadcast_in_dim3A_112 : vector<1x128xf32>
      scf.yield %add3A_113 : vector<1x128xf32>
    }
    %scan3A_17 = arith.constant 32 : i32
    %get3A_18 = arith.constant 0 : index
    %get3A_19 = arith.constant 0 : index
    %get3A_20 = vector.load %arg4[%get3A_18, %get3A_19] : memref<1x128xf32, #tpu.memory_space<vmem>>, vector<1x128xf32>
    %div3A_21 = arith.constant 1.638400e+04 : f32
    %div3A_22 = vector.broadcast %div3A_21 : f32 to vector<1x128xf32>
    %div3A_23 = arith.divf %scan3A_16, %div3A_22 : vector<1x128xf32>
    %add3A = arith.constant 9.99999974E-6 : f32
    %add3A_24 = vector.broadcast %add3A : f32 to vector<1x128xf32>
    %add3A_25 = arith.addf %div3A_23, %add3A_24 : vector<1x128xf32>
    %sqrt3A = math.sqrt %add3A_25 : vector<1x128xf32>
    %div3A_26 = arith.divf %get3A_20, %sqrt3A : vector<1x128xf32>
    %get3A_27 = arith.constant 0 : index
    %get3A_28 = arith.constant 0 : index
    %get3A_29 = vector.load %arg6[%get3A_27, %get3A_28] : memref<128x256xf32, #tpu.memory_space<vmem>>, vector<128x256xf32>
    %broadcast_in_dim3A_30 = arith.constant -3.000000e+38 : f32
    %broadcast_in_dim3A_31 = vector.broadcast %broadcast_in_dim3A_30 : f32 to vector<512x256xf32>
    %scan3A_32 = arith.constant 0 : i32
    %scan3A_33 = arith.constant 32 : i32
    %scan3A_34 = arith.addi %scan3A_32, %scan3A_33 : i32
    %scan3A_35 = arith.constant 1 : i32
    %scan3A_36 = scf.for %scan3A_93 = %scan3A_32 to %scan3A_34 step %scan3A_35 iter_args(%scan3A_94 = %broadcast_in_dim3A_31) -> (vector<512x256xf32>)  : i32 {
      %get3A_95 = arith.index_cast %scan3A_93 : i32 to index
      %get3A_96 = arith.constant 0 : index
      %get3A_97 = arith.constant 0 : index
      %get3A_98 = vector.load %arg0[%get3A_95, %get3A_96, %get3A_97] : memref<32x6x512xf32, #tpu.memory_space<vmem>>, vector<1x6x512xf32>
      %squeeze3A = vector.shape_cast %get3A_98 : vector<1x6x512xf32> to vector<6x512xf32>
      %get3A_99 = arith.constant 0 : index
      %get3A_100 = arith.constant 0 : index
      %get3A_101 = vector.load %arg1[%get3A_99, %get3A_100] : memref<6x512xf32, #tpu.memory_space<vmem>>, vector<6x512xf32>
      %sub3A = arith.subf %squeeze3A, %get3A_101 : vector<6x512xf32>
      %dot_general3A_102 = arith.constant dense<0.000000e+00> : vector<512x128xf32>
      %dot_general3A_103 = tpu.matmul %sub3A, %get3A_1, %dot_general3A_102 {dimension_numbers = #tpu.dot_dimension_numbers<[0], [0], [1], [1], [0, 1, 1, 1], [], []>, transpose_lhs_hint = false} : vector<6x512xf32>, vector<6x128xf32>, vector<512x128xf32> -> vector<512x128xf32>
      %get3A_104 = arith.constant 0 : index
      %get3A_105 = arith.constant 0 : index
      %get3A_106 = vector.load %arg3[%get3A_104, %get3A_105] : memref<1x128xf32, #tpu.memory_space<vmem>>, vector<1x128xf32>
      %add3A_107 = vector.broadcast %get3A_106 : vector<1x128xf32> to vector<512x128xf32>
      %add3A_108 = arith.addf %dot_general3A_103, %add3A_107 : vector<512x128xf32>
      %sub3A_109 = vector.broadcast %div3A_9 : vector<1x128xf32> to vector<512x128xf32>
      %sub3A_110 = arith.subf %add3A_108, %sub3A_109 : vector<512x128xf32>
      %mul3A = vector.broadcast %div3A_26 : vector<1x128xf32> to vector<512x128xf32>
      %mul3A_111 = arith.mulf %sub3A_110, %mul3A : vector<512x128xf32>
      %get3A_112 = arith.constant 0 : index
      %get3A_113 = arith.constant 0 : index
      %get3A_114 = vector.load %arg5[%get3A_112, %get3A_113] : memref<1x128xf32, #tpu.memory_space<vmem>>, vector<1x128xf32>
      %add3A_115 = vector.broadcast %get3A_114 : vector<1x128xf32> to vector<512x128xf32>
      %add3A_116 = arith.addf %mul3A_111, %add3A_115 : vector<512x128xf32>
      %max3A = arith.constant 0.000000e+00 : f32
      %max3A_117 = vector.broadcast %max3A : f32 to vector<512x128xf32>
      %max3A_118 = arith.maximumf %add3A_116, %max3A_117 : vector<512x128xf32>
      %dot_general3A_119 = arith.constant dense<0.000000e+00> : vector<512x256xf32>
      %dot_general3A_120 = tpu.matmul %max3A_118, %get3A_29, %dot_general3A_119 {dimension_numbers = #tpu.dot_dimension_numbers<[1], [0], [0], [1], [0, 0, 1, 1], [], []>, transpose_lhs_hint = false} : vector<512x128xf32>, vector<128x256xf32>, vector<512x256xf32> -> vector<512x256xf32>
      %get3A_121 = arith.constant 0 : index
      %get3A_122 = arith.constant 0 : index
      %get3A_123 = vector.load %arg7[%get3A_121, %get3A_122] : memref<1x256xf32, #tpu.memory_space<vmem>>, vector<1x256xf32>
      %add3A_124 = vector.broadcast %get3A_123 : vector<1x256xf32> to vector<512x256xf32>
      %add3A_125 = arith.addf %dot_general3A_120, %add3A_124 : vector<512x256xf32>
      %broadcast_in_dim3A_126 = vector.shape_cast %add3A_125 : vector<512x256xf32> to vector<1x512x256xf32>
      %swap3A_127 = arith.index_cast %scan3A_93 : i32 to index
      %swap3A_128 = arith.constant 0 : index
      %swap3A_129 = arith.constant 0 : index
      %swap3A_130 = vector.load %arg16[%swap3A_127, %swap3A_128, %swap3A_129] : memref<32x512x256xf32, #tpu.memory_space<vmem>>, vector<1x512x256xf32>
      tpu.vector_store %arg16[%swap3A_127, %swap3A_128, %swap3A_129], %broadcast_in_dim3A_126 {strides = array<i32>} : memref<32x512x256xf32, #tpu.memory_space<vmem>>, vector<1x512x256xf32>,
      %max3A_131 = arith.maximumf %scan3A_94, %add3A_125 : vector<512x256xf32>
      scf.yield %max3A_131 : vector<512x256xf32>
    }
    %scan3A_37 = arith.constant 32 : i32
    %get3A_38 = arith.constant 0 : index
    %get3A_39 = arith.constant 0 : index
    %get3A_40 = vector.load %arg8[%get3A_38, %get3A_39] : memref<256x512xf32, #tpu.memory_space<vmem>>, vector<256x512xf32>
    %dot_general3A = arith.constant dense<0.000000e+00> : vector<512x512xf32>
    %dot_general3A_41 = tpu.matmul %scan3A_36, %get3A_40, %dot_general3A {dimension_numbers = #tpu.dot_dimension_numbers<[1], [0], [0], [1], [0, 0, 1, 1], [], []>, transpose_lhs_hint = false} : vector<512x256xf32>, vector<256x512xf32>, vector<512x512xf32> -> vector<512x512xf32>
    %get3A_42 = arith.constant 0 : index
    %get3A_43 = arith.constant 0 : index
    %get3A_44 = vector.load %arg10[%get3A_42, %get3A_43] : memref<1x512xf32, #tpu.memory_space<vmem>>, vector<1x512xf32>
    %add3A_45 = vector.broadcast %get3A_44 : vector<1x512xf32> to vector<512x512xf32>
    %add3A_46 = arith.addf %dot_general3A_41, %add3A_45 : vector<512x512xf32>
    %get3A_47 = arith.constant 0 : index
    %get3A_48 = arith.constant 0 : index
    %get3A_49 = vector.load %arg9[%get3A_47, %get3A_48] : memref<256x512xf32, #tpu.memory_space<vmem>>, vector<256x512xf32>
    %broadcast_in_dim3A_50 = arith.constant 0.000000e+00 : f32
    %broadcast_in_dim3A_51 = vector.broadcast %broadcast_in_dim3A_50 : f32 to vector<1x512xf32>
    %scan3A_52 = arith.constant 0 : i32
    %scan3A_53 = arith.constant 32 : i32
    %scan3A_54 = arith.addi %scan3A_52, %scan3A_53 : i32
    %scan3A_55 = arith.constant 1 : i32
    %scan3A_56 = scf.for %scan3A_93 = %scan3A_52 to %scan3A_54 step %scan3A_55 iter_args(%scan3A_94 = %broadcast_in_dim3A_51) -> (vector<1x512xf32>)  : i32 {
      %get3A_95 = arith.index_cast %scan3A_93 : i32 to index
      %get3A_96 = arith.constant 0 : index
      %get3A_97 = arith.constant 0 : index
      %get3A_98 = vector.load %arg16[%get3A_95, %get3A_96, %get3A_97] : memref<32x512x256xf32, #tpu.memory_space<vmem>>, vector<1x512x256xf32>
      %squeeze3A = vector.shape_cast %get3A_98 : vector<1x512x256xf32> to vector<512x256xf32>
      %dot_general3A_99 = arith.constant dense<0.000000e+00> : vector<512x512xf32>
      %dot_general3A_100 = tpu.matmul %squeeze3A, %get3A_49, %dot_general3A_99 {dimension_numbers = #tpu.dot_dimension_numbers<[1], [0], [0], [1], [0, 0, 1, 1], [], []>, transpose_lhs_hint = false} : vector<512x256xf32>, vector<256x512xf32>, vector<512x512xf32> -> vector<512x512xf32>
      %add3A_101 = arith.addf %add3A_46, %dot_general3A_100 : vector<512x512xf32>
      %reduce_sum3A = arith.constant dense<0.000000e+00> : vector<512xf32>
      %reduce_sum3A_102 = vector.multi_reduction <add>, %add3A_101, %reduce_sum3A [0] : vector<512x512xf32> to vector<512xf32>
      %broadcast_in_dim3A_103 = vector.shape_cast %reduce_sum3A_102 : vector<512xf32> to vector<1x512xf32>
      %add3A_104 = arith.addf %scan3A_94, %broadcast_in_dim3A_103 : vector<1x512xf32>
      scf.yield %add3A_104 : vector<1x512xf32>
    }
    %scan3A_57 = arith.constant 32 : i32
    %div3A_58 = arith.constant 1.638400e+04 : f32
    %div3A_59 = vector.broadcast %div3A_58 : f32 to vector<1x512xf32>
    %div3A_60 = arith.divf %scan3A_56, %div3A_59 : vector<1x512xf32>
    %broadcast_in_dim3A_61 = arith.constant 0.000000e+00 : f32
    %broadcast_in_dim3A_62 = vector.broadcast %broadcast_in_dim3A_61 : f32 to vector<1x512xf32>
    %scan3A_63 = arith.constant 0 : i32
    %scan3A_64 = arith.constant 32 : i32
    %scan3A_65 = arith.addi %scan3A_63, %scan3A_64 : i32
    %scan3A_66 = arith.constant 1 : i32
    %scan3A_67 = scf.for %scan3A_93 = %scan3A_63 to %scan3A_65 step %scan3A_66 iter_args(%scan3A_94 = %broadcast_in_dim3A_62) -> (vector<1x512xf32>)  : i32 {
      %get3A_95 = arith.index_cast %scan3A_93 : i32 to index
      %get3A_96 = arith.constant 0 : index
      %get3A_97 = arith.constant 0 : index
      %get3A_98 = vector.load %arg16[%get3A_95, %get3A_96, %get3A_97] : memref<32x512x256xf32, #tpu.memory_space<vmem>>, vector<1x512x256xf32>
      %squeeze3A = vector.shape_cast %get3A_98 : vector<1x512x256xf32> to vector<512x256xf32>
      %dot_general3A_99 = arith.constant dense<0.000000e+00> : vector<512x512xf32>
      %dot_general3A_100 = tpu.matmul %squeeze3A, %get3A_49, %dot_general3A_99 {dimension_numbers = #tpu.dot_dimension_numbers<[1], [0], [0], [1], [0, 0, 1, 1], [], []>, transpose_lhs_hint = false} : vector<512x256xf32>, vector<256x512xf32>, vector<512x512xf32> -> vector<512x512xf32>
      %add3A_101 = arith.addf %add3A_46, %dot_general3A_100 : vector<512x512xf32>
      %sub3A = vector.broadcast %div3A_60 : vector<1x512xf32> to vector<512x512xf32>
      %sub3A_102 = arith.subf %add3A_101, %sub3A : vector<512x512xf32>
      %mul3A = arith.mulf %sub3A_102, %sub3A_102 : vector<512x512xf32>
      %reduce_sum3A = arith.constant dense<0.000000e+00> : vector<512xf32>
      %reduce_sum3A_103 = vector.multi_reduction <add>, %mul3A, %reduce_sum3A [0] : vector<512x512xf32> to vector<512xf32>
      %broadcast_in_dim3A_104 = vector.shape_cast %reduce_sum3A_103 : vector<512xf32> to vector<1x512xf32>
      %add3A_105 = arith.addf %scan3A_94, %broadcast_in_dim3A_104 : vector<1x512xf32>
      scf.yield %add3A_105 : vector<1x512xf32>
    }
    %scan3A_68 = arith.constant 32 : i32
    %get3A_69 = arith.constant 0 : index
    %get3A_70 = arith.constant 0 : index
    %get3A_71 = vector.load %arg11[%get3A_69, %get3A_70] : memref<1x512xf32, #tpu.memory_space<vmem>>, vector<1x512xf32>
    %div3A_72 = arith.constant 1.638400e+04 : f32
    %div3A_73 = vector.broadcast %div3A_72 : f32 to vector<1x512xf32>
    %div3A_74 = arith.divf %scan3A_67, %div3A_73 : vector<1x512xf32>
    %add3A_75 = arith.constant 9.99999974E-6 : f32
    %add3A_76 = vector.broadcast %add3A_75 : f32 to vector<1x512xf32>
    %add3A_77 = arith.addf %div3A_74, %add3A_76 : vector<1x512xf32>
    %sqrt3A_78 = math.sqrt %add3A_77 : vector<1x512xf32>
    %div3A_79 = arith.divf %get3A_71, %sqrt3A_78 : vector<1x512xf32>
    %get3A_80 = arith.constant 0 : index
    %get3A_81 = arith.constant 0 : index
    %get3A_82 = vector.load %arg13[%get3A_80, %get3A_81] : memref<512x384xf32, #tpu.memory_space<vmem>>, vector<512x384xf32>
    %broadcast_in_dim3A_83 = arith.constant -3.000000e+38 : f32
    %broadcast_in_dim3A_84 = vector.broadcast %broadcast_in_dim3A_83 : f32 to vector<512x384xf32>
    %scan3A_85 = arith.constant 0 : i32
    %scan3A_86 = arith.constant 32 : i32
    %scan3A_87 = arith.addi %scan3A_85, %scan3A_86 : i32
    %scan3A_88 = arith.constant 1 : i32
    %scan3A_89 = scf.for %scan3A_93 = %scan3A_85 to %scan3A_87 step %scan3A_88 iter_args(%scan3A_94 = %broadcast_in_dim3A_84) -> (vector<512x384xf32>)  : i32 {
      %get3A_95 = arith.index_cast %scan3A_93 : i32 to index
      %get3A_96 = arith.constant 0 : index
      %get3A_97 = arith.constant 0 : index
      %get3A_98 = vector.load %arg16[%get3A_95, %get3A_96, %get3A_97] : memref<32x512x256xf32, #tpu.memory_space<vmem>>, vector<1x512x256xf32>
      %squeeze3A = vector.shape_cast %get3A_98 : vector<1x512x256xf32> to vector<512x256xf32>
      %dot_general3A_99 = arith.constant dense<0.000000e+00> : vector<512x512xf32>
      %dot_general3A_100 = tpu.matmul %squeeze3A, %get3A_49, %dot_general3A_99 {dimension_numbers = #tpu.dot_dimension_numbers<[1], [0], [0], [1], [0, 0, 1, 1], [], []>, transpose_lhs_hint = false} : vector<512x256xf32>, vector<256x512xf32>, vector<512x512xf32> -> vector<512x512xf32>
      %add3A_101 = arith.addf %add3A_46, %dot_general3A_100 : vector<512x512xf32>
      %sub3A = vector.broadcast %div3A_60 : vector<1x512xf32> to vector<512x512xf32>
      %sub3A_102 = arith.subf %add3A_101, %sub3A : vector<512x512xf32>
      %mul3A = vector.broadcast %div3A_79 : vector<1x512xf32> to vector<512x512xf32>
      %mul3A_103 = arith.mulf %sub3A_102, %mul3A : vector<512x512xf32>
      %get3A_104 = arith.constant 0 : index
      %get3A_105 = arith.constant 0 : index
      %get3A_106 = vector.load %arg12[%get3A_104, %get3A_105] : memref<1x512xf32, #tpu.memory_space<vmem>>, vector<1x512xf32>
      %add3A_107 = vector.broadcast %get3A_106 : vector<1x512xf32> to vector<512x512xf32>
      %add3A_108 = arith.addf %mul3A_103, %add3A_107 : vector<512x512xf32>
      %max3A = arith.constant 0.000000e+00 : f32
      %max3A_109 = vector.broadcast %max3A : f32 to vector<512x512xf32>
      %max3A_110 = arith.maximumf %add3A_108, %max3A_109 : vector<512x512xf32>
      %dot_general3A_111 = arith.constant dense<0.000000e+00> : vector<512x384xf32>
      %dot_general3A_112 = tpu.matmul %max3A_110, %get3A_82, %dot_general3A_111 {dimension_numbers = #tpu.dot_dimension_numbers<[1], [0], [0], [1], [0, 0, 1, 1], [], []>, transpose_lhs_hint = false} : vector<512x512xf32>, vector<512x384xf32>, vector<512x384xf32> -> vector<512x384xf32>
      %get3A_113 = arith.constant 0 : index
      %get3A_114 = arith.constant 0 : index
      %get3A_115 = vector.load %arg14[%get3A_113, %get3A_114] : memref<1x384xf32, #tpu.memory_space<vmem>>, vector<1x384xf32>
      %add3A_116 = vector.broadcast %get3A_115 : vector<1x384xf32> to vector<512x384xf32>
      %add3A_117 = arith.addf %dot_general3A_112, %add3A_116 : vector<512x384xf32>
      %max3A_118 = arith.maximumf %scan3A_94, %add3A_117 : vector<512x384xf32>
      scf.yield %max3A_118 : vector<512x384xf32>
    }
    %scan3A_90 = arith.constant 32 : i32
    %swap3A = arith.constant 0 : index
    %swap3A_91 = arith.constant 0 : index
    %swap3A_92 = vector.load %arg15[%swap3A, %swap3A_91] : memref<512x384xf32, #tpu.memory_space<vmem>>, vector<512x384xf32>
    tpu.vector_store %arg15[%swap3A, %swap3A_91], %scan3A_89 {strides = array<i32>} : memref<512x384xf32, #tpu.memory_space<vmem>>, vector<512x384xf32>,
    return
  }
}

</mosaic_0001>

<sc_bundles>
// kernel: kernel.6.cloned.1.call-start
scs
__scs_entry_jumppad:
0x0: {  	(pc) =	sbr.rel $0x88, $3  }
0x1: {  	(tag) =	ssettag $0x0;
	lr =	simm.s32 $0x1  }
0x2: {  	[smem:$0x3F93] =	sst lr;
	_ =	strace $0xD0000000  }
0x3: {  	_ = 	snop  }
0x4: {  	_ = 	snop  }
0x5: {  	_ = 	snop  }
0x6: {  	_ = 	snop  }
0x7: {  	_ = 	snop  }
__scs_overlays_trampoline_lowered:
0x8: {  	[smem:$0x3FA2] =	sst s0  }
0x9: {  	[smem:$0x3FA3] =	sst s1  }
0xa: {  	[smem:$0x3FA4] =	sst s2  }
0xb: {  	[smem:$0x3FA5] =	sst s3  }
0xc: {  	[smem:$0x3FA6] =	sst s4  }
0xd: {  	[smem:$0x3FA7] =	sst s5  }
0xe: {  	[smem:$0x3FA8] =	sst s6  }
0xf: {  	[smem:$0x3FA9] =	sst s7  }
0x10: {  	[smem:$0x3FAA] =	sst s8  }
0x11: {  	[smem:$0x3FAB] =	sst s9;
	s0 =	simm.s32 @!p0 $0x0  }
0x12: {  	s1 =	sld [smem:$0x3F91];
	s0 =	simm.s32 @p0 $0x1  }
0x13: {  	[smem:$0x3FAC] =	sst s0;
	s0 =	simm.s32 @!p1 $0x0  }
0x14: {  	s2 =	sld [smem:$0x3F90];
	s0 =	simm.s32 @p1 $0x1  }
0x15: {  	[smem:$0x3FAD] =	sst s0;
	s0 =	simm.s32 @!p2 $0x0  }
0x16: {  	s3 =	sld [smem:$0x3FDB];
	s0 =	simm.s32 @p2 $0x1  }
0x17: {  	s4 =	simm.s32 $0x1BF5;
	[smem:$0x3FAF] =	sst s0  }
0x18: {  	s0 =	sld [smem:$0x3F92];
	_ =	swait.ge [sflag:s4], $0x0  }
0x19: {  	s7 =	sld [smem:$0x3F93]  }
0x1a: {  	s8 =	sadd.s32 $0xFFFFE003, lr  }
0x1b: {  	s9 =	sadd.s32 $0xFFFFFEF7, lr;
	s5 =	simm.s32 $0xFFFFFFFF;
	p2 =	slt.u32 s8, $0xFFFFF086  }
0x1c: {  	p1 =	slt.u32 s9, $0xF7A;
	s5 =	simm.s32 @!p2 $0x0  }
0x1d: {  	s5 =	simm.s32 @p1 $0x1;
	p0 =	seq.s32 s7, s2  }
0x1e: {  	s7 =	smul.u32 @!p0 $0xF7A, s2;
	p2 =	seq.s32 @!p0 s5, $0x0  }
0x1f: {  	s9 =	smul.u32 $0xF7A, s1;
	s8 =	simm.s32 @!p0 $0x1BF5;
	p2 =	por !p2, p0  }
0x20: {  	[sflag:s8] =	ssyncset.s32 @!p0 $0xFFFFF086;
	s6 =	sadd.s32 @!p0 s3, s7;
	s7 =	simm.s32 @!p0 $0x108  }
0x21: {  	s3 =	sadd.s32 s3, s9;
	s6 =	sadd.s32 @!p0 $0x88, s6;
	s7 =	simm.s32 @p2 $0x1082  }
0x22: {  	[simem:s7], [sflag:s8] =	dma.local @!p0 [hbm:s6], $0xF7A  }
0x23: {  	s9 =	sor.u32 $0xD0000000, s2;
	s6 =	simm.s32 $0x108;
	_ =	swait.ge @!p0 [sflag:s8], $0x0  }
0x24: {  	s3 =	sadd.s32 $0x88, s3;
	s6 =	simm.s32 @!p1 $0x1082;
	[sflag:s4] =	ssyncset.s32 $0xFFFFF086  }
0x25: {  	[simem:s6], [sflag:s4] =	dma.local [hbm:s3], $0xF7A  }
0x26: {  	[smem:$0x3F93] =	sst s1;
	(tag) =	ssettag s2;
	_ =	strace s9  }
0x27: {  	s1 =	sld [smem:$0x3FA3]  }
0x28: {  	s2 =	sld [smem:$0x3FA4]  }
0x29: {  	s4 =	sld [smem:$0x3FA6]  }
0x2a: {  	p0 =	seq.s32 s5, $0x0;
	s5 =	sld [smem:$0x3FA7]  }
0x2b: {  	s6 =	sld [smem:$0x3FA8]  }
0x2c: {  	s7 =	sld [smem:$0x3FA9]  }
0x2d: {  	s3 =	simm.s32 $0x108;
	s8 =	sld [smem:$0x3FAA]  }
0x2e: {  	s3 =	simm.s32 @!p0 $0x1082;
	s9 =	sld [smem:$0x3FAB]  }
0x2f: {  	lr =	sadd.s32 s0, s3;
	s0 =	sld [smem:$0x3FA2]  }
0x30: {  	s3 =	sld [smem:$0x3FA5]  }
0x31: {  	[smem:$0x3FAE] =	sst s10  }
0x32: {  	s10 =	sld [smem:$0x3FAC];
	_ =	sdelay $0x3  }
0x33: {  	p0 =	seq.s32 s10, $0x1;
	s10 =	sld [smem:$0x3FAE];
	_ =	sdelay $0x3  }
0x34: {  	[smem:$0x3FAE] =	sst s10  }
0x35: {  	s10 =	sld [smem:$0x3FAD];
	_ =	sdelay $0x3  }
0x36: {  	p1 =	seq.s32 s10, $0x1;
	s10 =	sld [smem:$0x3FAE];
	_ =	sdelay $0x3  }
0x37: {  	[smem:$0x3FAE] =	sst s10  }
0x38: {  	s10 =	sld [smem:$0x3FAF]  }
0x39: {  	_ = 	snop;
	(pc) =	sbr.ind lr, $3  }
0x3a: {  	_ = 	snop  }
0x3b: {  	_ = 	snop  }
0x3c: {  	p2 =	seq.s32 s10, $0x1;
	s10 =	sld [smem:$0x3FAE]  }
0x3d: {  	_ =	shalt  }
0x3e: {  	_ =	shalt  }
0x3f: {  	_ =	shalt  }
0x40: {  	_ =	shalt  }
0x41: {  	_ =	shalt  }
0x42: {  	_ =	shalt  }
0x43: {  	_ =	shalt  }
0x44: {  	_ =	shalt  }
0x45: {  	_ =	shalt  }
0x46: {  	_ =	shalt  }
0x47: {  	_ =	shalt  }
0x48: {  	_ =	shalt  }
0x49: {  	_ =	shalt  }
0x4a: {  	_ =	shalt  }
0x4b: {  	_ =	shalt  }
0x4c: {  	_ =	shalt  }
0x4d: {  	_ =	shalt  }
0x4e: {  	_ =	shalt  }
0x4f: {  	_ =	shalt  }
0x50: {  	_ =	shalt  }
0x51: {  	_ =	shalt  }
0x52: {  	_ =	shalt  }
0x53: {  	_ =	shalt  }
0x54: {  	_ =	shalt  }
0x55: {  	_ =	shalt  }
0x56: {  	_ =	shalt  }
0x57: {  	_ =	shalt  }
0x58: {  	_ =	shalt  }
0x59: {  	_ =	shalt  }
0x5a: {  	_ =	shalt  }
0x5b: {  	_ =	shalt  }
0x5c: {  	_ =	shalt  }
0x5d: {  	_ =	shalt  }
0x5e: {  	_ =	shalt  }
0x5f: {  	_ =	shalt  }
0x60: {  	_ =	shalt  }
0x61: {  	_ =	shalt  }
0x62: {  	_ =	shalt  }
0x63: {  	_ =	shalt  }
0x64: {  	_ =	shalt  }
0x65: {  	_ =	shalt  }
0x66: {  	_ =	shalt  }
0x67: {  	_ =	shalt  }
0x68: {  	_ =	shalt  }
0x69: {  	_ =	shalt  }
0x6a: {  	_ =	shalt  }
0x6b: {  	_ =	shalt  }
0x6c: {  	_ =	shalt  }
0x6d: {  	_ =	shalt  }
0x6e: {  	_ =	shalt  }
0x6f: {  	_ =	shalt  }
0x70: {  	_ =	shalt  }
0x71: {  	_ =	shalt  }
0x72: {  	_ =	shalt  }
0x73: {  	_ =	shalt  }
0x74: {  	_ =	shalt  }
0x75: {  	_ =	shalt  }
0x76: {  	_ =	shalt  }
0x77: {  	_ =	shalt  }
0x78: {  	_ =	shalt  }
0x79: {  	_ =	shalt  }
0x7a: {  	_ =	shalt  }
0x7b: {  	_ =	shalt  }
0x7c: {  	_ =	shalt  }
0x7d: {  	_ =	shalt  }
0x7e: {  	_ =	shalt  }
0x7f: {  	_ =	shalt  }
0x80: {  	_ =	shalt  }
0x81: {  	_ =	shalt  }
0x82: {  	_ =	shalt  }
0x83: {  	_ =	shalt  }
0x84: {  	_ =	shalt  }
0x85: {  	_ =	shalt  }
0x86: {  	_ =	shalt  }
0x87: {  	_ =	shalt  }
.Lfunc_end0:
.L_simem_size_0:
called_computation_lowered:
.L_overlay_start_0:
0x88: {  	s2 =	sld [smem:$0x3FD9]  }
0x89: {  	s3 =	sld [smem:$0x3FFE];
	_ =	sdelay $0x1  }
0x8a: {  	s1 =	srdreg.scid  }
0x8b: {  	s0 =	sand.u32 $0x1, s1  }
0x8c: {  	s17 =	sshll.u32 s0, $0xA;
	s2 =	sadd.s32 s3, s2  }
0x8d: {  	s2 =	sadd.s32 s2, s17  }
0x8e: {  	[smem:$0x3FBA] =	sst s2  }
0x8f: {  	_ = 	snop  }
0x90: {  	s2 =	sld [smem:$0x3FD0];
	(tm) =	ssettm $0x1  }
0x91: {  	s18 =	sld [smem:$0x3FFB];
	_ =	sdelay $0x3  }
0x92: {  	_ =	strace s18  }
0x93: {  	s3 =	sld [smem:$0x3FFC];
	_ =	sdelay $0x3  }
0x94: {  	_ =	strace s3  }
0x95: {  	s3 =	sld [smem:$0x3FFD];
	_ =	sdelay $0x3  }
0x96: {  	_ =	strace s3  }
0x97: {  	_ =	strace $0x8FFFFFFF  }
0x98: {  	s19 =	sld [smem:$0x3FDB];
	_ =	sdelay $0x1  }
0x99: {  	s4 =	simm.s32 $_scs_section_size  }
0x9a: {  	s5 =	simm.s32 $_size__tile_overlayer_lowered;
	s6 =	simm.s32 $_tile_overlayer_lowered  }
0x9b: {  	s22 =	simm.s32 $0x1BFF;
	s21 =	sshll.u32 s6, $0x1;
	s3 =	sadd.s32 s4, s19  }
0x9c: {  	s7 =	simm.s32 $0x0;
	s20 =	sshll.u32 s5, $0x1;
	s5 =	sadd.s32 s21, s3  }
0x9d: {  	[timem:s7], [sflag:s22] =	dma.local [hbm:s5], s20  }
0x9e: {  	_ =	swait.ge [sflag:s22], s20  }
0x9f: {  	s4 =	ssub.s32 $0x0, s20;
	[sflag:s22] =	ssyncset.done $0x0  }
0xa0: {  	[sflag:s22] =	ssyncadd.s32 s4;
	_ =	sdelay $0x1  }
0xa1: {  	s23 =	simm.s32 $0x1B8B  }
0xa2: {  	_ =	swait.ge [sflag:s23], $0x1  }
0xa3: {  	[sflag:s23] =	ssyncset.done $0x0  }
0xa4: {  	s25 =	simm.s32 $0x1B8E;
	s24 =	sld [smem:$0x3FFE];
	[sflag:s23] =	ssyncadd.s32 $0xFFFFFFFF  }
0xa5: {  	s26 =	simm.s32 $execute0_lowered;
	[smem:$0x3FD2] =	sst s25  }
0xa6: {  	s5 =	sshll.u32 s26, $0x1;
	_ =	strace $0x80000046;
	[dreg:$0x1] =	wrdreg $0xFFFFFFFF  }
0xa7: {  	s28 =	simm.s32 $_size_execute0_lowered;
	s3 =	sadd.s32 s3, s5;
	[dreg:$0x0] =	wrdreg $0x0  }
0xa8: {  	s5 =	sshll.u32 s28, $0x1;
	[dreg:$0x2] =	wrdreg s3  }
0xa9: {  	[dreg:$0x3] =	wrdreg s5  }
0xaa: {  	[dreg:$0x4] =	wrdreg $0xC0  }
0xab: {  	_ =	task [dreg:s7], $0x5FFFF  }
0xac: {  	[dreg:$0x1] =	wrdreg $0xFFFFFFFF  }
0xad: {  	[dreg:$0x0] =	wrdreg $0x60  }
0xae: {  	[dreg:$0x2] =	wrdreg s24  }
0xaf: {  	[dreg:$0x3] =	wrdreg s2  }
0xb0: {  	[dreg:$0x4] =	wrdreg $0x9  }
0xb1: {  	_ =	task.clear_ibuf [dreg:s7], $0x5FFFF;
	_ =	strace $0x90000046  }
0xb2: {  	s29 =	simm.s32 $0x9;
	_ =	strace $0x80000048  }
0xb3: {  	_ =	swait.ge [sflag:s29], $0x1  }
0xb4: {  	[sflag:s29] =	ssyncadd.s32 $0xFFFFFFFF  }
0xb5: {  	_ =	strace $0x90000048  }
0xb6: {  	_ =	sfence  }
0xb7: {  	s30 =	sld [smem:$0x0];
	_ =	sdelay $0x2  }
0xb8: {  	s31 =	sshll.u32 s1, $0xD;
	s1 =	sshrl.u32 s1, $0x2  }
0xb9: {  	s3 =	sand.u32 $0x4000, s31;
	s1 =	sadd.s32 s1, s30  }
0xba: {  	s0 =	sor.u32 s3, s0;
	s1 =	sshll.u32 s1, $0x11  }
0xbb: {  	s0 =	sor.u32 s1, s0  }
0xbc: {  	s0 =	sadd.s32 $0x8F2B, s0  }
0xbd: {  	[sflag:s0] =	ssyncadd.remote.s32 $0x1  }
0xbe: {  	_ =	sfence.sel $0xFFFF  }
0xbf: {  	[dreg:$0x0] =	wrdreg $0xFFFFFFFF;
	(pc) =	sbr.abs _section_cstart, $3  }
0xc0: {  	[dreg:$0x1] =	wrdreg $0xFFFFFFFF  }
0xc1: {  	_ =	task.clear_ibuf [dreg:s7], $0x2FFFF;
	_ =	strace $0x9FFFFFFF  }
0xc2: {  	(tm) =	ssettm $0x7FFFFFFF  }
0xc3: {  	_ =	shalt  }
tec
execute0_lowered:
.L_overlay_start_1:
0x0: {  	(tag) =	ssettag $0x1  }
0x1: {  	s0 =	stileid.u32;
	s1 =	srdreg.scid  }
0x2: {  	s3 =	rddreg [dreg:$0x0];
	s1 =	sand.u32 $0x1, s1;
	s2 =	sshll.u32 s0, $0x1  }
0x3: {  	s4 =	rddreg [dreg:$0x1];
	s6 =	sor.u32 s1, s2;
	s2 =	simm.s32 $0x0  }
0x4: {  	s25 =	simm.s32 $0x200;
	[smem:$0x7FF] =	sst s2  }
0x5: {  	s26 =	simm.s32 $0x280;
	_ =	strace $0x80000047;
	[dreg:$0x5] =	wrdreg s25  }
0x6: {  	s5 =	sshll.u32 s0, $0x7;
	s0 =	simm.s32 $0xE80;
	[dreg:$0x6] =	wrdreg s26  }
0x7: {  	s8 =	simm.s32 $0xF80;
	[dreg:$0x7] =	wrdreg s0  }
0x8: {  	s9 =	simm.s32 $0x1000;
	[dreg:$0xb] =	wrdreg s8  }
0x9: {  	s10 =	simm.s32 $0x480;
	[dreg:$0xc] =	wrdreg s9  }
0xa: {  	s11 =	simm.s32 $0x1080;
	[dreg:$0xd] =	wrdreg s10  }
0xb: {  	s12 =	simm.s32 $0x500;
	[dreg:$0xe] =	wrdreg s11  }
0xc: {  	s13 =	simm.s32 $0x1100;
	s14 =	simm.s32 $0x580;
	[dreg:$0xf] =	wrdreg s12  }
0xd: {  	s15 =	simm.s32 $0x1180;
	s16 =	simm.s32 $0x600;
	[dreg:$0x10] =	wrdreg s13  }
0xe: {  	s17 =	simm.s32 $0x1200;
	s18 =	simm.s32 $0x680;
	[dreg:$0x11] =	wrdreg s14  }
0xf: {  	s20 =	simm.s32 $0x1280;
	s21 =	simm.s32 $0x700;
	[dreg:$0x12] =	wrdreg s15  }
0x10: {  	s22 =	simm.s32 $0x1300;
	s23 =	simm.s32 $0x780;
	[dreg:$0x13] =	wrdreg s16  }
0x11: {  	s24 =	simm.s32 $0x1380;
	s28 =	simm.s32 $0xD00;
	[dreg:$0x14] =	wrdreg s17  }
0x12: {  	s29 =	simm.s32 $0x1900;
	s30 =	simm.s32 $0xD80;
	[dreg:$0x15] =	wrdreg s18  }
0x13: {  	s31 =	simm.s32 $0x1980;
	s5 =	sand.u32 $0x600, s5;
	[dreg:$0x16] =	wrdreg s20  }
0x14: {  	s1 =	ssub.s32 $0x2, s1;
	s7 =	sshll.u32 s6, $0x4;
	[dreg:$0x17] =	wrdreg s21  }
0x15: {  	s5 =	sadd.s32 s5, s3;
	s6 =	smul.u32 $0x180, s6;
	[dreg:$0x18] =	wrdreg s22  }
0x16: {  	s3 =	sadd.s32 $0x3800, s3;
	s19 =	sshrl.u32 s1, $0x1;
	[dreg:$0x19] =	wrdreg s23  }
0x17: {  	s7 =	sand.u32 $0x70, s7;
	s1 =	ssub.s32 s1, s19;
	[dreg:$0x1a] =	wrdreg s24  }
0x18: {  	s25 =	simm.s32 $0x800;
	s8 =	simm.s32 $0xE00;
	s26 =	simm.s32 $0x1400  }
0x19: {  	s12 =	simm.s32 $0x1500;
	s13 =	simm.s32 $0x980;
	s14 =	simm.s32 $0x1580  }
0x1a: {  	s15 =	simm.s32 $0xA00;
	s16 =	simm.s32 $0x1600;
	s17 =	simm.s32 $0xA80  }
0x1b: {  	s18 =	simm.s32 $0x1680;
	s19 =	simm.s32 $0xB00;
	s20 =	simm.s32 $0x1700  }
0x1c: {  	s21 =	simm.s32 $0xB80;
	s22 =	simm.s32 $0x1780;
	s23 =	simm.s32 $0xC00  }
0x1d: {  	s24 =	simm.s32 $0x1800;
	s5 =	sadd.s32 s7, s5;
	[dreg:$0x1b] =	wrdreg s25  }
0x1e: {  	s4 =	sadd.s32 s4, s6;
	s6 =	simm.s32 $0xF00;
	[dreg:$0x1c] =	wrdreg s26  }
0x1f: {  	s7 =	simm.s32 $0x380;
	s25 =	simm.s32 $0xC80;
	[dreg:$0x4] =	wrdreg s4  }
0x20: {  	s26 =	simm.s32 $0x1880;
	s5 =	sadd.s32 $0x3000, s5;
	[dreg:$0x9] =	wrdreg s6  }
0x21: {  	[dreg:$0xa] =	wrdreg s7;
	s4 =	smax.u32 s1, $0x1;
	s6 =	simm.s32 $0x400  }
0x22: {  	s7 =	simm.s32 $0x2;
	[dreg:$0x3] =	wrdreg s5;
	s5 =	simm.s32 $0x300  }
0x23: {  	s1 =	simm.s32 $0x1;
	[dreg:$0x8] =	wrdreg s5;
	s5 =	simm.s32 $0x80  }
.LBB2_1:
0x24: {  	s0 =	rddreg [dreg:$0x3]  }
0x25: {  	[tilespmem:s2], [sflag:$0x2] =	stream.strided.gather [hbm4b:s0+s5], $0x200, s6, s5, $0x38;
	[tilespmem:$0x1A00] =	vst v63  }
0x26: {  	_ =	swait.ge [sflag:s7], $0x200  }
0x27: {  	[sflag:s7] =	ssyncset.done $0x0  }
0x28: {  	[sflag:s7] =	ssyncadd.s32 $0xFFFFFE00  }
0x29: {  	v0 =	vld [tilespmem:$0x0]  }
0x2a: {  	v1 =	vld [tilespmem:$0x10]  }
0x2b: {  	v2 =	vld [tilespmem:$0x20]  }
0x2c: {  	v3 =	vld [tilespmem:$0x30]  }
0x2d: {  	v4 =	vld [tilespmem:$0x40]  }
0x2e: {  	v5 =	vld [tilespmem:$0x50]  }
0x2f: {  	v28 =	vld [tilespmem:$0x60];
	[tilespmem:$0x200] =	vst v0  }
0x30: {  	v29 =	vld [tilespmem:$0x70];
	[tilespmem:$0x210] =	vst v1  }
0x31: {  	v30 =	vld [tilespmem:$0x80];
	[tilespmem:$0x220] =	vst v2  }
0x32: {  	v32 =	vld [tilespmem:$0x90];
	[tilespmem:$0x230] =	vst v3;
	v31 =	vadd.s32 $0x24C00, v4  }
0x33: {  	v34 =	vld [tilespmem:$0xA0];
	v33 =	vadd.s32 $0x24C00, v5;
	[tilespmem:$0x240] =	vst v31  }
0x34: {  	v35 =	vld [tilespmem:$0xB0];
	v0 =	vadd.s32 $0x24C00, v28;
	[tilespmem:$0x250] =	vst v33  }
0x35: {  	v37 =	vld [tilespmem:$0xC0];
	v36 =	vadd.s32 $0x24C00, v29;
	[tilespmem:$0x260] =	vst v0  }
0x36: {  	v39 =	vld [tilespmem:$0xD0];
	v38 =	vadd.s32 $0x49800, v30;
	[tilespmem:$0x270] =	vst v36  }
0x37: {  	v41 =	vld [tilespmem:$0xE0];
	v40 =	vadd.s32 $0x49800, v32;
	[tilespmem:$0x280] =	vst v38  }
0x38: {  	v43 =	vld [tilespmem:$0xF0];
	v42 =	vadd.s32 $0x49800, v34;
	[tilespmem:$0x290] =	vst v40  }
0x39: {  	v45 =	vld [tilespmem:$0x100];
	v44 =	vadd.s32 $0x49800, v35;
	[tilespmem:$0x2A0] =	vst v42  }
0x3a: {  	v47 =	vld [tilespmem:$0x110];
	v46 =	vadd.s32 $0x6E400, v37;
	[tilespmem:$0x2B0] =	vst v44  }
0x3b: {  	v49 =	vld [tilespmem:$0x120];
	v48 =	vadd.s32 $0x6E400, v39;
	[tilespmem:$0x2C0] =	vst v46  }
0x3c: {  	v51 =	vld [tilespmem:$0x130];
	v50 =	vadd.s32 $0x6E400, v41;
	[tilespmem:$0x2D0] =	vst v48  }
0x3d: {  	v53 =	vld [tilespmem:$0x140];
	v52 =	vadd.s32 $0x6E400, v43;
	[tilespmem:$0x2E0] =	vst v50  }
0x3e: {  	v55 =	vld [tilespmem:$0x150];
	v54 =	vadd.s32 $0x93000, v45;
	[tilespmem:$0x2F0] =	vst v52  }
0x3f: {  	v57 =	vld [tilespmem:$0x160];
	v56 =	vadd.s32 $0x93000, v47;
	[tilespmem:$0x300] =	vst v54  }
0x40: {  	v59 =	vld [tilespmem:$0x170];
	v58 =	vadd.s32 $0x93000, v49;
	[tilespmem:$0x310] =	vst v56  }
0x41: {  	v61 =	vld [tilespmem:$0x180];
	v60 =	vadd.s32 $0x93000, v51;
	[tilespmem:$0x320] =	vst v58  }
0x42: {  	v63 =	vld [tilespmem:$0x190];
	v62 =	vadd.s32 $0xB7C00, v53;
	[tilespmem:$0x330] =	vst v60  }
0x43: {  	v9 =	vld [tilespmem:$0x1A0];
	v8 =	vadd.s32 $0xB7C00, v55;
	[tilespmem:$0x340] =	vst v62  }
0x44: {  	v11 =	vld [tilespmem:$0x1B0];
	v10 =	vadd.s32 $0xB7C00, v57;
	[tilespmem:$0x350] =	vst v8  }
0x45: {  	v13 =	vld [tilespmem:$0x1C0];
	v12 =	vadd.s32 $0xB7C00, v59;
	[tilespmem:$0x360] =	vst v10  }
0x46: {  	v15 =	vld [tilespmem:$0x1D0];
	v14 =	vadd.s32 $0xDC800, v61;
	[tilespmem:$0x370] =	vst v12  }
0x47: {  	v17 =	vld [tilespmem:$0x1E0];
	v16 =	vadd.s32 $0xDC800, v63;
	[tilespmem:$0x380] =	vst v14  }
0x48: {  	v19 =	vld [tilespmem:$0x1F0];
	v18 =	vadd.s32 $0xDC800, v9;
	[tilespmem:$0x390] =	vst v16  }
0x49: {  	v21 =	vld [tilespmem:$0x0];
	v20 =	vadd.s32 $0xDC800, v11;
	[tilespmem:$0x3A0] =	vst v18  }
0x4a: {  	v23 =	vld [tilespmem:$0x10];
	v22 =	vadd.s32 $0x101400, v13;
	[tilespmem:$0x3B0] =	vst v20  }
0x4b: {  	v25 =	vld [tilespmem:$0x20];
	v24 =	vadd.s32 $0x101400, v15;
	[tilespmem:$0x3C0] =	vst v22  }
0x4c: {  	v27 =	vld [tilespmem:$0x30];
	v26 =	vadd.s32 $0x101400, v17;
	[tilespmem:$0x3D0] =	vst v24  }
0x4d: {  	v28 =	vadd.s32 $0x101400, v19;
	v29 =	vld [tilespmem:$0x40];
	[tilespmem:$0x3E0] =	vst v26  }
0x4e: {  	v30 =	vadd.s32 $0xC400, v21;
	v35 =	vld [tilespmem:$0x70];
	[tilespmem:$0x3F0] =	vst v28  }
0x4f: {  	v32 =	vadd.s32 $0xC400, v23;
	v37 =	vld [tilespmem:$0x80];
	[tilespmem:$0x400] =	vst v30  }
0x50: {  	v34 =	vadd.s32 $0xC400, v25;
	v39 =	vld [tilespmem:$0x90];
	[tilespmem:$0x410] =	vst v32  }
0x51: {  	v41 =	vld [tilespmem:$0xA0];
	[tilespmem:$0x420] =	vst v34;
	v36 =	vadd.s32 $0xC400, v27  }
0x52: {  	v43 =	vld [tilespmem:$0xB0];
	[tilespmem:$0x430] =	vst v36;
	v38 =	vadd.s32 $0x31000, v29  }
0x53: {  	v45 =	vld [tilespmem:$0xC0];
	v44 =	vadd.s32 $0x31000, v35;
	[tilespmem:$0x440] =	vst v38  }
0x54: {  	v47 =	vld [tilespmem:$0xD0];
	v46 =	vadd.s32 $0x55C00, v37;
	[tilespmem:$0x470] =	vst v44  }
0x55: {  	v49 =	vld [tilespmem:$0xE0];
	v48 =	vadd.s32 $0x55C00, v39;
	[tilespmem:$0x480] =	vst v46  }
0x56: {  	v51 =	vld [tilespmem:$0xF0];
	v50 =	vadd.s32 $0x55C00, v41;
	[tilespmem:$0x490] =	vst v48  }
0x57: {  	v53 =	vld [tilespmem:$0x100];
	v52 =	vadd.s32 $0x55C00, v43;
	[tilespmem:$0x4A0] =	vst v50  }
0x58: {  	v55 =	vld [tilespmem:$0x110];
	v54 =	vadd.s32 $0x7A800, v45;
	[tilespmem:$0x4B0] =	vst v52  }
0x59: {  	v57 =	vld [tilespmem:$0x120];
	v56 =	vadd.s32 $0x7A800, v47;
	[tilespmem:$0x4C0] =	vst v54  }
0x5a: {  	v59 =	vld [tilespmem:$0x130];
	v58 =	vadd.s32 $0x7A800, v49;
	[tilespmem:$0x4D0] =	vst v56  }
0x5b: {  	v61 =	vld [tilespmem:$0x140];
	v60 =	vadd.s32 $0x7A800, v51;
	[tilespmem:$0x4E0] =	vst v58  }
0x5c: {  	v63 =	vld [tilespmem:$0x150];
	v62 =	vadd.s32 $0x9F400, v53;
	[tilespmem:$0x4F0] =	vst v60  }
0x5d: {  	v9 =	vld [tilespmem:$0x160];
	v8 =	vadd.s32 $0x9F400, v55;
	[tilespmem:$0x500] =	vst v62  }
0x5e: {  	v11 =	vld [tilespmem:$0x170];
	v10 =	vadd.s32 $0x9F400, v57;
	[tilespmem:$0x510] =	vst v8  }
0x5f: {  	v13 =	vld [tilespmem:$0x180];
	v12 =	vadd.s32 $0x9F400, v59;
	[tilespmem:$0x520] =	vst v10  }
0x60: {  	v15 =	vld [tilespmem:$0x190];
	v14 =	vadd.s32 $0xC4000, v61;
	[tilespmem:$0x530] =	vst v12  }
0x61: {  	v17 =	vld [tilespmem:$0x1A0];
	v16 =	vadd.s32 $0xC4000, v63;
	[tilespmem:$0x540] =	vst v14  }
0x62: {  	v19 =	vld [tilespmem:$0x1B0];
	v18 =	vadd.s32 $0xC4000, v9;
	[tilespmem:$0x550] =	vst v16  }
0x63: {  	v21 =	vld [tilespmem:$0x1C0];
	v20 =	vadd.s32 $0xC4000, v11;
	[tilespmem:$0x560] =	vst v18  }
0x64: {  	v23 =	vld [tilespmem:$0x1D0];
	v22 =	vadd.s32 $0xE8C00, v13;
	[tilespmem:$0x570] =	vst v20  }
0x65: {  	v25 =	vld [tilespmem:$0x1E0];
	v24 =	vadd.s32 $0xE8C00, v15;
	[tilespmem:$0x580] =	vst v22  }
0x66: {  	v31 =	vld [tilespmem:$0x50];
	v26 =	vadd.s32 $0xE8C00, v17;
	[tilespmem:$0x590] =	vst v24  }
0x67: {  	v33 =	vld [tilespmem:$0x60];
	v28 =	vadd.s32 $0xE8C00, v19;
	[tilespmem:$0x5A0] =	vst v26  }
0x68: {  	v27 =	vld [tilespmem:$0x1F0];
	v30 =	vadd.s32 $0x10D800, v21;
	[tilespmem:$0x5B0] =	vst v28  }
0x69: {  	v29 =	vld [tilespmem:$0x0];
	v32 =	vadd.s32 $0x10D800, v23;
	[tilespmem:$0x5C0] =	vst v30  }
0x6a: {  	v34 =	vadd.s32 $0x10D800, v25;
	v35 =	vld [tilespmem:$0x30];
	[tilespmem:$0x5D0] =	vst v32  }
0x6b: {  	v37 =	vld [tilespmem:$0x40];
	v40 =	vadd.s32 $0x31000, v31;
	[tilespmem:$0x5E0] =	vst v34  }
0x6c: {  	v39 =	vld [tilespmem:$0x50];
	v42 =	vadd.s32 $0x31000, v33;
	[tilespmem:$0x450] =	vst v40  }
0x6d: {  	v41 =	vld [tilespmem:$0x60];
	v36 =	vadd.s32 $0x10D800, v27;
	[tilespmem:$0x460] =	vst v42  }
0x6e: {  	v43 =	vld [tilespmem:$0x70];
	[tilespmem:$0x5F0] =	vst v36;
	v38 =	vadd.s32 $0x18800, v29  }
0x6f: {  	v45 =	vld [tilespmem:$0x80];
	v44 =	vadd.s32 $0x18800, v35;
	[tilespmem:$0x600] =	vst v38  }
0x70: {  	v47 =	vld [tilespmem:$0x90];
	v46 =	vadd.s32 $0x3D400, v37;
	[tilespmem:$0x630] =	vst v44  }
0x71: {  	v49 =	vld [tilespmem:$0xA0];
	v48 =	vadd.s32 $0x3D400, v39;
	[tilespmem:$0x640] =	vst v46  }
0x72: {  	v51 =	vld [tilespmem:$0xB0];
	v50 =	vadd.s32 $0x3D400, v41;
	[tilespmem:$0x650] =	vst v48  }
0x73: {  	v53 =	vld [tilespmem:$0xC0];
	v52 =	vadd.s32 $0x3D400, v43;
	[tilespmem:$0x660] =	vst v50  }
0x74: {  	v55 =	vld [tilespmem:$0xD0];
	v54 =	vadd.s32 $0x62000, v45;
	[tilespmem:$0x670] =	vst v52  }
0x75: {  	v57 =	vld [tilespmem:$0xE0];
	v56 =	vadd.s32 $0x62000, v47;
	[tilespmem:$0x680] =	vst v54  }
0x76: {  	v59 =	vld [tilespmem:$0xF0];
	v58 =	vadd.s32 $0x62000, v49;
	[tilespmem:$0x690] =	vst v56  }
0x77: {  	v61 =	vld [tilespmem:$0x100];
	v60 =	vadd.s32 $0x62000, v51;
	[tilespmem:$0x6A0] =	vst v58  }
0x78: {  	v63 =	vld [tilespmem:$0x110];
	v62 =	vadd.s32 $0x86C00, v53;
	[tilespmem:$0x6B0] =	vst v60  }
0x79: {  	v9 =	vld [tilespmem:$0x120];
	v8 =	vadd.s32 $0x86C00, v55;
	[tilespmem:$0x6C0] =	vst v62  }
0x7a: {  	v11 =	vld [tilespmem:$0x130];
	v10 =	vadd.s32 $0x86C00, v57;
	[tilespmem:$0x6D0] =	vst v8  }
0x7b: {  	v13 =	vld [tilespmem:$0x140];
	v12 =	vadd.s32 $0x86C00, v59;
	[tilespmem:$0x6E0] =	vst v10  }
0x7c: {  	v15 =	vld [tilespmem:$0x150];
	v14 =	vadd.s32 $0xAB800, v61;
	[tilespmem:$0x6F0] =	vst v12  }
0x7d: {  	v17 =	vld [tilespmem:$0x160];
	v16 =	vadd.s32 $0xAB800, v63;
	[tilespmem:$0x700] =	vst v14  }
0x7e: {  	v19 =	vld [tilespmem:$0x170];
	v18 =	vadd.s32 $0xAB800, v9;
	[tilespmem:$0x710] =	vst v16  }
0x7f: {  	v21 =	vld [tilespmem:$0x180];
	v20 =	vadd.s32 $0xAB800, v11;
	[tilespmem:$0x720] =	vst v18  }
0x80: {  	v23 =	vld [tilespmem:$0x190];
	v22 =	vadd.s32 $0xD0400, v13;
	[tilespmem:$0x730] =	vst v20  }
0x81: {  	v25 =	vld [tilespmem:$0x1A0];
	v24 =	vadd.s32 $0xD0400, v15;
	[tilespmem:$0x740] =	vst v22  }
0x82: {  	v31 =	vld [tilespmem:$0x10];
	v26 =	vadd.s32 $0xD0400, v17;
	[tilespmem:$0x750] =	vst v24  }
0x83: {  	v33 =	vld [tilespmem:$0x20];
	v28 =	vadd.s32 $0xD0400, v19;
	[tilespmem:$0x760] =	vst v26  }
0x84: {  	v27 =	vld [tilespmem:$0x1B0];
	v30 =	vadd.s32 $0xF5000, v21;
	[tilespmem:$0x770] =	vst v28  }
0x85: {  	v29 =	vld [tilespmem:$0x1C0];
	v32 =	vadd.s32 $0xF5000, v23;
	[tilespmem:$0x780] =	vst v30  }
0x86: {  	v34 =	vadd.s32 $0xF5000, v25;
	v35 =	vld [tilespmem:$0x1F0];
	[tilespmem:$0x790] =	vst v32  }
0x87: {  	v37 =	vld [tilespmem:$0x0];
	v40 =	vadd.s32 $0x18800, v31;
	[tilespmem:$0x7A0] =	vst v34  }
0x88: {  	v39 =	vld [tilespmem:$0x10];
	v42 =	vadd.s32 $0x18800, v33;
	[tilespmem:$0x610] =	vst v40  }
0x89: {  	v41 =	vld [tilespmem:$0x20];
	v36 =	vadd.s32 $0xF5000, v27;
	[tilespmem:$0x620] =	vst v42  }
0x8a: {  	v43 =	vld [tilespmem:$0x30];
	[tilespmem:$0x7B0] =	vst v36;
	v38 =	vadd.s32 $0x119C00, v29  }
0x8b: {  	v45 =	vld [tilespmem:$0x40];
	v44 =	vadd.s32 $0x119C00, v35;
	[tilespmem:$0x7C0] =	vst v38  }
0x8c: {  	v47 =	vld [tilespmem:$0x50];
	v46 =	vadd.s32 $0x126000, v37;
	[tilespmem:$0x7F0] =	vst v44  }
0x8d: {  	v49 =	vld [tilespmem:$0x60];
	v48 =	vadd.s32 $0x126000, v39;
	[tilespmem:$0x800] =	vst v46  }
0x8e: {  	v51 =	vld [tilespmem:$0x70];
	v50 =	vadd.s32 $0x126000, v41;
	[tilespmem:$0x810] =	vst v48  }
0x8f: {  	v53 =	vld [tilespmem:$0x80];
	v52 =	vadd.s32 $0x126000, v43;
	[tilespmem:$0x820] =	vst v50  }
0x90: {  	v55 =	vld [tilespmem:$0x90];
	v54 =	vadd.s32 $0x14AC00, v45;
	[tilespmem:$0x830] =	vst v52  }
0x91: {  	v57 =	vld [tilespmem:$0xA0];
	v56 =	vadd.s32 $0x14AC00, v47;
	[tilespmem:$0x840] =	vst v54  }
0x92: {  	v59 =	vld [tilespmem:$0xB0];
	v58 =	vadd.s32 $0x14AC00, v49;
	[tilespmem:$0x850] =	vst v56  }
0x93: {  	v61 =	vld [tilespmem:$0xC0];
	v60 =	vadd.s32 $0x14AC00, v51;
	[tilespmem:$0x860] =	vst v58  }
0x94: {  	v63 =	vld [tilespmem:$0xD0];
	v62 =	vadd.s32 $0x16F800, v53;
	[tilespmem:$0x870] =	vst v60  }
0x95: {  	v9 =	vld [tilespmem:$0xE0];
	v8 =	vadd.s32 $0x16F800, v55;
	[tilespmem:$0x880] =	vst v62  }
0x96: {  	v11 =	vld [tilespmem:$0xF0];
	v10 =	vadd.s32 $0x16F800, v57;
	[tilespmem:$0x890] =	vst v8  }
0x97: {  	v13 =	vld [tilespmem:$0x100];
	v12 =	vadd.s32 $0x16F800, v59;
	[tilespmem:$0x8A0] =	vst v10  }
0x98: {  	v15 =	vld [tilespmem:$0x110];
	v14 =	vadd.s32 $0x194400, v61;
	[tilespmem:$0x8B0] =	vst v12  }
0x99: {  	v17 =	vld [tilespmem:$0x120];
	v16 =	vadd.s32 $0x194400, v63;
	[tilespmem:$0x8C0] =	vst v14  }
0x9a: {  	v19 =	vld [tilespmem:$0x130];
	v18 =	vadd.s32 $0x194400, v9;
	[tilespmem:$0x8D0] =	vst v16  }
0x9b: {  	v21 =	vld [tilespmem:$0x140];
	v20 =	vadd.s32 $0x194400, v11;
	[tilespmem:$0x8E0] =	vst v18  }
0x9c: {  	v23 =	vld [tilespmem:$0x150];
	v22 =	vadd.s32 $0x1B9000, v13;
	[tilespmem:$0x8F0] =	vst v20  }
0x9d: {  	v25 =	vld [tilespmem:$0x160];
	v24 =	vadd.s32 $0x1B9000, v15;
	[tilespmem:$0x900] =	vst v22  }
0x9e: {  	v31 =	vld [tilespmem:$0x1D0];
	v26 =	vadd.s32 $0x1B9000, v17;
	[tilespmem:$0x910] =	vst v24  }
0x9f: {  	v33 =	vld [tilespmem:$0x1E0];
	v28 =	vadd.s32 $0x1B9000, v19;
	[tilespmem:$0x920] =	vst v26  }
0xa0: {  	v27 =	vld [tilespmem:$0x170];
	v30 =	vadd.s32 $0x1DDC00, v21;
	[tilespmem:$0x930] =	vst v28  }
0xa1: {  	v29 =	vld [tilespmem:$0x180];
	v32 =	vadd.s32 $0x1DDC00, v23;
	[tilespmem:$0x940] =	vst v30  }
0xa2: {  	v34 =	vadd.s32 $0x1DDC00, v25;
	v35 =	vld [tilespmem:$0x1B0];
	[tilespmem:$0x950] =	vst v32  }
0xa3: {  	v37 =	vld [tilespmem:$0x1C0];
	v40 =	vadd.s32 $0x119C00, v31;
	[tilespmem:$0x960] =	vst v34  }
0xa4: {  	v39 =	vld [tilespmem:$0x1D0];
	v42 =	vadd.s32 $0x119C00, v33;
	[tilespmem:$0x7D0] =	vst v40  }
0xa5: {  	v41 =	vld [tilespmem:$0x1E0];
	v36 =	vadd.s32 $0x1DDC00, v27;
	[tilespmem:$0x7E0] =	vst v42  }
0xa6: {  	v43 =	vld [tilespmem:$0x1F0];
	[tilespmem:$0x970] =	vst v36;
	v38 =	vadd.s32 $0x202800, v29  }
0xa7: {  	v45 =	vld [tilespmem:$0x0];
	v44 =	vadd.s32 $0x202800, v35;
	[tilespmem:$0x980] =	vst v38  }
0xa8: {  	v47 =	vld [tilespmem:$0x10];
	v46 =	vadd.s32 $0x227400, v37;
	[tilespmem:$0x9B0] =	vst v44  }
0xa9: {  	v49 =	vld [tilespmem:$0x20];
	v48 =	vadd.s32 $0x227400, v39;
	[tilespmem:$0x9C0] =	vst v46  }
0xaa: {  	v51 =	vld [tilespmem:$0x30];
	v50 =	vadd.s32 $0x227400, v41;
	[tilespmem:$0x9D0] =	vst v48  }
0xab: {  	v53 =	vld [tilespmem:$0x40];
	v52 =	vadd.s32 $0x227400, v43;
	[tilespmem:$0x9E0] =	vst v50  }
0xac: {  	v55 =	vld [tilespmem:$0x50];
	v54 =	vadd.s32 $0x132400, v45;
	[tilespmem:$0x9F0] =	vst v52  }
0xad: {  	v57 =	vld [tilespmem:$0x60];
	v56 =	vadd.s32 $0x132400, v47;
	[tilespmem:$0xA00] =	vst v54  }
0xae: {  	v59 =	vld [tilespmem:$0x70];
	v58 =	vadd.s32 $0x132400, v49;
	[tilespmem:$0xA10] =	vst v56  }
0xaf: {  	v61 =	vld [tilespmem:$0x80];
	v60 =	vadd.s32 $0x132400, v51;
	[tilespmem:$0xA20] =	vst v58  }
0xb0: {  	v63 =	vld [tilespmem:$0x90];
	v62 =	vadd.s32 $0x157000, v53;
	[tilespmem:$0xA30] =	vst v60  }
0xb1: {  	v9 =	vld [tilespmem:$0xA0];
	v8 =	vadd.s32 $0x157000, v55;
	[tilespmem:$0xA40] =	vst v62  }
0xb2: {  	v11 =	vld [tilespmem:$0xB0];
	v10 =	vadd.s32 $0x157000, v57;
	[tilespmem:$0xA50] =	vst v8  }
0xb3: {  	v13 =	vld [tilespmem:$0xC0];
	v12 =	vadd.s32 $0x157000, v59;
	[tilespmem:$0xA60] =	vst v10  }
0xb4: {  	v15 =	vld [tilespmem:$0xD0];
	v14 =	vadd.s32 $0x17BC00, v61;
	[tilespmem:$0xA70] =	vst v12  }
0xb5: {  	v17 =	vld [tilespmem:$0xE0];
	v16 =	vadd.s32 $0x17BC00, v63;
	[tilespmem:$0xA80] =	vst v14  }
0xb6: {  	v19 =	vld [tilespmem:$0xF0];
	v18 =	vadd.s32 $0x17BC00, v9;
	[tilespmem:$0xA90] =	vst v16  }
0xb7: {  	v21 =	vld [tilespmem:$0x100];
	v20 =	vadd.s32 $0x17BC00, v11;
	[tilespmem:$0xAA0] =	vst v18  }
0xb8: {  	v23 =	vld [tilespmem:$0x110];
	v22 =	vadd.s32 $0x1A0800, v13;
	[tilespmem:$0xAB0] =	vst v20  }
0xb9: {  	v25 =	vld [tilespmem:$0x120];
	v24 =	vadd.s32 $0x1A0800, v15;
	[tilespmem:$0xAC0] =	vst v22  }
0xba: {  	v31 =	vld [tilespmem:$0x190];
	v26 =	vadd.s32 $0x1A0800, v17;
	[tilespmem:$0xAD0] =	vst v24  }
0xbb: {  	v33 =	vld [tilespmem:$0x1A0];
	v28 =	vadd.s32 $0x1A0800, v19;
	[tilespmem:$0xAE0] =	vst v26  }
0xbc: {  	v27 =	vld [tilespmem:$0x130];
	v30 =	vadd.s32 $0x1C5400, v21;
	[tilespmem:$0xAF0] =	vst v28  }
0xbd: {  	v29 =	vld [tilespmem:$0x140];
	v32 =	vadd.s32 $0x1C5400, v23;
	[tilespmem:$0xB00] =	vst v30  }
0xbe: {  	v34 =	vadd.s32 $0x1C5400, v25;
	v35 =	vld [tilespmem:$0x170];
	[tilespmem:$0xB10] =	vst v32  }
0xbf: {  	v37 =	vld [tilespmem:$0x180];
	v40 =	vadd.s32 $0x202800, v31;
	[tilespmem:$0xB20] =	vst v34  }
0xc0: {  	v39 =	vld [tilespmem:$0x190];
	v42 =	vadd.s32 $0x202800, v33;
	[tilespmem:$0x990] =	vst v40  }
0xc1: {  	v41 =	vld [tilespmem:$0x1A0];
	v36 =	vadd.s32 $0x1C5400, v27;
	[tilespmem:$0x9A0] =	vst v42  }
0xc2: {  	v43 =	vld [tilespmem:$0x1B0];
	[tilespmem:$0xB30] =	vst v36;
	v38 =	vadd.s32 $0x1EA000, v29  }
0xc3: {  	v45 =	vld [tilespmem:$0x1C0];
	v44 =	vadd.s32 $0x1EA000, v35;
	[tilespmem:$0xB40] =	vst v38  }
0xc4: {  	v47 =	vld [tilespmem:$0x1D0];
	v46 =	vadd.s32 $0x20EC00, v37;
	[tilespmem:$0xB70] =	vst v44  }
0xc5: {  	v49 =	vld [tilespmem:$0x1E0];
	v48 =	vadd.s32 $0x20EC00, v39;
	[tilespmem:$0xB80] =	vst v46  }
0xc6: {  	v51 =	vld [tilespmem:$0x1F0];
	v50 =	vadd.s32 $0x20EC00, v41;
	[tilespmem:$0xB90] =	vst v48  }
0xc7: {  	v53 =	vld [tilespmem:$0x0];
	v52 =	vadd.s32 $0x20EC00, v43;
	[tilespmem:$0xBA0] =	vst v50  }
0xc8: {  	v55 =	vld [tilespmem:$0x10];
	v54 =	vadd.s32 $0x233800, v45;
	[tilespmem:$0xBB0] =	vst v52  }
0xc9: {  	v57 =	vld [tilespmem:$0x20];
	v56 =	vadd.s32 $0x233800, v47;
	[tilespmem:$0xBC0] =	vst v54  }
0xca: {  	v59 =	vld [tilespmem:$0x30];
	v58 =	vadd.s32 $0x233800, v49;
	[tilespmem:$0xBD0] =	vst v56  }
0xcb: {  	v61 =	vld [tilespmem:$0x40];
	v60 =	vadd.s32 $0x233800, v51;
	[tilespmem:$0xBE0] =	vst v58  }
0xcc: {  	v63 =	vld [tilespmem:$0x50];
	v62 =	vadd.s32 $0x13E800, v53;
	[tilespmem:$0xBF0] =	vst v60  }
0xcd: {  	v31 =	vld [tilespmem:$0x150];
	v7 =	vadd.s32 $0x13E800, v55;
	[tilespmem:$0xC00] =	vst v62  }
0xce: {  	v33 =	vld [tilespmem:$0x160];
	v9 =	vadd.s32 $0x13E800, v57;
	[tilespmem:$0xC10] =	vst v7  }
0xcf: {  	v8 =	vld [tilespmem:$0x60];
	v11 =	vadd.s32 $0x13E800, v59;
	[tilespmem:$0xC20] =	vst v9  }
0xd0: {  	v10 =	vld [tilespmem:$0x70];
	v13 =	vadd.s32 $0x163400, v61;
	[tilespmem:$0xC30] =	vst v11  }
0xd1: {  	v12 =	vld [tilespmem:$0x80];
	v15 =	vadd.s32 $0x163400, v63;
	[tilespmem:$0xC40] =	vst v13  }
0xd2: {  	v14 =	vld [tilespmem:$0x90];
	v40 =	vadd.s32 $0x1EA000, v31;
	[tilespmem:$0xC50] =	vst v15  }
0xd3: {  	v16 =	vld [tilespmem:$0xA0];
	v42 =	vadd.s32 $0x1EA000, v33;
	[tilespmem:$0xB50] =	vst v40  }
0xd4: {  	v18 =	vld [tilespmem:$0xB0];
	v17 =	vadd.s32 $0x163400, v8;
	[tilespmem:$0xB60] =	vst v42  }
0xd5: {  	v20 =	vld [tilespmem:$0xC0];
	v19 =	vadd.s32 $0x163400, v10;
	[tilespmem:$0xC60] =	vst v17  }
0xd6: {  	v22 =	vld [tilespmem:$0xD0];
	v21 =	vadd.s32 $0x188000, v12;
	[tilespmem:$0xC70] =	vst v19  }
0xd7: {  	v24 =	vld [tilespmem:$0xE0];
	v23 =	vadd.s32 $0x188000, v14;
	[tilespmem:$0xC80] =	vst v21  }
0xd8: {  	v26 =	vld [tilespmem:$0xF0];
	v25 =	vadd.s32 $0x188000, v16;
	[tilespmem:$0xC90] =	vst v23  }
0xd9: {  	v28 =	vld [tilespmem:$0x100];
	v27 =	vadd.s32 $0x188000, v18;
	[tilespmem:$0xCA0] =	vst v25  }
0xda: {  	v30 =	vld [tilespmem:$0x110];
	v29 =	vadd.s32 $0x1ACC00, v20;
	[tilespmem:$0xCB0] =	vst v27  }
0xdb: {  	v32 =	vld [tilespmem:$0x120];
	v31 =	vadd.s32 $0x1ACC00, v22;
	[tilespmem:$0xCC0] =	vst v29  }
0xdc: {  	v34 =	vld [tilespmem:$0x130];
	v33 =	vadd.s32 $0x1ACC00, v24;
	[tilespmem:$0xCD0] =	vst v31  }
0xdd: {  	v36 =	vld [tilespmem:$0x140];
	v35 =	vadd.s32 $0x1ACC00, v26;
	[tilespmem:$0xCE0] =	vst v33  }
0xde: {  	v37 =	vadd.s32 $0x1D1800, v28;
	v38 =	vld [tilespmem:$0x150];
	[tilespmem:$0xCF0] =	vst v35  }
0xdf: {  	v39 =	vadd.s32 $0x1D1800, v30;
	v44 =	vld [tilespmem:$0x180];
	[tilespmem:$0xD00] =	vst v37  }
0xe0: {  	v41 =	vadd.s32 $0x1D1800, v32;
	v46 =	vld [tilespmem:$0x190];
	[tilespmem:$0xD10] =	vst v39  }
0xe1: {  	v43 =	vadd.s32 $0x1D1800, v34;
	v48 =	vld [tilespmem:$0x1A0];
	[tilespmem:$0xD20] =	vst v41  }
0xe2: {  	v50 =	vld [tilespmem:$0x1B0];
	[tilespmem:$0xD30] =	vst v43;
	v45 =	vadd.s32 $0x1F6400, v36  }
0xe3: {  	v52 =	vld [tilespmem:$0x1C0];
	[tilespmem:$0xD40] =	vst v45;
	v47 =	vadd.s32 $0x1F6400, v38  }
0xe4: {  	v54 =	vld [tilespmem:$0x1D0];
	v53 =	vadd.s32 $0x21B000, v44;
	[tilespmem:$0xD50] =	vst v47  }
0xe5: {  	v56 =	vld [tilespmem:$0x1E0];
	v55 =	vadd.s32 $0x21B000, v46;
	[tilespmem:$0xD80] =	vst v53  }
0xe6: {  	v58 =	vld [tilespmem:$0x1F0];
	v57 =	vadd.s32 $0x21B000, v48;
	[tilespmem:$0xD90] =	vst v55  }
0xe7: {  	v40 =	vld [tilespmem:$0x160];
	v59 =	vadd.s32 $0x21B000, v50;
	[tilespmem:$0xDA0] =	vst v57  }
0xe8: {  	v42 =	vld [tilespmem:$0x170];
	v60 =	vadd.s32 $0x23FC00, v52;
	[tilespmem:$0xDB0] =	vst v59  }
0xe9: {  	v61 =	vadd.s32 $0x23FC00, v54;
	[tilespmem:$0xDC0] =	vst v60  }
0xea: {  	v62 =	vadd.s32 $0x23FC00, v56;
	[tilespmem:$0xDD0] =	vst v61  }
0xeb: {  	s11 =	rddreg [dreg:$0x5];
	v63 =	vadd.s32 $0x23FC00, v58;
	[tilespmem:$0xDE0] =	vst v62  }
0xec: {  	s9 =	rddreg [dreg:$0x6];
	v49 =	vadd.s32 $0x1F6400, v40;
	[tilespmem:$0xDF0] =	vst v63  }
0xed: {  	s10 =	rddreg [dreg:$0x7];
	v51 =	vadd.s32 $0x1F6400, v42;
	[tilespmem:$0xD60] =	vst v49  }
0xee: {  	s0 =	rddreg [dreg:$0x8];
	[tilespmem:$0xD70] =	vst v51  }
0xef: {  	[tilespmem:s8], [sflag:$0x1] =	stream.indirect.gather [hbm4b:s3+s5], $0x1, s11, s5, $0xb8;
	[tilespmem:$0x1A00] =	vst v63  }
0xf0: {  	s11 =	rddreg [dreg:$0xb]  }
0xf1: {  	[tilespmem:s10], [sflag:$0x1] =	stream.indirect.gather [hbm4b:s3+s5], $0x1, s9, s5, $0xb8;
	[tilespmem:$0x1A00] =	vst v63  }
0xf2: {  	s9 =	rddreg [dreg:$0x9]  }
0xf3: {  	s10 =	rddreg [dreg:$0xa]  }
0xf4: {  	[tilespmem:s9], [sflag:$0x1] =	stream.indirect.gather [hbm4b:s3+s5], $0x1, s0, s5, $0xb8;
	[tilespmem:$0x1A00] =	vst v63  }
0xf5: {  	s9 =	rddreg [dreg:$0xc]  }
0xf6: {  	s0 =	rddreg [dreg:$0xd]  }
0xf7: {  	[tilespmem:s11], [sflag:$0x1] =	stream.indirect.gather [hbm4b:s3+s5], $0x1, s10, s5, $0xb8;
	[tilespmem:$0x1A00] =	vst v63  }
0xf8: {  	s10 =	rddreg [dreg:$0xf]  }
0xf9: {  	s11 =	rddreg [dreg:$0x10]  }
0xfa: {  	[tilespmem:s9], [sflag:$0x1] =	stream.indirect.gather [hbm4b:s3+s5], $0x1, s6, s5, $0xb8;
	[tilespmem:$0x1A00] =	vst v63  }
0xfb: {  	s9 =	rddreg [dreg:$0xe]  }
0xfc: {  	[tilespmem:s9], [sflag:$0x1] =	stream.indirect.gather [hbm4b:s3+s5], $0x1, s0, s5, $0xb8;
	[tilespmem:$0x1A00] =	vst v63  }
0xfd: {  	s0 =	rddreg [dreg:$0x11]  }
0xfe: {  	s9 =	rddreg [dreg:$0x12]  }
0xff: {  	[tilespmem:s11], [sflag:$0x1] =	stream.indirect.gather [hbm4b:s3+s5], $0x1, s10, s5, $0xb8;
	[tilespmem:$0x1A00] =	vst v63  }
0x100: {  	s10 =	rddreg [dreg:$0x13]  }
0x101: {  	s11 =	rddreg [dreg:$0x14]  }
0x102: {  	[tilespmem:s9], [sflag:$0x1] =	stream.indirect.gather [hbm4b:s3+s5], $0x1, s0, s5, $0xb8;
	[tilespmem:$0x1A00] =	vst v63  }
0x103: {  	s0 =	rddreg [dreg:$0x15]  }
0x104: {  	s9 =	rddreg [dreg:$0x16]  }
0x105: {  	[tilespmem:s11], [sflag:$0x1] =	stream.indirect.gather [hbm4b:s3+s5], $0x1, s10, s5, $0xb8;
	[tilespmem:$0x1A00] =	vst v63  }
0x106: {  	s10 =	rddreg [dreg:$0x17]  }
0x107: {  	s11 =	rddreg [dreg:$0x18]  }
0x108: {  	[tilespmem:s9], [sflag:$0x1] =	stream.indirect.gather [hbm4b:s3+s5], $0x1, s0, s5, $0xb8;
	[tilespmem:$0x1A00] =	vst v63  }
0x109: {  	s0 =	rddreg [dreg:$0x19]  }
0x10a: {  	s9 =	rddreg [dreg:$0x1a]  }
0x10b: {  	[tilespmem:s11], [sflag:$0x1] =	stream.indirect.gather [hbm4b:s3+s5], $0x1, s10, s5, $0xb8;
	[tilespmem:$0x1A00] =	vst v63  }
0x10c: {  	s10 =	rddreg [dreg:$0x1b]  }
0x10d: {  	[tilespmem:s9], [sflag:$0x1] =	stream.indirect.gather [hbm4b:s3+s5], $0x1, s0, s5, $0xb8;
	[tilespmem:$0x1A00] =	vst v63  }
0x10e: {  	s11 =	rddreg [dreg:$0x1c]  }
0x10f: {  	[tilespmem:s11], [sflag:$0x1] =	stream.indirect.gather [hbm4b:s3+s5], $0x1, s10, s5, $0xb8;
	[tilespmem:$0x1A00] =	vst v63  }
0x110: {  	s10 =	simm.s32 $0x880;
	s11 =	simm.s32 $0x1480  }
0x111: {  	[tilespmem:s11], [sflag:$0x1] =	stream.indirect.gather [hbm4b:s3+s5], $0x1, s10, s5, $0xb8;
	[tilespmem:$0x1A00] =	vst v63  }
0x112: {  	s10 =	simm.s32 $0x900  }
0x113: {  	[tilespmem:s12], [sflag:$0x1] =	stream.indirect.gather [hbm4b:s3+s5], $0x1, s10, s5, $0xb8;
	[tilespmem:$0x1A00] =	vst v63  }
0x114: {  	_ = 	snop  }
0x115: {  	[tilespmem:s14], [sflag:$0x1] =	stream.indirect.gather [hbm4b:s3+s5], $0x1, s13, s5, $0xb8;
	[tilespmem:$0x1A00] =	vst v63  }
0x116: {  	_ = 	snop  }
0x117: {  	[tilespmem:s16], [sflag:$0x1] =	stream.indirect.gather [hbm4b:s3+s5], $0x1, s15, s5, $0xb8;
	[tilespmem:$0x1A00] =	vst v63  }
0x118: {  	_ = 	snop  }
0x119: {  	[tilespmem:s18], [sflag:$0x1] =	stream.indirect.gather [hbm4b:s3+s5], $0x1, s17, s5, $0xb8;
	[tilespmem:$0x1A00] =	vst v63  }
0x11a: {  	_ = 	snop  }
0x11b: {  	[tilespmem:s20], [sflag:$0x1] =	stream.indirect.gather [hbm4b:s3+s5], $0x1, s19, s5, $0xb8;
	[tilespmem:$0x1A00] =	vst v63  }
0x11c: {  	_ = 	snop  }
0x11d: {  	[tilespmem:s22], [sflag:$0x1] =	stream.indirect.gather [hbm4b:s3+s5], $0x1, s21, s5, $0xb8;
	[tilespmem:$0x1A00] =	vst v63  }
0x11e: {  	_ = 	snop  }
0x11f: {  	[tilespmem:s24], [sflag:$0x1] =	stream.indirect.gather [hbm4b:s3+s5], $0x1, s23, s5, $0xb8;
	[tilespmem:$0x1A00] =	vst v63  }
0x120: {  	_ = 	snop  }
0x121: {  	[tilespmem:s26], [sflag:$0x1] =	stream.indirect.gather [hbm4b:s3+s5], $0x1, s25, s5, $0xb8;
	[tilespmem:$0x1A00] =	vst v63  }
0x122: {  	_ = 	snop  }
0x123: {  	[tilespmem:s29], [sflag:$0x1] =	stream.indirect.gather [hbm4b:s3+s5], $0x1, s28, s5, $0xb8;
	[tilespmem:$0x1A00] =	vst v63  }
0x124: {  	_ = 	snop  }
0x125: {  	[tilespmem:s31], [sflag:$0x1] =	stream.indirect.gather [hbm4b:s3+s5], $0x1, s30, s5, $0xb8;
	[tilespmem:$0x1A00] =	vst v63  }
0x126: {  	_ =	swait.ge [sflag:s1], $0x80  }
0x127: {  	[sflag:s1] =	ssyncset.done $0x0  }
0x128: {  	[sflag:s1] =	ssyncadd.s32 $0xFFFFFF80  }
0x129: {  	_ =	swait.ge [sflag:s1], $0x80  }
0x12a: {  	[sflag:s1] =	ssyncset.done $0x0  }
0x12b: {  	[sflag:s1] =	ssyncadd.s32 $0xFFFFFF80  }
0x12c: {  	_ =	swait.ge [sflag:s1], $0x80  }
0x12d: {  	[sflag:s1] =	ssyncset.done $0x0  }
0x12e: {  	[sflag:s1] =	ssyncadd.s32 $0xFFFFFF80  }
0x12f: {  	_ =	swait.ge [sflag:s1], $0x80  }
0x130: {  	[sflag:s1] =	ssyncset.done $0x0  }
0x131: {  	[sflag:s1] =	ssyncadd.s32 $0xFFFFFF80  }
0x132: {  	_ =	swait.ge [sflag:s1], $0x80  }
0x133: {  	[sflag:s1] =	ssyncset.done $0x0  }
0x134: {  	[sflag:s1] =	ssyncadd.s32 $0xFFFFFF80  }
0x135: {  	_ =	swait.ge [sflag:s1], $0x80  }
0x136: {  	[sflag:s1] =	ssyncset.done $0x0  }
0x137: {  	[sflag:s1] =	ssyncadd.s32 $0xFFFFFF80  }
0x138: {  	_ =	swait.ge [sflag:s1], $0x80  }
0x139: {  	[sflag:s1] =	ssyncset.done $0x0  }
0x13a: {  	[sflag:s1] =	ssyncadd.s32 $0xFFFFFF80  }
0x13b: {  	_ =	swait.ge [sflag:s1], $0x80  }
0x13c: {  	[sflag:s1] =	ssyncset.done $0x0  }
0x13d: {  	[sflag:s1] =	ssyncadd.s32 $0xFFFFFF80  }
0x13e: {  	_ =	swait.ge [sflag:s1], $0x80  }
0x13f: {  	[sflag:s1] =	ssyncset.done $0x0  }
0x140: {  	[sflag:s1] =	ssyncadd.s32 $0xFFFFFF80  }
0x141: {  	_ =	swait.ge [sflag:s1], $0x80  }
0x142: {  	[sflag:s1] =	ssyncset.done $0x0  }
0x143: {  	[sflag:s1] =	ssyncadd.s32 $0xFFFFFF80  }
0x144: {  	_ =	swait.ge [sflag:s1], $0x80  }
0x145: {  	[sflag:s1] =	ssyncset.done $0x0  }
0x146: {  	[sflag:s1] =	ssyncadd.s32 $0xFFFFFF80  }
0x147: {  	_ =	swait.ge [sflag:s1], $0x80  }
0x148: {  	[sflag:s1] =	ssyncset.done $0x0  }
0x149: {  	[sflag:s1] =	ssyncadd.s32 $0xFFFFFF80  }
0x14a: {  	_ =	swait.ge [sflag:s1], $0x80  }
0x14b: {  	[sflag:s1] =	ssyncset.done $0x0  }
0x14c: {  	[sflag:s1] =	ssyncadd.s32 $0xFFFFFF80  }
0x14d: {  	_ =	swait.ge [sflag:s1], $0x80  }
0x14e: {  	[sflag:s1] =	ssyncset.done $0x0  }
0x14f: {  	[sflag:s1] =	ssyncadd.s32 $0xFFFFFF80  }
0x150: {  	_ =	swait.ge [sflag:s1], $0x80  }
0x151: {  	[sflag:s1] =	ssyncset.done $0x0  }
0x152: {  	[sflag:s1] =	ssyncadd.s32 $0xFFFFFF80  }
0x153: {  	_ =	swait.ge [sflag:s1], $0x80  }
0x154: {  	[sflag:s1] =	ssyncset.done $0x0  }
0x155: {  	[sflag:s1] =	ssyncadd.s32 $0xFFFFFF80  }
0x156: {  	_ =	swait.ge [sflag:s1], $0x80  }
0x157: {  	[sflag:s1] =	ssyncset.done $0x0  }
0x158: {  	[sflag:s1] =	ssyncadd.s32 $0xFFFFFF80  }
0x159: {  	_ =	swait.ge [sflag:s1], $0x80  }
0x15a: {  	[sflag:s1] =	ssyncset.done $0x0  }
0x15b: {  	[sflag:s1] =	ssyncadd.s32 $0xFFFFFF80  }
0x15c: {  	_ =	swait.ge [sflag:s1], $0x80  }
0x15d: {  	[sflag:s1] =	ssyncset.done $0x0  }
0x15e: {  	[sflag:s1] =	ssyncadd.s32 $0xFFFFFF80  }
0x15f: {  	_ =	swait.ge [sflag:s1], $0x80  }
0x160: {  	[sflag:s1] =	ssyncset.done $0x0  }
0x161: {  	[sflag:s1] =	ssyncadd.s32 $0xFFFFFF80  }
0x162: {  	_ =	swait.ge [sflag:s1], $0x80  }
0x163: {  	[sflag:s1] =	ssyncset.done $0x0  }
0x164: {  	[sflag:s1] =	ssyncadd.s32 $0xFFFFFF80  }
0x165: {  	_ =	swait.ge [sflag:s1], $0x80  }
0x166: {  	[sflag:s1] =	ssyncset.done $0x0  }
0x167: {  	[sflag:s1] =	ssyncadd.s32 $0xFFFFFF80  }
0x168: {  	_ =	swait.ge [sflag:s1], $0x80  }
0x169: {  	[sflag:s1] =	ssyncset.done $0x0  }
0x16a: {  	[sflag:s1] =	ssyncadd.s32 $0xFFFFFF80  }
0x16b: {  	_ =	swait.ge [sflag:s1], $0x80  }
0x16c: {  	p0 =	sne.s32 s4, $0x1;
	[sflag:s1] =	ssyncset.done $0x0  }
.Ltmp0:
0x16d: {  	s11 =	rddreg [dreg:$0x4];
	[sflag:s1] =	ssyncadd.s32 $0xFFFFFF80;
	(pc) =	sbr.rel @p0 .LBB2_1-.Ltmp0, $4  }
0x16e: {  	[hbm4b:s11+s2] =	stream.linear.scatter [tilespmem:s8], [sflag:$0x2], $0xC00, $0x38;
	[tilespmem:$0x1A00] =	vst v63  }
0x16f: {  	_ =	swait.ge [sflag:s7], $0xC00  }
0x170: {  	[sflag:s7] =	ssyncset.done $0x0  }
0x171: {  	s4 =	sadd.s32 $0xFFFFFFFF, s4;
	[sflag:s7] =	ssyncadd.s32 $0xFFFFF400  }
0x172: {  	_ =	sfence.sel $0x180000  }
0x173: {  	[bflag:$0x0] =	sbarrier.arrive $0xFFFF  }
0x174: {  	_ =	strace $0x90000047  }
0x175: {  	s0 =	stileid.u32;
	[bflag:$0x2] =	sbarrier.arrive $0xFFFF  }
0x176: {  	p0 =	sne.s32 s0, $0x0;
	s0 =	rddreg [dreg:$0x2]  }
0x177: {  	s0 =	sadd.s32 @!p0 $0x100000, s0  }
0x178: {  	[sflag:s0] =	ssyncadd.tile.s32 @!p0 $0x1;
	_ =	shalt  }
.Lfunc_end2:
_tile_overlayer_lowered:
.L_overlay_start_2:
0x179: {  	(tag) =	ssettag $0x2  }
0x17a: {  	s0 =	rddreg [dreg:$0x0];
	s2 =	stileid.u32  }
0x17b: {  	s1 =	rddreg [dreg:$0x1];
	p0 =	sne.s32 s2, $0x0  }
0x17c: {  	s3 =	rddreg [dreg:$0x2];
	[bflag:$0x3] =	sbarrier.arrive $0xFFFF;
	s2 =	simm.s32 @!p0 $0x1C02  }
0x17d: {  	[timem:s3], [sflag:s2] =	dma.local @!p0 [hbm:s0], s1  }
0x17e: {  	s0 =	simm.s32 @!p0 $0x2  }
0x17f: {  	_ =	swait.ge @!p0 [sflag:s0], s1  }
0x180: {  	s1 =	ssub.s32 @!p0 $0x0, s1;
	[sflag:s0] =	ssyncset.done @!p0 $0x0  }
0x181: {  	[sflag:s0] =	ssyncadd.s32 @!p0 s1  }
0x182: {  	[bflag:$0x3] =	sbarrier.arrive $0xFFFF  }
0x183: {  	_ =	shalt  }

</sc_bundles>
